<compile_context>
chip_gen: v7x
topology: tpu7x:2x2x1
jax: 0.10.2.dev20260603
libtpu: 0.0.44.dev20260713+nightly
codegen_flags: <defaults>
</compile_context>

<pallas_src>
import functools

import jax
import jax.numpy as jnp
from jax import lax
from jax.experimental import pallas as pl
from jax.experimental.pallas import tpu as pltpu
from jax.experimental.pallas import tpu_sc as plsc

_N = 10000
_E = 320000
_D = 128
_NCLS = 40
_EPS = 1e-5

_NC, _NS = 2, 16
_NW = _NC * _NS
_EPW = _E // _NW
_CH = 80
_NCHUNK = _EPW // _CH
_STRIPE = 624
_TAIL0 = _NS * _STRIPE
_TAIL = _N - _TAIL0


def _stripe_copy(src, dst, row0, s):
    pltpu.sync_copy(src.at[pl.ds(row0, _STRIPE)], dst.at[pl.ds(row0, _STRIPE)])

    @pl.when(s == 0)
    def _():
        pltpu.sync_copy(src.at[pl.ds(_TAIL0, _TAIL)],
                        dst.at[pl.ds(_TAIL0, _TAIL)])


_MCH = 40
_MNCHUNK = _EPW // _MCH
_R = 4


@functools.lru_cache(maxsize=None)
def _make_msg():
    scratch = (
        [pltpu.VMEM((_MCH,), jnp.int32) for _ in range(_R)]
        + [pltpu.VMEM((_MCH,), jnp.int32) for _ in range(_R)]
        + [pltpu.VMEM((_MCH, _D), jnp.float32) for _ in range(_R)]
        + [pltpu.VMEM_SHARED((_N, _D), jnp.float32)]
        + [pltpu.SemaphoreType.DMA] * (4 * _R)
    )

    def body(h_hbm, src_hbm, dst_hbm, zeros_hbm, msg_out, *refs):
        src = refs[0:_R]
        dst = refs[_R:2 * _R]
        rows = refs[2 * _R:3 * _R]
        acc_sh = refs[3 * _R]
        sems = refs[3 * _R + 1:]
        sg = sems[0:_R]
        ss = sems[_R:2 * _R]
        si = sems[2 * _R:3 * _R]
        sd = sems[3 * _R:4 * _R]
        c = lax.axis_index("c")
        s = lax.axis_index("s")
        wid = s * _NC + c
        row0 = s * _STRIPE
        base = wid * _EPW

        _stripe_copy(zeros_hbm, acc_sh, row0, s)
        plsc.subcore_barrier()

        def load_src(k, p):
            pltpu.async_copy(src_hbm.at[pl.ds(base + k * _MCH, _MCH)],
                             src[p], si[p])

        def load_dst(k, p):
            pltpu.async_copy(dst_hbm.at[pl.ds(base + k * _MCH, _MCH)],
                             dst[p], sd[p])

        def wait_idx(sem, buf):
            pltpu.make_async_copy(src_hbm.at[pl.ds(0, _MCH)], buf, sem).wait()

        def gather(p):
            pltpu.async_copy(h_hbm.at[src[p]], rows[p], sg[p])

        def wait_g(p):
            pltpu.make_async_copy(h_hbm.at[src[p]], rows[p], sg[p]).wait()

        def scatter(p):
            pltpu.async_copy(rows[p], acc_sh.at[dst[p]], ss[p], add=True)

        def wait_s(p):
            pltpu.make_async_copy(rows[p], acc_sh.at[dst[p]], ss[p]).wait()

        def step(k, p, first=False, do_g=True, do_src=True):
            r = (p + _R - 1) % _R
            wait_g(p)
            wait_idx(sd[p], dst[p])
            scatter(p)
            if not first:
                wait_s(r)
            if do_g:
                wait_idx(si[r], src[r])
                gather(r)
                load_dst(k + _R - 1, r)
            if do_src:
                load_src(k + _R, p)

        pltpu.sync_copy(src_hbm.at[pl.ds(base, _MCH)], src[0])
        load_src(1, 1)
        load_src(2, 2)
        load_src(3, 3)
        load_dst(0, 0)
        load_dst(1, 1)
        load_dst(2, 2)
        gather(0)
        wait_idx(si[1], src[1])
        gather(1)
        wait_idx(si[2], src[2])
        gather(2)

        step(0, 0, first=True)

        @pl.loop(0, (_MNCHUNK - 6) // _R)
        def _(t):
            k = 1 + _R * t
            for d in range(_R):
                step(k + d, (1 + d) % _R)

        step(_MNCHUNK - 5, (_MNCHUNK - 5) % _R)
        step(_MNCHUNK - 4, (_MNCHUNK - 4) % _R, do_src=False)
        step(_MNCHUNK - 3, (_MNCHUNK - 3) % _R, do_g=False, do_src=False)
        step(_MNCHUNK - 2, (_MNCHUNK - 2) % _R, do_g=False, do_src=False)
        step(_MNCHUNK - 1, (_MNCHUNK - 1) % _R, do_g=False, do_src=False)
        wait_s((_MNCHUNK - 1) % _R)

        plsc.subcore_barrier()
        _stripe_copy(acc_sh, msg_out.at[c], row0, s)

    mesh = plsc.VectorSubcoreMesh(core_axis_name="c", subcore_axis_name="s")
    return pl.kernel(body,
                     out_type=jax.ShapeDtypeStruct((_NC, _N, _D), jnp.float32),
                     mesh=mesh, scratch_types=scratch)


@functools.lru_cache(maxsize=None)
def _make_deg():
    scratch = [
        pltpu.VMEM((_CH,), jnp.int32),
        pltpu.VMEM((_CH, _D), jnp.float32),
        pltpu.VMEM_SHARED((_N, _D), jnp.float32),
        pltpu.SemaphoreType.DMA,
    ]

    def body(ones_hbm, dst_hbm, zeros_hbm, msg_out, dst_v, rows_v, acc_sh, sem):
        c = lax.axis_index("c")
        s = lax.axis_index("s")
        wid = s * _NC + c
        row0 = s * _STRIPE

        _stripe_copy(zeros_hbm, acc_sh, row0, s)
        pltpu.sync_copy(ones_hbm, rows_v)
        plsc.subcore_barrier()

        @pl.loop(0, _NCHUNK)
        def _(j):
            base = wid * _EPW + j * _CH
            pltpu.sync_copy(dst_hbm.at[pl.ds(base, _CH)], dst_v)
            pltpu.sync_copy(rows_v, acc_sh.at[dst_v], add=True)

        plsc.subcore_barrier()
        _stripe_copy(acc_sh, msg_out.at[c], row0, s)

    mesh = plsc.VectorSubcoreMesh(core_axis_name="c", subcore_axis_name="s")
    return pl.kernel(body,
                     out_type=jax.ShapeDtypeStruct((_NC, _N, _D), jnp.float32),
                     mesh=mesh, scratch_types=scratch)


def _tc_layer_body(h_ref, p_ref, degp_ref, wt_ref, wb_ref, b_ref, g_ref, be_ref,
                   o_ref):
    deg = degp_ref[0, :, 0:1] + degp_ref[1, :, 0:1]
    recip = 1.0 / jnp.maximum(deg, 1.0)
    hn = (p_ref[0] + p_ref[1]) * recip
    h = h_ref[...]
    z = (jnp.dot(h, wt_ref[...], preferred_element_type=jnp.float32)
         + jnp.dot(hn, wb_ref[...], preferred_element_type=jnp.float32)
         + b_ref[...])
    r = jnp.maximum(z, 0.0)
    m = jnp.mean(r, axis=0, keepdims=True)
    v = jnp.mean((r - m) * (r - m), axis=0, keepdims=True)
    o_ref[...] = h + (r - m) * lax.rsqrt(v + _EPS) * g_ref[...] + be_ref[...]


def _tc_out_body(h_ref, p_ref, degp_ref, wt_ref, wb_ref, b_ref, o_ref):
    deg = degp_ref[0, :, 0:1] + degp_ref[1, :, 0:1]
    recip = 1.0 / jnp.maximum(deg, 1.0)
    hn = (p_ref[0] + p_ref[1]) * recip
    o_ref[...] = (jnp.dot(h_ref[...], wt_ref[...],
                          preferred_element_type=jnp.float32)
                  + jnp.dot(hn, wb_ref[...], preferred_element_type=jnp.float32)
                  + b_ref[...])


_tc_layer = pl.pallas_call(
    _tc_layer_body,
    out_shape=jax.ShapeDtypeStruct((_N, _D), jnp.float32),
)

_tc_out = pl.pallas_call(
    _tc_out_body,
    out_shape=jax.ShapeDtypeStruct((_N, _NCLS), jnp.float32),
)


@jax.jit
def kernel(h, edge_index, e, W0, b0, gamma0, beta0, W1, b1, gamma1, beta1,
           W2, b2):
    del e
    src = edge_index[0]
    dst = edge_index[1]
    zeros_nd = jnp.zeros((_N, _D), jnp.float32)
    ones_ch = jnp.ones((_CH, _D), jnp.float32)

    msg = _make_msg()
    degp = _make_deg()(ones_ch, dst, zeros_nd)
    zeros_gated = zeros_nd + degp[0, :1, :1] * 0.0
    parts0 = msg(h, src, dst, zeros_gated)
    h0 = _tc_layer(h, parts0, degp, W0[:_D], W0[_D:], b0, gamma0, beta0)
    parts1 = msg(h0, src, dst, zeros_nd)
    h1 = _tc_layer(h0, parts1, degp, W1[:_D], W1[_D:], b1, gamma1, beta1)
    parts2 = msg(h1, src, dst, zeros_nd)
    return _tc_out(h1, parts2, degp, W2[:_D], W2[_D:], b2)

# --- scband reference (transcript-rebuilt; emitter-appended) ---
"""Pipeline reference for scband-graph-sage-net-8418135900205 (READ-ONLY COPY).

The authoritative reference and input builder live on the scoring server;
editing this copy changes nothing except your own understanding.
"""

import jax, jax.numpy as jnp
import numpy as np

N_NODES = 10000
N_EDGES = 320000
D_IN = 128
D_HID = 128
N_CLASSES = 40
EPS = 1e-5


def setup_inputs(seed: int = 0) -> dict:
    key = jax.random.key(seed)
    ks = jax.random.split(key, 16)
    h = jax.random.normal(ks[0], (N_NODES, D_IN), dtype=jnp.float32)
    edge_index = jax.random.randint(ks[1], (2, N_EDGES), 0, N_NODES, dtype=jnp.int32)
    e = jax.random.normal(ks[2], (N_EDGES, 4), dtype=jnp.float32)
    def lin(k, fan_in, fan_out):
        s = 1.0 / np.sqrt(fan_in)
        W = jax.random.uniform(k, (fan_in, fan_out), dtype=jnp.float32, minval=-s, maxval=s)
        b = jnp.zeros((fan_out,), dtype=jnp.float32)
        return W, b
    W0, b0 = lin(ks[3], 2 * D_IN, D_HID)
    W1, b1 = lin(ks[4], 2 * D_HID, D_HID)
    W2, b2 = lin(ks[5], 2 * D_HID, N_CLASSES)
    gamma0 = jnp.ones((D_HID,), dtype=jnp.float32)
    beta0 = jnp.zeros((D_HID,), dtype=jnp.float32)
    gamma1 = jnp.ones((D_HID,), dtype=jnp.float32)
    beta1 = jnp.zeros((D_HID,), dtype=jnp.float32)
    return {"h": h, "edge_index": edge_index, "e": e,
            "W0": W0, "b0": b0, "gamma0": gamma0, "beta0": beta0,
            "W1": W1, "b1": b1, "gamma1": gamma1, "beta1": beta1,
            "W2": W2, "b2": b2}


def _mean_aggregate(h, src, dst, n_nodes):
    # SAGE mean aggregation: mean of neighbor features scattered to dst
    msg_sum = jax.ops.segment_sum(h[src], dst, num_segments=n_nodes)
    deg = jax.ops.segment_sum(jnp.ones((src.shape[0],), h.dtype), dst, num_segments=n_nodes)
    return msg_sum / jnp.clip(deg, 1.0)[:, None]


def _batch_norm(x, gamma, beta):
    m = jnp.mean(x, axis=0)
    v = jnp.var(x, axis=0)
    return (x - m) / jnp.sqrt(v + EPS) * gamma + beta


def reference(h, edge_index, e, W0, b0, gamma0, beta0, W1, b1, gamma1, beta1, W2, b2):
    src = edge_index[0]
    dst = edge_index[1]
    n = h.shape[0]
    # in_feat_dropout = 0.0 -> identity; e (edge features) unused by forward

    # Layer 0: SAGE mean agg, Linear(2*D_IN -> D_HID), relu, batch_norm, residual
    h_in = h
    hn = _mean_aggregate(h, src, dst, n)
    h0 = jnp.concatenate([h, hn], axis=-1) @ W0 + b0
    h0 = jax.nn.relu(h0)
    h0 = _batch_norm(h0, gamma0, beta0)
    h0 = h_in + h0  # residual (dims match: 128 -> 128)

    # Layer 1: SAGE mean agg, Linear(2*D_HID -> D_HID), relu, batch_norm, residual
    h_in = h0
    hn = _mean_aggregate(h0, src, dst, n)
    h1 = jnp.concatenate([h0, hn], axis=-1) @ W1 + b1
    h1 = jax.nn.relu(h1)
    h1 = _batch_norm(h1, gamma1, beta1)
    h1 = h_in + h1

    # Layer 2 (output): SAGE mean agg, Linear(2*D_HID -> N_CLASSES), no activation,
    # no batch_norm; residual skipped (dim mismatch 128 vs 40)
    hn = _mean_aggregate(h1, src, dst, n)
    h2 = jnp.concatenate([h1, hn], axis=-1) @ W2 + b2
    return h2

if __name__ == "__main__":
    import jax
    _d = setup_inputs()
    print(jax.jit(kernel)(*tuple(_d.values())))

</pallas_src>

<mosaic_0001>
#map = affine_map<(d0, d1) -> (0, 0)>
#map1 = affine_map<(d0, d1) -> (0)>
#map2 = affine_map<(d0, d1) -> (0, 0, 0)>
module attributes {stable_mosaic.version = 14 : i64} {
  func.func @body(%arg0: i32, %arg1: i32, %arg2: memref<10000x128xf32, #tpu.memory_space<hbm>>, %arg3: memref<320000xi32, #tpu.memory_space<hbm>>, %arg4: memref<320000xi32, #tpu.memory_space<hbm>>, %arg5: memref<10000x128xf32, #tpu.memory_space<hbm>>, %arg6: memref<2x10000x128xf32, #tpu.memory_space<hbm>>, %arg7: memref<40xi32, #tpu.memory_space<vmem>>, %arg8: memref<40xi32, #tpu.memory_space<vmem>>, %arg9: memref<40xi32, #tpu.memory_space<vmem>>, %arg10: memref<40xi32, #tpu.memory_space<vmem>>, %arg11: memref<40xi32, #tpu.memory_space<vmem>>, %arg12: memref<40xi32, #tpu.memory_space<vmem>>, %arg13: memref<40xi32, #tpu.memory_space<vmem>>, %arg14: memref<40xi32, #tpu.memory_space<vmem>>, %arg15: memref<40x128xf32, #tpu.memory_space<vmem>>, %arg16: memref<40x128xf32, #tpu.memory_space<vmem>>, %arg17: memref<40x128xf32, #tpu.memory_space<vmem>>, %arg18: memref<40x128xf32, #tpu.memory_space<vmem>>, %arg19: memref<10000x128xf32, #tpu.memory_space<vmem_shared>>, %arg20: memref<!tpu.dma_semaphore, #tpu.memory_space<semaphore_mem>>, %arg21: memref<!tpu.dma_semaphore, #tpu.memory_space<semaphore_mem>>, %arg22: memref<!tpu.dma_semaphore, #tpu.memory_space<semaphore_mem>>, %arg23: memref<!tpu.dma_semaphore, #tpu.memory_space<semaphore_mem>>, %arg24: memref<!tpu.dma_semaphore, #tpu.memory_space<semaphore_mem>>, %arg25: memref<!tpu.dma_semaphore, #tpu.memory_space<semaphore_mem>>, %arg26: memref<!tpu.dma_semaphore, #tpu.memory_space<semaphore_mem>>, %arg27: memref<!tpu.dma_semaphore, #tpu.memory_space<semaphore_mem>>, %arg28: memref<!tpu.dma_semaphore, #tpu.memory_space<semaphore_mem>>, %arg29: memref<!tpu.dma_semaphore, #tpu.memory_space<semaphore_mem>>, %arg30: memref<!tpu.dma_semaphore, #tpu.memory_space<semaphore_mem>>, %arg31: memref<!tpu.dma_semaphore, #tpu.memory_space<semaphore_mem>>, %arg32: memref<!tpu.dma_semaphore, #tpu.memory_space<semaphore_mem>>, %arg33: memref<!tpu.dma_semaphore, #tpu.memory_space<semaphore_mem>>, %arg34: memref<!tpu.dma_semaphore, #tpu.memory_space<semaphore_mem>>, %arg35: memref<!tpu.dma_semaphore, #tpu.memory_space<semaphore_mem>>) attributes {dimension_semantics = [#tpu.dimension_semantics<core_parallel>, #tpu.dimension_semantics<subcore_parallel>], iteration_bounds = array<i64: 2, 16>, scalar_prefetch = 0 : i64, scratch_operands = 29 : i64, tpu.core_type = #tpu.core_type<sc_vector_subcore>, window_params = [{transform_indices = #map}, {transform_indices = #map1}, {transform_indices = #map1}, {transform_indices = #map}, {transform_indices = #map2}]} {
    %mul3A = arith.constant 2 : i32
    %mul3A_0 = arith.muli %arg1, %mul3A : i32
    %add3A = arith.addi %mul3A_0, %arg0 : i32
    %mul3A_1 = arith.constant 624 : i32
    %mul3A_2 = arith.muli %arg1, %mul3A_1 : i32
    %mul3A_3 = arith.constant 10000 : i32
    %mul3A_4 = arith.muli %add3A, %mul3A_3 : i32
    "tpu.region"() ({
      %run_scoped3A = tpu.sem_alloc : memref<!tpu.dma_semaphore, #tpu.memory_space<semaphore_mem>>
      %dma_start3A_175 = arith.constant 0 : i32
      %dma_start3A_176 = tpu.memref_slice %arg19[%mul3A_2, %dma_start3A_175] : memref<10000x128xf32, #tpu.memory_space<vmem_shared>> -> memref<624x128xf32, #tpu.memory_space<vmem_shared>>
      %dma_start3A_177 = arith.constant 0 : i32
      %dma_start3A_178 = tpu.memref_slice %arg5[%mul3A_2, %dma_start3A_177] : memref<10000x128xf32, #tpu.memory_space<hbm>> -> memref<624x128xf32, #tpu.memory_space<hbm>>
      tpu.enqueue_dma source(%dma_start3A_178 : memref<624x128xf32, #tpu.memory_space<hbm>>) target(%dma_start3A_176 : memref<624x128xf32, #tpu.memory_space<vmem_shared>>) target_semaphore(%run_scoped3A : memref<!tpu.dma_semaphore, #tpu.memory_space<semaphore_mem>>)
      %dma_wait3A_179 = arith.constant 0 : i32
      %dma_wait3A_180 = tpu.memref_slice %arg19[%mul3A_2, %dma_wait3A_179] : memref<10000x128xf32, #tpu.memory_space<vmem_shared>> -> memref<624x128xf32, #tpu.memory_space<vmem_shared>>
      %dma_wait3A_181 = arith.constant 0 : i32
      %dma_wait3A_182 = tpu.memref_slice %arg5[%mul3A_2, %dma_wait3A_181] : memref<10000x128xf32, #tpu.memory_space<hbm>> -> memref<624x128xf32, #tpu.memory_space<hbm>>
      tpu.wait_dma2 semaphore(%run_scoped3A : memref<!tpu.dma_semaphore, #tpu.memory_space<semaphore_mem>>) src(%dma_wait3A_182 : memref<624x128xf32, #tpu.memory_space<hbm>>) dst(%dma_wait3A_180 : memref<624x128xf32, #tpu.memory_space<vmem_shared>>)
      tpu.yield
    }) : () -> ()
    %eq3A = arith.constant 0 : i32
    %eq3A_5 = arith.cmpi eq, %arg1, %eq3A : i32
    %convert_element_type3A = arith.extui %eq3A_5 : i1 to i32
    %cond3A = arith.constant 0 : i32
    %cond3A_6 = arith.cmpi ne, %convert_element_type3A, %cond3A : i32
    scf.if %cond3A_6 {
      "tpu.region"() ({
        %run_scoped3A = tpu.sem_alloc : memref<!tpu.dma_semaphore, #tpu.memory_space<semaphore_mem>>
        %dma_start3A_175 = arith.constant 9984 : i32
        %dma_start3A_176 = arith.constant 0 : i32
        %dma_start3A_177 = tpu.memref_slice %arg19[%dma_start3A_175, %dma_start3A_176] : memref<10000x128xf32, #tpu.memory_space<vmem_shared>> -> memref<16x128xf32, #tpu.memory_space<vmem_shared>>
        %dma_start3A_178 = arith.constant 9984 : i32
        %dma_start3A_179 = arith.constant 0 : i32
        %dma_start3A_180 = tpu.memref_slice %arg5[%dma_start3A_178, %dma_start3A_179] : memref<10000x128xf32, #tpu.memory_space<hbm>> -> memref<16x128xf32, #tpu.memory_space<hbm>>
        tpu.enqueue_dma source(%dma_start3A_180 : memref<16x128xf32, #tpu.memory_space<hbm>>) target(%dma_start3A_177 : memref<16x128xf32, #tpu.memory_space<vmem_shared>>) target_semaphore(%run_scoped3A : memref<!tpu.dma_semaphore, #tpu.memory_space<semaphore_mem>>)
        %dma_wait3A_181 = arith.constant 9984 : i32
        %dma_wait3A_182 = arith.constant 0 : i32
        %dma_wait3A_183 = tpu.memref_slice %arg19[%dma_wait3A_181, %dma_wait3A_182] : memref<10000x128xf32, #tpu.memory_space<vmem_shared>> -> memref<16x128xf32, #tpu.memory_space<vmem_shared>>
        %dma_wait3A_184 = arith.constant 9984 : i32
        %dma_wait3A_185 = arith.constant 0 : i32
        %dma_wait3A_186 = tpu.memref_slice %arg5[%dma_wait3A_184, %dma_wait3A_185] : memref<10000x128xf32, #tpu.memory_space<hbm>> -> memref<16x128xf32, #tpu.memory_space<hbm>>
        tpu.wait_dma2 semaphore(%run_scoped3A : memref<!tpu.dma_semaphore, #tpu.memory_space<semaphore_mem>>) src(%dma_wait3A_186 : memref<16x128xf32, #tpu.memory_space<hbm>>) dst(%dma_wait3A_183 : memref<16x128xf32, #tpu.memory_space<vmem_shared>>)
        tpu.yield
      }) : () -> ()
    } else {
    }
    %barrier3A = arith.constant 0 : index
    tpu.barrier barrier_id(%barrier3A)
    "tpu.region"() ({
      %run_scoped3A = tpu.sem_alloc : memref<!tpu.dma_semaphore, #tpu.memory_space<semaphore_mem>>
      %dma_start3A_175 = tpu.memref_slice %arg3[%mul3A_4] : memref<320000xi32, #tpu.memory_space<hbm>> -> memref<40xi32, #tpu.memory_space<hbm>>
      %dma_start3A_176 = tpu.memref_slice %arg3[%mul3A_4] : memref<320000xi32, #tpu.memory_space<hbm>> -> memref<40xi32, #tpu.memory_space<hbm>>
      tpu.enqueue_dma source(%dma_start3A_176 : memref<40xi32, #tpu.memory_space<hbm>>) target(%arg7 : memref<40xi32, #tpu.memory_space<vmem>>) target_semaphore(%run_scoped3A : memref<!tpu.dma_semaphore, #tpu.memory_space<semaphore_mem>>)
      %dma_wait3A_177 = tpu.memref_slice %arg3[%mul3A_4] : memref<320000xi32, #tpu.memory_space<hbm>> -> memref<40xi32, #tpu.memory_space<hbm>>
      %dma_wait3A_178 = tpu.memref_slice %arg3[%mul3A_4] : memref<320000xi32, #tpu.memory_space<hbm>> -> memref<40xi32, #tpu.memory_space<hbm>>
      tpu.wait_dma2 semaphore(%run_scoped3A : memref<!tpu.dma_semaphore, #tpu.memory_space<semaphore_mem>>) src(%dma_wait3A_178 : memref<40xi32, #tpu.memory_space<hbm>>) dst(%arg7 : memref<40xi32, #tpu.memory_space<vmem>>)
      tpu.yield
    }) : () -> ()
    %add3A_7 = arith.constant 40 : i32
    %add3A_8 = arith.addi %mul3A_4, %add3A_7 : i32
    %dma_start3A = tpu.memref_slice %arg3[%add3A_8] : memref<320000xi32, #tpu.memory_space<hbm>> -> memref<40xi32, #tpu.memory_space<hbm>>
    %dma_start3A_9 = tpu.memref_slice %arg3[%add3A_8] : memref<320000xi32, #tpu.memory_space<hbm>> -> memref<40xi32, #tpu.memory_space<hbm>>
    tpu.enqueue_dma source(%dma_start3A_9 : memref<40xi32, #tpu.memory_space<hbm>>) target(%arg8 : memref<40xi32, #tpu.memory_space<vmem>>) target_semaphore(%arg29 : memref<!tpu.dma_semaphore, #tpu.memory_space<semaphore_mem>>)
    %add3A_10 = arith.constant 80 : i32
    %add3A_11 = arith.addi %mul3A_4, %add3A_10 : i32
    %dma_start3A_12 = tpu.memref_slice %arg3[%add3A_11] : memref<320000xi32, #tpu.memory_space<hbm>> -> memref<40xi32, #tpu.memory_space<hbm>>
    %dma_start3A_13 = tpu.memref_slice %arg3[%add3A_11] : memref<320000xi32, #tpu.memory_space<hbm>> -> memref<40xi32, #tpu.memory_space<hbm>>
    tpu.enqueue_dma source(%dma_start3A_13 : memref<40xi32, #tpu.memory_space<hbm>>) target(%arg9 : memref<40xi32, #tpu.memory_space<vmem>>) target_semaphore(%arg30 : memref<!tpu.dma_semaphore, #tpu.memory_space<semaphore_mem>>)
    %add3A_14 = arith.constant 120 : i32
    %add3A_15 = arith.addi %mul3A_4, %add3A_14 : i32
    %dma_start3A_16 = tpu.memref_slice %arg3[%add3A_15] : memref<320000xi32, #tpu.memory_space<hbm>> -> memref<40xi32, #tpu.memory_space<hbm>>
    %dma_start3A_17 = tpu.memref_slice %arg3[%add3A_15] : memref<320000xi32, #tpu.memory_space<hbm>> -> memref<40xi32, #tpu.memory_space<hbm>>
    tpu.enqueue_dma source(%dma_start3A_17 : memref<40xi32, #tpu.memory_space<hbm>>) target(%arg10 : memref<40xi32, #tpu.memory_space<vmem>>) target_semaphore(%arg31 : memref<!tpu.dma_semaphore, #tpu.memory_space<semaphore_mem>>)
    %add3A_18 = arith.constant 0 : i32
    %add3A_19 = arith.addi %mul3A_4, %add3A_18 : i32
    %dma_start3A_20 = tpu.memref_slice %arg4[%add3A_19] : memref<320000xi32, #tpu.memory_space<hbm>> -> memref<40xi32, #tpu.memory_space<hbm>>
    %dma_start3A_21 = tpu.memref_slice %arg4[%add3A_19] : memref<320000xi32, #tpu.memory_space<hbm>> -> memref<40xi32, #tpu.memory_space<hbm>>
    tpu.enqueue_dma source(%dma_start3A_21 : memref<40xi32, #tpu.memory_space<hbm>>) target(%arg11 : memref<40xi32, #tpu.memory_space<vmem>>) target_semaphore(%arg32 : memref<!tpu.dma_semaphore, #tpu.memory_space<semaphore_mem>>)
    %add3A_22 = arith.constant 40 : i32
    %add3A_23 = arith.addi %mul3A_4, %add3A_22 : i32
    %dma_start3A_24 = tpu.memref_slice %arg4[%add3A_23] : memref<320000xi32, #tpu.memory_space<hbm>> -> memref<40xi32, #tpu.memory_space<hbm>>
    %dma_start3A_25 = tpu.memref_slice %arg4[%add3A_23] : memref<320000xi32, #tpu.memory_space<hbm>> -> memref<40xi32, #tpu.memory_space<hbm>>
    tpu.enqueue_dma source(%dma_start3A_25 : memref<40xi32, #tpu.memory_space<hbm>>) target(%arg12 : memref<40xi32, #tpu.memory_space<vmem>>) target_semaphore(%arg33 : memref<!tpu.dma_semaphore, #tpu.memory_space<semaphore_mem>>)
    %add3A_26 = arith.constant 80 : i32
    %add3A_27 = arith.addi %mul3A_4, %add3A_26 : i32
    %dma_start3A_28 = tpu.memref_slice %arg4[%add3A_27] : memref<320000xi32, #tpu.memory_space<hbm>> -> memref<40xi32, #tpu.memory_space<hbm>>
    %dma_start3A_29 = tpu.memref_slice %arg4[%add3A_27] : memref<320000xi32, #tpu.memory_space<hbm>> -> memref<40xi32, #tpu.memory_space<hbm>>
    tpu.enqueue_dma source(%dma_start3A_29 : memref<40xi32, #tpu.memory_space<hbm>>) target(%arg13 : memref<40xi32, #tpu.memory_space<vmem>>) target_semaphore(%arg34 : memref<!tpu.dma_semaphore, #tpu.memory_space<semaphore_mem>>)
    %dma_start3A_30 = arith.constant 0 : i32
    %dma_start3A_31 = arith.constant 0 : i32
    %dma_start3A_32 = tpu.memref_slice %arg2[%dma_start3A_30, %dma_start3A_31] : memref<10000x128xf32, #tpu.memory_space<hbm>> -> memref<10000x128xf32, #tpu.memory_space<hbm>>
    tpu.enqueue_indirect_dma source(%dma_start3A_32 : memref<10000x128xf32, #tpu.memory_space<hbm>>) target(%arg15 : memref<40x128xf32, #tpu.memory_space<vmem>>) offsets(%arg7 : memref<40xi32, #tpu.memory_space<vmem>>) semaphore(%arg20 : memref<!tpu.dma_semaphore, #tpu.memory_space<semaphore_mem>>)
    %dma_wait3A = arith.constant 0 : i32
    %dma_wait3A_33 = tpu.memref_slice %arg3[%dma_wait3A] : memref<320000xi32, #tpu.memory_space<hbm>> -> memref<40xi32, #tpu.memory_space<hbm>>
    %dma_wait3A_34 = arith.constant 0 : i32
    %dma_wait3A_35 = tpu.memref_slice %arg3[%dma_wait3A_34] : memref<320000xi32, #tpu.memory_space<hbm>> -> memref<40xi32, #tpu.memory_space<hbm>>
    tpu.wait_dma2 semaphore(%arg29 : memref<!tpu.dma_semaphore, #tpu.memory_space<semaphore_mem>>) src(%dma_wait3A_35 : memref<40xi32, #tpu.memory_space<hbm>>) dst(%arg8 : memref<40xi32, #tpu.memory_space<vmem>>)
    %dma_start3A_36 = arith.constant 0 : i32
    %dma_start3A_37 = arith.constant 0 : i32
    %dma_start3A_38 = tpu.memref_slice %arg2[%dma_start3A_36, %dma_start3A_37] : memref<10000x128xf32, #tpu.memory_space<hbm>> -> memref<10000x128xf32, #tpu.memory_space<hbm>>
    tpu.enqueue_indirect_dma source(%dma_start3A_38 : memref<10000x128xf32, #tpu.memory_space<hbm>>) target(%arg16 : memref<40x128xf32, #tpu.memory_space<vmem>>) offsets(%arg8 : memref<40xi32, #tpu.memory_space<vmem>>) semaphore(%arg21 : memref<!tpu.dma_semaphore, #tpu.memory_space<semaphore_mem>>)
    %dma_wait3A_39 = arith.constant 0 : i32
    %dma_wait3A_40 = tpu.memref_slice %arg3[%dma_wait3A_39] : memref<320000xi32, #tpu.memory_space<hbm>> -> memref<40xi32, #tpu.memory_space<hbm>>
    %dma_wait3A_41 = arith.constant 0 : i32
    %dma_wait3A_42 = tpu.memref_slice %arg3[%dma_wait3A_41] : memref<320000xi32, #tpu.memory_space<hbm>> -> memref<40xi32, #tpu.memory_space<hbm>>
    tpu.wait_dma2 semaphore(%arg30 : memref<!tpu.dma_semaphore, #tpu.memory_space<semaphore_mem>>) src(%dma_wait3A_42 : memref<40xi32, #tpu.memory_space<hbm>>) dst(%arg9 : memref<40xi32, #tpu.memory_space<vmem>>)
    %dma_start3A_43 = arith.constant 0 : i32
    %dma_start3A_44 = arith.constant 0 : i32
    %dma_start3A_45 = tpu.memref_slice %arg2[%dma_start3A_43, %dma_start3A_44] : memref<10000x128xf32, #tpu.memory_space<hbm>> -> memref<10000x128xf32, #tpu.memory_space<hbm>>
    tpu.enqueue_indirect_dma source(%dma_start3A_45 : memref<10000x128xf32, #tpu.memory_space<hbm>>) target(%arg17 : memref<40x128xf32, #tpu.memory_space<vmem>>) offsets(%arg9 : memref<40xi32, #tpu.memory_space<vmem>>) semaphore(%arg22 : memref<!tpu.dma_semaphore, #tpu.memory_space<semaphore_mem>>)
    %dma_wait3A_46 = arith.constant 0 : i32
    %dma_wait3A_47 = arith.constant 0 : i32
    %dma_wait3A_48 = tpu.memref_slice %arg2[%dma_wait3A_46, %dma_wait3A_47] : memref<10000x128xf32, #tpu.memory_space<hbm>> -> memref<10000x128xf32, #tpu.memory_space<hbm>>
    tpu.wait_indirect_dma semaphore(%arg20 : memref<!tpu.dma_semaphore, #tpu.memory_space<semaphore_mem>>) src(%dma_wait3A_48 : memref<10000x128xf32, #tpu.memory_space<hbm>>) dst(%arg15 : memref<40x128xf32, #tpu.memory_space<vmem>>)
    %dma_wait3A_49 = arith.constant 0 : i32
    %dma_wait3A_50 = tpu.memref_slice %arg3[%dma_wait3A_49] : memref<320000xi32, #tpu.memory_space<hbm>> -> memref<40xi32, #tpu.memory_space<hbm>>
    %dma_wait3A_51 = arith.constant 0 : i32
    %dma_wait3A_52 = tpu.memref_slice %arg3[%dma_wait3A_51] : memref<320000xi32, #tpu.memory_space<hbm>> -> memref<40xi32, #tpu.memory_space<hbm>>
    tpu.wait_dma2 semaphore(%arg32 : memref<!tpu.dma_semaphore, #tpu.memory_space<semaphore_mem>>) src(%dma_wait3A_52 : memref<40xi32, #tpu.memory_space<hbm>>) dst(%arg11 : memref<40xi32, #tpu.memory_space<vmem>>)
    %dma_start3A_53 = arith.constant 0 : i32
    %dma_start3A_54 = arith.constant 0 : i32
    %dma_start3A_55 = tpu.memref_slice %arg19[%dma_start3A_53, %dma_start3A_54] : memref<10000x128xf32, #tpu.memory_space<vmem_shared>> -> memref<10000x128xf32, #tpu.memory_space<vmem_shared>>
    tpu.enqueue_indirect_dma source(%arg15 : memref<40x128xf32, #tpu.memory_space<vmem>>) target(%dma_start3A_55 : memref<10000x128xf32, #tpu.memory_space<vmem_shared>>) offsets(%arg11 : memref<40xi32, #tpu.memory_space<vmem>>) semaphore(%arg24 : memref<!tpu.dma_semaphore, #tpu.memory_space<semaphore_mem>>) {add = true}
    %dma_wait3A_56 = arith.constant 0 : i32
    %dma_wait3A_57 = tpu.memref_slice %arg3[%dma_wait3A_56] : memref<320000xi32, #tpu.memory_space<hbm>> -> memref<40xi32, #tpu.memory_space<hbm>>
    %dma_wait3A_58 = arith.constant 0 : i32
    %dma_wait3A_59 = tpu.memref_slice %arg3[%dma_wait3A_58] : memref<320000xi32, #tpu.memory_space<hbm>> -> memref<40xi32, #tpu.memory_space<hbm>>
    tpu.wait_dma2 semaphore(%arg31 : memref<!tpu.dma_semaphore, #tpu.memory_space<semaphore_mem>>) src(%dma_wait3A_59 : memref<40xi32, #tpu.memory_space<hbm>>) dst(%arg10 : memref<40xi32, #tpu.memory_space<vmem>>)
    %dma_start3A_60 = arith.constant 0 : i32
    %dma_start3A_61 = arith.constant 0 : i32
    %dma_start3A_62 = tpu.memref_slice %arg2[%dma_start3A_60, %dma_start3A_61] : memref<10000x128xf32, #tpu.memory_space<hbm>> -> memref<10000x128xf32, #tpu.memory_space<hbm>>
    tpu.enqueue_indirect_dma source(%dma_start3A_62 : memref<10000x128xf32, #tpu.memory_space<hbm>>) target(%arg18 : memref<40x128xf32, #tpu.memory_space<vmem>>) offsets(%arg10 : memref<40xi32, #tpu.memory_space<vmem>>) semaphore(%arg23 : memref<!tpu.dma_semaphore, #tpu.memory_space<semaphore_mem>>)
    %add3A_63 = arith.constant 120 : i32
    %add3A_64 = arith.addi %mul3A_4, %add3A_63 : i32
    %dma_start3A_65 = tpu.memref_slice %arg4[%add3A_64] : memref<320000xi32, #tpu.memory_space<hbm>> -> memref<40xi32, #tpu.memory_space<hbm>>
    %dma_start3A_66 = tpu.memref_slice %arg4[%add3A_64] : memref<320000xi32, #tpu.memory_space<hbm>> -> memref<40xi32, #tpu.memory_space<hbm>>
    tpu.enqueue_dma source(%dma_start3A_66 : memref<40xi32, #tpu.memory_space<hbm>>) target(%arg14 : memref<40xi32, #tpu.memory_space<vmem>>) target_semaphore(%arg35 : memref<!tpu.dma_semaphore, #tpu.memory_space<semaphore_mem>>)
    %add3A_67 = arith.constant 160 : i32
    %add3A_68 = arith.addi %mul3A_4, %add3A_67 : i32
    %dma_start3A_69 = tpu.memref_slice %arg3[%add3A_68] : memref<320000xi32, #tpu.memory_space<hbm>> -> memref<40xi32, #tpu.memory_space<hbm>>
    %dma_start3A_70 = tpu.memref_slice %arg3[%add3A_68] : memref<320000xi32, #tpu.memory_space<hbm>> -> memref<40xi32, #tpu.memory_space<hbm>>
    tpu.enqueue_dma source(%dma_start3A_70 : memref<40xi32, #tpu.memory_space<hbm>>) target(%arg7 : memref<40xi32, #tpu.memory_space<vmem>>) target_semaphore(%arg28 : memref<!tpu.dma_semaphore, #tpu.memory_space<semaphore_mem>>)
    %scan3A = arith.constant 0 : i32
    %scan3A_71 = arith.constant 61 : i32
    %scan3A_72 = arith.addi %scan3A, %scan3A_71 : i32
    %scan3A_73 = arith.constant 1 : i32
    scf.for %scan3A_175 = %scan3A to %scan3A_72 step %scan3A_73  : i32 {
      %mul3A_176 = arith.constant 1 : i32
      %mul3A_177 = arith.muli %scan3A_175, %mul3A_176 : i32
      %add3A_178 = arith.constant 0 : i32
      %add3A_179 = arith.addi %add3A_178, %mul3A_177 : i32
      %mul3A_180 = arith.constant 4 : i32
      %mul3A_181 = arith.muli %mul3A_180, %add3A_179 : i32
      %add3A_182 = arith.constant 1 : i32
      %add3A_183 = arith.addi %add3A_182, %mul3A_181 : i32
      %add3A_184 = arith.constant 0 : i32
      %add3A_185 = arith.addi %add3A_183, %add3A_184 : i32
      %dma_wait3A_186 = arith.constant 0 : i32
      %dma_wait3A_187 = arith.constant 0 : i32
      %dma_wait3A_188 = tpu.memref_slice %arg2[%dma_wait3A_186, %dma_wait3A_187] : memref<10000x128xf32, #tpu.memory_space<hbm>> -> memref<10000x128xf32, #tpu.memory_space<hbm>>
      tpu.wait_indirect_dma semaphore(%arg21 : memref<!tpu.dma_semaphore, #tpu.memory_space<semaphore_mem>>) src(%dma_wait3A_188 : memref<10000x128xf32, #tpu.memory_space<hbm>>) dst(%arg16 : memref<40x128xf32, #tpu.memory_space<vmem>>)
      %dma_wait3A_189 = arith.constant 0 : i32
      %dma_wait3A_190 = tpu.memref_slice %arg3[%dma_wait3A_189] : memref<320000xi32, #tpu.memory_space<hbm>> -> memref<40xi32, #tpu.memory_space<hbm>>
      %dma_wait3A_191 = arith.constant 0 : i32
      %dma_wait3A_192 = tpu.memref_slice %arg3[%dma_wait3A_191] : memref<320000xi32, #tpu.memory_space<hbm>> -> memref<40xi32, #tpu.memory_space<hbm>>
      tpu.wait_dma2 semaphore(%arg33 : memref<!tpu.dma_semaphore, #tpu.memory_space<semaphore_mem>>) src(%dma_wait3A_192 : memref<40xi32, #tpu.memory_space<hbm>>) dst(%arg12 : memref<40xi32, #tpu.memory_space<vmem>>)
      %dma_start3A_193 = arith.constant 0 : i32
      %dma_start3A_194 = arith.constant 0 : i32
      %dma_start3A_195 = tpu.memref_slice %arg19[%dma_start3A_193, %dma_start3A_194] : memref<10000x128xf32, #tpu.memory_space<vmem_shared>> -> memref<10000x128xf32, #tpu.memory_space<vmem_shared>>
      tpu.enqueue_indirect_dma source(%arg16 : memref<40x128xf32, #tpu.memory_space<vmem>>) target(%dma_start3A_195 : memref<10000x128xf32, #tpu.memory_space<vmem_shared>>) offsets(%arg12 : memref<40xi32, #tpu.memory_space<vmem>>) semaphore(%arg25 : memref<!tpu.dma_semaphore, #tpu.memory_space<semaphore_mem>>) {add = true}
      %dma_wait3A_196 = arith.constant 0 : i32
      %dma_wait3A_197 = arith.constant 0 : i32
      %dma_wait3A_198 = tpu.memref_slice %arg19[%dma_wait3A_196, %dma_wait3A_197] : memref<10000x128xf32, #tpu.memory_space<vmem_shared>> -> memref<10000x128xf32, #tpu.memory_space<vmem_shared>>
      tpu.wait_indirect_dma semaphore(%arg24 : memref<!tpu.dma_semaphore, #tpu.memory_space<semaphore_mem>>) src(%arg15 : memref<40x128xf32, #tpu.memory_space<vmem>>) dst(%dma_wait3A_198 : memref<10000x128xf32, #tpu.memory_space<vmem_shared>>)
      %dma_wait3A_199 = arith.constant 0 : i32
      %dma_wait3A_200 = tpu.memref_slice %arg3[%dma_wait3A_199] : memref<320000xi32, #tpu.memory_space<hbm>> -> memref<40xi32, #tpu.memory_space<hbm>>
      %dma_wait3A_201 = arith.constant 0 : i32
      %dma_wait3A_202 = tpu.memref_slice %arg3[%dma_wait3A_201] : memref<320000xi32, #tpu.memory_space<hbm>> -> memref<40xi32, #tpu.memory_space<hbm>>
      tpu.wait_dma2 semaphore(%arg28 : memref<!tpu.dma_semaphore, #tpu.memory_space<semaphore_mem>>) src(%dma_wait3A_202 : memref<40xi32, #tpu.memory_space<hbm>>) dst(%arg7 : memref<40xi32, #tpu.memory_space<vmem>>)
      %dma_start3A_203 = arith.constant 0 : i32
      %dma_start3A_204 = arith.constant 0 : i32
      %dma_start3A_205 = tpu.memref_slice %arg2[%dma_start3A_203, %dma_start3A_204] : memref<10000x128xf32, #tpu.memory_space<hbm>> -> memref<10000x128xf32, #tpu.memory_space<hbm>>
      tpu.enqueue_indirect_dma source(%dma_start3A_205 : memref<10000x128xf32, #tpu.memory_space<hbm>>) target(%arg15 : memref<40x128xf32, #tpu.memory_space<vmem>>) offsets(%arg7 : memref<40xi32, #tpu.memory_space<vmem>>) semaphore(%arg20 : memref<!tpu.dma_semaphore, #tpu.memory_space<semaphore_mem>>)
      %add3A_206 = arith.constant 4 : i32
      %add3A_207 = arith.addi %add3A_185, %add3A_206 : i32
      %sub3A = arith.constant 1 : i32
      %sub3A_208 = arith.subi %add3A_207, %sub3A : i32
      %mul3A_209 = arith.constant 40 : i32
      %mul3A_210 = arith.muli %sub3A_208, %mul3A_209 : i32
      %add3A_211 = arith.addi %mul3A_4, %mul3A_210 : i32
      %dma_start3A_212 = tpu.memref_slice %arg4[%add3A_211] : memref<320000xi32, #tpu.memory_space<hbm>> -> memref<40xi32, #tpu.memory_space<hbm>>
      %dma_start3A_213 = tpu.memref_slice %arg4[%add3A_211] : memref<320000xi32, #tpu.memory_space<hbm>> -> memref<40xi32, #tpu.memory_space<hbm>>
      tpu.enqueue_dma source(%dma_start3A_213 : memref<40xi32, #tpu.memory_space<hbm>>) target(%arg11 : memref<40xi32, #tpu.memory_space<vmem>>) target_semaphore(%arg32 : memref<!tpu.dma_semaphore, #tpu.memory_space<semaphore_mem>>)
      %add3A_214 = arith.constant 4 : i32
      %add3A_215 = arith.addi %add3A_185, %add3A_214 : i32
      %mul3A_216 = arith.constant 40 : i32
      %mul3A_217 = arith.muli %add3A_215, %mul3A_216 : i32
      %add3A_218 = arith.addi %mul3A_4, %mul3A_217 : i32
      %dma_start3A_219 = tpu.memref_slice %arg3[%add3A_218] : memref<320000xi32, #tpu.memory_space<hbm>> -> memref<40xi32, #tpu.memory_space<hbm>>
      %dma_start3A_220 = tpu.memref_slice %arg3[%add3A_218] : memref<320000xi32, #tpu.memory_space<hbm>> -> memref<40xi32, #tpu.memory_space<hbm>>
      tpu.enqueue_dma source(%dma_start3A_220 : memref<40xi32, #tpu.memory_space<hbm>>) target(%arg8 : memref<40xi32, #tpu.memory_space<vmem>>) target_semaphore(%arg29 : memref<!tpu.dma_semaphore, #tpu.memory_space<semaphore_mem>>)
      %add3A_221 = arith.constant 1 : i32
      %add3A_222 = arith.addi %add3A_183, %add3A_221 : i32
      %dma_wait3A_223 = arith.constant 0 : i32
      %dma_wait3A_224 = arith.constant 0 : i32
      %dma_wait3A_225 = tpu.memref_slice %arg2[%dma_wait3A_223, %dma_wait3A_224] : memref<10000x128xf32, #tpu.memory_space<hbm>> -> memref<10000x128xf32, #tpu.memory_space<hbm>>
      tpu.wait_indirect_dma semaphore(%arg22 : memref<!tpu.dma_semaphore, #tpu.memory_space<semaphore_mem>>) src(%dma_wait3A_225 : memref<10000x128xf32, #tpu.memory_space<hbm>>) dst(%arg17 : memref<40x128xf32, #tpu.memory_space<vmem>>)
      %dma_wait3A_226 = arith.constant 0 : i32
      %dma_wait3A_227 = tpu.memref_slice %arg3[%dma_wait3A_226] : memref<320000xi32, #tpu.memory_space<hbm>> -> memref<40xi32, #tpu.memory_space<hbm>>
      %dma_wait3A_228 = arith.constant 0 : i32
      %dma_wait3A_229 = tpu.memref_slice %arg3[%dma_wait3A_228] : memref<320000xi32, #tpu.memory_space<hbm>> -> memref<40xi32, #tpu.memory_space<hbm>>
      tpu.wait_dma2 semaphore(%arg34 : memref<!tpu.dma_semaphore, #tpu.memory_space<semaphore_mem>>) src(%dma_wait3A_229 : memref<40xi32, #tpu.memory_space<hbm>>) dst(%arg13 : memref<40xi32, #tpu.memory_space<vmem>>)
      %dma_start3A_230 = arith.constant 0 : i32
      %dma_start3A_231 = arith.constant 0 : i32
      %dma_start3A_232 = tpu.memref_slice %arg19[%dma_start3A_230, %dma_start3A_231] : memref<10000x128xf32, #tpu.memory_space<vmem_shared>> -> memref<10000x128xf32, #tpu.memory_space<vmem_shared>>
      tpu.enqueue_indirect_dma source(%arg17 : memref<40x128xf32, #tpu.memory_space<vmem>>) target(%dma_start3A_232 : memref<10000x128xf32, #tpu.memory_space<vmem_shared>>) offsets(%arg13 : memref<40xi32, #tpu.memory_space<vmem>>) semaphore(%arg26 : memref<!tpu.dma_semaphore, #tpu.memory_space<semaphore_mem>>) {add = true}
      %dma_wait3A_233 = arith.constant 0 : i32
      %dma_wait3A_234 = arith.constant 0 : i32
      %dma_wait3A_235 = tpu.memref_slice %arg19[%dma_wait3A_233, %dma_wait3A_234] : memref<10000x128xf32, #tpu.memory_space<vmem_shared>> -> memref<10000x128xf32, #tpu.memory_space<vmem_shared>>
      tpu.wait_indirect_dma semaphore(%arg25 : memref<!tpu.dma_semaphore, #tpu.memory_space<semaphore_mem>>) src(%arg16 : memref<40x128xf32, #tpu.memory_space<vmem>>) dst(%dma_wait3A_235 : memref<10000x128xf32, #tpu.memory_space<vmem_shared>>)
      %dma_wait3A_236 = arith.constant 0 : i32
      %dma_wait3A_237 = tpu.memref_slice %arg3[%dma_wait3A_236] : memref<320000xi32, #tpu.memory_space<hbm>> -> memref<40xi32, #tpu.memory_space<hbm>>
      %dma_wait3A_238 = arith.constant 0 : i32
      %dma_wait3A_239 = tpu.memref_slice %arg3[%dma_wait3A_238] : memref<320000xi32, #tpu.memory_space<hbm>> -> memref<40xi32, #tpu.memory_space<hbm>>
      tpu.wait_dma2 semaphore(%arg29 : memref<!tpu.dma_semaphore, #tpu.memory_space<semaphore_mem>>) src(%dma_wait3A_239 : memref<40xi32, #tpu.memory_space<hbm>>) dst(%arg8 : memref<40xi32, #tpu.memory_space<vmem>>)
      %dma_start3A_240 = arith.constant 0 : i32
      %dma_start3A_241 = arith.constant 0 : i32
      %dma_start3A_242 = tpu.memref_slice %arg2[%dma_start3A_240, %dma_start3A_241] : memref<10000x128xf32, #tpu.memory_space<hbm>> -> memref<10000x128xf32, #tpu.memory_space<hbm>>
      tpu.enqueue_indirect_dma source(%dma_start3A_242 : memref<10000x128xf32, #tpu.memory_space<hbm>>) target(%arg16 : memref<40x128xf32, #tpu.memory_space<vmem>>) offsets(%arg8 : memref<40xi32, #tpu.memory_space<vmem>>) semaphore(%arg21 : memref<!tpu.dma_semaphore, #tpu.memory_space<semaphore_mem>>)
      %add3A_243 = arith.constant 4 : i32
      %add3A_244 = arith.addi %add3A_222, %add3A_243 : i32
      %sub3A_245 = arith.constant 1 : i32
      %sub3A_246 = arith.subi %add3A_244, %sub3A_245 : i32
      %mul3A_247 = arith.constant 40 : i32
      %mul3A_248 = arith.muli %sub3A_246, %mul3A_247 : i32
      %add3A_249 = arith.addi %mul3A_4, %mul3A_248 : i32
      %dma_start3A_250 = tpu.memref_slice %arg4[%add3A_249] : memref<320000xi32, #tpu.memory_space<hbm>> -> memref<40xi32, #tpu.memory_space<hbm>>
      %dma_start3A_251 = tpu.memref_slice %arg4[%add3A_249] : memref<320000xi32, #tpu.memory_space<hbm>> -> memref<40xi32, #tpu.memory_space<hbm>>
      tpu.enqueue_dma source(%dma_start3A_251 : memref<40xi32, #tpu.memory_space<hbm>>) target(%arg12 : memref<40xi32, #tpu.memory_space<vmem>>) target_semaphore(%arg33 : memref<!tpu.dma_semaphore, #tpu.memory_space<semaphore_mem>>)
      %add3A_252 = arith.constant 4 : i32
      %add3A_253 = arith.addi %add3A_222, %add3A_252 : i32
      %mul3A_254 = arith.constant 40 : i32
      %mul3A_255 = arith.muli %add3A_253, %mul3A_254 : i32
      %add3A_256 = arith.addi %mul3A_4, %mul3A_255 : i32
      %dma_start3A_257 = tpu.memref_slice %arg3[%add3A_256] : memref<320000xi32, #tpu.memory_space<hbm>> -> memref<40xi32, #tpu.memory_space<hbm>>
      %dma_start3A_258 = tpu.memref_slice %arg3[%add3A_256] : memref<320000xi32, #tpu.memory_space<hbm>> -> memref<40xi32, #tpu.memory_space<hbm>>
      tpu.enqueue_dma source(%dma_start3A_258 : memref<40xi32, #tpu.memory_space<hbm>>) target(%arg9 : memref<40xi32, #tpu.memory_space<vmem>>) target_semaphore(%arg30 : memref<!tpu.dma_semaphore, #tpu.memory_space<semaphore_mem>>)
      %add3A_259 = arith.constant 2 : i32
      %add3A_260 = arith.addi %add3A_183, %add3A_259 : i32
      %dma_wait3A_261 = arith.constant 0 : i32
      %dma_wait3A_262 = arith.constant 0 : i32
      %dma_wait3A_263 = tpu.memref_slice %arg2[%dma_wait3A_261, %dma_wait3A_262] : memref<10000x128xf32, #tpu.memory_space<hbm>> -> memref<10000x128xf32, #tpu.memory_space<hbm>>
      tpu.wait_indirect_dma semaphore(%arg23 : memref<!tpu.dma_semaphore, #tpu.memory_space<semaphore_mem>>) src(%dma_wait3A_263 : memref<10000x128xf32, #tpu.memory_space<hbm>>) dst(%arg18 : memref<40x128xf32, #tpu.memory_space<vmem>>)
      %dma_wait3A_264 = arith.constant 0 : i32
      %dma_wait3A_265 = tpu.memref_slice %arg3[%dma_wait3A_264] : memref<320000xi32, #tpu.memory_space<hbm>> -> memref<40xi32, #tpu.memory_space<hbm>>
      %dma_wait3A_266 = arith.constant 0 : i32
      %dma_wait3A_267 = tpu.memref_slice %arg3[%dma_wait3A_266] : memref<320000xi32, #tpu.memory_space<hbm>> -> memref<40xi32, #tpu.memory_space<hbm>>
      tpu.wait_dma2 semaphore(%arg35 : memref<!tpu.dma_semaphore, #tpu.memory_space<semaphore_mem>>) src(%dma_wait3A_267 : memref<40xi32, #tpu.memory_space<hbm>>) dst(%arg14 : memref<40xi32, #tpu.memory_space<vmem>>)
      %dma_start3A_268 = arith.constant 0 : i32
      %dma_start3A_269 = arith.constant 0 : i32
      %dma_start3A_270 = tpu.memref_slice %arg19[%dma_start3A_268, %dma_start3A_269] : memref<10000x128xf32, #tpu.memory_space<vmem_shared>> -> memref<10000x128xf32, #tpu.memory_space<vmem_shared>>
      tpu.enqueue_indirect_dma source(%arg18 : memref<40x128xf32, #tpu.memory_space<vmem>>) target(%dma_start3A_270 : memref<10000x128xf32, #tpu.memory_space<vmem_shared>>) offsets(%arg14 : memref<40xi32, #tpu.memory_space<vmem>>) semaphore(%arg27 : memref<!tpu.dma_semaphore, #tpu.memory_space<semaphore_mem>>) {add = true}
      %dma_wait3A_271 = arith.constant 0 : i32
      %dma_wait3A_272 = arith.constant 0 : i32
      %dma_wait3A_273 = tpu.memref_slice %arg19[%dma_wait3A_271, %dma_wait3A_272] : memref<10000x128xf32, #tpu.memory_space<vmem_shared>> -> memref<10000x128xf32, #tpu.memory_space<vmem_shared>>
      tpu.wait_indirect_dma semaphore(%arg26 : memref<!tpu.dma_semaphore, #tpu.memory_space<semaphore_mem>>) src(%arg17 : memref<40x128xf32, #tpu.memory_space<vmem>>) dst(%dma_wait3A_273 : memref<10000x128xf32, #tpu.memory_space<vmem_shared>>)
      %dma_wait3A_274 = arith.constant 0 : i32
      %dma_wait3A_275 = tpu.memref_slice %arg3[%dma_wait3A_274] : memref<320000xi32, #tpu.memory_space<hbm>> -> memref<40xi32, #tpu.memory_space<hbm>>
      %dma_wait3A_276 = arith.constant 0 : i32
      %dma_wait3A_277 = tpu.memref_slice %arg3[%dma_wait3A_276] : memref<320000xi32, #tpu.memory_space<hbm>> -> memref<40xi32, #tpu.memory_space<hbm>>
      tpu.wait_dma2 semaphore(%arg30 : memref<!tpu.dma_semaphore, #tpu.memory_space<semaphore_mem>>) src(%dma_wait3A_277 : memref<40xi32, #tpu.memory_space<hbm>>) dst(%arg9 : memref<40xi32, #tpu.memory_space<vmem>>)
      %dma_start3A_278 = arith.constant 0 : i32
      %dma_start3A_279 = arith.constant 0 : i32
      %dma_start3A_280 = tpu.memref_slice %arg2[%dma_start3A_278, %dma_start3A_279] : memref<10000x128xf32, #tpu.memory_space<hbm>> -> memref<10000x128xf32, #tpu.memory_space<hbm>>
      tpu.enqueue_indirect_dma source(%dma_start3A_280 : memref<10000x128xf32, #tpu.memory_space<hbm>>) target(%arg17 : memref<40x128xf32, #tpu.memory_space<vmem>>) offsets(%arg9 : memref<40xi32, #tpu.memory_space<vmem>>) semaphore(%arg22 : memref<!tpu.dma_semaphore, #tpu.memory_space<semaphore_mem>>)
      %add3A_281 = arith.constant 4 : i32
      %add3A_282 = arith.addi %add3A_260, %add3A_281 : i32
      %sub3A_283 = arith.constant 1 : i32
      %sub3A_284 = arith.subi %add3A_282, %sub3A_283 : i32
      %mul3A_285 = arith.constant 40 : i32
      %mul3A_286 = arith.muli %sub3A_284, %mul3A_285 : i32
      %add3A_287 = arith.addi %mul3A_4, %mul3A_286 : i32
      %dma_start3A_288 = tpu.memref_slice %arg4[%add3A_287] : memref<320000xi32, #tpu.memory_space<hbm>> -> memref<40xi32, #tpu.memory_space<hbm>>
      %dma_start3A_289 = tpu.memref_slice %arg4[%add3A_287] : memref<320000xi32, #tpu.memory_space<hbm>> -> memref<40xi32, #tpu.memory_space<hbm>>
      tpu.enqueue_dma source(%dma_start3A_289 : memref<40xi32, #tpu.memory_space<hbm>>) target(%arg13 : memref<40xi32, #tpu.memory_space<vmem>>) target_semaphore(%arg34 : memref<!tpu.dma_semaphore, #tpu.memory_space<semaphore_mem>>)
      %add3A_290 = arith.constant 4 : i32
      %add3A_291 = arith.addi %add3A_260, %add3A_290 : i32
      %mul3A_292 = arith.constant 40 : i32
      %mul3A_293 = arith.muli %add3A_291, %mul3A_292 : i32
      %add3A_294 = arith.addi %mul3A_4, %mul3A_293 : i32
      %dma_start3A_295 = tpu.memref_slice %arg3[%add3A_294] : memref<320000xi32, #tpu.memory_space<hbm>> -> memref<40xi32, #tpu.memory_space<hbm>>
      %dma_start3A_296 = tpu.memref_slice %arg3[%add3A_294] : memref<320000xi32, #tpu.memory_space<hbm>> -> memref<40xi32, #tpu.memory_space<hbm>>
      tpu.enqueue_dma source(%dma_start3A_296 : memref<40xi32, #tpu.memory_space<hbm>>) target(%arg10 : memref<40xi32, #tpu.memory_space<vmem>>) target_semaphore(%arg31 : memref<!tpu.dma_semaphore, #tpu.memory_space<semaphore_mem>>)
      %add3A_297 = arith.constant 3 : i32
      %add3A_298 = arith.addi %add3A_183, %add3A_297 : i32
      %dma_wait3A_299 = arith.constant 0 : i32
      %dma_wait3A_300 = arith.constant 0 : i32
      %dma_wait3A_301 = tpu.memref_slice %arg2[%dma_wait3A_299, %dma_wait3A_300] : memref<10000x128xf32, #tpu.memory_space<hbm>> -> memref<10000x128xf32, #tpu.memory_space<hbm>>
      tpu.wait_indirect_dma semaphore(%arg20 : memref<!tpu.dma_semaphore, #tpu.memory_space<semaphore_mem>>) src(%dma_wait3A_301 : memref<10000x128xf32, #tpu.memory_space<hbm>>) dst(%arg15 : memref<40x128xf32, #tpu.memory_space<vmem>>)
      %dma_wait3A_302 = arith.constant 0 : i32
      %dma_wait3A_303 = tpu.memref_slice %arg3[%dma_wait3A_302] : memref<320000xi32, #tpu.memory_space<hbm>> -> memref<40xi32, #tpu.memory_space<hbm>>
      %dma_wait3A_304 = arith.constant 0 : i32
      %dma_wait3A_305 = tpu.memref_slice %arg3[%dma_wait3A_304] : memref<320000xi32, #tpu.memory_space<hbm>> -> memref<40xi32, #tpu.memory_space<hbm>>
      tpu.wait_dma2 semaphore(%arg32 : memref<!tpu.dma_semaphore, #tpu.memory_space<semaphore_mem>>) src(%dma_wait3A_305 : memref<40xi32, #tpu.memory_space<hbm>>) dst(%arg11 : memref<40xi32, #tpu.memory_space<vmem>>)
      %dma_start3A_306 = arith.constant 0 : i32
      %dma_start3A_307 = arith.constant 0 : i32
      %dma_start3A_308 = tpu.memref_slice %arg19[%dma_start3A_306, %dma_start3A_307] : memref<10000x128xf32, #tpu.memory_space<vmem_shared>> -> memref<10000x128xf32, #tpu.memory_space<vmem_shared>>
      tpu.enqueue_indirect_dma source(%arg15 : memref<40x128xf32, #tpu.memory_space<vmem>>) target(%dma_start3A_308 : memref<10000x128xf32, #tpu.memory_space<vmem_shared>>) offsets(%arg11 : memref<40xi32, #tpu.memory_space<vmem>>) semaphore(%arg24 : memref<!tpu.dma_semaphore, #tpu.memory_space<semaphore_mem>>) {add = true}
      %dma_wait3A_309 = arith.constant 0 : i32
      %dma_wait3A_310 = arith.constant 0 : i32
      %dma_wait3A_311 = tpu.memref_slice %arg19[%dma_wait3A_309, %dma_wait3A_310] : memref<10000x128xf32, #tpu.memory_space<vmem_shared>> -> memref<10000x128xf32, #tpu.memory_space<vmem_shared>>
      tpu.wait_indirect_dma semaphore(%arg27 : memref<!tpu.dma_semaphore, #tpu.memory_space<semaphore_mem>>) src(%arg18 : memref<40x128xf32, #tpu.memory_space<vmem>>) dst(%dma_wait3A_311 : memref<10000x128xf32, #tpu.memory_space<vmem_shared>>)
      %dma_wait3A_312 = arith.constant 0 : i32
      %dma_wait3A_313 = tpu.memref_slice %arg3[%dma_wait3A_312] : memref<320000xi32, #tpu.memory_space<hbm>> -> memref<40xi32, #tpu.memory_space<hbm>>
      %dma_wait3A_314 = arith.constant 0 : i32
      %dma_wait3A_315 = tpu.memref_slice %arg3[%dma_wait3A_314] : memref<320000xi32, #tpu.memory_space<hbm>> -> memref<40xi32, #tpu.memory_space<hbm>>
      tpu.wait_dma2 semaphore(%arg31 : memref<!tpu.dma_semaphore, #tpu.memory_space<semaphore_mem>>) src(%dma_wait3A_315 : memref<40xi32, #tpu.memory_space<hbm>>) dst(%arg10 : memref<40xi32, #tpu.memory_space<vmem>>)
      %dma_start3A_316 = arith.constant 0 : i32
      %dma_start3A_317 = arith.constant 0 : i32
      %dma_start3A_318 = tpu.memref_slice %arg2[%dma_start3A_316, %dma_start3A_317] : memref<10000x128xf32, #tpu.memory_space<hbm>> -> memref<10000x128xf32, #tpu.memory_space<hbm>>
      tpu.enqueue_indirect_dma source(%dma_start3A_318 : memref<10000x128xf32, #tpu.memory_space<hbm>>) target(%arg18 : memref<40x128xf32, #tpu.memory_space<vmem>>) offsets(%arg10 : memref<40xi32, #tpu.memory_space<vmem>>) semaphore(%arg23 : memref<!tpu.dma_semaphore, #tpu.memory_space<semaphore_mem>>)
      %add3A_319 = arith.constant 4 : i32
      %add3A_320 = arith.addi %add3A_298, %add3A_319 : i32
      %sub3A_321 = arith.constant 1 : i32
      %sub3A_322 = arith.subi %add3A_320, %sub3A_321 : i32
      %mul3A_323 = arith.constant 40 : i32
      %mul3A_324 = arith.muli %sub3A_322, %mul3A_323 : i32
      %add3A_325 = arith.addi %mul3A_4, %mul3A_324 : i32
      %dma_start3A_326 = tpu.memref_slice %arg4[%add3A_325] : memref<320000xi32, #tpu.memory_space<hbm>> -> memref<40xi32, #tpu.memory_space<hbm>>
      %dma_start3A_327 = tpu.memref_slice %arg4[%add3A_325] : memref<320000xi32, #tpu.memory_space<hbm>> -> memref<40xi32, #tpu.memory_space<hbm>>
      tpu.enqueue_dma source(%dma_start3A_327 : memref<40xi32, #tpu.memory_space<hbm>>) target(%arg14 : memref<40xi32, #tpu.memory_space<vmem>>) target_semaphore(%arg35 : memref<!tpu.dma_semaphore, #tpu.memory_space<semaphore_mem>>)
      %add3A_328 = arith.constant 4 : i32
      %add3A_329 = arith.addi %add3A_298, %add3A_328 : i32
      %mul3A_330 = arith.constant 40 : i32
      %mul3A_331 = arith.muli %add3A_329, %mul3A_330 : i32
      %add3A_332 = arith.addi %mul3A_4, %mul3A_331 : i32
      %dma_start3A_333 = tpu.memref_slice %arg3[%add3A_332] : memref<320000xi32, #tpu.memory_space<hbm>> -> memref<40xi32, #tpu.memory_space<hbm>>
      %dma_start3A_334 = tpu.memref_slice %arg3[%add3A_332] : memref<320000xi32, #tpu.memory_space<hbm>> -> memref<40xi32, #tpu.memory_space<hbm>>
      tpu.enqueue_dma source(%dma_start3A_334 : memref<40xi32, #tpu.memory_space<hbm>>) target(%arg7 : memref<40xi32, #tpu.memory_space<vmem>>) target_semaphore(%arg28 : memref<!tpu.dma_semaphore, #tpu.memory_space<semaphore_mem>>)
    }
    %scan3A_74 = arith.constant 61 : i32
    %dma_wait3A_75 = arith.constant 0 : i32
    %dma_wait3A_76 = arith.constant 0 : i32
    %dma_wait3A_77 = tpu.memref_slice %arg2[%dma_wait3A_75, %dma_wait3A_76] : memref<10000x128xf32, #tpu.memory_space<hbm>> -> memref<10000x128xf32, #tpu.memory_space<hbm>>
    tpu.wait_indirect_dma semaphore(%arg21 : memref<!tpu.dma_semaphore, #tpu.memory_space<semaphore_mem>>) src(%dma_wait3A_77 : memref<10000x128xf32, #tpu.memory_space<hbm>>) dst(%arg16 : memref<40x128xf32, #tpu.memory_space<vmem>>)
    %dma_wait3A_78 = arith.constant 0 : i32
    %dma_wait3A_79 = tpu.memref_slice %arg3[%dma_wait3A_78] : memref<320000xi32, #tpu.memory_space<hbm>> -> memref<40xi32, #tpu.memory_space<hbm>>
    %dma_wait3A_80 = arith.constant 0 : i32
    %dma_wait3A_81 = tpu.memref_slice %arg3[%dma_wait3A_80] : memref<320000xi32, #tpu.memory_space<hbm>> -> memref<40xi32, #tpu.memory_space<hbm>>
    tpu.wait_dma2 semaphore(%arg33 : memref<!tpu.dma_semaphore, #tpu.memory_space<semaphore_mem>>) src(%dma_wait3A_81 : memref<40xi32, #tpu.memory_space<hbm>>) dst(%arg12 : memref<40xi32, #tpu.memory_space<vmem>>)
    %dma_start3A_82 = arith.constant 0 : i32
    %dma_start3A_83 = arith.constant 0 : i32
    %dma_start3A_84 = tpu.memref_slice %arg19[%dma_start3A_82, %dma_start3A_83] : memref<10000x128xf32, #tpu.memory_space<vmem_shared>> -> memref<10000x128xf32, #tpu.memory_space<vmem_shared>>
    tpu.enqueue_indirect_dma source(%arg16 : memref<40x128xf32, #tpu.memory_space<vmem>>) target(%dma_start3A_84 : memref<10000x128xf32, #tpu.memory_space<vmem_shared>>) offsets(%arg12 : memref<40xi32, #tpu.memory_space<vmem>>) semaphore(%arg25 : memref<!tpu.dma_semaphore, #tpu.memory_space<semaphore_mem>>) {add = true}
    %dma_wait3A_85 = arith.constant 0 : i32
    %dma_wait3A_86 = arith.constant 0 : i32
    %dma_wait3A_87 = tpu.memref_slice %arg19[%dma_wait3A_85, %dma_wait3A_86] : memref<10000x128xf32, #tpu.memory_space<vmem_shared>> -> memref<10000x128xf32, #tpu.memory_space<vmem_shared>>
    tpu.wait_indirect_dma semaphore(%arg24 : memref<!tpu.dma_semaphore, #tpu.memory_space<semaphore_mem>>) src(%arg15 : memref<40x128xf32, #tpu.memory_space<vmem>>) dst(%dma_wait3A_87 : memref<10000x128xf32, #tpu.memory_space<vmem_shared>>)
    %dma_wait3A_88 = arith.constant 0 : i32
    %dma_wait3A_89 = tpu.memref_slice %arg3[%dma_wait3A_88] : memref<320000xi32, #tpu.memory_space<hbm>> -> memref<40xi32, #tpu.memory_space<hbm>>
    %dma_wait3A_90 = arith.constant 0 : i32
    %dma_wait3A_91 = tpu.memref_slice %arg3[%dma_wait3A_90] : memref<320000xi32, #tpu.memory_space<hbm>> -> memref<40xi32, #tpu.memory_space<hbm>>
    tpu.wait_dma2 semaphore(%arg28 : memref<!tpu.dma_semaphore, #tpu.memory_space<semaphore_mem>>) src(%dma_wait3A_91 : memref<40xi32, #tpu.memory_space<hbm>>) dst(%arg7 : memref<40xi32, #tpu.memory_space<vmem>>)
    %dma_start3A_92 = arith.constant 0 : i32
    %dma_start3A_93 = arith.constant 0 : i32
    %dma_start3A_94 = tpu.memref_slice %arg2[%dma_start3A_92, %dma_start3A_93] : memref<10000x128xf32, #tpu.memory_space<hbm>> -> memref<10000x128xf32, #tpu.memory_space<hbm>>
    tpu.enqueue_indirect_dma source(%dma_start3A_94 : memref<10000x128xf32, #tpu.memory_space<hbm>>) target(%arg15 : memref<40x128xf32, #tpu.memory_space<vmem>>) offsets(%arg7 : memref<40xi32, #tpu.memory_space<vmem>>) semaphore(%arg20 : memref<!tpu.dma_semaphore, #tpu.memory_space<semaphore_mem>>)
    %add3A_95 = arith.constant 9920 : i32
    %add3A_96 = arith.addi %mul3A_4, %add3A_95 : i32
    %dma_start3A_97 = tpu.memref_slice %arg4[%add3A_96] : memref<320000xi32, #tpu.memory_space<hbm>> -> memref<40xi32, #tpu.memory_space<hbm>>
    %dma_start3A_98 = tpu.memref_slice %arg4[%add3A_96] : memref<320000xi32, #tpu.memory_space<hbm>> -> memref<40xi32, #tpu.memory_space<hbm>>
    tpu.enqueue_dma source(%dma_start3A_98 : memref<40xi32, #tpu.memory_space<hbm>>) target(%arg11 : memref<40xi32, #tpu.memory_space<vmem>>) target_semaphore(%arg32 : memref<!tpu.dma_semaphore, #tpu.memory_space<semaphore_mem>>)
    %add3A_99 = arith.constant 9960 : i32
    %add3A_100 = arith.addi %mul3A_4, %add3A_99 : i32
    %dma_start3A_101 = tpu.memref_slice %arg3[%add3A_100] : memref<320000xi32, #tpu.memory_space<hbm>> -> memref<40xi32, #tpu.memory_space<hbm>>
    %dma_start3A_102 = tpu.memref_slice %arg3[%add3A_100] : memref<320000xi32, #tpu.memory_space<hbm>> -> memref<40xi32, #tpu.memory_space<hbm>>
    tpu.enqueue_dma source(%dma_start3A_102 : memref<40xi32, #tpu.memory_space<hbm>>) target(%arg8 : memref<40xi32, #tpu.memory_space<vmem>>) target_semaphore(%arg29 : memref<!tpu.dma_semaphore, #tpu.memory_space<semaphore_mem>>)
    %dma_wait3A_103 = arith.constant 0 : i32
    %dma_wait3A_104 = arith.constant 0 : i32
    %dma_wait3A_105 = tpu.memref_slice %arg2[%dma_wait3A_103, %dma_wait3A_104] : memref<10000x128xf32, #tpu.memory_space<hbm>> -> memref<10000x128xf32, #tpu.memory_space<hbm>>
    tpu.wait_indirect_dma semaphore(%arg22 : memref<!tpu.dma_semaphore, #tpu.memory_space<semaphore_mem>>) src(%dma_wait3A_105 : memref<10000x128xf32, #tpu.memory_space<hbm>>) dst(%arg17 : memref<40x128xf32, #tpu.memory_space<vmem>>)
    %dma_wait3A_106 = arith.constant 0 : i32
    %dma_wait3A_107 = tpu.memref_slice %arg3[%dma_wait3A_106] : memref<320000xi32, #tpu.memory_space<hbm>> -> memref<40xi32, #tpu.memory_space<hbm>>
    %dma_wait3A_108 = arith.constant 0 : i32
    %dma_wait3A_109 = tpu.memref_slice %arg3[%dma_wait3A_108] : memref<320000xi32, #tpu.memory_space<hbm>> -> memref<40xi32, #tpu.memory_space<hbm>>
    tpu.wait_dma2 semaphore(%arg34 : memref<!tpu.dma_semaphore, #tpu.memory_space<semaphore_mem>>) src(%dma_wait3A_109 : memref<40xi32, #tpu.memory_space<hbm>>) dst(%arg13 : memref<40xi32, #tpu.memory_space<vmem>>)
    %dma_start3A_110 = arith.constant 0 : i32
    %dma_start3A_111 = arith.constant 0 : i32
    %dma_start3A_112 = tpu.memref_slice %arg19[%dma_start3A_110, %dma_start3A_111] : memref<10000x128xf32, #tpu.memory_space<vmem_shared>> -> memref<10000x128xf32, #tpu.memory_space<vmem_shared>>
    tpu.enqueue_indirect_dma source(%arg17 : memref<40x128xf32, #tpu.memory_space<vmem>>) target(%dma_start3A_112 : memref<10000x128xf32, #tpu.memory_space<vmem_shared>>) offsets(%arg13 : memref<40xi32, #tpu.memory_space<vmem>>) semaphore(%arg26 : memref<!tpu.dma_semaphore, #tpu.memory_space<semaphore_mem>>) {add = true}
    %dma_wait3A_113 = arith.constant 0 : i32
    %dma_wait3A_114 = arith.constant 0 : i32
    %dma_wait3A_115 = tpu.memref_slice %arg19[%dma_wait3A_113, %dma_wait3A_114] : memref<10000x128xf32, #tpu.memory_space<vmem_shared>> -> memref<10000x128xf32, #tpu.memory_space<vmem_shared>>
    tpu.wait_indirect_dma semaphore(%arg25 : memref<!tpu.dma_semaphore, #tpu.memory_space<semaphore_mem>>) src(%arg16 : memref<40x128xf32, #tpu.memory_space<vmem>>) dst(%dma_wait3A_115 : memref<10000x128xf32, #tpu.memory_space<vmem_shared>>)
    %dma_wait3A_116 = arith.constant 0 : i32
    %dma_wait3A_117 = tpu.memref_slice %arg3[%dma_wait3A_116] : memref<320000xi32, #tpu.memory_space<hbm>> -> memref<40xi32, #tpu.memory_space<hbm>>
    %dma_wait3A_118 = arith.constant 0 : i32
    %dma_wait3A_119 = tpu.memref_slice %arg3[%dma_wait3A_118] : memref<320000xi32, #tpu.memory_space<hbm>> -> memref<40xi32, #tpu.memory_space<hbm>>
    tpu.wait_dma2 semaphore(%arg29 : memref<!tpu.dma_semaphore, #tpu.memory_space<semaphore_mem>>) src(%dma_wait3A_119 : memref<40xi32, #tpu.memory_space<hbm>>) dst(%arg8 : memref<40xi32, #tpu.memory_space<vmem>>)
    %dma_start3A_120 = arith.constant 0 : i32
    %dma_start3A_121 = arith.constant 0 : i32
    %dma_start3A_122 = tpu.memref_slice %arg2[%dma_start3A_120, %dma_start3A_121] : memref<10000x128xf32, #tpu.memory_space<hbm>> -> memref<10000x128xf32, #tpu.memory_space<hbm>>
    tpu.enqueue_indirect_dma source(%dma_start3A_122 : memref<10000x128xf32, #tpu.memory_space<hbm>>) target(%arg16 : memref<40x128xf32, #tpu.memory_space<vmem>>) offsets(%arg8 : memref<40xi32, #tpu.memory_space<vmem>>) semaphore(%arg21 : memref<!tpu.dma_semaphore, #tpu.memory_space<semaphore_mem>>)
    %add3A_123 = arith.constant 9960 : i32
    %add3A_124 = arith.addi %mul3A_4, %add3A_123 : i32
    %dma_start3A_125 = tpu.memref_slice %arg4[%add3A_124] : memref<320000xi32, #tpu.memory_space<hbm>> -> memref<40xi32, #tpu.memory_space<hbm>>
    %dma_start3A_126 = tpu.memref_slice %arg4[%add3A_124] : memref<320000xi32, #tpu.memory_space<hbm>> -> memref<40xi32, #tpu.memory_space<hbm>>
    tpu.enqueue_dma source(%dma_start3A_126 : memref<40xi32, #tpu.memory_space<hbm>>) target(%arg12 : memref<40xi32, #tpu.memory_space<vmem>>) target_semaphore(%arg33 : memref<!tpu.dma_semaphore, #tpu.memory_space<semaphore_mem>>)
    %dma_wait3A_127 = arith.constant 0 : i32
    %dma_wait3A_128 = arith.constant 0 : i32
    %dma_wait3A_129 = tpu.memref_slice %arg2[%dma_wait3A_127, %dma_wait3A_128] : memref<10000x128xf32, #tpu.memory_space<hbm>> -> memref<10000x128xf32, #tpu.memory_space<hbm>>
    tpu.wait_indirect_dma semaphore(%arg23 : memref<!tpu.dma_semaphore, #tpu.memory_space<semaphore_mem>>) src(%dma_wait3A_129 : memref<10000x128xf32, #tpu.memory_space<hbm>>) dst(%arg18 : memref<40x128xf32, #tpu.memory_space<vmem>>)
    %dma_wait3A_130 = arith.constant 0 : i32
    %dma_wait3A_131 = tpu.memref_slice %arg3[%dma_wait3A_130] : memref<320000xi32, #tpu.memory_space<hbm>> -> memref<40xi32, #tpu.memory_space<hbm>>
    %dma_wait3A_132 = arith.constant 0 : i32
    %dma_wait3A_133 = tpu.memref_slice %arg3[%dma_wait3A_132] : memref<320000xi32, #tpu.memory_space<hbm>> -> memref<40xi32, #tpu.memory_space<hbm>>
    tpu.wait_dma2 semaphore(%arg35 : memref<!tpu.dma_semaphore, #tpu.memory_space<semaphore_mem>>) src(%dma_wait3A_133 : memref<40xi32, #tpu.memory_space<hbm>>) dst(%arg14 : memref<40xi32, #tpu.memory_space<vmem>>)
    %dma_start3A_134 = arith.constant 0 : i32
    %dma_start3A_135 = arith.constant 0 : i32
    %dma_start3A_136 = tpu.memref_slice %arg19[%dma_start3A_134, %dma_start3A_135] : memref<10000x128xf32, #tpu.memory_space<vmem_shared>> -> memref<10000x128xf32, #tpu.memory_space<vmem_shared>>
    tpu.enqueue_indirect_dma source(%arg18 : memref<40x128xf32, #tpu.memory_space<vmem>>) target(%dma_start3A_136 : memref<10000x128xf32, #tpu.memory_space<vmem_shared>>) offsets(%arg14 : memref<40xi32, #tpu.memory_space<vmem>>) semaphore(%arg27 : memref<!tpu.dma_semaphore, #tpu.memory_space<semaphore_mem>>) {add = true}
    %dma_wait3A_137 = arith.constant 0 : i32
    %dma_wait3A_138 = arith.constant 0 : i32
    %dma_wait3A_139 = tpu.memref_slice %arg19[%dma_wait3A_137, %dma_wait3A_138] : memref<10000x128xf32, #tpu.memory_space<vmem_shared>> -> memref<10000x128xf32, #tpu.memory_space<vmem_shared>>
    tpu.wait_indirect_dma semaphore(%arg26 : memref<!tpu.dma_semaphore, #tpu.memory_space<semaphore_mem>>) src(%arg17 : memref<40x128xf32, #tpu.memory_space<vmem>>) dst(%dma_wait3A_139 : memref<10000x128xf32, #tpu.memory_space<vmem_shared>>)
    %dma_wait3A_140 = arith.constant 0 : i32
    %dma_wait3A_141 = arith.constant 0 : i32
    %dma_wait3A_142 = tpu.memref_slice %arg2[%dma_wait3A_140, %dma_wait3A_141] : memref<10000x128xf32, #tpu.memory_space<hbm>> -> memref<10000x128xf32, #tpu.memory_space<hbm>>
    tpu.wait_indirect_dma semaphore(%arg20 : memref<!tpu.dma_semaphore, #tpu.memory_space<semaphore_mem>>) src(%dma_wait3A_142 : memref<10000x128xf32, #tpu.memory_space<hbm>>) dst(%arg15 : memref<40x128xf32, #tpu.memory_space<vmem>>)
    %dma_wait3A_143 = arith.constant 0 : i32
    %dma_wait3A_144 = tpu.memref_slice %arg3[%dma_wait3A_143] : memref<320000xi32, #tpu.memory_space<hbm>> -> memref<40xi32, #tpu.memory_space<hbm>>
    %dma_wait3A_145 = arith.constant 0 : i32
    %dma_wait3A_146 = tpu.memref_slice %arg3[%dma_wait3A_145] : memref<320000xi32, #tpu.memory_space<hbm>> -> memref<40xi32, #tpu.memory_space<hbm>>
    tpu.wait_dma2 semaphore(%arg32 : memref<!tpu.dma_semaphore, #tpu.memory_space<semaphore_mem>>) src(%dma_wait3A_146 : memref<40xi32, #tpu.memory_space<hbm>>) dst(%arg11 : memref<40xi32, #tpu.memory_space<vmem>>)
    %dma_start3A_147 = arith.constant 0 : i32
    %dma_start3A_148 = arith.constant 0 : i32
    %dma_start3A_149 = tpu.memref_slice %arg19[%dma_start3A_147, %dma_start3A_148] : memref<10000x128xf32, #tpu.memory_space<vmem_shared>> -> memref<10000x128xf32, #tpu.memory_space<vmem_shared>>
    tpu.enqueue_indirect_dma source(%arg15 : memref<40x128xf32, #tpu.memory_space<vmem>>) target(%dma_start3A_149 : memref<10000x128xf32, #tpu.memory_space<vmem_shared>>) offsets(%arg11 : memref<40xi32, #tpu.memory_space<vmem>>) semaphore(%arg24 : memref<!tpu.dma_semaphore, #tpu.memory_space<semaphore_mem>>) {add = true}
    %dma_wait3A_150 = arith.constant 0 : i32
    %dma_wait3A_151 = arith.constant 0 : i32
    %dma_wait3A_152 = tpu.memref_slice %arg19[%dma_wait3A_150, %dma_wait3A_151] : memref<10000x128xf32, #tpu.memory_space<vmem_shared>> -> memref<10000x128xf32, #tpu.memory_space<vmem_shared>>
    tpu.wait_indirect_dma semaphore(%arg27 : memref<!tpu.dma_semaphore, #tpu.memory_space<semaphore_mem>>) src(%arg18 : memref<40x128xf32, #tpu.memory_space<vmem>>) dst(%dma_wait3A_152 : memref<10000x128xf32, #tpu.memory_space<vmem_shared>>)
    %dma_wait3A_153 = arith.constant 0 : i32
    %dma_wait3A_154 = arith.constant 0 : i32
    %dma_wait3A_155 = tpu.memref_slice %arg2[%dma_wait3A_153, %dma_wait3A_154] : memref<10000x128xf32, #tpu.memory_space<hbm>> -> memref<10000x128xf32, #tpu.memory_space<hbm>>
    tpu.wait_indirect_dma semaphore(%arg21 : memref<!tpu.dma_semaphore, #tpu.memory_space<semaphore_mem>>) src(%dma_wait3A_155 : memref<10000x128xf32, #tpu.memory_space<hbm>>) dst(%arg16 : memref<40x128xf32, #tpu.memory_space<vmem>>)
    %dma_wait3A_156 = arith.constant 0 : i32
    %dma_wait3A_157 = tpu.memref_slice %arg3[%dma_wait3A_156] : memref<320000xi32, #tpu.memory_space<hbm>> -> memref<40xi32, #tpu.memory_space<hbm>>
    %dma_wait3A_158 = arith.constant 0 : i32
    %dma_wait3A_159 = tpu.memref_slice %arg3[%dma_wait3A_158] : memref<320000xi32, #tpu.memory_space<hbm>> -> memref<40xi32, #tpu.memory_space<hbm>>
    tpu.wait_dma2 semaphore(%arg33 : memref<!tpu.dma_semaphore, #tpu.memory_space<semaphore_mem>>) src(%dma_wait3A_159 : memref<40xi32, #tpu.memory_space<hbm>>) dst(%arg12 : memref<40xi32, #tpu.memory_space<vmem>>)
    %dma_start3A_160 = arith.constant 0 : i32
    %dma_start3A_161 = arith.constant 0 : i32
    %dma_start3A_162 = tpu.memref_slice %arg19[%dma_start3A_160, %dma_start3A_161] : memref<10000x128xf32, #tpu.memory_space<vmem_shared>> -> memref<10000x128xf32, #tpu.memory_space<vmem_shared>>
    tpu.enqueue_indirect_dma source(%arg16 : memref<40x128xf32, #tpu.memory_space<vmem>>) target(%dma_start3A_162 : memref<10000x128xf32, #tpu.memory_space<vmem_shared>>) offsets(%arg12 : memref<40xi32, #tpu.memory_space<vmem>>) semaphore(%arg25 : memref<!tpu.dma_semaphore, #tpu.memory_space<semaphore_mem>>) {add = true}
    %dma_wait3A_163 = arith.constant 0 : i32
    %dma_wait3A_164 = arith.constant 0 : i32
    %dma_wait3A_165 = tpu.memref_slice %arg19[%dma_wait3A_163, %dma_wait3A_164] : memref<10000x128xf32, #tpu.memory_space<vmem_shared>> -> memref<10000x128xf32, #tpu.memory_space<vmem_shared>>
    tpu.wait_indirect_dma semaphore(%arg24 : memref<!tpu.dma_semaphore, #tpu.memory_space<semaphore_mem>>) src(%arg15 : memref<40x128xf32, #tpu.memory_space<vmem>>) dst(%dma_wait3A_165 : memref<10000x128xf32, #tpu.memory_space<vmem_shared>>)
    %dma_wait3A_166 = arith.constant 0 : i32
    %dma_wait3A_167 = arith.constant 0 : i32
    %dma_wait3A_168 = tpu.memref_slice %arg19[%dma_wait3A_166, %dma_wait3A_167] : memref<10000x128xf32, #tpu.memory_space<vmem_shared>> -> memref<10000x128xf32, #tpu.memory_space<vmem_shared>>
    tpu.wait_indirect_dma semaphore(%arg25 : memref<!tpu.dma_semaphore, #tpu.memory_space<semaphore_mem>>) src(%arg16 : memref<40x128xf32, #tpu.memory_space<vmem>>) dst(%dma_wait3A_168 : memref<10000x128xf32, #tpu.memory_space<vmem_shared>>)
    %barrier3A_169 = arith.constant 0 : index
    tpu.barrier barrier_id(%barrier3A_169)
    "tpu.region"() ({
      %run_scoped3A = tpu.sem_alloc : memref<!tpu.dma_semaphore, #tpu.memory_space<semaphore_mem>>
      %dma_start3A_175 = arith.constant 0 : i32
      %dma_start3A_176 = arith.constant 0 : i32
      %dma_start3A_177 = tpu.memref_slice %arg6[%arg0, %dma_start3A_175, %dma_start3A_176] : memref<2x10000x128xf32, #tpu.memory_space<hbm>> -> memref<1x10000x128xf32, #tpu.memory_space<hbm>>
      %dma_start3A_178 = tpu.memref_squeeze %dma_start3A_177 : memref<1x10000x128xf32, #tpu.memory_space<hbm>> -> memref<10000x128xf32, #tpu.memory_space<hbm>>
      %dma_start3A_179 = arith.constant 0 : i32
      %dma_start3A_180 = tpu.memref_slice %dma_start3A_178[%mul3A_2, %dma_start3A_179] : memref<10000x128xf32, #tpu.memory_space<hbm>> -> memref<624x128xf32, #tpu.memory_space<hbm>>
      %dma_start3A_181 = arith.constant 0 : i32
      %dma_start3A_182 = tpu.memref_slice %arg19[%mul3A_2, %dma_start3A_181] : memref<10000x128xf32, #tpu.memory_space<vmem_shared>> -> memref<624x128xf32, #tpu.memory_space<vmem_shared>>
      tpu.enqueue_dma source(%dma_start3A_182 : memref<624x128xf32, #tpu.memory_space<vmem_shared>>) target(%dma_start3A_180 : memref<624x128xf32, #tpu.memory_space<hbm>>) target_semaphore(%run_scoped3A : memref<!tpu.dma_semaphore, #tpu.memory_space<semaphore_mem>>)
      %dma_wait3A_183 = arith.constant 0 : i32
      %dma_wait3A_184 = arith.constant 0 : i32
      %dma_wait3A_185 = tpu.memref_slice %arg6[%arg0, %dma_wait3A_183, %dma_wait3A_184] : memref<2x10000x128xf32, #tpu.memory_space<hbm>> -> memref<1x10000x128xf32, #tpu.memory_space<hbm>>
      %dma_wait3A_186 = tpu.memref_squeeze %dma_wait3A_185 : memref<1x10000x128xf32, #tpu.memory_space<hbm>> -> memref<10000x128xf32, #tpu.memory_space<hbm>>
      %dma_wait3A_187 = arith.constant 0 : i32
      %dma_wait3A_188 = tpu.memref_slice %dma_wait3A_186[%mul3A_2, %dma_wait3A_187] : memref<10000x128xf32, #tpu.memory_space<hbm>> -> memref<624x128xf32, #tpu.memory_space<hbm>>
      %dma_wait3A_189 = arith.constant 0 : i32
      %dma_wait3A_190 = tpu.memref_slice %arg19[%mul3A_2, %dma_wait3A_189] : memref<10000x128xf32, #tpu.memory_space<vmem_shared>> -> memref<624x128xf32, #tpu.memory_space<vmem_shared>>
      tpu.wait_dma2 semaphore(%run_scoped3A : memref<!tpu.dma_semaphore, #tpu.memory_space<semaphore_mem>>) src(%dma_wait3A_190 : memref<624x128xf32, #tpu.memory_space<vmem_shared>>) dst(%dma_wait3A_188 : memref<624x128xf32, #tpu.memory_space<hbm>>)
      tpu.yield
    }) : () -> ()
    %eq3A_170 = arith.constant 0 : i32
    %eq3A_171 = arith.cmpi eq, %arg1, %eq3A_170 : i32
    %convert_element_type3A_172 = arith.extui %eq3A_171 : i1 to i32
    %cond3A_173 = arith.constant 0 : i32
    %cond3A_174 = arith.cmpi ne, %convert_element_type3A_172, %cond3A_173 : i32
    scf.if %cond3A_174 {
      "tpu.region"() ({
        %run_scoped3A = tpu.sem_alloc : memref<!tpu.dma_semaphore, #tpu.memory_space<semaphore_mem>>
        %dma_start3A_175 = arith.constant 0 : i32
        %dma_start3A_176 = arith.constant 0 : i32
        %dma_start3A_177 = tpu.memref_slice %arg6[%arg0, %dma_start3A_175, %dma_start3A_176] : memref<2x10000x128xf32, #tpu.memory_space<hbm>> -> memref<1x10000x128xf32, #tpu.memory_space<hbm>>
        %dma_start3A_178 = tpu.memref_squeeze %dma_start3A_177 : memref<1x10000x128xf32, #tpu.memory_space<hbm>> -> memref<10000x128xf32, #tpu.memory_space<hbm>>
        %dma_start3A_179 = arith.constant 9984 : i32
        %dma_start3A_180 = arith.constant 0 : i32
        %dma_start3A_181 = tpu.memref_slice %dma_start3A_178[%dma_start3A_179, %dma_start3A_180] : memref<10000x128xf32, #tpu.memory_space<hbm>> -> memref<16x128xf32, #tpu.memory_space<hbm>>
        %dma_start3A_182 = arith.constant 9984 : i32
        %dma_start3A_183 = arith.constant 0 : i32
        %dma_start3A_184 = tpu.memref_slice %arg19[%dma_start3A_182, %dma_start3A_183] : memref<10000x128xf32, #tpu.memory_space<vmem_shared>> -> memref<16x128xf32, #tpu.memory_space<vmem_shared>>
        tpu.enqueue_dma source(%dma_start3A_184 : memref<16x128xf32, #tpu.memory_space<vmem_shared>>) target(%dma_start3A_181 : memref<16x128xf32, #tpu.memory_space<hbm>>) target_semaphore(%run_scoped3A : memref<!tpu.dma_semaphore, #tpu.memory_space<semaphore_mem>>)
        %dma_wait3A_185 = arith.constant 0 : i32
        %dma_wait3A_186 = arith.constant 0 : i32
        %dma_wait3A_187 = tpu.memref_slice %arg6[%arg0, %dma_wait3A_185, %dma_wait3A_186] : memref<2x10000x128xf32, #tpu.memory_space<hbm>> -> memref<1x10000x128xf32, #tpu.memory_space<hbm>>
        %dma_wait3A_188 = tpu.memref_squeeze %dma_wait3A_187 : memref<1x10000x128xf32, #tpu.memory_space<hbm>> -> memref<10000x128xf32, #tpu.memory_space<hbm>>
        %dma_wait3A_189 = arith.constant 9984 : i32
        %dma_wait3A_190 = arith.constant 0 : i32
        %dma_wait3A_191 = tpu.memref_slice %dma_wait3A_188[%dma_wait3A_189, %dma_wait3A_190] : memref<10000x128xf32, #tpu.memory_space<hbm>> -> memref<16x128xf32, #tpu.memory_space<hbm>>
        %dma_wait3A_192 = arith.constant 9984 : i32
        %dma_wait3A_193 = arith.constant 0 : i32
        %dma_wait3A_194 = tpu.memref_slice %arg19[%dma_wait3A_192, %dma_wait3A_193] : memref<10000x128xf32, #tpu.memory_space<vmem_shared>> -> memref<16x128xf32, #tpu.memory_space<vmem_shared>>
        tpu.wait_dma2 semaphore(%run_scoped3A : memref<!tpu.dma_semaphore, #tpu.memory_space<semaphore_mem>>) src(%dma_wait3A_194 : memref<16x128xf32, #tpu.memory_space<vmem_shared>>) dst(%dma_wait3A_191 : memref<16x128xf32, #tpu.memory_space<hbm>>)
        tpu.yield
      }) : () -> ()
    } else {
    }
    return
  }
}

#map = affine_map<(d0, d1) -> (0, 0)>
#map1 = affine_map<(d0, d1) -> (0)>
#map2 = affine_map<(d0, d1) -> (0, 0, 0)>
module attributes {stable_mosaic.version = 14 : i64} {
  func.func @body(%arg0: i32, %arg1: i32, %arg2: memref<80x128xf32, #tpu.memory_space<hbm>>, %arg3: memref<320000xi32, #tpu.memory_space<hbm>>, %arg4: memref<10000x128xf32, #tpu.memory_space<hbm>>, %arg5: memref<2x10000x128xf32, #tpu.memory_space<hbm>>, %arg6: memref<80xi32, #tpu.memory_space<vmem>>, %arg7: memref<80x128xf32, #tpu.memory_space<vmem>>, %arg8: memref<10000x128xf32, #tpu.memory_space<vmem_shared>>, %arg9: memref<!tpu.dma_semaphore, #tpu.memory_space<semaphore_mem>>) attributes {dimension_semantics = [#tpu.dimension_semantics<core_parallel>, #tpu.dimension_semantics<subcore_parallel>], iteration_bounds = array<i64: 2, 16>, scalar_prefetch = 0 : i64, scratch_operands = 4 : i64, tpu.core_type = #tpu.core_type<sc_vector_subcore>, window_params = [{transform_indices = #map}, {transform_indices = #map1}, {transform_indices = #map}, {transform_indices = #map2}]} {
    %mul3A = arith.constant 2 : i32
    %mul3A_0 = arith.muli %arg1, %mul3A : i32
    %add3A = arith.addi %mul3A_0, %arg0 : i32
    %mul3A_1 = arith.constant 624 : i32
    %mul3A_2 = arith.muli %arg1, %mul3A_1 : i32
    "tpu.region"() ({
      %run_scoped3A = tpu.sem_alloc : memref<!tpu.dma_semaphore, #tpu.memory_space<semaphore_mem>>
      %dma_start3A = arith.constant 0 : i32
      %dma_start3A_15 = tpu.memref_slice %arg8[%mul3A_2, %dma_start3A] : memref<10000x128xf32, #tpu.memory_space<vmem_shared>> -> memref<624x128xf32, #tpu.memory_space<vmem_shared>>
      %dma_start3A_16 = arith.constant 0 : i32
      %dma_start3A_17 = tpu.memref_slice %arg4[%mul3A_2, %dma_start3A_16] : memref<10000x128xf32, #tpu.memory_space<hbm>> -> memref<624x128xf32, #tpu.memory_space<hbm>>
      tpu.enqueue_dma source(%dma_start3A_17 : memref<624x128xf32, #tpu.memory_space<hbm>>) target(%dma_start3A_15 : memref<624x128xf32, #tpu.memory_space<vmem_shared>>) target_semaphore(%run_scoped3A : memref<!tpu.dma_semaphore, #tpu.memory_space<semaphore_mem>>)
      %dma_wait3A = arith.constant 0 : i32
      %dma_wait3A_18 = tpu.memref_slice %arg8[%mul3A_2, %dma_wait3A] : memref<10000x128xf32, #tpu.memory_space<vmem_shared>> -> memref<624x128xf32, #tpu.memory_space<vmem_shared>>
      %dma_wait3A_19 = arith.constant 0 : i32
      %dma_wait3A_20 = tpu.memref_slice %arg4[%mul3A_2, %dma_wait3A_19] : memref<10000x128xf32, #tpu.memory_space<hbm>> -> memref<624x128xf32, #tpu.memory_space<hbm>>
      tpu.wait_dma2 semaphore(%run_scoped3A : memref<!tpu.dma_semaphore, #tpu.memory_space<semaphore_mem>>) src(%dma_wait3A_20 : memref<624x128xf32, #tpu.memory_space<hbm>>) dst(%dma_wait3A_18 : memref<624x128xf32, #tpu.memory_space<vmem_shared>>)
      tpu.yield
    }) : () -> ()
    %eq3A = arith.constant 0 : i32
    %eq3A_3 = arith.cmpi eq, %arg1, %eq3A : i32
    %convert_element_type3A = arith.extui %eq3A_3 : i1 to i32
    %cond3A = arith.constant 0 : i32
    %cond3A_4 = arith.cmpi ne, %convert_element_type3A, %cond3A : i32
    scf.if %cond3A_4 {
      "tpu.region"() ({
        %run_scoped3A = tpu.sem_alloc : memref<!tpu.dma_semaphore, #tpu.memory_space<semaphore_mem>>
        %dma_start3A = arith.constant 9984 : i32
        %dma_start3A_15 = arith.constant 0 : i32
        %dma_start3A_16 = tpu.memref_slice %arg8[%dma_start3A, %dma_start3A_15] : memref<10000x128xf32, #tpu.memory_space<vmem_shared>> -> memref<16x128xf32, #tpu.memory_space<vmem_shared>>
        %dma_start3A_17 = arith.constant 9984 : i32
        %dma_start3A_18 = arith.constant 0 : i32
        %dma_start3A_19 = tpu.memref_slice %arg4[%dma_start3A_17, %dma_start3A_18] : memref<10000x128xf32, #tpu.memory_space<hbm>> -> memref<16x128xf32, #tpu.memory_space<hbm>>
        tpu.enqueue_dma source(%dma_start3A_19 : memref<16x128xf32, #tpu.memory_space<hbm>>) target(%dma_start3A_16 : memref<16x128xf32, #tpu.memory_space<vmem_shared>>) target_semaphore(%run_scoped3A : memref<!tpu.dma_semaphore, #tpu.memory_space<semaphore_mem>>)
        %dma_wait3A = arith.constant 9984 : i32
        %dma_wait3A_20 = arith.constant 0 : i32
        %dma_wait3A_21 = tpu.memref_slice %arg8[%dma_wait3A, %dma_wait3A_20] : memref<10000x128xf32, #tpu.memory_space<vmem_shared>> -> memref<16x128xf32, #tpu.memory_space<vmem_shared>>
        %dma_wait3A_22 = arith.constant 9984 : i32
        %dma_wait3A_23 = arith.constant 0 : i32
        %dma_wait3A_24 = tpu.memref_slice %arg4[%dma_wait3A_22, %dma_wait3A_23] : memref<10000x128xf32, #tpu.memory_space<hbm>> -> memref<16x128xf32, #tpu.memory_space<hbm>>
        tpu.wait_dma2 semaphore(%run_scoped3A : memref<!tpu.dma_semaphore, #tpu.memory_space<semaphore_mem>>) src(%dma_wait3A_24 : memref<16x128xf32, #tpu.memory_space<hbm>>) dst(%dma_wait3A_21 : memref<16x128xf32, #tpu.memory_space<vmem_shared>>)
        tpu.yield
      }) : () -> ()
    } else {
    }
    "tpu.region"() ({
      %run_scoped3A = tpu.sem_alloc : memref<!tpu.dma_semaphore, #tpu.memory_space<semaphore_mem>>
      tpu.enqueue_dma source(%arg2 : memref<80x128xf32, #tpu.memory_space<hbm>>) target(%arg7 : memref<80x128xf32, #tpu.memory_space<vmem>>) target_semaphore(%run_scoped3A : memref<!tpu.dma_semaphore, #tpu.memory_space<semaphore_mem>>)
      tpu.wait_dma2 semaphore(%run_scoped3A : memref<!tpu.dma_semaphore, #tpu.memory_space<semaphore_mem>>) src(%arg2 : memref<80x128xf32, #tpu.memory_space<hbm>>) dst(%arg7 : memref<80x128xf32, #tpu.memory_space<vmem>>)
      tpu.yield
    }) : () -> ()
    %barrier3A = arith.constant 0 : index
    tpu.barrier barrier_id(%barrier3A)
    %scan3A = arith.constant 0 : i32
    %scan3A_5 = arith.constant 125 : i32
    %scan3A_6 = arith.addi %scan3A, %scan3A_5 : i32
    %scan3A_7 = arith.constant 1 : i32
    scf.for %scan3A_15 = %scan3A to %scan3A_6 step %scan3A_7  : i32 {
      %mul3A_16 = arith.constant 1 : i32
      %mul3A_17 = arith.muli %scan3A_15, %mul3A_16 : i32
      %add3A_18 = arith.constant 0 : i32
      %add3A_19 = arith.addi %add3A_18, %mul3A_17 : i32
      %mul3A_20 = arith.constant 10000 : i32
      %mul3A_21 = arith.muli %add3A, %mul3A_20 : i32
      %mul3A_22 = arith.constant 80 : i32
      %mul3A_23 = arith.muli %add3A_19, %mul3A_22 : i32
      %add3A_24 = arith.addi %mul3A_21, %mul3A_23 : i32
      "tpu.region"() ({
        %run_scoped3A = tpu.sem_alloc : memref<!tpu.dma_semaphore, #tpu.memory_space<semaphore_mem>>
        %dma_start3A = tpu.memref_slice %arg3[%add3A_24] : memref<320000xi32, #tpu.memory_space<hbm>> -> memref<80xi32, #tpu.memory_space<hbm>>
        %dma_start3A_25 = tpu.memref_slice %arg3[%add3A_24] : memref<320000xi32, #tpu.memory_space<hbm>> -> memref<80xi32, #tpu.memory_space<hbm>>
        tpu.enqueue_dma source(%dma_start3A_25 : memref<80xi32, #tpu.memory_space<hbm>>) target(%arg6 : memref<80xi32, #tpu.memory_space<vmem>>) target_semaphore(%run_scoped3A : memref<!tpu.dma_semaphore, #tpu.memory_space<semaphore_mem>>)
        %dma_wait3A = tpu.memref_slice %arg3[%add3A_24] : memref<320000xi32, #tpu.memory_space<hbm>> -> memref<80xi32, #tpu.memory_space<hbm>>
        %dma_wait3A_26 = tpu.memref_slice %arg3[%add3A_24] : memref<320000xi32, #tpu.memory_space<hbm>> -> memref<80xi32, #tpu.memory_space<hbm>>
        tpu.wait_dma2 semaphore(%run_scoped3A : memref<!tpu.dma_semaphore, #tpu.memory_space<semaphore_mem>>) src(%dma_wait3A_26 : memref<80xi32, #tpu.memory_space<hbm>>) dst(%arg6 : memref<80xi32, #tpu.memory_space<vmem>>)
        tpu.yield
      }) : () -> ()
      "tpu.region"() ({
        %run_scoped3A = tpu.sem_alloc : memref<!tpu.dma_semaphore, #tpu.memory_space<semaphore_mem>>
        %dma_start3A = arith.constant 0 : i32
        %dma_start3A_25 = arith.constant 0 : i32
        %dma_start3A_26 = tpu.memref_slice %arg8[%dma_start3A, %dma_start3A_25] : memref<10000x128xf32, #tpu.memory_space<vmem_shared>> -> memref<10000x128xf32, #tpu.memory_space<vmem_shared>>
        tpu.enqueue_indirect_dma source(%arg7 : memref<80x128xf32, #tpu.memory_space<vmem>>) target(%dma_start3A_26 : memref<10000x128xf32, #tpu.memory_space<vmem_shared>>) offsets(%arg6 : memref<80xi32, #tpu.memory_space<vmem>>) semaphore(%run_scoped3A : memref<!tpu.dma_semaphore, #tpu.memory_space<semaphore_mem>>) {add = true}
        %dma_wait3A = arith.constant 0 : i32
        %dma_wait3A_27 = arith.constant 0 : i32
        %dma_wait3A_28 = tpu.memref_slice %arg8[%dma_wait3A, %dma_wait3A_27] : memref<10000x128xf32, #tpu.memory_space<vmem_shared>> -> memref<10000x128xf32, #tpu.memory_space<vmem_shared>>
        tpu.wait_indirect_dma semaphore(%run_scoped3A : memref<!tpu.dma_semaphore, #tpu.memory_space<semaphore_mem>>) src(%arg7 : memref<80x128xf32, #tpu.memory_space<vmem>>) dst(%dma_wait3A_28 : memref<10000x128xf32, #tpu.memory_space<vmem_shared>>)
        tpu.yield
      }) : () -> ()
    }
    %scan3A_8 = arith.constant 125 : i32
    %barrier3A_9 = arith.constant 0 : index
    tpu.barrier barrier_id(%barrier3A_9)
    "tpu.region"() ({
      %run_scoped3A = tpu.sem_alloc : memref<!tpu.dma_semaphore, #tpu.memory_space<semaphore_mem>>
      %dma_start3A = arith.constant 0 : i32
      %dma_start3A_15 = arith.constant 0 : i32
      %dma_start3A_16 = tpu.memref_slice %arg5[%arg0, %dma_start3A, %dma_start3A_15] : memref<2x10000x128xf32, #tpu.memory_space<hbm>> -> memref<1x10000x128xf32, #tpu.memory_space<hbm>>
      %dma_start3A_17 = tpu.memref_squeeze %dma_start3A_16 : memref<1x10000x128xf32, #tpu.memory_space<hbm>> -> memref<10000x128xf32, #tpu.memory_space<hbm>>
      %dma_start3A_18 = arith.constant 0 : i32
      %dma_start3A_19 = tpu.memref_slice %dma_start3A_17[%mul3A_2, %dma_start3A_18] : memref<10000x128xf32, #tpu.memory_space<hbm>> -> memref<624x128xf32, #tpu.memory_space<hbm>>
      %dma_start3A_20 = arith.constant 0 : i32
      %dma_start3A_21 = tpu.memref_slice %arg8[%mul3A_2, %dma_start3A_20] : memref<10000x128xf32, #tpu.memory_space<vmem_shared>> -> memref<624x128xf32, #tpu.memory_space<vmem_shared>>
      tpu.enqueue_dma source(%dma_start3A_21 : memref<624x128xf32, #tpu.memory_space<vmem_shared>>) target(%dma_start3A_19 : memref<624x128xf32, #tpu.memory_space<hbm>>) target_semaphore(%run_scoped3A : memref<!tpu.dma_semaphore, #tpu.memory_space<semaphore_mem>>)
      %dma_wait3A = arith.constant 0 : i32
      %dma_wait3A_22 = arith.constant 0 : i32
      %dma_wait3A_23 = tpu.memref_slice %arg5[%arg0, %dma_wait3A, %dma_wait3A_22] : memref<2x10000x128xf32, #tpu.memory_space<hbm>> -> memref<1x10000x128xf32, #tpu.memory_space<hbm>>
      %dma_wait3A_24 = tpu.memref_squeeze %dma_wait3A_23 : memref<1x10000x128xf32, #tpu.memory_space<hbm>> -> memref<10000x128xf32, #tpu.memory_space<hbm>>
      %dma_wait3A_25 = arith.constant 0 : i32
      %dma_wait3A_26 = tpu.memref_slice %dma_wait3A_24[%mul3A_2, %dma_wait3A_25] : memref<10000x128xf32, #tpu.memory_space<hbm>> -> memref<624x128xf32, #tpu.memory_space<hbm>>
      %dma_wait3A_27 = arith.constant 0 : i32
      %dma_wait3A_28 = tpu.memref_slice %arg8[%mul3A_2, %dma_wait3A_27] : memref<10000x128xf32, #tpu.memory_space<vmem_shared>> -> memref<624x128xf32, #tpu.memory_space<vmem_shared>>
      tpu.wait_dma2 semaphore(%run_scoped3A : memref<!tpu.dma_semaphore, #tpu.memory_space<semaphore_mem>>) src(%dma_wait3A_28 : memref<624x128xf32, #tpu.memory_space<vmem_shared>>) dst(%dma_wait3A_26 : memref<624x128xf32, #tpu.memory_space<hbm>>)
      tpu.yield
    }) : () -> ()
    %eq3A_10 = arith.constant 0 : i32
    %eq3A_11 = arith.cmpi eq, %arg1, %eq3A_10 : i32
    %convert_element_type3A_12 = arith.extui %eq3A_11 : i1 to i32
    %cond3A_13 = arith.constant 0 : i32
    %cond3A_14 = arith.cmpi ne, %convert_element_type3A_12, %cond3A_13 : i32
    scf.if %cond3A_14 {
      "tpu.region"() ({
        %run_scoped3A = tpu.sem_alloc : memref<!tpu.dma_semaphore, #tpu.memory_space<semaphore_mem>>
        %dma_start3A = arith.constant 0 : i32
        %dma_start3A_15 = arith.constant 0 : i32
        %dma_start3A_16 = tpu.memref_slice %arg5[%arg0, %dma_start3A, %dma_start3A_15] : memref<2x10000x128xf32, #tpu.memory_space<hbm>> -> memref<1x10000x128xf32, #tpu.memory_space<hbm>>
        %dma_start3A_17 = tpu.memref_squeeze %dma_start3A_16 : memref<1x10000x128xf32, #tpu.memory_space<hbm>> -> memref<10000x128xf32, #tpu.memory_space<hbm>>
        %dma_start3A_18 = arith.constant 9984 : i32
        %dma_start3A_19 = arith.constant 0 : i32
        %dma_start3A_20 = tpu.memref_slice %dma_start3A_17[%dma_start3A_18, %dma_start3A_19] : memref<10000x128xf32, #tpu.memory_space<hbm>> -> memref<16x128xf32, #tpu.memory_space<hbm>>
        %dma_start3A_21 = arith.constant 9984 : i32
        %dma_start3A_22 = arith.constant 0 : i32
        %dma_start3A_23 = tpu.memref_slice %arg8[%dma_start3A_21, %dma_start3A_22] : memref<10000x128xf32, #tpu.memory_space<vmem_shared>> -> memref<16x128xf32, #tpu.memory_space<vmem_shared>>
        tpu.enqueue_dma source(%dma_start3A_23 : memref<16x128xf32, #tpu.memory_space<vmem_shared>>) target(%dma_start3A_20 : memref<16x128xf32, #tpu.memory_space<hbm>>) target_semaphore(%run_scoped3A : memref<!tpu.dma_semaphore, #tpu.memory_space<semaphore_mem>>)
        %dma_wait3A = arith.constant 0 : i32
        %dma_wait3A_24 = arith.constant 0 : i32
        %dma_wait3A_25 = tpu.memref_slice %arg5[%arg0, %dma_wait3A, %dma_wait3A_24] : memref<2x10000x128xf32, #tpu.memory_space<hbm>> -> memref<1x10000x128xf32, #tpu.memory_space<hbm>>
        %dma_wait3A_26 = tpu.memref_squeeze %dma_wait3A_25 : memref<1x10000x128xf32, #tpu.memory_space<hbm>> -> memref<10000x128xf32, #tpu.memory_space<hbm>>
        %dma_wait3A_27 = arith.constant 9984 : i32
        %dma_wait3A_28 = arith.constant 0 : i32
        %dma_wait3A_29 = tpu.memref_slice %dma_wait3A_26[%dma_wait3A_27, %dma_wait3A_28] : memref<10000x128xf32, #tpu.memory_space<hbm>> -> memref<16x128xf32, #tpu.memory_space<hbm>>
        %dma_wait3A_30 = arith.constant 9984 : i32
        %dma_wait3A_31 = arith.constant 0 : i32
        %dma_wait3A_32 = tpu.memref_slice %arg8[%dma_wait3A_30, %dma_wait3A_31] : memref<10000x128xf32, #tpu.memory_space<vmem_shared>> -> memref<16x128xf32, #tpu.memory_space<vmem_shared>>
        tpu.wait_dma2 semaphore(%run_scoped3A : memref<!tpu.dma_semaphore, #tpu.memory_space<semaphore_mem>>) src(%dma_wait3A_32 : memref<16x128xf32, #tpu.memory_space<vmem_shared>>) dst(%dma_wait3A_29 : memref<16x128xf32, #tpu.memory_space<hbm>>)
        tpu.yield
      }) : () -> ()
    } else {
    }
    return
  }
}

#map = affine_map<(d0, d1) -> (0, 0)>
#map1 = affine_map<(d0, d1) -> (0)>
#map2 = affine_map<(d0, d1) -> (0, 0, 0)>
module attributes {stable_mosaic.version = 14 : i64} {
  func.func @body(%arg0: i32, %arg1: i32, %arg2: memref<10000x128xf32, #tpu.memory_space<hbm>>, %arg3: memref<320000xi32, #tpu.memory_space<hbm>>, %arg4: memref<320000xi32, #tpu.memory_space<hbm>>, %arg5: memref<10000x128xf32, #tpu.memory_space<hbm>>, %arg6: memref<2x10000x128xf32, #tpu.memory_space<hbm>>, %arg7: memref<40xi32, #tpu.memory_space<vmem>>, %arg8: memref<40xi32, #tpu.memory_space<vmem>>, %arg9: memref<40xi32, #tpu.memory_space<vmem>>, %arg10: memref<40xi32, #tpu.memory_space<vmem>>, %arg11: memref<40xi32, #tpu.memory_space<vmem>>, %arg12: memref<40xi32, #tpu.memory_space<vmem>>, %arg13: memref<40xi32, #tpu.memory_space<vmem>>, %arg14: memref<40xi32, #tpu.memory_space<vmem>>, %arg15: memref<40x128xf32, #tpu.memory_space<vmem>>, %arg16: memref<40x128xf32, #tpu.memory_space<vmem>>, %arg17: memref<40x128xf32, #tpu.memory_space<vmem>>, %arg18: memref<40x128xf32, #tpu.memory_space<vmem>>, %arg19: memref<10000x128xf32, #tpu.memory_space<vmem_shared>>, %arg20: memref<!tpu.dma_semaphore, #tpu.memory_space<semaphore_mem>>, %arg21: memref<!tpu.dma_semaphore, #tpu.memory_space<semaphore_mem>>, %arg22: memref<!tpu.dma_semaphore, #tpu.memory_space<semaphore_mem>>, %arg23: memref<!tpu.dma_semaphore, #tpu.memory_space<semaphore_mem>>, %arg24: memref<!tpu.dma_semaphore, #tpu.memory_space<semaphore_mem>>, %arg25: memref<!tpu.dma_semaphore, #tpu.memory_space<semaphore_mem>>, %arg26: memref<!tpu.dma_semaphore, #tpu.memory_space<semaphore_mem>>, %arg27: memref<!tpu.dma_semaphore, #tpu.memory_space<semaphore_mem>>, %arg28: memref<!tpu.dma_semaphore, #tpu.memory_space<semaphore_mem>>, %arg29: memref<!tpu.dma_semaphore, #tpu.memory_space<semaphore_mem>>, %arg30: memref<!tpu.dma_semaphore, #tpu.memory_space<semaphore_mem>>, %arg31: memref<!tpu.dma_semaphore, #tpu.memory_space<semaphore_mem>>, %arg32: memref<!tpu.dma_semaphore, #tpu.memory_space<semaphore_mem>>, %arg33: memref<!tpu.dma_semaphore, #tpu.memory_space<semaphore_mem>>, %arg34: memref<!tpu.dma_semaphore, #tpu.memory_space<semaphore_mem>>, %arg35: memref<!tpu.dma_semaphore, #tpu.memory_space<semaphore_mem>>) attributes {dimension_semantics = [#tpu.dimension_semantics<core_parallel>, #tpu.dimension_semantics<subcore_parallel>], iteration_bounds = array<i64: 2, 16>, scalar_prefetch = 0 : i64, scratch_operands = 29 : i64, tpu.core_type = #tpu.core_type<sc_vector_subcore>, window_params = [{transform_indices = #map}, {transform_indices = #map1}, {transform_indices = #map1}, {transform_indices = #map}, {transform_indices = #map2}]} {
    %mul3A = arith.constant 2 : i32
    %mul3A_0 = arith.muli %arg1, %mul3A : i32
    %add3A = arith.addi %mul3A_0, %arg0 : i32
    %mul3A_1 = arith.constant 624 : i32
    %mul3A_2 = arith.muli %arg1, %mul3A_1 : i32
    %mul3A_3 = arith.constant 10000 : i32
    %mul3A_4 = arith.muli %add3A, %mul3A_3 : i32
    "tpu.region"() ({
      %run_scoped3A = tpu.sem_alloc : memref<!tpu.dma_semaphore, #tpu.memory_space<semaphore_mem>>
      %dma_start3A_175 = arith.constant 0 : i32
      %dma_start3A_176 = tpu.memref_slice %arg19[%mul3A_2, %dma_start3A_175] : memref<10000x128xf32, #tpu.memory_space<vmem_shared>> -> memref<624x128xf32, #tpu.memory_space<vmem_shared>>
      %dma_start3A_177 = arith.constant 0 : i32
      %dma_start3A_178 = tpu.memref_slice %arg5[%mul3A_2, %dma_start3A_177] : memref<10000x128xf32, #tpu.memory_space<hbm>> -> memref<624x128xf32, #tpu.memory_space<hbm>>
      tpu.enqueue_dma source(%dma_start3A_178 : memref<624x128xf32, #tpu.memory_space<hbm>>) target(%dma_start3A_176 : memref<624x128xf32, #tpu.memory_space<vmem_shared>>) target_semaphore(%run_scoped3A : memref<!tpu.dma_semaphore, #tpu.memory_space<semaphore_mem>>)
      %dma_wait3A_179 = arith.constant 0 : i32
      %dma_wait3A_180 = tpu.memref_slice %arg19[%mul3A_2, %dma_wait3A_179] : memref<10000x128xf32, #tpu.memory_space<vmem_shared>> -> memref<624x128xf32, #tpu.memory_space<vmem_shared>>
      %dma_wait3A_181 = arith.constant 0 : i32
      %dma_wait3A_182 = tpu.memref_slice %arg5[%mul3A_2, %dma_wait3A_181] : memref<10000x128xf32, #tpu.memory_space<hbm>> -> memref<624x128xf32, #tpu.memory_space<hbm>>
      tpu.wait_dma2 semaphore(%run_scoped3A : memref<!tpu.dma_semaphore, #tpu.memory_space<semaphore_mem>>) src(%dma_wait3A_182 : memref<624x128xf32, #tpu.memory_space<hbm>>) dst(%dma_wait3A_180 : memref<624x128xf32, #tpu.memory_space<vmem_shared>>)
      tpu.yield
    }) : () -> ()
    %eq3A = arith.constant 0 : i32
    %eq3A_5 = arith.cmpi eq, %arg1, %eq3A : i32
    %convert_element_type3A = arith.extui %eq3A_5 : i1 to i32
    %cond3A = arith.constant 0 : i32
    %cond3A_6 = arith.cmpi ne, %convert_element_type3A, %cond3A : i32
    scf.if %cond3A_6 {
      "tpu.region"() ({
        %run_scoped3A = tpu.sem_alloc : memref<!tpu.dma_semaphore, #tpu.memory_space<semaphore_mem>>
        %dma_start3A_175 = arith.constant 9984 : i32
        %dma_start3A_176 = arith.constant 0 : i32
        %dma_start3A_177 = tpu.memref_slice %arg19[%dma_start3A_175, %dma_start3A_176] : memref<10000x128xf32, #tpu.memory_space<vmem_shared>> -> memref<16x128xf32, #tpu.memory_space<vmem_shared>>
        %dma_start3A_178 = arith.constant 9984 : i32
        %dma_start3A_179 = arith.constant 0 : i32
        %dma_start3A_180 = tpu.memref_slice %arg5[%dma_start3A_178, %dma_start3A_179] : memref<10000x128xf32, #tpu.memory_space<hbm>> -> memref<16x128xf32, #tpu.memory_space<hbm>>
        tpu.enqueue_dma source(%dma_start3A_180 : memref<16x128xf32, #tpu.memory_space<hbm>>) target(%dma_start3A_177 : memref<16x128xf32, #tpu.memory_space<vmem_shared>>) target_semaphore(%run_scoped3A : memref<!tpu.dma_semaphore, #tpu.memory_space<semaphore_mem>>)
        %dma_wait3A_181 = arith.constant 9984 : i32
        %dma_wait3A_182 = arith.constant 0 : i32
        %dma_wait3A_183 = tpu.memref_slice %arg19[%dma_wait3A_181, %dma_wait3A_182] : memref<10000x128xf32, #tpu.memory_space<vmem_shared>> -> memref<16x128xf32, #tpu.memory_space<vmem_shared>>
        %dma_wait3A_184 = arith.constant 9984 : i32
        %dma_wait3A_185 = arith.constant 0 : i32
        %dma_wait3A_186 = tpu.memref_slice %arg5[%dma_wait3A_184, %dma_wait3A_185] : memref<10000x128xf32, #tpu.memory_space<hbm>> -> memref<16x128xf32, #tpu.memory_space<hbm>>
        tpu.wait_dma2 semaphore(%run_scoped3A : memref<!tpu.dma_semaphore, #tpu.memory_space<semaphore_mem>>) src(%dma_wait3A_186 : memref<16x128xf32, #tpu.memory_space<hbm>>) dst(%dma_wait3A_183 : memref<16x128xf32, #tpu.memory_space<vmem_shared>>)
        tpu.yield
      }) : () -> ()
    } else {
    }
    %barrier3A = arith.constant 0 : index
    tpu.barrier barrier_id(%barrier3A)
    "tpu.region"() ({
      %run_scoped3A = tpu.sem_alloc : memref<!tpu.dma_semaphore, #tpu.memory_space<semaphore_mem>>
      %dma_start3A_175 = tpu.memref_slice %arg3[%mul3A_4] : memref<320000xi32, #tpu.memory_space<hbm>> -> memref<40xi32, #tpu.memory_space<hbm>>
      %dma_start3A_176 = tpu.memref_slice %arg3[%mul3A_4] : memref<320000xi32, #tpu.memory_space<hbm>> -> memref<40xi32, #tpu.memory_space<hbm>>
      tpu.enqueue_dma source(%dma_start3A_176 : memref<40xi32, #tpu.memory_space<hbm>>) target(%arg7 : memref<40xi32, #tpu.memory_space<vmem>>) target_semaphore(%run_scoped3A : memref<!tpu.dma_semaphore, #tpu.memory_space<semaphore_mem>>)
      %dma_wait3A_177 = tpu.memref_slice %arg3[%mul3A_4] : memref<320000xi32, #tpu.memory_space<hbm>> -> memref<40xi32, #tpu.memory_space<hbm>>
      %dma_wait3A_178 = tpu.memref_slice %arg3[%mul3A_4] : memref<320000xi32, #tpu.memory_space<hbm>> -> memref<40xi32, #tpu.memory_space<hbm>>
      tpu.wait_dma2 semaphore(%run_scoped3A : memref<!tpu.dma_semaphore, #tpu.memory_space<semaphore_mem>>) src(%dma_wait3A_178 : memref<40xi32, #tpu.memory_space<hbm>>) dst(%arg7 : memref<40xi32, #tpu.memory_space<vmem>>)
      tpu.yield
    }) : () -> ()
    %add3A_7 = arith.constant 40 : i32
    %add3A_8 = arith.addi %mul3A_4, %add3A_7 : i32
    %dma_start3A = tpu.memref_slice %arg3[%add3A_8] : memref<320000xi32, #tpu.memory_space<hbm>> -> memref<40xi32, #tpu.memory_space<hbm>>
    %dma_start3A_9 = tpu.memref_slice %arg3[%add3A_8] : memref<320000xi32, #tpu.memory_space<hbm>> -> memref<40xi32, #tpu.memory_space<hbm>>
    tpu.enqueue_dma source(%dma_start3A_9 : memref<40xi32, #tpu.memory_space<hbm>>) target(%arg8 : memref<40xi32, #tpu.memory_space<vmem>>) target_semaphore(%arg29 : memref<!tpu.dma_semaphore, #tpu.memory_space<semaphore_mem>>)
    %add3A_10 = arith.constant 80 : i32
    %add3A_11 = arith.addi %mul3A_4, %add3A_10 : i32
    %dma_start3A_12 = tpu.memref_slice %arg3[%add3A_11] : memref<320000xi32, #tpu.memory_space<hbm>> -> memref<40xi32, #tpu.memory_space<hbm>>
    %dma_start3A_13 = tpu.memref_slice %arg3[%add3A_11] : memref<320000xi32, #tpu.memory_space<hbm>> -> memref<40xi32, #tpu.memory_space<hbm>>
    tpu.enqueue_dma source(%dma_start3A_13 : memref<40xi32, #tpu.memory_space<hbm>>) target(%arg9 : memref<40xi32, #tpu.memory_space<vmem>>) target_semaphore(%arg30 : memref<!tpu.dma_semaphore, #tpu.memory_space<semaphore_mem>>)
    %add3A_14 = arith.constant 120 : i32
    %add3A_15 = arith.addi %mul3A_4, %add3A_14 : i32
    %dma_start3A_16 = tpu.memref_slice %arg3[%add3A_15] : memref<320000xi32, #tpu.memory_space<hbm>> -> memref<40xi32, #tpu.memory_space<hbm>>
    %dma_start3A_17 = tpu.memref_slice %arg3[%add3A_15] : memref<320000xi32, #tpu.memory_space<hbm>> -> memref<40xi32, #tpu.memory_space<hbm>>
    tpu.enqueue_dma source(%dma_start3A_17 : memref<40xi32, #tpu.memory_space<hbm>>) target(%arg10 : memref<40xi32, #tpu.memory_space<vmem>>) target_semaphore(%arg31 : memref<!tpu.dma_semaphore, #tpu.memory_space<semaphore_mem>>)
    %add3A_18 = arith.constant 0 : i32
    %add3A_19 = arith.addi %mul3A_4, %add3A_18 : i32
    %dma_start3A_20 = tpu.memref_slice %arg4[%add3A_19] : memref<320000xi32, #tpu.memory_space<hbm>> -> memref<40xi32, #tpu.memory_space<hbm>>
    %dma_start3A_21 = tpu.memref_slice %arg4[%add3A_19] : memref<320000xi32, #tpu.memory_space<hbm>> -> memref<40xi32, #tpu.memory_space<hbm>>
    tpu.enqueue_dma source(%dma_start3A_21 : memref<40xi32, #tpu.memory_space<hbm>>) target(%arg11 : memref<40xi32, #tpu.memory_space<vmem>>) target_semaphore(%arg32 : memref<!tpu.dma_semaphore, #tpu.memory_space<semaphore_mem>>)
    %add3A_22 = arith.constant 40 : i32
    %add3A_23 = arith.addi %mul3A_4, %add3A_22 : i32
    %dma_start3A_24 = tpu.memref_slice %arg4[%add3A_23] : memref<320000xi32, #tpu.memory_space<hbm>> -> memref<40xi32, #tpu.memory_space<hbm>>
    %dma_start3A_25 = tpu.memref_slice %arg4[%add3A_23] : memref<320000xi32, #tpu.memory_space<hbm>> -> memref<40xi32, #tpu.memory_space<hbm>>
    tpu.enqueue_dma source(%dma_start3A_25 : memref<40xi32, #tpu.memory_space<hbm>>) target(%arg12 : memref<40xi32, #tpu.memory_space<vmem>>) target_semaphore(%arg33 : memref<!tpu.dma_semaphore, #tpu.memory_space<semaphore_mem>>)
    %add3A_26 = arith.constant 80 : i32
    %add3A_27 = arith.addi %mul3A_4, %add3A_26 : i32
    %dma_start3A_28 = tpu.memref_slice %arg4[%add3A_27] : memref<320000xi32, #tpu.memory_space<hbm>> -> memref<40xi32, #tpu.memory_space<hbm>>
    %dma_start3A_29 = tpu.memref_slice %arg4[%add3A_27] : memref<320000xi32, #tpu.memory_space<hbm>> -> memref<40xi32, #tpu.memory_space<hbm>>
    tpu.enqueue_dma source(%dma_start3A_29 : memref<40xi32, #tpu.memory_space<hbm>>) target(%arg13 : memref<40xi32, #tpu.memory_space<vmem>>) target_semaphore(%arg34 : memref<!tpu.dma_semaphore, #tpu.memory_space<semaphore_mem>>)
    %dma_start3A_30 = arith.constant 0 : i32
    %dma_start3A_31 = arith.constant 0 : i32
    %dma_start3A_32 = tpu.memref_slice %arg2[%dma_start3A_30, %dma_start3A_31] : memref<10000x128xf32, #tpu.memory_space<hbm>> -> memref<10000x128xf32, #tpu.memory_space<hbm>>
    tpu.enqueue_indirect_dma source(%dma_start3A_32 : memref<10000x128xf32, #tpu.memory_space<hbm>>) target(%arg15 : memref<40x128xf32, #tpu.memory_space<vmem>>) offsets(%arg7 : memref<40xi32, #tpu.memory_space<vmem>>) semaphore(%arg20 : memref<!tpu.dma_semaphore, #tpu.memory_space<semaphore_mem>>)
    %dma_wait3A = arith.constant 0 : i32
    %dma_wait3A_33 = tpu.memref_slice %arg3[%dma_wait3A] : memref<320000xi32, #tpu.memory_space<hbm>> -> memref<40xi32, #tpu.memory_space<hbm>>
    %dma_wait3A_34 = arith.constant 0 : i32
    %dma_wait3A_35 = tpu.memref_slice %arg3[%dma_wait3A_34] : memref<320000xi32, #tpu.memory_space<hbm>> -> memref<40xi32, #tpu.memory_space<hbm>>
    tpu.wait_dma2 semaphore(%arg29 : memref<!tpu.dma_semaphore, #tpu.memory_space<semaphore_mem>>) src(%dma_wait3A_35 : memref<40xi32, #tpu.memory_space<hbm>>) dst(%arg8 : memref<40xi32, #tpu.memory_space<vmem>>)
    %dma_start3A_36 = arith.constant 0 : i32
    %dma_start3A_37 = arith.constant 0 : i32
    %dma_start3A_38 = tpu.memref_slice %arg2[%dma_start3A_36, %dma_start3A_37] : memref<10000x128xf32, #tpu.memory_space<hbm>> -> memref<10000x128xf32, #tpu.memory_space<hbm>>
    tpu.enqueue_indirect_dma source(%dma_start3A_38 : memref<10000x128xf32, #tpu.memory_space<hbm>>) target(%arg16 : memref<40x128xf32, #tpu.memory_space<vmem>>) offsets(%arg8 : memref<40xi32, #tpu.memory_space<vmem>>) semaphore(%arg21 : memref<!tpu.dma_semaphore, #tpu.memory_space<semaphore_mem>>)
    %dma_wait3A_39 = arith.constant 0 : i32
    %dma_wait3A_40 = tpu.memref_slice %arg3[%dma_wait3A_39] : memref<320000xi32, #tpu.memory_space<hbm>> -> memref<40xi32, #tpu.memory_space<hbm>>
    %dma_wait3A_41 = arith.constant 0 : i32
    %dma_wait3A_42 = tpu.memref_slice %arg3[%dma_wait3A_41] : memref<320000xi32, #tpu.memory_space<hbm>> -> memref<40xi32, #tpu.memory_space<hbm>>
    tpu.wait_dma2 semaphore(%arg30 : memref<!tpu.dma_semaphore, #tpu.memory_space<semaphore_mem>>) src(%dma_wait3A_42 : memref<40xi32, #tpu.memory_space<hbm>>) dst(%arg9 : memref<40xi32, #tpu.memory_space<vmem>>)
    %dma_start3A_43 = arith.constant 0 : i32
    %dma_start3A_44 = arith.constant 0 : i32
    %dma_start3A_45 = tpu.memref_slice %arg2[%dma_start3A_43, %dma_start3A_44] : memref<10000x128xf32, #tpu.memory_space<hbm>> -> memref<10000x128xf32, #tpu.memory_space<hbm>>
    tpu.enqueue_indirect_dma source(%dma_start3A_45 : memref<10000x128xf32, #tpu.memory_space<hbm>>) target(%arg17 : memref<40x128xf32, #tpu.memory_space<vmem>>) offsets(%arg9 : memref<40xi32, #tpu.memory_space<vmem>>) semaphore(%arg22 : memref<!tpu.dma_semaphore, #tpu.memory_space<semaphore_mem>>)
    %dma_wait3A_46 = arith.constant 0 : i32
    %dma_wait3A_47 = arith.constant 0 : i32
    %dma_wait3A_48 = tpu.memref_slice %arg2[%dma_wait3A_46, %dma_wait3A_47] : memref<10000x128xf32, #tpu.memory_space<hbm>> -> memref<10000x128xf32, #tpu.memory_space<hbm>>
    tpu.wait_indirect_dma semaphore(%arg20 : memref<!tpu.dma_semaphore, #tpu.memory_space<semaphore_mem>>) src(%dma_wait3A_48 : memref<10000x128xf32, #tpu.memory_space<hbm>>) dst(%arg15 : memref<40x128xf32, #tpu.memory_space<vmem>>)
    %dma_wait3A_49 = arith.constant 0 : i32
    %dma_wait3A_50 = tpu.memref_slice %arg3[%dma_wait3A_49] : memref<320000xi32, #tpu.memory_space<hbm>> -> memref<40xi32, #tpu.memory_space<hbm>>
    %dma_wait3A_51 = arith.constant 0 : i32
    %dma_wait3A_52 = tpu.memref_slice %arg3[%dma_wait3A_51] : memref<320000xi32, #tpu.memory_space<hbm>> -> memref<40xi32, #tpu.memory_space<hbm>>
    tpu.wait_dma2 semaphore(%arg32 : memref<!tpu.dma_semaphore, #tpu.memory_space<semaphore_mem>>) src(%dma_wait3A_52 : memref<40xi32, #tpu.memory_space<hbm>>) dst(%arg11 : memref<40xi32, #tpu.memory_space<vmem>>)
    %dma_start3A_53 = arith.constant 0 : i32
    %dma_start3A_54 = arith.constant 0 : i32
    %dma_start3A_55 = tpu.memref_slice %arg19[%dma_start3A_53, %dma_start3A_54] : memref<10000x128xf32, #tpu.memory_space<vmem_shared>> -> memref<10000x128xf32, #tpu.memory_space<vmem_shared>>
    tpu.enqueue_indirect_dma source(%arg15 : memref<40x128xf32, #tpu.memory_space<vmem>>) target(%dma_start3A_55 : memref<10000x128xf32, #tpu.memory_space<vmem_shared>>) offsets(%arg11 : memref<40xi32, #tpu.memory_space<vmem>>) semaphore(%arg24 : memref<!tpu.dma_semaphore, #tpu.memory_space<semaphore_mem>>) {add = true}
    %dma_wait3A_56 = arith.constant 0 : i32
    %dma_wait3A_57 = tpu.memref_slice %arg3[%dma_wait3A_56] : memref<320000xi32, #tpu.memory_space<hbm>> -> memref<40xi32, #tpu.memory_space<hbm>>
    %dma_wait3A_58 = arith.constant 0 : i32
    %dma_wait3A_59 = tpu.memref_slice %arg3[%dma_wait3A_58] : memref<320000xi32, #tpu.memory_space<hbm>> -> memref<40xi32, #tpu.memory_space<hbm>>
    tpu.wait_dma2 semaphore(%arg31 : memref<!tpu.dma_semaphore, #tpu.memory_space<semaphore_mem>>) src(%dma_wait3A_59 : memref<40xi32, #tpu.memory_space<hbm>>) dst(%arg10 : memref<40xi32, #tpu.memory_space<vmem>>)
    %dma_start3A_60 = arith.constant 0 : i32
    %dma_start3A_61 = arith.constant 0 : i32
    %dma_start3A_62 = tpu.memref_slice %arg2[%dma_start3A_60, %dma_start3A_61] : memref<10000x128xf32, #tpu.memory_space<hbm>> -> memref<10000x128xf32, #tpu.memory_space<hbm>>
    tpu.enqueue_indirect_dma source(%dma_start3A_62 : memref<10000x128xf32, #tpu.memory_space<hbm>>) target(%arg18 : memref<40x128xf32, #tpu.memory_space<vmem>>) offsets(%arg10 : memref<40xi32, #tpu.memory_space<vmem>>) semaphore(%arg23 : memref<!tpu.dma_semaphore, #tpu.memory_space<semaphore_mem>>)
    %add3A_63 = arith.constant 120 : i32
    %add3A_64 = arith.addi %mul3A_4, %add3A_63 : i32
    %dma_start3A_65 = tpu.memref_slice %arg4[%add3A_64] : memref<320000xi32, #tpu.memory_space<hbm>> -> memref<40xi32, #tpu.memory_space<hbm>>
    %dma_start3A_66 = tpu.memref_slice %arg4[%add3A_64] : memref<320000xi32, #tpu.memory_space<hbm>> -> memref<40xi32, #tpu.memory_space<hbm>>
    tpu.enqueue_dma source(%dma_start3A_66 : memref<40xi32, #tpu.memory_space<hbm>>) target(%arg14 : memref<40xi32, #tpu.memory_space<vmem>>) target_semaphore(%arg35 : memref<!tpu.dma_semaphore, #tpu.memory_space<semaphore_mem>>)
    %add3A_67 = arith.constant 160 : i32
    %add3A_68 = arith.addi %mul3A_4, %add3A_67 : i32
    %dma_start3A_69 = tpu.memref_slice %arg3[%add3A_68] : memref<320000xi32, #tpu.memory_space<hbm>> -> memref<40xi32, #tpu.memory_space<hbm>>
    %dma_start3A_70 = tpu.memref_slice %arg3[%add3A_68] : memref<320000xi32, #tpu.memory_space<hbm>> -> memref<40xi32, #tpu.memory_space<hbm>>
    tpu.enqueue_dma source(%dma_start3A_70 : memref<40xi32, #tpu.memory_space<hbm>>) target(%arg7 : memref<40xi32, #tpu.memory_space<vmem>>) target_semaphore(%arg28 : memref<!tpu.dma_semaphore, #tpu.memory_space<semaphore_mem>>)
    %scan3A = arith.constant 0 : i32
    %scan3A_71 = arith.constant 61 : i32
    %scan3A_72 = arith.addi %scan3A, %scan3A_71 : i32
    %scan3A_73 = arith.constant 1 : i32
    scf.for %scan3A_175 = %scan3A to %scan3A_72 step %scan3A_73  : i32 {
      %mul3A_176 = arith.constant 1 : i32
      %mul3A_177 = arith.muli %scan3A_175, %mul3A_176 : i32
      %add3A_178 = arith.constant 0 : i32
      %add3A_179 = arith.addi %add3A_178, %mul3A_177 : i32
      %mul3A_180 = arith.constant 4 : i32
      %mul3A_181 = arith.muli %mul3A_180, %add3A_179 : i32
      %add3A_182 = arith.constant 1 : i32
      %add3A_183 = arith.addi %add3A_182, %mul3A_181 : i32
      %add3A_184 = arith.constant 0 : i32
      %add3A_185 = arith.addi %add3A_183, %add3A_184 : i32
      %dma_wait3A_186 = arith.constant 0 : i32
      %dma_wait3A_187 = arith.constant 0 : i32
      %dma_wait3A_188 = tpu.memref_slice %arg2[%dma_wait3A_186, %dma_wait3A_187] : memref<10000x128xf32, #tpu.memory_space<hbm>> -> memref<10000x128xf32, #tpu.memory_space<hbm>>
      tpu.wait_indirect_dma semaphore(%arg21 : memref<!tpu.dma_semaphore, #tpu.memory_space<semaphore_mem>>) src(%dma_wait3A_188 : memref<10000x128xf32, #tpu.memory_space<hbm>>) dst(%arg16 : memref<40x128xf32, #tpu.memory_space<vmem>>)
      %dma_wait3A_189 = arith.constant 0 : i32
      %dma_wait3A_190 = tpu.memref_slice %arg3[%dma_wait3A_189] : memref<320000xi32, #tpu.memory_space<hbm>> -> memref<40xi32, #tpu.memory_space<hbm>>
      %dma_wait3A_191 = arith.constant 0 : i32
      %dma_wait3A_192 = tpu.memref_slice %arg3[%dma_wait3A_191] : memref<320000xi32, #tpu.memory_space<hbm>> -> memref<40xi32, #tpu.memory_space<hbm>>
      tpu.wait_dma2 semaphore(%arg33 : memref<!tpu.dma_semaphore, #tpu.memory_space<semaphore_mem>>) src(%dma_wait3A_192 : memref<40xi32, #tpu.memory_space<hbm>>) dst(%arg12 : memref<40xi32, #tpu.memory_space<vmem>>)
      %dma_start3A_193 = arith.constant 0 : i32
      %dma_start3A_194 = arith.constant 0 : i32
      %dma_start3A_195 = tpu.memref_slice %arg19[%dma_start3A_193, %dma_start3A_194] : memref<10000x128xf32, #tpu.memory_space<vmem_shared>> -> memref<10000x128xf32, #tpu.memory_space<vmem_shared>>
      tpu.enqueue_indirect_dma source(%arg16 : memref<40x128xf32, #tpu.memory_space<vmem>>) target(%dma_start3A_195 : memref<10000x128xf32, #tpu.memory_space<vmem_shared>>) offsets(%arg12 : memref<40xi32, #tpu.memory_space<vmem>>) semaphore(%arg25 : memref<!tpu.dma_semaphore, #tpu.memory_space<semaphore_mem>>) {add = true}
      %dma_wait3A_196 = arith.constant 0 : i32
      %dma_wait3A_197 = arith.constant 0 : i32
      %dma_wait3A_198 = tpu.memref_slice %arg19[%dma_wait3A_196, %dma_wait3A_197] : memref<10000x128xf32, #tpu.memory_space<vmem_shared>> -> memref<10000x128xf32, #tpu.memory_space<vmem_shared>>
      tpu.wait_indirect_dma semaphore(%arg24 : memref<!tpu.dma_semaphore, #tpu.memory_space<semaphore_mem>>) src(%arg15 : memref<40x128xf32, #tpu.memory_space<vmem>>) dst(%dma_wait3A_198 : memref<10000x128xf32, #tpu.memory_space<vmem_shared>>)
      %dma_wait3A_199 = arith.constant 0 : i32
      %dma_wait3A_200 = tpu.memref_slice %arg3[%dma_wait3A_199] : memref<320000xi32, #tpu.memory_space<hbm>> -> memref<40xi32, #tpu.memory_space<hbm>>
      %dma_wait3A_201 = arith.constant 0 : i32
      %dma_wait3A_202 = tpu.memref_slice %arg3[%dma_wait3A_201] : memref<320000xi32, #tpu.memory_space<hbm>> -> memref<40xi32, #tpu.memory_space<hbm>>
      tpu.wait_dma2 semaphore(%arg28 : memref<!tpu.dma_semaphore, #tpu.memory_space<semaphore_mem>>) src(%dma_wait3A_202 : memref<40xi32, #tpu.memory_space<hbm>>) dst(%arg7 : memref<40xi32, #tpu.memory_space<vmem>>)
      %dma_start3A_203 = arith.constant 0 : i32
      %dma_start3A_204 = arith.constant 0 : i32
      %dma_start3A_205 = tpu.memref_slice %arg2[%dma_start3A_203, %dma_start3A_204] : memref<10000x128xf32, #tpu.memory_space<hbm>> -> memref<10000x128xf32, #tpu.memory_space<hbm>>
      tpu.enqueue_indirect_dma source(%dma_start3A_205 : memref<10000x128xf32, #tpu.memory_space<hbm>>) target(%arg15 : memref<40x128xf32, #tpu.memory_space<vmem>>) offsets(%arg7 : memref<40xi32, #tpu.memory_space<vmem>>) semaphore(%arg20 : memref<!tpu.dma_semaphore, #tpu.memory_space<semaphore_mem>>)
      %add3A_206 = arith.constant 4 : i32
      %add3A_207 = arith.addi %add3A_185, %add3A_206 : i32
      %sub3A = arith.constant 1 : i32
      %sub3A_208 = arith.subi %add3A_207, %sub3A : i32
      %mul3A_209 = arith.constant 40 : i32
      %mul3A_210 = arith.muli %sub3A_208, %mul3A_209 : i32
      %add3A_211 = arith.addi %mul3A_4, %mul3A_210 : i32
      %dma_start3A_212 = tpu.memref_slice %arg4[%add3A_211] : memref<320000xi32, #tpu.memory_space<hbm>> -> memref<40xi32, #tpu.memory_space<hbm>>
      %dma_start3A_213 = tpu.memref_slice %arg4[%add3A_211] : memref<320000xi32, #tpu.memory_space<hbm>> -> memref<40xi32, #tpu.memory_space<hbm>>
      tpu.enqueue_dma source(%dma_start3A_213 : memref<40xi32, #tpu.memory_space<hbm>>) target(%arg11 : memref<40xi32, #tpu.memory_space<vmem>>) target_semaphore(%arg32 : memref<!tpu.dma_semaphore, #tpu.memory_space<semaphore_mem>>)
      %add3A_214 = arith.constant 4 : i32
      %add3A_215 = arith.addi %add3A_185, %add3A_214 : i32
      %mul3A_216 = arith.constant 40 : i32
      %mul3A_217 = arith.muli %add3A_215, %mul3A_216 : i32
      %add3A_218 = arith.addi %mul3A_4, %mul3A_217 : i32
      %dma_start3A_219 = tpu.memref_slice %arg3[%add3A_218] : memref<320000xi32, #tpu.memory_space<hbm>> -> memref<40xi32, #tpu.memory_space<hbm>>
      %dma_start3A_220 = tpu.memref_slice %arg3[%add3A_218] : memref<320000xi32, #tpu.memory_space<hbm>> -> memref<40xi32, #tpu.memory_space<hbm>>
      tpu.enqueue_dma source(%dma_start3A_220 : memref<40xi32, #tpu.memory_space<hbm>>) target(%arg8 : memref<40xi32, #tpu.memory_space<vmem>>) target_semaphore(%arg29 : memref<!tpu.dma_semaphore, #tpu.memory_space<semaphore_mem>>)
      %add3A_221 = arith.constant 1 : i32
      %add3A_222 = arith.addi %add3A_183, %add3A_221 : i32
      %dma_wait3A_223 = arith.constant 0 : i32
      %dma_wait3A_224 = arith.constant 0 : i32
      %dma_wait3A_225 = tpu.memref_slice %arg2[%dma_wait3A_223, %dma_wait3A_224] : memref<10000x128xf32, #tpu.memory_space<hbm>> -> memref<10000x128xf32, #tpu.memory_space<hbm>>
      tpu.wait_indirect_dma semaphore(%arg22 : memref<!tpu.dma_semaphore, #tpu.memory_space<semaphore_mem>>) src(%dma_wait3A_225 : memref<10000x128xf32, #tpu.memory_space<hbm>>) dst(%arg17 : memref<40x128xf32, #tpu.memory_space<vmem>>)
      %dma_wait3A_226 = arith.constant 0 : i32
      %dma_wait3A_227 = tpu.memref_slice %arg3[%dma_wait3A_226] : memref<320000xi32, #tpu.memory_space<hbm>> -> memref<40xi32, #tpu.memory_space<hbm>>
      %dma_wait3A_228 = arith.constant 0 : i32
      %dma_wait3A_229 = tpu.memref_slice %arg3[%dma_wait3A_228] : memref<320000xi32, #tpu.memory_space<hbm>> -> memref<40xi32, #tpu.memory_space<hbm>>
      tpu.wait_dma2 semaphore(%arg34 : memref<!tpu.dma_semaphore, #tpu.memory_space<semaphore_mem>>) src(%dma_wait3A_229 : memref<40xi32, #tpu.memory_space<hbm>>) dst(%arg13 : memref<40xi32, #tpu.memory_space<vmem>>)
      %dma_start3A_230 = arith.constant 0 : i32
      %dma_start3A_231 = arith.constant 0 : i32
      %dma_start3A_232 = tpu.memref_slice %arg19[%dma_start3A_230, %dma_start3A_231] : memref<10000x128xf32, #tpu.memory_space<vmem_shared>> -> memref<10000x128xf32, #tpu.memory_space<vmem_shared>>
      tpu.enqueue_indirect_dma source(%arg17 : memref<40x128xf32, #tpu.memory_space<vmem>>) target(%dma_start3A_232 : memref<10000x128xf32, #tpu.memory_space<vmem_shared>>) offsets(%arg13 : memref<40xi32, #tpu.memory_space<vmem>>) semaphore(%arg26 : memref<!tpu.dma_semaphore, #tpu.memory_space<semaphore_mem>>) {add = true}
      %dma_wait3A_233 = arith.constant 0 : i32
      %dma_wait3A_234 = arith.constant 0 : i32
      %dma_wait3A_235 = tpu.memref_slice %arg19[%dma_wait3A_233, %dma_wait3A_234] : memref<10000x128xf32, #tpu.memory_space<vmem_shared>> -> memref<10000x128xf32, #tpu.memory_space<vmem_shared>>
      tpu.wait_indirect_dma semaphore(%arg25 : memref<!tpu.dma_semaphore, #tpu.memory_space<semaphore_mem>>) src(%arg16 : memref<40x128xf32, #tpu.memory_space<vmem>>) dst(%dma_wait3A_235 : memref<10000x128xf32, #tpu.memory_space<vmem_shared>>)
      %dma_wait3A_236 = arith.constant 0 : i32
      %dma_wait3A_237 = tpu.memref_slice %arg3[%dma_wait3A_236] : memref<320000xi32, #tpu.memory_space<hbm>> -> memref<40xi32, #tpu.memory_space<hbm>>
      %dma_wait3A_238 = arith.constant 0 : i32
      %dma_wait3A_239 = tpu.memref_slice %arg3[%dma_wait3A_238] : memref<320000xi32, #tpu.memory_space<hbm>> -> memref<40xi32, #tpu.memory_space<hbm>>
      tpu.wait_dma2 semaphore(%arg29 : memref<!tpu.dma_semaphore, #tpu.memory_space<semaphore_mem>>) src(%dma_wait3A_239 : memref<40xi32, #tpu.memory_space<hbm>>) dst(%arg8 : memref<40xi32, #tpu.memory_space<vmem>>)
      %dma_start3A_240 = arith.constant 0 : i32
      %dma_start3A_241 = arith.constant 0 : i32
      %dma_start3A_242 = tpu.memref_slice %arg2[%dma_start3A_240, %dma_start3A_241] : memref<10000x128xf32, #tpu.memory_space<hbm>> -> memref<10000x128xf32, #tpu.memory_space<hbm>>
      tpu.enqueue_indirect_dma source(%dma_start3A_242 : memref<10000x128xf32, #tpu.memory_space<hbm>>) target(%arg16 : memref<40x128xf32, #tpu.memory_space<vmem>>) offsets(%arg8 : memref<40xi32, #tpu.memory_space<vmem>>) semaphore(%arg21 : memref<!tpu.dma_semaphore, #tpu.memory_space<semaphore_mem>>)
      %add3A_243 = arith.constant 4 : i32
      %add3A_244 = arith.addi %add3A_222, %add3A_243 : i32
      %sub3A_245 = arith.constant 1 : i32
      %sub3A_246 = arith.subi %add3A_244, %sub3A_245 : i32
      %mul3A_247 = arith.constant 40 : i32
      %mul3A_248 = arith.muli %sub3A_246, %mul3A_247 : i32
      %add3A_249 = arith.addi %mul3A_4, %mul3A_248 : i32
      %dma_start3A_250 = tpu.memref_slice %arg4[%add3A_249] : memref<320000xi32, #tpu.memory_space<hbm>> -> memref<40xi32, #tpu.memory_space<hbm>>
      %dma_start3A_251 = tpu.memref_slice %arg4[%add3A_249] : memref<320000xi32, #tpu.memory_space<hbm>> -> memref<40xi32, #tpu.memory_space<hbm>>
      tpu.enqueue_dma source(%dma_start3A_251 : memref<40xi32, #tpu.memory_space<hbm>>) target(%arg12 : memref<40xi32, #tpu.memory_space<vmem>>) target_semaphore(%arg33 : memref<!tpu.dma_semaphore, #tpu.memory_space<semaphore_mem>>)
      %add3A_252 = arith.constant 4 : i32
      %add3A_253 = arith.addi %add3A_222, %add3A_252 : i32
      %mul3A_254 = arith.constant 40 : i32
      %mul3A_255 = arith.muli %add3A_253, %mul3A_254 : i32
      %add3A_256 = arith.addi %mul3A_4, %mul3A_255 : i32
      %dma_start3A_257 = tpu.memref_slice %arg3[%add3A_256] : memref<320000xi32, #tpu.memory_space<hbm>> -> memref<40xi32, #tpu.memory_space<hbm>>
      %dma_start3A_258 = tpu.memref_slice %arg3[%add3A_256] : memref<320000xi32, #tpu.memory_space<hbm>> -> memref<40xi32, #tpu.memory_space<hbm>>
      tpu.enqueue_dma source(%dma_start3A_258 : memref<40xi32, #tpu.memory_space<hbm>>) target(%arg9 : memref<40xi32, #tpu.memory_space<vmem>>) target_semaphore(%arg30 : memref<!tpu.dma_semaphore, #tpu.memory_space<semaphore_mem>>)
      %add3A_259 = arith.constant 2 : i32
      %add3A_260 = arith.addi %add3A_183, %add3A_259 : i32
      %dma_wait3A_261 = arith.constant 0 : i32
      %dma_wait3A_262 = arith.constant 0 : i32
      %dma_wait3A_263 = tpu.memref_slice %arg2[%dma_wait3A_261, %dma_wait3A_262] : memref<10000x128xf32, #tpu.memory_space<hbm>> -> memref<10000x128xf32, #tpu.memory_space<hbm>>
      tpu.wait_indirect_dma semaphore(%arg23 : memref<!tpu.dma_semaphore, #tpu.memory_space<semaphore_mem>>) src(%dma_wait3A_263 : memref<10000x128xf32, #tpu.memory_space<hbm>>) dst(%arg18 : memref<40x128xf32, #tpu.memory_space<vmem>>)
      %dma_wait3A_264 = arith.constant 0 : i32
      %dma_wait3A_265 = tpu.memref_slice %arg3[%dma_wait3A_264] : memref<320000xi32, #tpu.memory_space<hbm>> -> memref<40xi32, #tpu.memory_space<hbm>>
      %dma_wait3A_266 = arith.constant 0 : i32
      %dma_wait3A_267 = tpu.memref_slice %arg3[%dma_wait3A_266] : memref<320000xi32, #tpu.memory_space<hbm>> -> memref<40xi32, #tpu.memory_space<hbm>>
      tpu.wait_dma2 semaphore(%arg35 : memref<!tpu.dma_semaphore, #tpu.memory_space<semaphore_mem>>) src(%dma_wait3A_267 : memref<40xi32, #tpu.memory_space<hbm>>) dst(%arg14 : memref<40xi32, #tpu.memory_space<vmem>>)
      %dma_start3A_268 = arith.constant 0 : i32
      %dma_start3A_269 = arith.constant 0 : i32
      %dma_start3A_270 = tpu.memref_slice %arg19[%dma_start3A_268, %dma_start3A_269] : memref<10000x128xf32, #tpu.memory_space<vmem_shared>> -> memref<10000x128xf32, #tpu.memory_space<vmem_shared>>
      tpu.enqueue_indirect_dma source(%arg18 : memref<40x128xf32, #tpu.memory_space<vmem>>) target(%dma_start3A_270 : memref<10000x128xf32, #tpu.memory_space<vmem_shared>>) offsets(%arg14 : memref<40xi32, #tpu.memory_space<vmem>>) semaphore(%arg27 : memref<!tpu.dma_semaphore, #tpu.memory_space<semaphore_mem>>) {add = true}
      %dma_wait3A_271 = arith.constant 0 : i32
      %dma_wait3A_272 = arith.constant 0 : i32
      %dma_wait3A_273 = tpu.memref_slice %arg19[%dma_wait3A_271, %dma_wait3A_272] : memref<10000x128xf32, #tpu.memory_space<vmem_shared>> -> memref<10000x128xf32, #tpu.memory_space<vmem_shared>>
      tpu.wait_indirect_dma semaphore(%arg26 : memref<!tpu.dma_semaphore, #tpu.memory_space<semaphore_mem>>) src(%arg17 : memref<40x128xf32, #tpu.memory_space<vmem>>) dst(%dma_wait3A_273 : memref<10000x128xf32, #tpu.memory_space<vmem_shared>>)
      %dma_wait3A_274 = arith.constant 0 : i32
      %dma_wait3A_275 = tpu.memref_slice %arg3[%dma_wait3A_274] : memref<320000xi32, #tpu.memory_space<hbm>> -> memref<40xi32, #tpu.memory_space<hbm>>
      %dma_wait3A_276 = arith.constant 0 : i32
      %dma_wait3A_277 = tpu.memref_slice %arg3[%dma_wait3A_276] : memref<320000xi32, #tpu.memory_space<hbm>> -> memref<40xi32, #tpu.memory_space<hbm>>
      tpu.wait_dma2 semaphore(%arg30 : memref<!tpu.dma_semaphore, #tpu.memory_space<semaphore_mem>>) src(%dma_wait3A_277 : memref<40xi32, #tpu.memory_space<hbm>>) dst(%arg9 : memref<40xi32, #tpu.memory_space<vmem>>)
      %dma_start3A_278 = arith.constant 0 : i32
      %dma_start3A_279 = arith.constant 0 : i32
      %dma_start3A_280 = tpu.memref_slice %arg2[%dma_start3A_278, %dma_start3A_279] : memref<10000x128xf32, #tpu.memory_space<hbm>> -> memref<10000x128xf32, #tpu.memory_space<hbm>>
      tpu.enqueue_indirect_dma source(%dma_start3A_280 : memref<10000x128xf32, #tpu.memory_space<hbm>>) target(%arg17 : memref<40x128xf32, #tpu.memory_space<vmem>>) offsets(%arg9 : memref<40xi32, #tpu.memory_space<vmem>>) semaphore(%arg22 : memref<!tpu.dma_semaphore, #tpu.memory_space<semaphore_mem>>)
      %add3A_281 = arith.constant 4 : i32
      %add3A_282 = arith.addi %add3A_260, %add3A_281 : i32
      %sub3A_283 = arith.constant 1 : i32
      %sub3A_284 = arith.subi %add3A_282, %sub3A_283 : i32
      %mul3A_285 = arith.constant 40 : i32
      %mul3A_286 = arith.muli %sub3A_284, %mul3A_285 : i32
      %add3A_287 = arith.addi %mul3A_4, %mul3A_286 : i32
      %dma_start3A_288 = tpu.memref_slice %arg4[%add3A_287] : memref<320000xi32, #tpu.memory_space<hbm>> -> memref<40xi32, #tpu.memory_space<hbm>>
      %dma_start3A_289 = tpu.memref_slice %arg4[%add3A_287] : memref<320000xi32, #tpu.memory_space<hbm>> -> memref<40xi32, #tpu.memory_space<hbm>>
      tpu.enqueue_dma source(%dma_start3A_289 : memref<40xi32, #tpu.memory_space<hbm>>) target(%arg13 : memref<40xi32, #tpu.memory_space<vmem>>) target_semaphore(%arg34 : memref<!tpu.dma_semaphore, #tpu.memory_space<semaphore_mem>>)
      %add3A_290 = arith.constant 4 : i32
      %add3A_291 = arith.addi %add3A_260, %add3A_290 : i32
      %mul3A_292 = arith.constant 40 : i32
      %mul3A_293 = arith.muli %add3A_291, %mul3A_292 : i32
      %add3A_294 = arith.addi %mul3A_4, %mul3A_293 : i32
      %dma_start3A_295 = tpu.memref_slice %arg3[%add3A_294] : memref<320000xi32, #tpu.memory_space<hbm>> -> memref<40xi32, #tpu.memory_space<hbm>>
      %dma_start3A_296 = tpu.memref_slice %arg3[%add3A_294] : memref<320000xi32, #tpu.memory_space<hbm>> -> memref<40xi32, #tpu.memory_space<hbm>>
      tpu.enqueue_dma source(%dma_start3A_296 : memref<40xi32, #tpu.memory_space<hbm>>) target(%arg10 : memref<40xi32, #tpu.memory_space<vmem>>) target_semaphore(%arg31 : memref<!tpu.dma_semaphore, #tpu.memory_space<semaphore_mem>>)
      %add3A_297 = arith.constant 3 : i32
      %add3A_298 = arith.addi %add3A_183, %add3A_297 : i32
      %dma_wait3A_299 = arith.constant 0 : i32
      %dma_wait3A_300 = arith.constant 0 : i32
      %dma_wait3A_301 = tpu.memref_slice %arg2[%dma_wait3A_299, %dma_wait3A_300] : memref<10000x128xf32, #tpu.memory_space<hbm>> -> memref<10000x128xf32, #tpu.memory_space<hbm>>
      tpu.wait_indirect_dma semaphore(%arg20 : memref<!tpu.dma_semaphore, #tpu.memory_space<semaphore_mem>>) src(%dma_wait3A_301 : memref<10000x128xf32, #tpu.memory_space<hbm>>) dst(%arg15 : memref<40x128xf32, #tpu.memory_space<vmem>>)
      %dma_wait3A_302 = arith.constant 0 : i32
      %dma_wait3A_303 = tpu.memref_slice %arg3[%dma_wait3A_302] : memref<320000xi32, #tpu.memory_space<hbm>> -> memref<40xi32, #tpu.memory_space<hbm>>
      %dma_wait3A_304 = arith.constant 0 : i32
      %dma_wait3A_305 = tpu.memref_slice %arg3[%dma_wait3A_304] : memref<320000xi32, #tpu.memory_space<hbm>> -> memref<40xi32, #tpu.memory_space<hbm>>
      tpu.wait_dma2 semaphore(%arg32 : memref<!tpu.dma_semaphore, #tpu.memory_space<semaphore_mem>>) src(%dma_wait3A_305 : memref<40xi32, #tpu.memory_space<hbm>>) dst(%arg11 : memref<40xi32, #tpu.memory_space<vmem>>)
      %dma_start3A_306 = arith.constant 0 : i32
      %dma_start3A_307 = arith.constant 0 : i32
      %dma_start3A_308 = tpu.memref_slice %arg19[%dma_start3A_306, %dma_start3A_307] : memref<10000x128xf32, #tpu.memory_space<vmem_shared>> -> memref<10000x128xf32, #tpu.memory_space<vmem_shared>>
      tpu.enqueue_indirect_dma source(%arg15 : memref<40x128xf32, #tpu.memory_space<vmem>>) target(%dma_start3A_308 : memref<10000x128xf32, #tpu.memory_space<vmem_shared>>) offsets(%arg11 : memref<40xi32, #tpu.memory_space<vmem>>) semaphore(%arg24 : memref<!tpu.dma_semaphore, #tpu.memory_space<semaphore_mem>>) {add = true}
      %dma_wait3A_309 = arith.constant 0 : i32
      %dma_wait3A_310 = arith.constant 0 : i32
      %dma_wait3A_311 = tpu.memref_slice %arg19[%dma_wait3A_309, %dma_wait3A_310] : memref<10000x128xf32, #tpu.memory_space<vmem_shared>> -> memref<10000x128xf32, #tpu.memory_space<vmem_shared>>
      tpu.wait_indirect_dma semaphore(%arg27 : memref<!tpu.dma_semaphore, #tpu.memory_space<semaphore_mem>>) src(%arg18 : memref<40x128xf32, #tpu.memory_space<vmem>>) dst(%dma_wait3A_311 : memref<10000x128xf32, #tpu.memory_space<vmem_shared>>)
      %dma_wait3A_312 = arith.constant 0 : i32
      %dma_wait3A_313 = tpu.memref_slice %arg3[%dma_wait3A_312] : memref<320000xi32, #tpu.memory_space<hbm>> -> memref<40xi32, #tpu.memory_space<hbm>>
      %dma_wait3A_314 = arith.constant 0 : i32
      %dma_wait3A_315 = tpu.memref_slice %arg3[%dma_wait3A_314] : memref<320000xi32, #tpu.memory_space<hbm>> -> memref<40xi32, #tpu.memory_space<hbm>>
      tpu.wait_dma2 semaphore(%arg31 : memref<!tpu.dma_semaphore, #tpu.memory_space<semaphore_mem>>) src(%dma_wait3A_315 : memref<40xi32, #tpu.memory_space<hbm>>) dst(%arg10 : memref<40xi32, #tpu.memory_space<vmem>>)
      %dma_start3A_316 = arith.constant 0 : i32
      %dma_start3A_317 = arith.constant 0 : i32
      %dma_start3A_318 = tpu.memref_slice %arg2[%dma_start3A_316, %dma_start3A_317] : memref<10000x128xf32, #tpu.memory_space<hbm>> -> memref<10000x128xf32, #tpu.memory_space<hbm>>
      tpu.enqueue_indirect_dma source(%dma_start3A_318 : memref<10000x128xf32, #tpu.memory_space<hbm>>) target(%arg18 : memref<40x128xf32, #tpu.memory_space<vmem>>) offsets(%arg10 : memref<40xi32, #tpu.memory_space<vmem>>) semaphore(%arg23 : memref<!tpu.dma_semaphore, #tpu.memory_space<semaphore_mem>>)
      %add3A_319 = arith.constant 4 : i32
      %add3A_320 = arith.addi %add3A_298, %add3A_319 : i32
      %sub3A_321 = arith.constant 1 : i32
      %sub3A_322 = arith.subi %add3A_320, %sub3A_321 : i32
      %mul3A_323 = arith.constant 40 : i32
      %mul3A_324 = arith.muli %sub3A_322, %mul3A_323 : i32
      %add3A_325 = arith.addi %mul3A_4, %mul3A_324 : i32
      %dma_start3A_326 = tpu.memref_slice %arg4[%add3A_325] : memref<320000xi32, #tpu.memory_space<hbm>> -> memref<40xi32, #tpu.memory_space<hbm>>
      %dma_start3A_327 = tpu.memref_slice %arg4[%add3A_325] : memref<320000xi32, #tpu.memory_space<hbm>> -> memref<40xi32, #tpu.memory_space<hbm>>
      tpu.enqueue_dma source(%dma_start3A_327 : memref<40xi32, #tpu.memory_space<hbm>>) target(%arg14 : memref<40xi32, #tpu.memory_space<vmem>>) target_semaphore(%arg35 : memref<!tpu.dma_semaphore, #tpu.memory_space<semaphore_mem>>)
      %add3A_328 = arith.constant 4 : i32
      %add3A_329 = arith.addi %add3A_298, %add3A_328 : i32
      %mul3A_330 = arith.constant 40 : i32
      %mul3A_331 = arith.muli %add3A_329, %mul3A_330 : i32
      %add3A_332 = arith.addi %mul3A_4, %mul3A_331 : i32
      %dma_start3A_333 = tpu.memref_slice %arg3[%add3A_332] : memref<320000xi32, #tpu.memory_space<hbm>> -> memref<40xi32, #tpu.memory_space<hbm>>
      %dma_start3A_334 = tpu.memref_slice %arg3[%add3A_332] : memref<320000xi32, #tpu.memory_space<hbm>> -> memref<40xi32, #tpu.memory_space<hbm>>
      tpu.enqueue_dma source(%dma_start3A_334 : memref<40xi32, #tpu.memory_space<hbm>>) target(%arg7 : memref<40xi32, #tpu.memory_space<vmem>>) target_semaphore(%arg28 : memref<!tpu.dma_semaphore, #tpu.memory_space<semaphore_mem>>)
    }
    %scan3A_74 = arith.constant 61 : i32
    %dma_wait3A_75 = arith.constant 0 : i32
    %dma_wait3A_76 = arith.constant 0 : i32
    %dma_wait3A_77 = tpu.memref_slice %arg2[%dma_wait3A_75, %dma_wait3A_76] : memref<10000x128xf32, #tpu.memory_space<hbm>> -> memref<10000x128xf32, #tpu.memory_space<hbm>>
    tpu.wait_indirect_dma semaphore(%arg21 : memref<!tpu.dma_semaphore, #tpu.memory_space<semaphore_mem>>) src(%dma_wait3A_77 : memref<10000x128xf32, #tpu.memory_space<hbm>>) dst(%arg16 : memref<40x128xf32, #tpu.memory_space<vmem>>)
    %dma_wait3A_78 = arith.constant 0 : i32
    %dma_wait3A_79 = tpu.memref_slice %arg3[%dma_wait3A_78] : memref<320000xi32, #tpu.memory_space<hbm>> -> memref<40xi32, #tpu.memory_space<hbm>>
    %dma_wait3A_80 = arith.constant 0 : i32
    %dma_wait3A_81 = tpu.memref_slice %arg3[%dma_wait3A_80] : memref<320000xi32, #tpu.memory_space<hbm>> -> memref<40xi32, #tpu.memory_space<hbm>>
    tpu.wait_dma2 semaphore(%arg33 : memref<!tpu.dma_semaphore, #tpu.memory_space<semaphore_mem>>) src(%dma_wait3A_81 : memref<40xi32, #tpu.memory_space<hbm>>) dst(%arg12 : memref<40xi32, #tpu.memory_space<vmem>>)
    %dma_start3A_82 = arith.constant 0 : i32
    %dma_start3A_83 = arith.constant 0 : i32
    %dma_start3A_84 = tpu.memref_slice %arg19[%dma_start3A_82, %dma_start3A_83] : memref<10000x128xf32, #tpu.memory_space<vmem_shared>> -> memref<10000x128xf32, #tpu.memory_space<vmem_shared>>
    tpu.enqueue_indirect_dma source(%arg16 : memref<40x128xf32, #tpu.memory_space<vmem>>) target(%dma_start3A_84 : memref<10000x128xf32, #tpu.memory_space<vmem_shared>>) offsets(%arg12 : memref<40xi32, #tpu.memory_space<vmem>>) semaphore(%arg25 : memref<!tpu.dma_semaphore, #tpu.memory_space<semaphore_mem>>) {add = true}
    %dma_wait3A_85 = arith.constant 0 : i32
    %dma_wait3A_86 = arith.constant 0 : i32
    %dma_wait3A_87 = tpu.memref_slice %arg19[%dma_wait3A_85, %dma_wait3A_86] : memref<10000x128xf32, #tpu.memory_space<vmem_shared>> -> memref<10000x128xf32, #tpu.memory_space<vmem_shared>>
    tpu.wait_indirect_dma semaphore(%arg24 : memref<!tpu.dma_semaphore, #tpu.memory_space<semaphore_mem>>) src(%arg15 : memref<40x128xf32, #tpu.memory_space<vmem>>) dst(%dma_wait3A_87 : memref<10000x128xf32, #tpu.memory_space<vmem_shared>>)
    %dma_wait3A_88 = arith.constant 0 : i32
    %dma_wait3A_89 = tpu.memref_slice %arg3[%dma_wait3A_88] : memref<320000xi32, #tpu.memory_space<hbm>> -> memref<40xi32, #tpu.memory_space<hbm>>
    %dma_wait3A_90 = arith.constant 0 : i32
    %dma_wait3A_91 = tpu.memref_slice %arg3[%dma_wait3A_90] : memref<320000xi32, #tpu.memory_space<hbm>> -> memref<40xi32, #tpu.memory_space<hbm>>
    tpu.wait_dma2 semaphore(%arg28 : memref<!tpu.dma_semaphore, #tpu.memory_space<semaphore_mem>>) src(%dma_wait3A_91 : memref<40xi32, #tpu.memory_space<hbm>>) dst(%arg7 : memref<40xi32, #tpu.memory_space<vmem>>)
    %dma_start3A_92 = arith.constant 0 : i32
    %dma_start3A_93 = arith.constant 0 : i32
    %dma_start3A_94 = tpu.memref_slice %arg2[%dma_start3A_92, %dma_start3A_93] : memref<10000x128xf32, #tpu.memory_space<hbm>> -> memref<10000x128xf32, #tpu.memory_space<hbm>>
    tpu.enqueue_indirect_dma source(%dma_start3A_94 : memref<10000x128xf32, #tpu.memory_space<hbm>>) target(%arg15 : memref<40x128xf32, #tpu.memory_space<vmem>>) offsets(%arg7 : memref<40xi32, #tpu.memory_space<vmem>>) semaphore(%arg20 : memref<!tpu.dma_semaphore, #tpu.memory_space<semaphore_mem>>)
    %add3A_95 = arith.constant 9920 : i32
    %add3A_96 = arith.addi %mul3A_4, %add3A_95 : i32
    %dma_start3A_97 = tpu.memref_slice %arg4[%add3A_96] : memref<320000xi32, #tpu.memory_space<hbm>> -> memref<40xi32, #tpu.memory_space<hbm>>
    %dma_start3A_98 = tpu.memref_slice %arg4[%add3A_96] : memref<320000xi32, #tpu.memory_space<hbm>> -> memref<40xi32, #tpu.memory_space<hbm>>
    tpu.enqueue_dma source(%dma_start3A_98 : memref<40xi32, #tpu.memory_space<hbm>>) target(%arg11 : memref<40xi32, #tpu.memory_space<vmem>>) target_semaphore(%arg32 : memref<!tpu.dma_semaphore, #tpu.memory_space<semaphore_mem>>)
    %add3A_99 = arith.constant 9960 : i32
    %add3A_100 = arith.addi %mul3A_4, %add3A_99 : i32
    %dma_start3A_101 = tpu.memref_slice %arg3[%add3A_100] : memref<320000xi32, #tpu.memory_space<hbm>> -> memref<40xi32, #tpu.memory_space<hbm>>
    %dma_start3A_102 = tpu.memref_slice %arg3[%add3A_100] : memref<320000xi32, #tpu.memory_space<hbm>> -> memref<40xi32, #tpu.memory_space<hbm>>
    tpu.enqueue_dma source(%dma_start3A_102 : memref<40xi32, #tpu.memory_space<hbm>>) target(%arg8 : memref<40xi32, #tpu.memory_space<vmem>>) target_semaphore(%arg29 : memref<!tpu.dma_semaphore, #tpu.memory_space<semaphore_mem>>)
    %dma_wait3A_103 = arith.constant 0 : i32
    %dma_wait3A_104 = arith.constant 0 : i32
    %dma_wait3A_105 = tpu.memref_slice %arg2[%dma_wait3A_103, %dma_wait3A_104] : memref<10000x128xf32, #tpu.memory_space<hbm>> -> memref<10000x128xf32, #tpu.memory_space<hbm>>
    tpu.wait_indirect_dma semaphore(%arg22 : memref<!tpu.dma_semaphore, #tpu.memory_space<semaphore_mem>>) src(%dma_wait3A_105 : memref<10000x128xf32, #tpu.memory_space<hbm>>) dst(%arg17 : memref<40x128xf32, #tpu.memory_space<vmem>>)
    %dma_wait3A_106 = arith.constant 0 : i32
    %dma_wait3A_107 = tpu.memref_slice %arg3[%dma_wait3A_106] : memref<320000xi32, #tpu.memory_space<hbm>> -> memref<40xi32, #tpu.memory_space<hbm>>
    %dma_wait3A_108 = arith.constant 0 : i32
    %dma_wait3A_109 = tpu.memref_slice %arg3[%dma_wait3A_108] : memref<320000xi32, #tpu.memory_space<hbm>> -> memref<40xi32, #tpu.memory_space<hbm>>
    tpu.wait_dma2 semaphore(%arg34 : memref<!tpu.dma_semaphore, #tpu.memory_space<semaphore_mem>>) src(%dma_wait3A_109 : memref<40xi32, #tpu.memory_space<hbm>>) dst(%arg13 : memref<40xi32, #tpu.memory_space<vmem>>)
    %dma_start3A_110 = arith.constant 0 : i32
    %dma_start3A_111 = arith.constant 0 : i32
    %dma_start3A_112 = tpu.memref_slice %arg19[%dma_start3A_110, %dma_start3A_111] : memref<10000x128xf32, #tpu.memory_space<vmem_shared>> -> memref<10000x128xf32, #tpu.memory_space<vmem_shared>>
    tpu.enqueue_indirect_dma source(%arg17 : memref<40x128xf32, #tpu.memory_space<vmem>>) target(%dma_start3A_112 : memref<10000x128xf32, #tpu.memory_space<vmem_shared>>) offsets(%arg13 : memref<40xi32, #tpu.memory_space<vmem>>) semaphore(%arg26 : memref<!tpu.dma_semaphore, #tpu.memory_space<semaphore_mem>>) {add = true}
    %dma_wait3A_113 = arith.constant 0 : i32
    %dma_wait3A_114 = arith.constant 0 : i32
    %dma_wait3A_115 = tpu.memref_slice %arg19[%dma_wait3A_113, %dma_wait3A_114] : memref<10000x128xf32, #tpu.memory_space<vmem_shared>> -> memref<10000x128xf32, #tpu.memory_space<vmem_shared>>
    tpu.wait_indirect_dma semaphore(%arg25 : memref<!tpu.dma_semaphore, #tpu.memory_space<semaphore_mem>>) src(%arg16 : memref<40x128xf32, #tpu.memory_space<vmem>>) dst(%dma_wait3A_115 : memref<10000x128xf32, #tpu.memory_space<vmem_shared>>)
    %dma_wait3A_116 = arith.constant 0 : i32
    %dma_wait3A_117 = tpu.memref_slice %arg3[%dma_wait3A_116] : memref<320000xi32, #tpu.memory_space<hbm>> -> memref<40xi32, #tpu.memory_space<hbm>>
    %dma_wait3A_118 = arith.constant 0 : i32
    %dma_wait3A_119 = tpu.memref_slice %arg3[%dma_wait3A_118] : memref<320000xi32, #tpu.memory_space<hbm>> -> memref<40xi32, #tpu.memory_space<hbm>>
    tpu.wait_dma2 semaphore(%arg29 : memref<!tpu.dma_semaphore, #tpu.memory_space<semaphore_mem>>) src(%dma_wait3A_119 : memref<40xi32, #tpu.memory_space<hbm>>) dst(%arg8 : memref<40xi32, #tpu.memory_space<vmem>>)
    %dma_start3A_120 = arith.constant 0 : i32
    %dma_start3A_121 = arith.constant 0 : i32
    %dma_start3A_122 = tpu.memref_slice %arg2[%dma_start3A_120, %dma_start3A_121] : memref<10000x128xf32, #tpu.memory_space<hbm>> -> memref<10000x128xf32, #tpu.memory_space<hbm>>
    tpu.enqueue_indirect_dma source(%dma_start3A_122 : memref<10000x128xf32, #tpu.memory_space<hbm>>) target(%arg16 : memref<40x128xf32, #tpu.memory_space<vmem>>) offsets(%arg8 : memref<40xi32, #tpu.memory_space<vmem>>) semaphore(%arg21 : memref<!tpu.dma_semaphore, #tpu.memory_space<semaphore_mem>>)
    %add3A_123 = arith.constant 9960 : i32
    %add3A_124 = arith.addi %mul3A_4, %add3A_123 : i32
    %dma_start3A_125 = tpu.memref_slice %arg4[%add3A_124] : memref<320000xi32, #tpu.memory_space<hbm>> -> memref<40xi32, #tpu.memory_space<hbm>>
    %dma_start3A_126 = tpu.memref_slice %arg4[%add3A_124] : memref<320000xi32, #tpu.memory_space<hbm>> -> memref<40xi32, #tpu.memory_space<hbm>>
    tpu.enqueue_dma source(%dma_start3A_126 : memref<40xi32, #tpu.memory_space<hbm>>) target(%arg12 : memref<40xi32, #tpu.memory_space<vmem>>) target_semaphore(%arg33 : memref<!tpu.dma_semaphore, #tpu.memory_space<semaphore_mem>>)
    %dma_wait3A_127 = arith.constant 0 : i32
    %dma_wait3A_128 = arith.constant 0 : i32
    %dma_wait3A_129 = tpu.memref_slice %arg2[%dma_wait3A_127, %dma_wait3A_128] : memref<10000x128xf32, #tpu.memory_space<hbm>> -> memref<10000x128xf32, #tpu.memory_space<hbm>>
    tpu.wait_indirect_dma semaphore(%arg23 : memref<!tpu.dma_semaphore, #tpu.memory_space<semaphore_mem>>) src(%dma_wait3A_129 : memref<10000x128xf32, #tpu.memory_space<hbm>>) dst(%arg18 : memref<40x128xf32, #tpu.memory_space<vmem>>)
    %dma_wait3A_130 = arith.constant 0 : i32
    %dma_wait3A_131 = tpu.memref_slice %arg3[%dma_wait3A_130] : memref<320000xi32, #tpu.memory_space<hbm>> -> memref<40xi32, #tpu.memory_space<hbm>>
    %dma_wait3A_132 = arith.constant 0 : i32
    %dma_wait3A_133 = tpu.memref_slice %arg3[%dma_wait3A_132] : memref<320000xi32, #tpu.memory_space<hbm>> -> memref<40xi32, #tpu.memory_space<hbm>>
    tpu.wait_dma2 semaphore(%arg35 : memref<!tpu.dma_semaphore, #tpu.memory_space<semaphore_mem>>) src(%dma_wait3A_133 : memref<40xi32, #tpu.memory_space<hbm>>) dst(%arg14 : memref<40xi32, #tpu.memory_space<vmem>>)
    %dma_start3A_134 = arith.constant 0 : i32
    %dma_start3A_135 = arith.constant 0 : i32
    %dma_start3A_136 = tpu.memref_slice %arg19[%dma_start3A_134, %dma_start3A_135] : memref<10000x128xf32, #tpu.memory_space<vmem_shared>> -> memref<10000x128xf32, #tpu.memory_space<vmem_shared>>
    tpu.enqueue_indirect_dma source(%arg18 : memref<40x128xf32, #tpu.memory_space<vmem>>) target(%dma_start3A_136 : memref<10000x128xf32, #tpu.memory_space<vmem_shared>>) offsets(%arg14 : memref<40xi32, #tpu.memory_space<vmem>>) semaphore(%arg27 : memref<!tpu.dma_semaphore, #tpu.memory_space<semaphore_mem>>) {add = true}
    %dma_wait3A_137 = arith.constant 0 : i32
    %dma_wait3A_138 = arith.constant 0 : i32
    %dma_wait3A_139 = tpu.memref_slice %arg19[%dma_wait3A_137, %dma_wait3A_138] : memref<10000x128xf32, #tpu.memory_space<vmem_shared>> -> memref<10000x128xf32, #tpu.memory_space<vmem_shared>>
    tpu.wait_indirect_dma semaphore(%arg26 : memref<!tpu.dma_semaphore, #tpu.memory_space<semaphore_mem>>) src(%arg17 : memref<40x128xf32, #tpu.memory_space<vmem>>) dst(%dma_wait3A_139 : memref<10000x128xf32, #tpu.memory_space<vmem_shared>>)
    %dma_wait3A_140 = arith.constant 0 : i32
    %dma_wait3A_141 = arith.constant 0 : i32
    %dma_wait3A_142 = tpu.memref_slice %arg2[%dma_wait3A_140, %dma_wait3A_141] : memref<10000x128xf32, #tpu.memory_space<hbm>> -> memref<10000x128xf32, #tpu.memory_space<hbm>>
    tpu.wait_indirect_dma semaphore(%arg20 : memref<!tpu.dma_semaphore, #tpu.memory_space<semaphore_mem>>) src(%dma_wait3A_142 : memref<10000x128xf32, #tpu.memory_space<hbm>>) dst(%arg15 : memref<40x128xf32, #tpu.memory_space<vmem>>)
    %dma_wait3A_143 = arith.constant 0 : i32
    %dma_wait3A_144 = tpu.memref_slice %arg3[%dma_wait3A_143] : memref<320000xi32, #tpu.memory_space<hbm>> -> memref<40xi32, #tpu.memory_space<hbm>>
    %dma_wait3A_145 = arith.constant 0 : i32
    %dma_wait3A_146 = tpu.memref_slice %arg3[%dma_wait3A_145] : memref<320000xi32, #tpu.memory_space<hbm>> -> memref<40xi32, #tpu.memory_space<hbm>>
    tpu.wait_dma2 semaphore(%arg32 : memref<!tpu.dma_semaphore, #tpu.memory_space<semaphore_mem>>) src(%dma_wait3A_146 : memref<40xi32, #tpu.memory_space<hbm>>) dst(%arg11 : memref<40xi32, #tpu.memory_space<vmem>>)
    %dma_start3A_147 = arith.constant 0 : i32
    %dma_start3A_148 = arith.constant 0 : i32
    %dma_start3A_149 = tpu.memref_slice %arg19[%dma_start3A_147, %dma_start3A_148] : memref<10000x128xf32, #tpu.memory_space<vmem_shared>> -> memref<10000x128xf32, #tpu.memory_space<vmem_shared>>
    tpu.enqueue_indirect_dma source(%arg15 : memref<40x128xf32, #tpu.memory_space<vmem>>) target(%dma_start3A_149 : memref<10000x128xf32, #tpu.memory_space<vmem_shared>>) offsets(%arg11 : memref<40xi32, #tpu.memory_space<vmem>>) semaphore(%arg24 : memref<!tpu.dma_semaphore, #tpu.memory_space<semaphore_mem>>) {add = true}
    %dma_wait3A_150 = arith.constant 0 : i32
    %dma_wait3A_151 = arith.constant 0 : i32
    %dma_wait3A_152 = tpu.memref_slice %arg19[%dma_wait3A_150, %dma_wait3A_151] : memref<10000x128xf32, #tpu.memory_space<vmem_shared>> -> memref<10000x128xf32, #tpu.memory_space<vmem_shared>>
    tpu.wait_indirect_dma semaphore(%arg27 : memref<!tpu.dma_semaphore, #tpu.memory_space<semaphore_mem>>) src(%arg18 : memref<40x128xf32, #tpu.memory_space<vmem>>) dst(%dma_wait3A_152 : memref<10000x128xf32, #tpu.memory_space<vmem_shared>>)
    %dma_wait3A_153 = arith.constant 0 : i32
    %dma_wait3A_154 = arith.constant 0 : i32
    %dma_wait3A_155 = tpu.memref_slice %arg2[%dma_wait3A_153, %dma_wait3A_154] : memref<10000x128xf32, #tpu.memory_space<hbm>> -> memref<10000x128xf32, #tpu.memory_space<hbm>>
    tpu.wait_indirect_dma semaphore(%arg21 : memref<!tpu.dma_semaphore, #tpu.memory_space<semaphore_mem>>) src(%dma_wait3A_155 : memref<10000x128xf32, #tpu.memory_space<hbm>>) dst(%arg16 : memref<40x128xf32, #tpu.memory_space<vmem>>)
    %dma_wait3A_156 = arith.constant 0 : i32
    %dma_wait3A_157 = tpu.memref_slice %arg3[%dma_wait3A_156] : memref<320000xi32, #tpu.memory_space<hbm>> -> memref<40xi32, #tpu.memory_space<hbm>>
    %dma_wait3A_158 = arith.constant 0 : i32
    %dma_wait3A_159 = tpu.memref_slice %arg3[%dma_wait3A_158] : memref<320000xi32, #tpu.memory_space<hbm>> -> memref<40xi32, #tpu.memory_space<hbm>>
    tpu.wait_dma2 semaphore(%arg33 : memref<!tpu.dma_semaphore, #tpu.memory_space<semaphore_mem>>) src(%dma_wait3A_159 : memref<40xi32, #tpu.memory_space<hbm>>) dst(%arg12 : memref<40xi32, #tpu.memory_space<vmem>>)
    %dma_start3A_160 = arith.constant 0 : i32
    %dma_start3A_161 = arith.constant 0 : i32
    %dma_start3A_162 = tpu.memref_slice %arg19[%dma_start3A_160, %dma_start3A_161] : memref<10000x128xf32, #tpu.memory_space<vmem_shared>> -> memref<10000x128xf32, #tpu.memory_space<vmem_shared>>
    tpu.enqueue_indirect_dma source(%arg16 : memref<40x128xf32, #tpu.memory_space<vmem>>) target(%dma_start3A_162 : memref<10000x128xf32, #tpu.memory_space<vmem_shared>>) offsets(%arg12 : memref<40xi32, #tpu.memory_space<vmem>>) semaphore(%arg25 : memref<!tpu.dma_semaphore, #tpu.memory_space<semaphore_mem>>) {add = true}
    %dma_wait3A_163 = arith.constant 0 : i32
    %dma_wait3A_164 = arith.constant 0 : i32
    %dma_wait3A_165 = tpu.memref_slice %arg19[%dma_wait3A_163, %dma_wait3A_164] : memref<10000x128xf32, #tpu.memory_space<vmem_shared>> -> memref<10000x128xf32, #tpu.memory_space<vmem_shared>>
    tpu.wait_indirect_dma semaphore(%arg24 : memref<!tpu.dma_semaphore, #tpu.memory_space<semaphore_mem>>) src(%arg15 : memref<40x128xf32, #tpu.memory_space<vmem>>) dst(%dma_wait3A_165 : memref<10000x128xf32, #tpu.memory_space<vmem_shared>>)
    %dma_wait3A_166 = arith.constant 0 : i32
    %dma_wait3A_167 = arith.constant 0 : i32
    %dma_wait3A_168 = tpu.memref_slice %arg19[%dma_wait3A_166, %dma_wait3A_167] : memref<10000x128xf32, #tpu.memory_space<vmem_shared>> -> memref<10000x128xf32, #tpu.memory_space<vmem_shared>>
    tpu.wait_indirect_dma semaphore(%arg25 : memref<!tpu.dma_semaphore, #tpu.memory_space<semaphore_mem>>) src(%arg16 : memref<40x128xf32, #tpu.memory_space<vmem>>) dst(%dma_wait3A_168 : memref<10000x128xf32, #tpu.memory_space<vmem_shared>>)
    %barrier3A_169 = arith.constant 0 : index
    tpu.barrier barrier_id(%barrier3A_169)
    "tpu.region"() ({
      %run_scoped3A = tpu.sem_alloc : memref<!tpu.dma_semaphore, #tpu.memory_space<semaphore_mem>>
      %dma_start3A_175 = arith.constant 0 : i32
      %dma_start3A_176 = arith.constant 0 : i32
      %dma_start3A_177 = tpu.memref_slice %arg6[%arg0, %dma_start3A_175, %dma_start3A_176] : memref<2x10000x128xf32, #tpu.memory_space<hbm>> -> memref<1x10000x128xf32, #tpu.memory_space<hbm>>
      %dma_start3A_178 = tpu.memref_squeeze %dma_start3A_177 : memref<1x10000x128xf32, #tpu.memory_space<hbm>> -> memref<10000x128xf32, #tpu.memory_space<hbm>>
      %dma_start3A_179 = arith.constant 0 : i32
      %dma_start3A_180 = tpu.memref_slice %dma_start3A_178[%mul3A_2, %dma_start3A_179] : memref<10000x128xf32, #tpu.memory_space<hbm>> -> memref<624x128xf32, #tpu.memory_space<hbm>>
      %dma_start3A_181 = arith.constant 0 : i32
      %dma_start3A_182 = tpu.memref_slice %arg19[%mul3A_2, %dma_start3A_181] : memref<10000x128xf32, #tpu.memory_space<vmem_shared>> -> memref<624x128xf32, #tpu.memory_space<vmem_shared>>
      tpu.enqueue_dma source(%dma_start3A_182 : memref<624x128xf32, #tpu.memory_space<vmem_shared>>) target(%dma_start3A_180 : memref<624x128xf32, #tpu.memory_space<hbm>>) target_semaphore(%run_scoped3A : memref<!tpu.dma_semaphore, #tpu.memory_space<semaphore_mem>>)
      %dma_wait3A_183 = arith.constant 0 : i32
      %dma_wait3A_184 = arith.constant 0 : i32
      %dma_wait3A_185 = tpu.memref_slice %arg6[%arg0, %dma_wait3A_183, %dma_wait3A_184] : memref<2x10000x128xf32, #tpu.memory_space<hbm>> -> memref<1x10000x128xf32, #tpu.memory_space<hbm>>
      %dma_wait3A_186 = tpu.memref_squeeze %dma_wait3A_185 : memref<1x10000x128xf32, #tpu.memory_space<hbm>> -> memref<10000x128xf32, #tpu.memory_space<hbm>>
      %dma_wait3A_187 = arith.constant 0 : i32
      %dma_wait3A_188 = tpu.memref_slice %dma_wait3A_186[%mul3A_2, %dma_wait3A_187] : memref<10000x128xf32, #tpu.memory_space<hbm>> -> memref<624x128xf32, #tpu.memory_space<hbm>>
      %dma_wait3A_189 = arith.constant 0 : i32
      %dma_wait3A_190 = tpu.memref_slice %arg19[%mul3A_2, %dma_wait3A_189] : memref<10000x128xf32, #tpu.memory_space<vmem_shared>> -> memref<624x128xf32, #tpu.memory_space<vmem_shared>>
      tpu.wait_dma2 semaphore(%run_scoped3A : memref<!tpu.dma_semaphore, #tpu.memory_space<semaphore_mem>>) src(%dma_wait3A_190 : memref<624x128xf32, #tpu.memory_space<vmem_shared>>) dst(%dma_wait3A_188 : memref<624x128xf32, #tpu.memory_space<hbm>>)
      tpu.yield
    }) : () -> ()
    %eq3A_170 = arith.constant 0 : i32
    %eq3A_171 = arith.cmpi eq, %arg1, %eq3A_170 : i32
    %convert_element_type3A_172 = arith.extui %eq3A_171 : i1 to i32
    %cond3A_173 = arith.constant 0 : i32
    %cond3A_174 = arith.cmpi ne, %convert_element_type3A_172, %cond3A_173 : i32
    scf.if %cond3A_174 {
      "tpu.region"() ({
        %run_scoped3A = tpu.sem_alloc : memref<!tpu.dma_semaphore, #tpu.memory_space<semaphore_mem>>
        %dma_start3A_175 = arith.constant 0 : i32
        %dma_start3A_176 = arith.constant 0 : i32
        %dma_start3A_177 = tpu.memref_slice %arg6[%arg0, %dma_start3A_175, %dma_start3A_176] : memref<2x10000x128xf32, #tpu.memory_space<hbm>> -> memref<1x10000x128xf32, #tpu.memory_space<hbm>>
        %dma_start3A_178 = tpu.memref_squeeze %dma_start3A_177 : memref<1x10000x128xf32, #tpu.memory_space<hbm>> -> memref<10000x128xf32, #tpu.memory_space<hbm>>
        %dma_start3A_179 = arith.constant 9984 : i32
        %dma_start3A_180 = arith.constant 0 : i32
        %dma_start3A_181 = tpu.memref_slice %dma_start3A_178[%dma_start3A_179, %dma_start3A_180] : memref<10000x128xf32, #tpu.memory_space<hbm>> -> memref<16x128xf32, #tpu.memory_space<hbm>>
        %dma_start3A_182 = arith.constant 9984 : i32
        %dma_start3A_183 = arith.constant 0 : i32
        %dma_start3A_184 = tpu.memref_slice %arg19[%dma_start3A_182, %dma_start3A_183] : memref<10000x128xf32, #tpu.memory_space<vmem_shared>> -> memref<16x128xf32, #tpu.memory_space<vmem_shared>>
        tpu.enqueue_dma source(%dma_start3A_184 : memref<16x128xf32, #tpu.memory_space<vmem_shared>>) target(%dma_start3A_181 : memref<16x128xf32, #tpu.memory_space<hbm>>) target_semaphore(%run_scoped3A : memref<!tpu.dma_semaphore, #tpu.memory_space<semaphore_mem>>)
        %dma_wait3A_185 = arith.constant 0 : i32
        %dma_wait3A_186 = arith.constant 0 : i32
        %dma_wait3A_187 = tpu.memref_slice %arg6[%arg0, %dma_wait3A_185, %dma_wait3A_186] : memref<2x10000x128xf32, #tpu.memory_space<hbm>> -> memref<1x10000x128xf32, #tpu.memory_space<hbm>>
        %dma_wait3A_188 = tpu.memref_squeeze %dma_wait3A_187 : memref<1x10000x128xf32, #tpu.memory_space<hbm>> -> memref<10000x128xf32, #tpu.memory_space<hbm>>
        %dma_wait3A_189 = arith.constant 9984 : i32
        %dma_wait3A_190 = arith.constant 0 : i32
        %dma_wait3A_191 = tpu.memref_slice %dma_wait3A_188[%dma_wait3A_189, %dma_wait3A_190] : memref<10000x128xf32, #tpu.memory_space<hbm>> -> memref<16x128xf32, #tpu.memory_space<hbm>>
        %dma_wait3A_192 = arith.constant 9984 : i32
        %dma_wait3A_193 = arith.constant 0 : i32
        %dma_wait3A_194 = tpu.memref_slice %arg19[%dma_wait3A_192, %dma_wait3A_193] : memref<10000x128xf32, #tpu.memory_space<vmem_shared>> -> memref<16x128xf32, #tpu.memory_space<vmem_shared>>
        tpu.wait_dma2 semaphore(%run_scoped3A : memref<!tpu.dma_semaphore, #tpu.memory_space<semaphore_mem>>) src(%dma_wait3A_194 : memref<16x128xf32, #tpu.memory_space<vmem_shared>>) dst(%dma_wait3A_191 : memref<16x128xf32, #tpu.memory_space<hbm>>)
        tpu.yield
      }) : () -> ()
    } else {
    }
    return
  }
}

#map = affine_map<(d0, d1) -> (0, 0)>
#map1 = affine_map<(d0, d1) -> (0)>
#map2 = affine_map<(d0, d1) -> (0, 0, 0)>
module attributes {stable_mosaic.version = 14 : i64} {
  func.func @body(%arg0: i32, %arg1: i32, %arg2: memref<10000x128xf32, #tpu.memory_space<hbm>>, %arg3: memref<320000xi32, #tpu.memory_space<hbm>>, %arg4: memref<320000xi32, #tpu.memory_space<hbm>>, %arg5: memref<10000x128xf32, #tpu.memory_space<hbm>>, %arg6: memref<2x10000x128xf32, #tpu.memory_space<hbm>>, %arg7: memref<40xi32, #tpu.memory_space<vmem>>, %arg8: memref<40xi32, #tpu.memory_space<vmem>>, %arg9: memref<40xi32, #tpu.memory_space<vmem>>, %arg10: memref<40xi32, #tpu.memory_space<vmem>>, %arg11: memref<40xi32, #tpu.memory_space<vmem>>, %arg12: memref<40xi32, #tpu.memory_space<vmem>>, %arg13: memref<40xi32, #tpu.memory_space<vmem>>, %arg14: memref<40xi32, #tpu.memory_space<vmem>>, %arg15: memref<40x128xf32, #tpu.memory_space<vmem>>, %arg16: memref<40x128xf32, #tpu.memory_space<vmem>>, %arg17: memref<40x128xf32, #tpu.memory_space<vmem>>, %arg18: memref<40x128xf32, #tpu.memory_space<vmem>>, %arg19: memref<10000x128xf32, #tpu.memory_space<vmem_shared>>, %arg20: memref<!tpu.dma_semaphore, #tpu.memory_space<semaphore_mem>>, %arg21: memref<!tpu.dma_semaphore, #tpu.memory_space<semaphore_mem>>, %arg22: memref<!tpu.dma_semaphore, #tpu.memory_space<semaphore_mem>>, %arg23: memref<!tpu.dma_semaphore, #tpu.memory_space<semaphore_mem>>, %arg24: memref<!tpu.dma_semaphore, #tpu.memory_space<semaphore_mem>>, %arg25: memref<!tpu.dma_semaphore, #tpu.memory_space<semaphore_mem>>, %arg26: memref<!tpu.dma_semaphore, #tpu.memory_space<semaphore_mem>>, %arg27: memref<!tpu.dma_semaphore, #tpu.memory_space<semaphore_mem>>, %arg28: memref<!tpu.dma_semaphore, #tpu.memory_space<semaphore_mem>>, %arg29: memref<!tpu.dma_semaphore, #tpu.memory_space<semaphore_mem>>, %arg30: memref<!tpu.dma_semaphore, #tpu.memory_space<semaphore_mem>>, %arg31: memref<!tpu.dma_semaphore, #tpu.memory_space<semaphore_mem>>, %arg32: memref<!tpu.dma_semaphore, #tpu.memory_space<semaphore_mem>>, %arg33: memref<!tpu.dma_semaphore, #tpu.memory_space<semaphore_mem>>, %arg34: memref<!tpu.dma_semaphore, #tpu.memory_space<semaphore_mem>>, %arg35: memref<!tpu.dma_semaphore, #tpu.memory_space<semaphore_mem>>) attributes {dimension_semantics = [#tpu.dimension_semantics<core_parallel>, #tpu.dimension_semantics<subcore_parallel>], iteration_bounds = array<i64: 2, 16>, scalar_prefetch = 0 : i64, scratch_operands = 29 : i64, tpu.core_type = #tpu.core_type<sc_vector_subcore>, window_params = [{transform_indices = #map}, {transform_indices = #map1}, {transform_indices = #map1}, {transform_indices = #map}, {transform_indices = #map2}]} {
    %mul3A = arith.constant 2 : i32
    %mul3A_0 = arith.muli %arg1, %mul3A : i32
    %add3A = arith.addi %mul3A_0, %arg0 : i32
    %mul3A_1 = arith.constant 624 : i32
    %mul3A_2 = arith.muli %arg1, %mul3A_1 : i32
    %mul3A_3 = arith.constant 10000 : i32
    %mul3A_4 = arith.muli %add3A, %mul3A_3 : i32
    "tpu.region"() ({
      %run_scoped3A = tpu.sem_alloc : memref<!tpu.dma_semaphore, #tpu.memory_space<semaphore_mem>>
      %dma_start3A_175 = arith.constant 0 : i32
      %dma_start3A_176 = tpu.memref_slice %arg19[%mul3A_2, %dma_start3A_175] : memref<10000x128xf32, #tpu.memory_space<vmem_shared>> -> memref<624x128xf32, #tpu.memory_space<vmem_shared>>
      %dma_start3A_177 = arith.constant 0 : i32
      %dma_start3A_178 = tpu.memref_slice %arg5[%mul3A_2, %dma_start3A_177] : memref<10000x128xf32, #tpu.memory_space<hbm>> -> memref<624x128xf32, #tpu.memory_space<hbm>>
      tpu.enqueue_dma source(%dma_start3A_178 : memref<624x128xf32, #tpu.memory_space<hbm>>) target(%dma_start3A_176 : memref<624x128xf32, #tpu.memory_space<vmem_shared>>) target_semaphore(%run_scoped3A : memref<!tpu.dma_semaphore, #tpu.memory_space<semaphore_mem>>)
      %dma_wait3A_179 = arith.constant 0 : i32
      %dma_wait3A_180 = tpu.memref_slice %arg19[%mul3A_2, %dma_wait3A_179] : memref<10000x128xf32, #tpu.memory_space<vmem_shared>> -> memref<624x128xf32, #tpu.memory_space<vmem_shared>>
      %dma_wait3A_181 = arith.constant 0 : i32
      %dma_wait3A_182 = tpu.memref_slice %arg5[%mul3A_2, %dma_wait3A_181] : memref<10000x128xf32, #tpu.memory_space<hbm>> -> memref<624x128xf32, #tpu.memory_space<hbm>>
      tpu.wait_dma2 semaphore(%run_scoped3A : memref<!tpu.dma_semaphore, #tpu.memory_space<semaphore_mem>>) src(%dma_wait3A_182 : memref<624x128xf32, #tpu.memory_space<hbm>>) dst(%dma_wait3A_180 : memref<624x128xf32, #tpu.memory_space<vmem_shared>>)
      tpu.yield
    }) : () -> ()
    %eq3A = arith.constant 0 : i32
    %eq3A_5 = arith.cmpi eq, %arg1, %eq3A : i32
    %convert_element_type3A = arith.extui %eq3A_5 : i1 to i32
    %cond3A = arith.constant 0 : i32
    %cond3A_6 = arith.cmpi ne, %convert_element_type3A, %cond3A : i32
    scf.if %cond3A_6 {
      "tpu.region"() ({
        %run_scoped3A = tpu.sem_alloc : memref<!tpu.dma_semaphore, #tpu.memory_space<semaphore_mem>>
        %dma_start3A_175 = arith.constant 9984 : i32
        %dma_start3A_176 = arith.constant 0 : i32
        %dma_start3A_177 = tpu.memref_slice %arg19[%dma_start3A_175, %dma_start3A_176] : memref<10000x128xf32, #tpu.memory_space<vmem_shared>> -> memref<16x128xf32, #tpu.memory_space<vmem_shared>>
        %dma_start3A_178 = arith.constant 9984 : i32
        %dma_start3A_179 = arith.constant 0 : i32
        %dma_start3A_180 = tpu.memref_slice %arg5[%dma_start3A_178, %dma_start3A_179] : memref<10000x128xf32, #tpu.memory_space<hbm>> -> memref<16x128xf32, #tpu.memory_space<hbm>>
        tpu.enqueue_dma source(%dma_start3A_180 : memref<16x128xf32, #tpu.memory_space<hbm>>) target(%dma_start3A_177 : memref<16x128xf32, #tpu.memory_space<vmem_shared>>) target_semaphore(%run_scoped3A : memref<!tpu.dma_semaphore, #tpu.memory_space<semaphore_mem>>)
        %dma_wait3A_181 = arith.constant 9984 : i32
        %dma_wait3A_182 = arith.constant 0 : i32
        %dma_wait3A_183 = tpu.memref_slice %arg19[%dma_wait3A_181, %dma_wait3A_182] : memref<10000x128xf32, #tpu.memory_space<vmem_shared>> -> memref<16x128xf32, #tpu.memory_space<vmem_shared>>
        %dma_wait3A_184 = arith.constant 9984 : i32
        %dma_wait3A_185 = arith.constant 0 : i32
        %dma_wait3A_186 = tpu.memref_slice %arg5[%dma_wait3A_184, %dma_wait3A_185] : memref<10000x128xf32, #tpu.memory_space<hbm>> -> memref<16x128xf32, #tpu.memory_space<hbm>>
        tpu.wait_dma2 semaphore(%run_scoped3A : memref<!tpu.dma_semaphore, #tpu.memory_space<semaphore_mem>>) src(%dma_wait3A_186 : memref<16x128xf32, #tpu.memory_space<hbm>>) dst(%dma_wait3A_183 : memref<16x128xf32, #tpu.memory_space<vmem_shared>>)
        tpu.yield
      }) : () -> ()
    } else {
    }
    %barrier3A = arith.constant 0 : index
    tpu.barrier barrier_id(%barrier3A)
    "tpu.region"() ({
      %run_scoped3A = tpu.sem_alloc : memref<!tpu.dma_semaphore, #tpu.memory_space<semaphore_mem>>
      %dma_start3A_175 = tpu.memref_slice %arg3[%mul3A_4] : memref<320000xi32, #tpu.memory_space<hbm>> -> memref<40xi32, #tpu.memory_space<hbm>>
      %dma_start3A_176 = tpu.memref_slice %arg3[%mul3A_4] : memref<320000xi32, #tpu.memory_space<hbm>> -> memref<40xi32, #tpu.memory_space<hbm>>
      tpu.enqueue_dma source(%dma_start3A_176 : memref<40xi32, #tpu.memory_space<hbm>>) target(%arg7 : memref<40xi32, #tpu.memory_space<vmem>>) target_semaphore(%run_scoped3A : memref<!tpu.dma_semaphore, #tpu.memory_space<semaphore_mem>>)
      %dma_wait3A_177 = tpu.memref_slice %arg3[%mul3A_4] : memref<320000xi32, #tpu.memory_space<hbm>> -> memref<40xi32, #tpu.memory_space<hbm>>
      %dma_wait3A_178 = tpu.memref_slice %arg3[%mul3A_4] : memref<320000xi32, #tpu.memory_space<hbm>> -> memref<40xi32, #tpu.memory_space<hbm>>
      tpu.wait_dma2 semaphore(%run_scoped3A : memref<!tpu.dma_semaphore, #tpu.memory_space<semaphore_mem>>) src(%dma_wait3A_178 : memref<40xi32, #tpu.memory_space<hbm>>) dst(%arg7 : memref<40xi32, #tpu.memory_space<vmem>>)
      tpu.yield
    }) : () -> ()
    %add3A_7 = arith.constant 40 : i32
    %add3A_8 = arith.addi %mul3A_4, %add3A_7 : i32
    %dma_start3A = tpu.memref_slice %arg3[%add3A_8] : memref<320000xi32, #tpu.memory_space<hbm>> -> memref<40xi32, #tpu.memory_space<hbm>>
    %dma_start3A_9 = tpu.memref_slice %arg3[%add3A_8] : memref<320000xi32, #tpu.memory_space<hbm>> -> memref<40xi32, #tpu.memory_space<hbm>>
    tpu.enqueue_dma source(%dma_start3A_9 : memref<40xi32, #tpu.memory_space<hbm>>) target(%arg8 : memref<40xi32, #tpu.memory_space<vmem>>) target_semaphore(%arg29 : memref<!tpu.dma_semaphore, #tpu.memory_space<semaphore_mem>>)
    %add3A_10 = arith.constant 80 : i32
    %add3A_11 = arith.addi %mul3A_4, %add3A_10 : i32
    %dma_start3A_12 = tpu.memref_slice %arg3[%add3A_11] : memref<320000xi32, #tpu.memory_space<hbm>> -> memref<40xi32, #tpu.memory_space<hbm>>
    %dma_start3A_13 = tpu.memref_slice %arg3[%add3A_11] : memref<320000xi32, #tpu.memory_space<hbm>> -> memref<40xi32, #tpu.memory_space<hbm>>
    tpu.enqueue_dma source(%dma_start3A_13 : memref<40xi32, #tpu.memory_space<hbm>>) target(%arg9 : memref<40xi32, #tpu.memory_space<vmem>>) target_semaphore(%arg30 : memref<!tpu.dma_semaphore, #tpu.memory_space<semaphore_mem>>)
    %add3A_14 = arith.constant 120 : i32
    %add3A_15 = arith.addi %mul3A_4, %add3A_14 : i32
    %dma_start3A_16 = tpu.memref_slice %arg3[%add3A_15] : memref<320000xi32, #tpu.memory_space<hbm>> -> memref<40xi32, #tpu.memory_space<hbm>>
    %dma_start3A_17 = tpu.memref_slice %arg3[%add3A_15] : memref<320000xi32, #tpu.memory_space<hbm>> -> memref<40xi32, #tpu.memory_space<hbm>>
    tpu.enqueue_dma source(%dma_start3A_17 : memref<40xi32, #tpu.memory_space<hbm>>) target(%arg10 : memref<40xi32, #tpu.memory_space<vmem>>) target_semaphore(%arg31 : memref<!tpu.dma_semaphore, #tpu.memory_space<semaphore_mem>>)
    %add3A_18 = arith.constant 0 : i32
    %add3A_19 = arith.addi %mul3A_4, %add3A_18 : i32
    %dma_start3A_20 = tpu.memref_slice %arg4[%add3A_19] : memref<320000xi32, #tpu.memory_space<hbm>> -> memref<40xi32, #tpu.memory_space<hbm>>
    %dma_start3A_21 = tpu.memref_slice %arg4[%add3A_19] : memref<320000xi32, #tpu.memory_space<hbm>> -> memref<40xi32, #tpu.memory_space<hbm>>
    tpu.enqueue_dma source(%dma_start3A_21 : memref<40xi32, #tpu.memory_space<hbm>>) target(%arg11 : memref<40xi32, #tpu.memory_space<vmem>>) target_semaphore(%arg32 : memref<!tpu.dma_semaphore, #tpu.memory_space<semaphore_mem>>)
    %add3A_22 = arith.constant 40 : i32
    %add3A_23 = arith.addi %mul3A_4, %add3A_22 : i32
    %dma_start3A_24 = tpu.memref_slice %arg4[%add3A_23] : memref<320000xi32, #tpu.memory_space<hbm>> -> memref<40xi32, #tpu.memory_space<hbm>>
    %dma_start3A_25 = tpu.memref_slice %arg4[%add3A_23] : memref<320000xi32, #tpu.memory_space<hbm>> -> memref<40xi32, #tpu.memory_space<hbm>>
    tpu.enqueue_dma source(%dma_start3A_25 : memref<40xi32, #tpu.memory_space<hbm>>) target(%arg12 : memref<40xi32, #tpu.memory_space<vmem>>) target_semaphore(%arg33 : memref<!tpu.dma_semaphore, #tpu.memory_space<semaphore_mem>>)
    %add3A_26 = arith.constant 80 : i32
    %add3A_27 = arith.addi %mul3A_4, %add3A_26 : i32
    %dma_start3A_28 = tpu.memref_slice %arg4[%add3A_27] : memref<320000xi32, #tpu.memory_space<hbm>> -> memref<40xi32, #tpu.memory_space<hbm>>
    %dma_start3A_29 = tpu.memref_slice %arg4[%add3A_27] : memref<320000xi32, #tpu.memory_space<hbm>> -> memref<40xi32, #tpu.memory_space<hbm>>
    tpu.enqueue_dma source(%dma_start3A_29 : memref<40xi32, #tpu.memory_space<hbm>>) target(%arg13 : memref<40xi32, #tpu.memory_space<vmem>>) target_semaphore(%arg34 : memref<!tpu.dma_semaphore, #tpu.memory_space<semaphore_mem>>)
    %dma_start3A_30 = arith.constant 0 : i32
    %dma_start3A_31 = arith.constant 0 : i32
    %dma_start3A_32 = tpu.memref_slice %arg2[%dma_start3A_30, %dma_start3A_31] : memref<10000x128xf32, #tpu.memory_space<hbm>> -> memref<10000x128xf32, #tpu.memory_space<hbm>>
    tpu.enqueue_indirect_dma source(%dma_start3A_32 : memref<10000x128xf32, #tpu.memory_space<hbm>>) target(%arg15 : memref<40x128xf32, #tpu.memory_space<vmem>>) offsets(%arg7 : memref<40xi32, #tpu.memory_space<vmem>>) semaphore(%arg20 : memref<!tpu.dma_semaphore, #tpu.memory_space<semaphore_mem>>)
    %dma_wait3A = arith.constant 0 : i32
    %dma_wait3A_33 = tpu.memref_slice %arg3[%dma_wait3A] : memref<320000xi32, #tpu.memory_space<hbm>> -> memref<40xi32, #tpu.memory_space<hbm>>
    %dma_wait3A_34 = arith.constant 0 : i32
    %dma_wait3A_35 = tpu.memref_slice %arg3[%dma_wait3A_34] : memref<320000xi32, #tpu.memory_space<hbm>> -> memref<40xi32, #tpu.memory_space<hbm>>
    tpu.wait_dma2 semaphore(%arg29 : memref<!tpu.dma_semaphore, #tpu.memory_space<semaphore_mem>>) src(%dma_wait3A_35 : memref<40xi32, #tpu.memory_space<hbm>>) dst(%arg8 : memref<40xi32, #tpu.memory_space<vmem>>)
    %dma_start3A_36 = arith.constant 0 : i32
    %dma_start3A_37 = arith.constant 0 : i32
    %dma_start3A_38 = tpu.memref_slice %arg2[%dma_start3A_36, %dma_start3A_37] : memref<10000x128xf32, #tpu.memory_space<hbm>> -> memref<10000x128xf32, #tpu.memory_space<hbm>>
    tpu.enqueue_indirect_dma source(%dma_start3A_38 : memref<10000x128xf32, #tpu.memory_space<hbm>>) target(%arg16 : memref<40x128xf32, #tpu.memory_space<vmem>>) offsets(%arg8 : memref<40xi32, #tpu.memory_space<vmem>>) semaphore(%arg21 : memref<!tpu.dma_semaphore, #tpu.memory_space<semaphore_mem>>)
    %dma_wait3A_39 = arith.constant 0 : i32
    %dma_wait3A_40 = tpu.memref_slice %arg3[%dma_wait3A_39] : memref<320000xi32, #tpu.memory_space<hbm>> -> memref<40xi32, #tpu.memory_space<hbm>>
    %dma_wait3A_41 = arith.constant 0 : i32
    %dma_wait3A_42 = tpu.memref_slice %arg3[%dma_wait3A_41] : memref<320000xi32, #tpu.memory_space<hbm>> -> memref<40xi32, #tpu.memory_space<hbm>>
    tpu.wait_dma2 semaphore(%arg30 : memref<!tpu.dma_semaphore, #tpu.memory_space<semaphore_mem>>) src(%dma_wait3A_42 : memref<40xi32, #tpu.memory_space<hbm>>) dst(%arg9 : memref<40xi32, #tpu.memory_space<vmem>>)
    %dma_start3A_43 = arith.constant 0 : i32
    %dma_start3A_44 = arith.constant 0 : i32
    %dma_start3A_45 = tpu.memref_slice %arg2[%dma_start3A_43, %dma_start3A_44] : memref<10000x128xf32, #tpu.memory_space<hbm>> -> memref<10000x128xf32, #tpu.memory_space<hbm>>
    tpu.enqueue_indirect_dma source(%dma_start3A_45 : memref<10000x128xf32, #tpu.memory_space<hbm>>) target(%arg17 : memref<40x128xf32, #tpu.memory_space<vmem>>) offsets(%arg9 : memref<40xi32, #tpu.memory_space<vmem>>) semaphore(%arg22 : memref<!tpu.dma_semaphore, #tpu.memory_space<semaphore_mem>>)
    %dma_wait3A_46 = arith.constant 0 : i32
    %dma_wait3A_47 = arith.constant 0 : i32
    %dma_wait3A_48 = tpu.memref_slice %arg2[%dma_wait3A_46, %dma_wait3A_47] : memref<10000x128xf32, #tpu.memory_space<hbm>> -> memref<10000x128xf32, #tpu.memory_space<hbm>>
    tpu.wait_indirect_dma semaphore(%arg20 : memref<!tpu.dma_semaphore, #tpu.memory_space<semaphore_mem>>) src(%dma_wait3A_48 : memref<10000x128xf32, #tpu.memory_space<hbm>>) dst(%arg15 : memref<40x128xf32, #tpu.memory_space<vmem>>)
    %dma_wait3A_49 = arith.constant 0 : i32
    %dma_wait3A_50 = tpu.memref_slice %arg3[%dma_wait3A_49] : memref<320000xi32, #tpu.memory_space<hbm>> -> memref<40xi32, #tpu.memory_space<hbm>>
    %dma_wait3A_51 = arith.constant 0 : i32
    %dma_wait3A_52 = tpu.memref_slice %arg3[%dma_wait3A_51] : memref<320000xi32, #tpu.memory_space<hbm>> -> memref<40xi32, #tpu.memory_space<hbm>>
    tpu.wait_dma2 semaphore(%arg32 : memref<!tpu.dma_semaphore, #tpu.memory_space<semaphore_mem>>) src(%dma_wait3A_52 : memref<40xi32, #tpu.memory_space<hbm>>) dst(%arg11 : memref<40xi32, #tpu.memory_space<vmem>>)
    %dma_start3A_53 = arith.constant 0 : i32
    %dma_start3A_54 = arith.constant 0 : i32
    %dma_start3A_55 = tpu.memref_slice %arg19[%dma_start3A_53, %dma_start3A_54] : memref<10000x128xf32, #tpu.memory_space<vmem_shared>> -> memref<10000x128xf32, #tpu.memory_space<vmem_shared>>
    tpu.enqueue_indirect_dma source(%arg15 : memref<40x128xf32, #tpu.memory_space<vmem>>) target(%dma_start3A_55 : memref<10000x128xf32, #tpu.memory_space<vmem_shared>>) offsets(%arg11 : memref<40xi32, #tpu.memory_space<vmem>>) semaphore(%arg24 : memref<!tpu.dma_semaphore, #tpu.memory_space<semaphore_mem>>) {add = true}
    %dma_wait3A_56 = arith.constant 0 : i32
    %dma_wait3A_57 = tpu.memref_slice %arg3[%dma_wait3A_56] : memref<320000xi32, #tpu.memory_space<hbm>> -> memref<40xi32, #tpu.memory_space<hbm>>
    %dma_wait3A_58 = arith.constant 0 : i32
    %dma_wait3A_59 = tpu.memref_slice %arg3[%dma_wait3A_58] : memref<320000xi32, #tpu.memory_space<hbm>> -> memref<40xi32, #tpu.memory_space<hbm>>
    tpu.wait_dma2 semaphore(%arg31 : memref<!tpu.dma_semaphore, #tpu.memory_space<semaphore_mem>>) src(%dma_wait3A_59 : memref<40xi32, #tpu.memory_space<hbm>>) dst(%arg10 : memref<40xi32, #tpu.memory_space<vmem>>)
    %dma_start3A_60 = arith.constant 0 : i32
    %dma_start3A_61 = arith.constant 0 : i32
    %dma_start3A_62 = tpu.memref_slice %arg2[%dma_start3A_60, %dma_start3A_61] : memref<10000x128xf32, #tpu.memory_space<hbm>> -> memref<10000x128xf32, #tpu.memory_space<hbm>>
    tpu.enqueue_indirect_dma source(%dma_start3A_62 : memref<10000x128xf32, #tpu.memory_space<hbm>>) target(%arg18 : memref<40x128xf32, #tpu.memory_space<vmem>>) offsets(%arg10 : memref<40xi32, #tpu.memory_space<vmem>>) semaphore(%arg23 : memref<!tpu.dma_semaphore, #tpu.memory_space<semaphore_mem>>)
    %add3A_63 = arith.constant 120 : i32
    %add3A_64 = arith.addi %mul3A_4, %add3A_63 : i32
    %dma_start3A_65 = tpu.memref_slice %arg4[%add3A_64] : memref<320000xi32, #tpu.memory_space<hbm>> -> memref<40xi32, #tpu.memory_space<hbm>>
    %dma_start3A_66 = tpu.memref_slice %arg4[%add3A_64] : memref<320000xi32, #tpu.memory_space<hbm>> -> memref<40xi32, #tpu.memory_space<hbm>>
    tpu.enqueue_dma source(%dma_start3A_66 : memref<40xi32, #tpu.memory_space<hbm>>) target(%arg14 : memref<40xi32, #tpu.memory_space<vmem>>) target_semaphore(%arg35 : memref<!tpu.dma_semaphore, #tpu.memory_space<semaphore_mem>>)
    %add3A_67 = arith.constant 160 : i32
    %add3A_68 = arith.addi %mul3A_4, %add3A_67 : i32
    %dma_start3A_69 = tpu.memref_slice %arg3[%add3A_68] : memref<320000xi32, #tpu.memory_space<hbm>> -> memref<40xi32, #tpu.memory_space<hbm>>
    %dma_start3A_70 = tpu.memref_slice %arg3[%add3A_68] : memref<320000xi32, #tpu.memory_space<hbm>> -> memref<40xi32, #tpu.memory_space<hbm>>
    tpu.enqueue_dma source(%dma_start3A_70 : memref<40xi32, #tpu.memory_space<hbm>>) target(%arg7 : memref<40xi32, #tpu.memory_space<vmem>>) target_semaphore(%arg28 : memref<!tpu.dma_semaphore, #tpu.memory_space<semaphore_mem>>)
    %scan3A = arith.constant 0 : i32
    %scan3A_71 = arith.constant 61 : i32
    %scan3A_72 = arith.addi %scan3A, %scan3A_71 : i32
    %scan3A_73 = arith.constant 1 : i32
    scf.for %scan3A_175 = %scan3A to %scan3A_72 step %scan3A_73  : i32 {
      %mul3A_176 = arith.constant 1 : i32
      %mul3A_177 = arith.muli %scan3A_175, %mul3A_176 : i32
      %add3A_178 = arith.constant 0 : i32
      %add3A_179 = arith.addi %add3A_178, %mul3A_177 : i32
      %mul3A_180 = arith.constant 4 : i32
      %mul3A_181 = arith.muli %mul3A_180, %add3A_179 : i32
      %add3A_182 = arith.constant 1 : i32
      %add3A_183 = arith.addi %add3A_182, %mul3A_181 : i32
      %add3A_184 = arith.constant 0 : i32
      %add3A_185 = arith.addi %add3A_183, %add3A_184 : i32
      %dma_wait3A_186 = arith.constant 0 : i32
      %dma_wait3A_187 = arith.constant 0 : i32
      %dma_wait3A_188 = tpu.memref_slice %arg2[%dma_wait3A_186, %dma_wait3A_187] : memref<10000x128xf32, #tpu.memory_space<hbm>> -> memref<10000x128xf32, #tpu.memory_space<hbm>>
      tpu.wait_indirect_dma semaphore(%arg21 : memref<!tpu.dma_semaphore, #tpu.memory_space<semaphore_mem>>) src(%dma_wait3A_188 : memref<10000x128xf32, #tpu.memory_space<hbm>>) dst(%arg16 : memref<40x128xf32, #tpu.memory_space<vmem>>)
      %dma_wait3A_189 = arith.constant 0 : i32
      %dma_wait3A_190 = tpu.memref_slice %arg3[%dma_wait3A_189] : memref<320000xi32, #tpu.memory_space<hbm>> -> memref<40xi32, #tpu.memory_space<hbm>>
      %dma_wait3A_191 = arith.constant 0 : i32
      %dma_wait3A_192 = tpu.memref_slice %arg3[%dma_wait3A_191] : memref<320000xi32, #tpu.memory_space<hbm>> -> memref<40xi32, #tpu.memory_space<hbm>>
      tpu.wait_dma2 semaphore(%arg33 : memref<!tpu.dma_semaphore, #tpu.memory_space<semaphore_mem>>) src(%dma_wait3A_192 : memref<40xi32, #tpu.memory_space<hbm>>) dst(%arg12 : memref<40xi32, #tpu.memory_space<vmem>>)
      %dma_start3A_193 = arith.constant 0 : i32
      %dma_start3A_194 = arith.constant 0 : i32
      %dma_start3A_195 = tpu.memref_slice %arg19[%dma_start3A_193, %dma_start3A_194] : memref<10000x128xf32, #tpu.memory_space<vmem_shared>> -> memref<10000x128xf32, #tpu.memory_space<vmem_shared>>
      tpu.enqueue_indirect_dma source(%arg16 : memref<40x128xf32, #tpu.memory_space<vmem>>) target(%dma_start3A_195 : memref<10000x128xf32, #tpu.memory_space<vmem_shared>>) offsets(%arg12 : memref<40xi32, #tpu.memory_space<vmem>>) semaphore(%arg25 : memref<!tpu.dma_semaphore, #tpu.memory_space<semaphore_mem>>) {add = true}
      %dma_wait3A_196 = arith.constant 0 : i32
      %dma_wait3A_197 = arith.constant 0 : i32
      %dma_wait3A_198 = tpu.memref_slice %arg19[%dma_wait3A_196, %dma_wait3A_197] : memref<10000x128xf32, #tpu.memory_space<vmem_shared>> -> memref<10000x128xf32, #tpu.memory_space<vmem_shared>>
      tpu.wait_indirect_dma semaphore(%arg24 : memref<!tpu.dma_semaphore, #tpu.memory_space<semaphore_mem>>) src(%arg15 : memref<40x128xf32, #tpu.memory_space<vmem>>) dst(%dma_wait3A_198 : memref<10000x128xf32, #tpu.memory_space<vmem_shared>>)
      %dma_wait3A_199 = arith.constant 0 : i32
      %dma_wait3A_200 = tpu.memref_slice %arg3[%dma_wait3A_199] : memref<320000xi32, #tpu.memory_space<hbm>> -> memref<40xi32, #tpu.memory_space<hbm>>
      %dma_wait3A_201 = arith.constant 0 : i32
      %dma_wait3A_202 = tpu.memref_slice %arg3[%dma_wait3A_201] : memref<320000xi32, #tpu.memory_space<hbm>> -> memref<40xi32, #tpu.memory_space<hbm>>
      tpu.wait_dma2 semaphore(%arg28 : memref<!tpu.dma_semaphore, #tpu.memory_space<semaphore_mem>>) src(%dma_wait3A_202 : memref<40xi32, #tpu.memory_space<hbm>>) dst(%arg7 : memref<40xi32, #tpu.memory_space<vmem>>)
      %dma_start3A_203 = arith.constant 0 : i32
      %dma_start3A_204 = arith.constant 0 : i32
      %dma_start3A_205 = tpu.memref_slice %arg2[%dma_start3A_203, %dma_start3A_204] : memref<10000x128xf32, #tpu.memory_space<hbm>> -> memref<10000x128xf32, #tpu.memory_space<hbm>>
      tpu.enqueue_indirect_dma source(%dma_start3A_205 : memref<10000x128xf32, #tpu.memory_space<hbm>>) target(%arg15 : memref<40x128xf32, #tpu.memory_space<vmem>>) offsets(%arg7 : memref<40xi32, #tpu.memory_space<vmem>>) semaphore(%arg20 : memref<!tpu.dma_semaphore, #tpu.memory_space<semaphore_mem>>)
      %add3A_206 = arith.constant 4 : i32
      %add3A_207 = arith.addi %add3A_185, %add3A_206 : i32
      %sub3A = arith.constant 1 : i32
      %sub3A_208 = arith.subi %add3A_207, %sub3A : i32
      %mul3A_209 = arith.constant 40 : i32
      %mul3A_210 = arith.muli %sub3A_208, %mul3A_209 : i32
      %add3A_211 = arith.addi %mul3A_4, %mul3A_210 : i32
      %dma_start3A_212 = tpu.memref_slice %arg4[%add3A_211] : memref<320000xi32, #tpu.memory_space<hbm>> -> memref<40xi32, #tpu.memory_space<hbm>>
      %dma_start3A_213 = tpu.memref_slice %arg4[%add3A_211] : memref<320000xi32, #tpu.memory_space<hbm>> -> memref<40xi32, #tpu.memory_space<hbm>>
      tpu.enqueue_dma source(%dma_start3A_213 : memref<40xi32, #tpu.memory_space<hbm>>) target(%arg11 : memref<40xi32, #tpu.memory_space<vmem>>) target_semaphore(%arg32 : memref<!tpu.dma_semaphore, #tpu.memory_space<semaphore_mem>>)
      %add3A_214 = arith.constant 4 : i32
      %add3A_215 = arith.addi %add3A_185, %add3A_214 : i32
      %mul3A_216 = arith.constant 40 : i32
      %mul3A_217 = arith.muli %add3A_215, %mul3A_216 : i32
      %add3A_218 = arith.addi %mul3A_4, %mul3A_217 : i32
      %dma_start3A_219 = tpu.memref_slice %arg3[%add3A_218] : memref<320000xi32, #tpu.memory_space<hbm>> -> memref<40xi32, #tpu.memory_space<hbm>>
      %dma_start3A_220 = tpu.memref_slice %arg3[%add3A_218] : memref<320000xi32, #tpu.memory_space<hbm>> -> memref<40xi32, #tpu.memory_space<hbm>>
      tpu.enqueue_dma source(%dma_start3A_220 : memref<40xi32, #tpu.memory_space<hbm>>) target(%arg8 : memref<40xi32, #tpu.memory_space<vmem>>) target_semaphore(%arg29 : memref<!tpu.dma_semaphore, #tpu.memory_space<semaphore_mem>>)
      %add3A_221 = arith.constant 1 : i32
      %add3A_222 = arith.addi %add3A_183, %add3A_221 : i32
      %dma_wait3A_223 = arith.constant 0 : i32
      %dma_wait3A_224 = arith.constant 0 : i32
      %dma_wait3A_225 = tpu.memref_slice %arg2[%dma_wait3A_223, %dma_wait3A_224] : memref<10000x128xf32, #tpu.memory_space<hbm>> -> memref<10000x128xf32, #tpu.memory_space<hbm>>
      tpu.wait_indirect_dma semaphore(%arg22 : memref<!tpu.dma_semaphore, #tpu.memory_space<semaphore_mem>>) src(%dma_wait3A_225 : memref<10000x128xf32, #tpu.memory_space<hbm>>) dst(%arg17 : memref<40x128xf32, #tpu.memory_space<vmem>>)
      %dma_wait3A_226 = arith.constant 0 : i32
      %dma_wait3A_227 = tpu.memref_slice %arg3[%dma_wait3A_226] : memref<320000xi32, #tpu.memory_space<hbm>> -> memref<40xi32, #tpu.memory_space<hbm>>
      %dma_wait3A_228 = arith.constant 0 : i32
      %dma_wait3A_229 = tpu.memref_slice %arg3[%dma_wait3A_228] : memref<320000xi32, #tpu.memory_space<hbm>> -> memref<40xi32, #tpu.memory_space<hbm>>
      tpu.wait_dma2 semaphore(%arg34 : memref<!tpu.dma_semaphore, #tpu.memory_space<semaphore_mem>>) src(%dma_wait3A_229 : memref<40xi32, #tpu.memory_space<hbm>>) dst(%arg13 : memref<40xi32, #tpu.memory_space<vmem>>)
      %dma_start3A_230 = arith.constant 0 : i32
      %dma_start3A_231 = arith.constant 0 : i32
      %dma_start3A_232 = tpu.memref_slice %arg19[%dma_start3A_230, %dma_start3A_231] : memref<10000x128xf32, #tpu.memory_space<vmem_shared>> -> memref<10000x128xf32, #tpu.memory_space<vmem_shared>>
      tpu.enqueue_indirect_dma source(%arg17 : memref<40x128xf32, #tpu.memory_space<vmem>>) target(%dma_start3A_232 : memref<10000x128xf32, #tpu.memory_space<vmem_shared>>) offsets(%arg13 : memref<40xi32, #tpu.memory_space<vmem>>) semaphore(%arg26 : memref<!tpu.dma_semaphore, #tpu.memory_space<semaphore_mem>>) {add = true}
      %dma_wait3A_233 = arith.constant 0 : i32
      %dma_wait3A_234 = arith.constant 0 : i32
      %dma_wait3A_235 = tpu.memref_slice %arg19[%dma_wait3A_233, %dma_wait3A_234] : memref<10000x128xf32, #tpu.memory_space<vmem_shared>> -> memref<10000x128xf32, #tpu.memory_space<vmem_shared>>
      tpu.wait_indirect_dma semaphore(%arg25 : memref<!tpu.dma_semaphore, #tpu.memory_space<semaphore_mem>>) src(%arg16 : memref<40x128xf32, #tpu.memory_space<vmem>>) dst(%dma_wait3A_235 : memref<10000x128xf32, #tpu.memory_space<vmem_shared>>)
      %dma_wait3A_236 = arith.constant 0 : i32
      %dma_wait3A_237 = tpu.memref_slice %arg3[%dma_wait3A_236] : memref<320000xi32, #tpu.memory_space<hbm>> -> memref<40xi32, #tpu.memory_space<hbm>>
      %dma_wait3A_238 = arith.constant 0 : i32
      %dma_wait3A_239 = tpu.memref_slice %arg3[%dma_wait3A_238] : memref<320000xi32, #tpu.memory_space<hbm>> -> memref<40xi32, #tpu.memory_space<hbm>>
      tpu.wait_dma2 semaphore(%arg29 : memref<!tpu.dma_semaphore, #tpu.memory_space<semaphore_mem>>) src(%dma_wait3A_239 : memref<40xi32, #tpu.memory_space<hbm>>) dst(%arg8 : memref<40xi32, #tpu.memory_space<vmem>>)
      %dma_start3A_240 = arith.constant 0 : i32
      %dma_start3A_241 = arith.constant 0 : i32
      %dma_start3A_242 = tpu.memref_slice %arg2[%dma_start3A_240, %dma_start3A_241] : memref<10000x128xf32, #tpu.memory_space<hbm>> -> memref<10000x128xf32, #tpu.memory_space<hbm>>
      tpu.enqueue_indirect_dma source(%dma_start3A_242 : memref<10000x128xf32, #tpu.memory_space<hbm>>) target(%arg16 : memref<40x128xf32, #tpu.memory_space<vmem>>) offsets(%arg8 : memref<40xi32, #tpu.memory_space<vmem>>) semaphore(%arg21 : memref<!tpu.dma_semaphore, #tpu.memory_space<semaphore_mem>>)
      %add3A_243 = arith.constant 4 : i32
      %add3A_244 = arith.addi %add3A_222, %add3A_243 : i32
      %sub3A_245 = arith.constant 1 : i32
      %sub3A_246 = arith.subi %add3A_244, %sub3A_245 : i32
      %mul3A_247 = arith.constant 40 : i32
      %mul3A_248 = arith.muli %sub3A_246, %mul3A_247 : i32
      %add3A_249 = arith.addi %mul3A_4, %mul3A_248 : i32
      %dma_start3A_250 = tpu.memref_slice %arg4[%add3A_249] : memref<320000xi32, #tpu.memory_space<hbm>> -> memref<40xi32, #tpu.memory_space<hbm>>
      %dma_start3A_251 = tpu.memref_slice %arg4[%add3A_249] : memref<320000xi32, #tpu.memory_space<hbm>> -> memref<40xi32, #tpu.memory_space<hbm>>
      tpu.enqueue_dma source(%dma_start3A_251 : memref<40xi32, #tpu.memory_space<hbm>>) target(%arg12 : memref<40xi32, #tpu.memory_space<vmem>>) target_semaphore(%arg33 : memref<!tpu.dma_semaphore, #tpu.memory_space<semaphore_mem>>)
      %add3A_252 = arith.constant 4 : i32
      %add3A_253 = arith.addi %add3A_222, %add3A_252 : i32
      %mul3A_254 = arith.constant 40 : i32
      %mul3A_255 = arith.muli %add3A_253, %mul3A_254 : i32
      %add3A_256 = arith.addi %mul3A_4, %mul3A_255 : i32
      %dma_start3A_257 = tpu.memref_slice %arg3[%add3A_256] : memref<320000xi32, #tpu.memory_space<hbm>> -> memref<40xi32, #tpu.memory_space<hbm>>
      %dma_start3A_258 = tpu.memref_slice %arg3[%add3A_256] : memref<320000xi32, #tpu.memory_space<hbm>> -> memref<40xi32, #tpu.memory_space<hbm>>
      tpu.enqueue_dma source(%dma_start3A_258 : memref<40xi32, #tpu.memory_space<hbm>>) target(%arg9 : memref<40xi32, #tpu.memory_space<vmem>>) target_semaphore(%arg30 : memref<!tpu.dma_semaphore, #tpu.memory_space<semaphore_mem>>)
      %add3A_259 = arith.constant 2 : i32
      %add3A_260 = arith.addi %add3A_183, %add3A_259 : i32
      %dma_wait3A_261 = arith.constant 0 : i32
      %dma_wait3A_262 = arith.constant 0 : i32
      %dma_wait3A_263 = tpu.memref_slice %arg2[%dma_wait3A_261, %dma_wait3A_262] : memref<10000x128xf32, #tpu.memory_space<hbm>> -> memref<10000x128xf32, #tpu.memory_space<hbm>>
      tpu.wait_indirect_dma semaphore(%arg23 : memref<!tpu.dma_semaphore, #tpu.memory_space<semaphore_mem>>) src(%dma_wait3A_263 : memref<10000x128xf32, #tpu.memory_space<hbm>>) dst(%arg18 : memref<40x128xf32, #tpu.memory_space<vmem>>)
      %dma_wait3A_264 = arith.constant 0 : i32
      %dma_wait3A_265 = tpu.memref_slice %arg3[%dma_wait3A_264] : memref<320000xi32, #tpu.memory_space<hbm>> -> memref<40xi32, #tpu.memory_space<hbm>>
      %dma_wait3A_266 = arith.constant 0 : i32
      %dma_wait3A_267 = tpu.memref_slice %arg3[%dma_wait3A_266] : memref<320000xi32, #tpu.memory_space<hbm>> -> memref<40xi32, #tpu.memory_space<hbm>>
      tpu.wait_dma2 semaphore(%arg35 : memref<!tpu.dma_semaphore, #tpu.memory_space<semaphore_mem>>) src(%dma_wait3A_267 : memref<40xi32, #tpu.memory_space<hbm>>) dst(%arg14 : memref<40xi32, #tpu.memory_space<vmem>>)
      %dma_start3A_268 = arith.constant 0 : i32
      %dma_start3A_269 = arith.constant 0 : i32
      %dma_start3A_270 = tpu.memref_slice %arg19[%dma_start3A_268, %dma_start3A_269] : memref<10000x128xf32, #tpu.memory_space<vmem_shared>> -> memref<10000x128xf32, #tpu.memory_space<vmem_shared>>
      tpu.enqueue_indirect_dma source(%arg18 : memref<40x128xf32, #tpu.memory_space<vmem>>) target(%dma_start3A_270 : memref<10000x128xf32, #tpu.memory_space<vmem_shared>>) offsets(%arg14 : memref<40xi32, #tpu.memory_space<vmem>>) semaphore(%arg27 : memref<!tpu.dma_semaphore, #tpu.memory_space<semaphore_mem>>) {add = true}
      %dma_wait3A_271 = arith.constant 0 : i32
      %dma_wait3A_272 = arith.constant 0 : i32
      %dma_wait3A_273 = tpu.memref_slice %arg19[%dma_wait3A_271, %dma_wait3A_272] : memref<10000x128xf32, #tpu.memory_space<vmem_shared>> -> memref<10000x128xf32, #tpu.memory_space<vmem_shared>>
      tpu.wait_indirect_dma semaphore(%arg26 : memref<!tpu.dma_semaphore, #tpu.memory_space<semaphore_mem>>) src(%arg17 : memref<40x128xf32, #tpu.memory_space<vmem>>) dst(%dma_wait3A_273 : memref<10000x128xf32, #tpu.memory_space<vmem_shared>>)
      %dma_wait3A_274 = arith.constant 0 : i32
      %dma_wait3A_275 = tpu.memref_slice %arg3[%dma_wait3A_274] : memref<320000xi32, #tpu.memory_space<hbm>> -> memref<40xi32, #tpu.memory_space<hbm>>
      %dma_wait3A_276 = arith.constant 0 : i32
      %dma_wait3A_277 = tpu.memref_slice %arg3[%dma_wait3A_276] : memref<320000xi32, #tpu.memory_space<hbm>> -> memref<40xi32, #tpu.memory_space<hbm>>
      tpu.wait_dma2 semaphore(%arg30 : memref<!tpu.dma_semaphore, #tpu.memory_space<semaphore_mem>>) src(%dma_wait3A_277 : memref<40xi32, #tpu.memory_space<hbm>>) dst(%arg9 : memref<40xi32, #tpu.memory_space<vmem>>)
      %dma_start3A_278 = arith.constant 0 : i32
      %dma_start3A_279 = arith.constant 0 : i32
      %dma_start3A_280 = tpu.memref_slice %arg2[%dma_start3A_278, %dma_start3A_279] : memref<10000x128xf32, #tpu.memory_space<hbm>> -> memref<10000x128xf32, #tpu.memory_space<hbm>>
      tpu.enqueue_indirect_dma source(%dma_start3A_280 : memref<10000x128xf32, #tpu.memory_space<hbm>>) target(%arg17 : memref<40x128xf32, #tpu.memory_space<vmem>>) offsets(%arg9 : memref<40xi32, #tpu.memory_space<vmem>>) semaphore(%arg22 : memref<!tpu.dma_semaphore, #tpu.memory_space<semaphore_mem>>)
      %add3A_281 = arith.constant 4 : i32
      %add3A_282 = arith.addi %add3A_260, %add3A_281 : i32
      %sub3A_283 = arith.constant 1 : i32
      %sub3A_284 = arith.subi %add3A_282, %sub3A_283 : i32
      %mul3A_285 = arith.constant 40 : i32
      %mul3A_286 = arith.muli %sub3A_284, %mul3A_285 : i32
      %add3A_287 = arith.addi %mul3A_4, %mul3A_286 : i32
      %dma_start3A_288 = tpu.memref_slice %arg4[%add3A_287] : memref<320000xi32, #tpu.memory_space<hbm>> -> memref<40xi32, #tpu.memory_space<hbm>>
      %dma_start3A_289 = tpu.memref_slice %arg4[%add3A_287] : memref<320000xi32, #tpu.memory_space<hbm>> -> memref<40xi32, #tpu.memory_space<hbm>>
      tpu.enqueue_dma source(%dma_start3A_289 : memref<40xi32, #tpu.memory_space<hbm>>) target(%arg13 : memref<40xi32, #tpu.memory_space<vmem>>) target_semaphore(%arg34 : memref<!tpu.dma_semaphore, #tpu.memory_space<semaphore_mem>>)
      %add3A_290 = arith.constant 4 : i32
      %add3A_291 = arith.addi %add3A_260, %add3A_290 : i32
      %mul3A_292 = arith.constant 40 : i32
      %mul3A_293 = arith.muli %add3A_291, %mul3A_292 : i32
      %add3A_294 = arith.addi %mul3A_4, %mul3A_293 : i32
      %dma_start3A_295 = tpu.memref_slice %arg3[%add3A_294] : memref<320000xi32, #tpu.memory_space<hbm>> -> memref<40xi32, #tpu.memory_space<hbm>>
      %dma_start3A_296 = tpu.memref_slice %arg3[%add3A_294] : memref<320000xi32, #tpu.memory_space<hbm>> -> memref<40xi32, #tpu.memory_space<hbm>>
      tpu.enqueue_dma source(%dma_start3A_296 : memref<40xi32, #tpu.memory_space<hbm>>) target(%arg10 : memref<40xi32, #tpu.memory_space<vmem>>) target_semaphore(%arg31 : memref<!tpu.dma_semaphore, #tpu.memory_space<semaphore_mem>>)
      %add3A_297 = arith.constant 3 : i32
      %add3A_298 = arith.addi %add3A_183, %add3A_297 : i32
      %dma_wait3A_299 = arith.constant 0 : i32
      %dma_wait3A_300 = arith.constant 0 : i32
      %dma_wait3A_301 = tpu.memref_slice %arg2[%dma_wait3A_299, %dma_wait3A_300] : memref<10000x128xf32, #tpu.memory_space<hbm>> -> memref<10000x128xf32, #tpu.memory_space<hbm>>
      tpu.wait_indirect_dma semaphore(%arg20 : memref<!tpu.dma_semaphore, #tpu.memory_space<semaphore_mem>>) src(%dma_wait3A_301 : memref<10000x128xf32, #tpu.memory_space<hbm>>) dst(%arg15 : memref<40x128xf32, #tpu.memory_space<vmem>>)
      %dma_wait3A_302 = arith.constant 0 : i32
      %dma_wait3A_303 = tpu.memref_slice %arg3[%dma_wait3A_302] : memref<320000xi32, #tpu.memory_space<hbm>> -> memref<40xi32, #tpu.memory_space<hbm>>
      %dma_wait3A_304 = arith.constant 0 : i32
      %dma_wait3A_305 = tpu.memref_slice %arg3[%dma_wait3A_304] : memref<320000xi32, #tpu.memory_space<hbm>> -> memref<40xi32, #tpu.memory_space<hbm>>
      tpu.wait_dma2 semaphore(%arg32 : memref<!tpu.dma_semaphore, #tpu.memory_space<semaphore_mem>>) src(%dma_wait3A_305 : memref<40xi32, #tpu.memory_space<hbm>>) dst(%arg11 : memref<40xi32, #tpu.memory_space<vmem>>)
      %dma_start3A_306 = arith.constant 0 : i32
      %dma_start3A_307 = arith.constant 0 : i32
      %dma_start3A_308 = tpu.memref_slice %arg19[%dma_start3A_306, %dma_start3A_307] : memref<10000x128xf32, #tpu.memory_space<vmem_shared>> -> memref<10000x128xf32, #tpu.memory_space<vmem_shared>>
      tpu.enqueue_indirect_dma source(%arg15 : memref<40x128xf32, #tpu.memory_space<vmem>>) target(%dma_start3A_308 : memref<10000x128xf32, #tpu.memory_space<vmem_shared>>) offsets(%arg11 : memref<40xi32, #tpu.memory_space<vmem>>) semaphore(%arg24 : memref<!tpu.dma_semaphore, #tpu.memory_space<semaphore_mem>>) {add = true}
      %dma_wait3A_309 = arith.constant 0 : i32
      %dma_wait3A_310 = arith.constant 0 : i32
      %dma_wait3A_311 = tpu.memref_slice %arg19[%dma_wait3A_309, %dma_wait3A_310] : memref<10000x128xf32, #tpu.memory_space<vmem_shared>> -> memref<10000x128xf32, #tpu.memory_space<vmem_shared>>
      tpu.wait_indirect_dma semaphore(%arg27 : memref<!tpu.dma_semaphore, #tpu.memory_space<semaphore_mem>>) src(%arg18 : memref<40x128xf32, #tpu.memory_space<vmem>>) dst(%dma_wait3A_311 : memref<10000x128xf32, #tpu.memory_space<vmem_shared>>)
      %dma_wait3A_312 = arith.constant 0 : i32
      %dma_wait3A_313 = tpu.memref_slice %arg3[%dma_wait3A_312] : memref<320000xi32, #tpu.memory_space<hbm>> -> memref<40xi32, #tpu.memory_space<hbm>>
      %dma_wait3A_314 = arith.constant 0 : i32
      %dma_wait3A_315 = tpu.memref_slice %arg3[%dma_wait3A_314] : memref<320000xi32, #tpu.memory_space<hbm>> -> memref<40xi32, #tpu.memory_space<hbm>>
      tpu.wait_dma2 semaphore(%arg31 : memref<!tpu.dma_semaphore, #tpu.memory_space<semaphore_mem>>) src(%dma_wait3A_315 : memref<40xi32, #tpu.memory_space<hbm>>) dst(%arg10 : memref<40xi32, #tpu.memory_space<vmem>>)
      %dma_start3A_316 = arith.constant 0 : i32
      %dma_start3A_317 = arith.constant 0 : i32
      %dma_start3A_318 = tpu.memref_slice %arg2[%dma_start3A_316, %dma_start3A_317] : memref<10000x128xf32, #tpu.memory_space<hbm>> -> memref<10000x128xf32, #tpu.memory_space<hbm>>
      tpu.enqueue_indirect_dma source(%dma_start3A_318 : memref<10000x128xf32, #tpu.memory_space<hbm>>) target(%arg18 : memref<40x128xf32, #tpu.memory_space<vmem>>) offsets(%arg10 : memref<40xi32, #tpu.memory_space<vmem>>) semaphore(%arg23 : memref<!tpu.dma_semaphore, #tpu.memory_space<semaphore_mem>>)
      %add3A_319 = arith.constant 4 : i32
      %add3A_320 = arith.addi %add3A_298, %add3A_319 : i32
      %sub3A_321 = arith.constant 1 : i32
      %sub3A_322 = arith.subi %add3A_320, %sub3A_321 : i32
      %mul3A_323 = arith.constant 40 : i32
      %mul3A_324 = arith.muli %sub3A_322, %mul3A_323 : i32
      %add3A_325 = arith.addi %mul3A_4, %mul3A_324 : i32
      %dma_start3A_326 = tpu.memref_slice %arg4[%add3A_325] : memref<320000xi32, #tpu.memory_space<hbm>> -> memref<40xi32, #tpu.memory_space<hbm>>
      %dma_start3A_327 = tpu.memref_slice %arg4[%add3A_325] : memref<320000xi32, #tpu.memory_space<hbm>> -> memref<40xi32, #tpu.memory_space<hbm>>
      tpu.enqueue_dma source(%dma_start3A_327 : memref<40xi32, #tpu.memory_space<hbm>>) target(%arg14 : memref<40xi32, #tpu.memory_space<vmem>>) target_semaphore(%arg35 : memref<!tpu.dma_semaphore, #tpu.memory_space<semaphore_mem>>)
      %add3A_328 = arith.constant 4 : i32
      %add3A_329 = arith.addi %add3A_298, %add3A_328 : i32
      %mul3A_330 = arith.constant 40 : i32
      %mul3A_331 = arith.muli %add3A_329, %mul3A_330 : i32
      %add3A_332 = arith.addi %mul3A_4, %mul3A_331 : i32
      %dma_start3A_333 = tpu.memref_slice %arg3[%add3A_332] : memref<320000xi32, #tpu.memory_space<hbm>> -> memref<40xi32, #tpu.memory_space<hbm>>
      %dma_start3A_334 = tpu.memref_slice %arg3[%add3A_332] : memref<320000xi32, #tpu.memory_space<hbm>> -> memref<40xi32, #tpu.memory_space<hbm>>
      tpu.enqueue_dma source(%dma_start3A_334 : memref<40xi32, #tpu.memory_space<hbm>>) target(%arg7 : memref<40xi32, #tpu.memory_space<vmem>>) target_semaphore(%arg28 : memref<!tpu.dma_semaphore, #tpu.memory_space<semaphore_mem>>)
    }
    %scan3A_74 = arith.constant 61 : i32
    %dma_wait3A_75 = arith.constant 0 : i32
    %dma_wait3A_76 = arith.constant 0 : i32
    %dma_wait3A_77 = tpu.memref_slice %arg2[%dma_wait3A_75, %dma_wait3A_76] : memref<10000x128xf32, #tpu.memory_space<hbm>> -> memref<10000x128xf32, #tpu.memory_space<hbm>>
    tpu.wait_indirect_dma semaphore(%arg21 : memref<!tpu.dma_semaphore, #tpu.memory_space<semaphore_mem>>) src(%dma_wait3A_77 : memref<10000x128xf32, #tpu.memory_space<hbm>>) dst(%arg16 : memref<40x128xf32, #tpu.memory_space<vmem>>)
    %dma_wait3A_78 = arith.constant 0 : i32
    %dma_wait3A_79 = tpu.memref_slice %arg3[%dma_wait3A_78] : memref<320000xi32, #tpu.memory_space<hbm>> -> memref<40xi32, #tpu.memory_space<hbm>>
    %dma_wait3A_80 = arith.constant 0 : i32
    %dma_wait3A_81 = tpu.memref_slice %arg3[%dma_wait3A_80] : memref<320000xi32, #tpu.memory_space<hbm>> -> memref<40xi32, #tpu.memory_space<hbm>>
    tpu.wait_dma2 semaphore(%arg33 : memref<!tpu.dma_semaphore, #tpu.memory_space<semaphore_mem>>) src(%dma_wait3A_81 : memref<40xi32, #tpu.memory_space<hbm>>) dst(%arg12 : memref<40xi32, #tpu.memory_space<vmem>>)
    %dma_start3A_82 = arith.constant 0 : i32
    %dma_start3A_83 = arith.constant 0 : i32
    %dma_start3A_84 = tpu.memref_slice %arg19[%dma_start3A_82, %dma_start3A_83] : memref<10000x128xf32, #tpu.memory_space<vmem_shared>> -> memref<10000x128xf32, #tpu.memory_space<vmem_shared>>
    tpu.enqueue_indirect_dma source(%arg16 : memref<40x128xf32, #tpu.memory_space<vmem>>) target(%dma_start3A_84 : memref<10000x128xf32, #tpu.memory_space<vmem_shared>>) offsets(%arg12 : memref<40xi32, #tpu.memory_space<vmem>>) semaphore(%arg25 : memref<!tpu.dma_semaphore, #tpu.memory_space<semaphore_mem>>) {add = true}
    %dma_wait3A_85 = arith.constant 0 : i32
    %dma_wait3A_86 = arith.constant 0 : i32
    %dma_wait3A_87 = tpu.memref_slice %arg19[%dma_wait3A_85, %dma_wait3A_86] : memref<10000x128xf32, #tpu.memory_space<vmem_shared>> -> memref<10000x128xf32, #tpu.memory_space<vmem_shared>>
    tpu.wait_indirect_dma semaphore(%arg24 : memref<!tpu.dma_semaphore, #tpu.memory_space<semaphore_mem>>) src(%arg15 : memref<40x128xf32, #tpu.memory_space<vmem>>) dst(%dma_wait3A_87 : memref<10000x128xf32, #tpu.memory_space<vmem_shared>>)
    %dma_wait3A_88 = arith.constant 0 : i32
    %dma_wait3A_89 = tpu.memref_slice %arg3[%dma_wait3A_88] : memref<320000xi32, #tpu.memory_space<hbm>> -> memref<40xi32, #tpu.memory_space<hbm>>
    %dma_wait3A_90 = arith.constant 0 : i32
    %dma_wait3A_91 = tpu.memref_slice %arg3[%dma_wait3A_90] : memref<320000xi32, #tpu.memory_space<hbm>> -> memref<40xi32, #tpu.memory_space<hbm>>
    tpu.wait_dma2 semaphore(%arg28 : memref<!tpu.dma_semaphore, #tpu.memory_space<semaphore_mem>>) src(%dma_wait3A_91 : memref<40xi32, #tpu.memory_space<hbm>>) dst(%arg7 : memref<40xi32, #tpu.memory_space<vmem>>)
    %dma_start3A_92 = arith.constant 0 : i32
    %dma_start3A_93 = arith.constant 0 : i32
    %dma_start3A_94 = tpu.memref_slice %arg2[%dma_start3A_92, %dma_start3A_93] : memref<10000x128xf32, #tpu.memory_space<hbm>> -> memref<10000x128xf32, #tpu.memory_space<hbm>>
    tpu.enqueue_indirect_dma source(%dma_start3A_94 : memref<10000x128xf32, #tpu.memory_space<hbm>>) target(%arg15 : memref<40x128xf32, #tpu.memory_space<vmem>>) offsets(%arg7 : memref<40xi32, #tpu.memory_space<vmem>>) semaphore(%arg20 : memref<!tpu.dma_semaphore, #tpu.memory_space<semaphore_mem>>)
    %add3A_95 = arith.constant 9920 : i32
    %add3A_96 = arith.addi %mul3A_4, %add3A_95 : i32
    %dma_start3A_97 = tpu.memref_slice %arg4[%add3A_96] : memref<320000xi32, #tpu.memory_space<hbm>> -> memref<40xi32, #tpu.memory_space<hbm>>
    %dma_start3A_98 = tpu.memref_slice %arg4[%add3A_96] : memref<320000xi32, #tpu.memory_space<hbm>> -> memref<40xi32, #tpu.memory_space<hbm>>
    tpu.enqueue_dma source(%dma_start3A_98 : memref<40xi32, #tpu.memory_space<hbm>>) target(%arg11 : memref<40xi32, #tpu.memory_space<vmem>>) target_semaphore(%arg32 : memref<!tpu.dma_semaphore, #tpu.memory_space<semaphore_mem>>)
    %add3A_99 = arith.constant 9960 : i32
    %add3A_100 = arith.addi %mul3A_4, %add3A_99 : i32
    %dma_start3A_101 = tpu.memref_slice %arg3[%add3A_100] : memref<320000xi32, #tpu.memory_space<hbm>> -> memref<40xi32, #tpu.memory_space<hbm>>
    %dma_start3A_102 = tpu.memref_slice %arg3[%add3A_100] : memref<320000xi32, #tpu.memory_space<hbm>> -> memref<40xi32, #tpu.memory_space<hbm>>
    tpu.enqueue_dma source(%dma_start3A_102 : memref<40xi32, #tpu.memory_space<hbm>>) target(%arg8 : memref<40xi32, #tpu.memory_space<vmem>>) target_semaphore(%arg29 : memref<!tpu.dma_semaphore, #tpu.memory_space<semaphore_mem>>)
    %dma_wait3A_103 = arith.constant 0 : i32
    %dma_wait3A_104 = arith.constant 0 : i32
    %dma_wait3A_105 = tpu.memref_slice %arg2[%dma_wait3A_103, %dma_wait3A_104] : memref<10000x128xf32, #tpu.memory_space<hbm>> -> memref<10000x128xf32, #tpu.memory_space<hbm>>
    tpu.wait_indirect_dma semaphore(%arg22 : memref<!tpu.dma_semaphore, #tpu.memory_space<semaphore_mem>>) src(%dma_wait3A_105 : memref<10000x128xf32, #tpu.memory_space<hbm>>) dst(%arg17 : memref<40x128xf32, #tpu.memory_space<vmem>>)
    %dma_wait3A_106 = arith.constant 0 : i32
    %dma_wait3A_107 = tpu.memref_slice %arg3[%dma_wait3A_106] : memref<320000xi32, #tpu.memory_space<hbm>> -> memref<40xi32, #tpu.memory_space<hbm>>
    %dma_wait3A_108 = arith.constant 0 : i32
    %dma_wait3A_109 = tpu.memref_slice %arg3[%dma_wait3A_108] : memref<320000xi32, #tpu.memory_space<hbm>> -> memref<40xi32, #tpu.memory_space<hbm>>
    tpu.wait_dma2 semaphore(%arg34 : memref<!tpu.dma_semaphore, #tpu.memory_space<semaphore_mem>>) src(%dma_wait3A_109 : memref<40xi32, #tpu.memory_space<hbm>>) dst(%arg13 : memref<40xi32, #tpu.memory_space<vmem>>)
    %dma_start3A_110 = arith.constant 0 : i32
    %dma_start3A_111 = arith.constant 0 : i32
    %dma_start3A_112 = tpu.memref_slice %arg19[%dma_start3A_110, %dma_start3A_111] : memref<10000x128xf32, #tpu.memory_space<vmem_shared>> -> memref<10000x128xf32, #tpu.memory_space<vmem_shared>>
    tpu.enqueue_indirect_dma source(%arg17 : memref<40x128xf32, #tpu.memory_space<vmem>>) target(%dma_start3A_112 : memref<10000x128xf32, #tpu.memory_space<vmem_shared>>) offsets(%arg13 : memref<40xi32, #tpu.memory_space<vmem>>) semaphore(%arg26 : memref<!tpu.dma_semaphore, #tpu.memory_space<semaphore_mem>>) {add = true}
    %dma_wait3A_113 = arith.constant 0 : i32
    %dma_wait3A_114 = arith.constant 0 : i32
    %dma_wait3A_115 = tpu.memref_slice %arg19[%dma_wait3A_113, %dma_wait3A_114] : memref<10000x128xf32, #tpu.memory_space<vmem_shared>> -> memref<10000x128xf32, #tpu.memory_space<vmem_shared>>
    tpu.wait_indirect_dma semaphore(%arg25 : memref<!tpu.dma_semaphore, #tpu.memory_space<semaphore_mem>>) src(%arg16 : memref<40x128xf32, #tpu.memory_space<vmem>>) dst(%dma_wait3A_115 : memref<10000x128xf32, #tpu.memory_space<vmem_shared>>)
    %dma_wait3A_116 = arith.constant 0 : i32
    %dma_wait3A_117 = tpu.memref_slice %arg3[%dma_wait3A_116] : memref<320000xi32, #tpu.memory_space<hbm>> -> memref<40xi32, #tpu.memory_space<hbm>>
    %dma_wait3A_118 = arith.constant 0 : i32
    %dma_wait3A_119 = tpu.memref_slice %arg3[%dma_wait3A_118] : memref<320000xi32, #tpu.memory_space<hbm>> -> memref<40xi32, #tpu.memory_space<hbm>>
    tpu.wait_dma2 semaphore(%arg29 : memref<!tpu.dma_semaphore, #tpu.memory_space<semaphore_mem>>) src(%dma_wait3A_119 : memref<40xi32, #tpu.memory_space<hbm>>) dst(%arg8 : memref<40xi32, #tpu.memory_space<vmem>>)
    %dma_start3A_120 = arith.constant 0 : i32
    %dma_start3A_121 = arith.constant 0 : i32
    %dma_start3A_122 = tpu.memref_slice %arg2[%dma_start3A_120, %dma_start3A_121] : memref<10000x128xf32, #tpu.memory_space<hbm>> -> memref<10000x128xf32, #tpu.memory_space<hbm>>
    tpu.enqueue_indirect_dma source(%dma_start3A_122 : memref<10000x128xf32, #tpu.memory_space<hbm>>) target(%arg16 : memref<40x128xf32, #tpu.memory_space<vmem>>) offsets(%arg8 : memref<40xi32, #tpu.memory_space<vmem>>) semaphore(%arg21 : memref<!tpu.dma_semaphore, #tpu.memory_space<semaphore_mem>>)
    %add3A_123 = arith.constant 9960 : i32
    %add3A_124 = arith.addi %mul3A_4, %add3A_123 : i32
    %dma_start3A_125 = tpu.memref_slice %arg4[%add3A_124] : memref<320000xi32, #tpu.memory_space<hbm>> -> memref<40xi32, #tpu.memory_space<hbm>>
    %dma_start3A_126 = tpu.memref_slice %arg4[%add3A_124] : memref<320000xi32, #tpu.memory_space<hbm>> -> memref<40xi32, #tpu.memory_space<hbm>>
    tpu.enqueue_dma source(%dma_start3A_126 : memref<40xi32, #tpu.memory_space<hbm>>) target(%arg12 : memref<40xi32, #tpu.memory_space<vmem>>) target_semaphore(%arg33 : memref<!tpu.dma_semaphore, #tpu.memory_space<semaphore_mem>>)
    %dma_wait3A_127 = arith.constant 0 : i32
    %dma_wait3A_128 = arith.constant 0 : i32
    %dma_wait3A_129 = tpu.memref_slice %arg2[%dma_wait3A_127, %dma_wait3A_128] : memref<10000x128xf32, #tpu.memory_space<hbm>> -> memref<10000x128xf32, #tpu.memory_space<hbm>>
    tpu.wait_indirect_dma semaphore(%arg23 : memref<!tpu.dma_semaphore, #tpu.memory_space<semaphore_mem>>) src(%dma_wait3A_129 : memref<10000x128xf32, #tpu.memory_space<hbm>>) dst(%arg18 : memref<40x128xf32, #tpu.memory_space<vmem>>)
    %dma_wait3A_130 = arith.constant 0 : i32
    %dma_wait3A_131 = tpu.memref_slice %arg3[%dma_wait3A_130] : memref<320000xi32, #tpu.memory_space<hbm>> -> memref<40xi32, #tpu.memory_space<hbm>>
    %dma_wait3A_132 = arith.constant 0 : i32
    %dma_wait3A_133 = tpu.memref_slice %arg3[%dma_wait3A_132] : memref<320000xi32, #tpu.memory_space<hbm>> -> memref<40xi32, #tpu.memory_space<hbm>>
    tpu.wait_dma2 semaphore(%arg35 : memref<!tpu.dma_semaphore, #tpu.memory_space<semaphore_mem>>) src(%dma_wait3A_133 : memref<40xi32, #tpu.memory_space<hbm>>) dst(%arg14 : memref<40xi32, #tpu.memory_space<vmem>>)
    %dma_start3A_134 = arith.constant 0 : i32
    %dma_start3A_135 = arith.constant 0 : i32
    %dma_start3A_136 = tpu.memref_slice %arg19[%dma_start3A_134, %dma_start3A_135] : memref<10000x128xf32, #tpu.memory_space<vmem_shared>> -> memref<10000x128xf32, #tpu.memory_space<vmem_shared>>
    tpu.enqueue_indirect_dma source(%arg18 : memref<40x128xf32, #tpu.memory_space<vmem>>) target(%dma_start3A_136 : memref<10000x128xf32, #tpu.memory_space<vmem_shared>>) offsets(%arg14 : memref<40xi32, #tpu.memory_space<vmem>>) semaphore(%arg27 : memref<!tpu.dma_semaphore, #tpu.memory_space<semaphore_mem>>) {add = true}
    %dma_wait3A_137 = arith.constant 0 : i32
    %dma_wait3A_138 = arith.constant 0 : i32
    %dma_wait3A_139 = tpu.memref_slice %arg19[%dma_wait3A_137, %dma_wait3A_138] : memref<10000x128xf32, #tpu.memory_space<vmem_shared>> -> memref<10000x128xf32, #tpu.memory_space<vmem_shared>>
    tpu.wait_indirect_dma semaphore(%arg26 : memref<!tpu.dma_semaphore, #tpu.memory_space<semaphore_mem>>) src(%arg17 : memref<40x128xf32, #tpu.memory_space<vmem>>) dst(%dma_wait3A_139 : memref<10000x128xf32, #tpu.memory_space<vmem_shared>>)
    %dma_wait3A_140 = arith.constant 0 : i32
    %dma_wait3A_141 = arith.constant 0 : i32
    %dma_wait3A_142 = tpu.memref_slice %arg2[%dma_wait3A_140, %dma_wait3A_141] : memref<10000x128xf32, #tpu.memory_space<hbm>> -> memref<10000x128xf32, #tpu.memory_space<hbm>>
    tpu.wait_indirect_dma semaphore(%arg20 : memref<!tpu.dma_semaphore, #tpu.memory_space<semaphore_mem>>) src(%dma_wait3A_142 : memref<10000x128xf32, #tpu.memory_space<hbm>>) dst(%arg15 : memref<40x128xf32, #tpu.memory_space<vmem>>)
    %dma_wait3A_143 = arith.constant 0 : i32
    %dma_wait3A_144 = tpu.memref_slice %arg3[%dma_wait3A_143] : memref<320000xi32, #tpu.memory_space<hbm>> -> memref<40xi32, #tpu.memory_space<hbm>>
    %dma_wait3A_145 = arith.constant 0 : i32
    %dma_wait3A_146 = tpu.memref_slice %arg3[%dma_wait3A_145] : memref<320000xi32, #tpu.memory_space<hbm>> -> memref<40xi32, #tpu.memory_space<hbm>>
    tpu.wait_dma2 semaphore(%arg32 : memref<!tpu.dma_semaphore, #tpu.memory_space<semaphore_mem>>) src(%dma_wait3A_146 : memref<40xi32, #tpu.memory_space<hbm>>) dst(%arg11 : memref<40xi32, #tpu.memory_space<vmem>>)
    %dma_start3A_147 = arith.constant 0 : i32
    %dma_start3A_148 = arith.constant 0 : i32
    %dma_start3A_149 = tpu.memref_slice %arg19[%dma_start3A_147, %dma_start3A_148] : memref<10000x128xf32, #tpu.memory_space<vmem_shared>> -> memref<10000x128xf32, #tpu.memory_space<vmem_shared>>
    tpu.enqueue_indirect_dma source(%arg15 : memref<40x128xf32, #tpu.memory_space<vmem>>) target(%dma_start3A_149 : memref<10000x128xf32, #tpu.memory_space<vmem_shared>>) offsets(%arg11 : memref<40xi32, #tpu.memory_space<vmem>>) semaphore(%arg24 : memref<!tpu.dma_semaphore, #tpu.memory_space<semaphore_mem>>) {add = true}
    %dma_wait3A_150 = arith.constant 0 : i32
    %dma_wait3A_151 = arith.constant 0 : i32
    %dma_wait3A_152 = tpu.memref_slice %arg19[%dma_wait3A_150, %dma_wait3A_151] : memref<10000x128xf32, #tpu.memory_space<vmem_shared>> -> memref<10000x128xf32, #tpu.memory_space<vmem_shared>>
    tpu.wait_indirect_dma semaphore(%arg27 : memref<!tpu.dma_semaphore, #tpu.memory_space<semaphore_mem>>) src(%arg18 : memref<40x128xf32, #tpu.memory_space<vmem>>) dst(%dma_wait3A_152 : memref<10000x128xf32, #tpu.memory_space<vmem_shared>>)
    %dma_wait3A_153 = arith.constant 0 : i32
    %dma_wait3A_154 = arith.constant 0 : i32
    %dma_wait3A_155 = tpu.memref_slice %arg2[%dma_wait3A_153, %dma_wait3A_154] : memref<10000x128xf32, #tpu.memory_space<hbm>> -> memref<10000x128xf32, #tpu.memory_space<hbm>>
    tpu.wait_indirect_dma semaphore(%arg21 : memref<!tpu.dma_semaphore, #tpu.memory_space<semaphore_mem>>) src(%dma_wait3A_155 : memref<10000x128xf32, #tpu.memory_space<hbm>>) dst(%arg16 : memref<40x128xf32, #tpu.memory_space<vmem>>)
    %dma_wait3A_156 = arith.constant 0 : i32
    %dma_wait3A_157 = tpu.memref_slice %arg3[%dma_wait3A_156] : memref<320000xi32, #tpu.memory_space<hbm>> -> memref<40xi32, #tpu.memory_space<hbm>>
    %dma_wait3A_158 = arith.constant 0 : i32
    %dma_wait3A_159 = tpu.memref_slice %arg3[%dma_wait3A_158] : memref<320000xi32, #tpu.memory_space<hbm>> -> memref<40xi32, #tpu.memory_space<hbm>>
    tpu.wait_dma2 semaphore(%arg33 : memref<!tpu.dma_semaphore, #tpu.memory_space<semaphore_mem>>) src(%dma_wait3A_159 : memref<40xi32, #tpu.memory_space<hbm>>) dst(%arg12 : memref<40xi32, #tpu.memory_space<vmem>>)
    %dma_start3A_160 = arith.constant 0 : i32
    %dma_start3A_161 = arith.constant 0 : i32
    %dma_start3A_162 = tpu.memref_slice %arg19[%dma_start3A_160, %dma_start3A_161] : memref<10000x128xf32, #tpu.memory_space<vmem_shared>> -> memref<10000x128xf32, #tpu.memory_space<vmem_shared>>
    tpu.enqueue_indirect_dma source(%arg16 : memref<40x128xf32, #tpu.memory_space<vmem>>) target(%dma_start3A_162 : memref<10000x128xf32, #tpu.memory_space<vmem_shared>>) offsets(%arg12 : memref<40xi32, #tpu.memory_space<vmem>>) semaphore(%arg25 : memref<!tpu.dma_semaphore, #tpu.memory_space<semaphore_mem>>) {add = true}
    %dma_wait3A_163 = arith.constant 0 : i32
    %dma_wait3A_164 = arith.constant 0 : i32
    %dma_wait3A_165 = tpu.memref_slice %arg19[%dma_wait3A_163, %dma_wait3A_164] : memref<10000x128xf32, #tpu.memory_space<vmem_shared>> -> memref<10000x128xf32, #tpu.memory_space<vmem_shared>>
    tpu.wait_indirect_dma semaphore(%arg24 : memref<!tpu.dma_semaphore, #tpu.memory_space<semaphore_mem>>) src(%arg15 : memref<40x128xf32, #tpu.memory_space<vmem>>) dst(%dma_wait3A_165 : memref<10000x128xf32, #tpu.memory_space<vmem_shared>>)
    %dma_wait3A_166 = arith.constant 0 : i32
    %dma_wait3A_167 = arith.constant 0 : i32
    %dma_wait3A_168 = tpu.memref_slice %arg19[%dma_wait3A_166, %dma_wait3A_167] : memref<10000x128xf32, #tpu.memory_space<vmem_shared>> -> memref<10000x128xf32, #tpu.memory_space<vmem_shared>>
    tpu.wait_indirect_dma semaphore(%arg25 : memref<!tpu.dma_semaphore, #tpu.memory_space<semaphore_mem>>) src(%arg16 : memref<40x128xf32, #tpu.memory_space<vmem>>) dst(%dma_wait3A_168 : memref<10000x128xf32, #tpu.memory_space<vmem_shared>>)
    %barrier3A_169 = arith.constant 0 : index
    tpu.barrier barrier_id(%barrier3A_169)
    "tpu.region"() ({
      %run_scoped3A = tpu.sem_alloc : memref<!tpu.dma_semaphore, #tpu.memory_space<semaphore_mem>>
      %dma_start3A_175 = arith.constant 0 : i32
      %dma_start3A_176 = arith.constant 0 : i32
      %dma_start3A_177 = tpu.memref_slice %arg6[%arg0, %dma_start3A_175, %dma_start3A_176] : memref<2x10000x128xf32, #tpu.memory_space<hbm>> -> memref<1x10000x128xf32, #tpu.memory_space<hbm>>
      %dma_start3A_178 = tpu.memref_squeeze %dma_start3A_177 : memref<1x10000x128xf32, #tpu.memory_space<hbm>> -> memref<10000x128xf32, #tpu.memory_space<hbm>>
      %dma_start3A_179 = arith.constant 0 : i32
      %dma_start3A_180 = tpu.memref_slice %dma_start3A_178[%mul3A_2, %dma_start3A_179] : memref<10000x128xf32, #tpu.memory_space<hbm>> -> memref<624x128xf32, #tpu.memory_space<hbm>>
      %dma_start3A_181 = arith.constant 0 : i32
      %dma_start3A_182 = tpu.memref_slice %arg19[%mul3A_2, %dma_start3A_181] : memref<10000x128xf32, #tpu.memory_space<vmem_shared>> -> memref<624x128xf32, #tpu.memory_space<vmem_shared>>
      tpu.enqueue_dma source(%dma_start3A_182 : memref<624x128xf32, #tpu.memory_space<vmem_shared>>) target(%dma_start3A_180 : memref<624x128xf32, #tpu.memory_space<hbm>>) target_semaphore(%run_scoped3A : memref<!tpu.dma_semaphore, #tpu.memory_space<semaphore_mem>>)
      %dma_wait3A_183 = arith.constant 0 : i32
      %dma_wait3A_184 = arith.constant 0 : i32
      %dma_wait3A_185 = tpu.memref_slice %arg6[%arg0, %dma_wait3A_183, %dma_wait3A_184] : memref<2x10000x128xf32, #tpu.memory_space<hbm>> -> memref<1x10000x128xf32, #tpu.memory_space<hbm>>
      %dma_wait3A_186 = tpu.memref_squeeze %dma_wait3A_185 : memref<1x10000x128xf32, #tpu.memory_space<hbm>> -> memref<10000x128xf32, #tpu.memory_space<hbm>>
      %dma_wait3A_187 = arith.constant 0 : i32
      %dma_wait3A_188 = tpu.memref_slice %dma_wait3A_186[%mul3A_2, %dma_wait3A_187] : memref<10000x128xf32, #tpu.memory_space<hbm>> -> memref<624x128xf32, #tpu.memory_space<hbm>>
      %dma_wait3A_189 = arith.constant 0 : i32
      %dma_wait3A_190 = tpu.memref_slice %arg19[%mul3A_2, %dma_wait3A_189] : memref<10000x128xf32, #tpu.memory_space<vmem_shared>> -> memref<624x128xf32, #tpu.memory_space<vmem_shared>>
      tpu.wait_dma2 semaphore(%run_scoped3A : memref<!tpu.dma_semaphore, #tpu.memory_space<semaphore_mem>>) src(%dma_wait3A_190 : memref<624x128xf32, #tpu.memory_space<vmem_shared>>) dst(%dma_wait3A_188 : memref<624x128xf32, #tpu.memory_space<hbm>>)
      tpu.yield
    }) : () -> ()
    %eq3A_170 = arith.constant 0 : i32
    %eq3A_171 = arith.cmpi eq, %arg1, %eq3A_170 : i32
    %convert_element_type3A_172 = arith.extui %eq3A_171 : i1 to i32
    %cond3A_173 = arith.constant 0 : i32
    %cond3A_174 = arith.cmpi ne, %convert_element_type3A_172, %cond3A_173 : i32
    scf.if %cond3A_174 {
      "tpu.region"() ({
        %run_scoped3A = tpu.sem_alloc : memref<!tpu.dma_semaphore, #tpu.memory_space<semaphore_mem>>
        %dma_start3A_175 = arith.constant 0 : i32
        %dma_start3A_176 = arith.constant 0 : i32
        %dma_start3A_177 = tpu.memref_slice %arg6[%arg0, %dma_start3A_175, %dma_start3A_176] : memref<2x10000x128xf32, #tpu.memory_space<hbm>> -> memref<1x10000x128xf32, #tpu.memory_space<hbm>>
        %dma_start3A_178 = tpu.memref_squeeze %dma_start3A_177 : memref<1x10000x128xf32, #tpu.memory_space<hbm>> -> memref<10000x128xf32, #tpu.memory_space<hbm>>
        %dma_start3A_179 = arith.constant 9984 : i32
        %dma_start3A_180 = arith.constant 0 : i32
        %dma_start3A_181 = tpu.memref_slice %dma_start3A_178[%dma_start3A_179, %dma_start3A_180] : memref<10000x128xf32, #tpu.memory_space<hbm>> -> memref<16x128xf32, #tpu.memory_space<hbm>>
        %dma_start3A_182 = arith.constant 9984 : i32
        %dma_start3A_183 = arith.constant 0 : i32
        %dma_start3A_184 = tpu.memref_slice %arg19[%dma_start3A_182, %dma_start3A_183] : memref<10000x128xf32, #tpu.memory_space<vmem_shared>> -> memref<16x128xf32, #tpu.memory_space<vmem_shared>>
        tpu.enqueue_dma source(%dma_start3A_184 : memref<16x128xf32, #tpu.memory_space<vmem_shared>>) target(%dma_start3A_181 : memref<16x128xf32, #tpu.memory_space<hbm>>) target_semaphore(%run_scoped3A : memref<!tpu.dma_semaphore, #tpu.memory_space<semaphore_mem>>)
        %dma_wait3A_185 = arith.constant 0 : i32
        %dma_wait3A_186 = arith.constant 0 : i32
        %dma_wait3A_187 = tpu.memref_slice %arg6[%arg0, %dma_wait3A_185, %dma_wait3A_186] : memref<2x10000x128xf32, #tpu.memory_space<hbm>> -> memref<1x10000x128xf32, #tpu.memory_space<hbm>>
        %dma_wait3A_188 = tpu.memref_squeeze %dma_wait3A_187 : memref<1x10000x128xf32, #tpu.memory_space<hbm>> -> memref<10000x128xf32, #tpu.memory_space<hbm>>
        %dma_wait3A_189 = arith.constant 9984 : i32
        %dma_wait3A_190 = arith.constant 0 : i32
        %dma_wait3A_191 = tpu.memref_slice %dma_wait3A_188[%dma_wait3A_189, %dma_wait3A_190] : memref<10000x128xf32, #tpu.memory_space<hbm>> -> memref<16x128xf32, #tpu.memory_space<hbm>>
        %dma_wait3A_192 = arith.constant 9984 : i32
        %dma_wait3A_193 = arith.constant 0 : i32
        %dma_wait3A_194 = tpu.memref_slice %arg19[%dma_wait3A_192, %dma_wait3A_193] : memref<10000x128xf32, #tpu.memory_space<vmem_shared>> -> memref<16x128xf32, #tpu.memory_space<vmem_shared>>
        tpu.wait_dma2 semaphore(%run_scoped3A : memref<!tpu.dma_semaphore, #tpu.memory_space<semaphore_mem>>) src(%dma_wait3A_194 : memref<16x128xf32, #tpu.memory_space<vmem_shared>>) dst(%dma_wait3A_191 : memref<16x128xf32, #tpu.memory_space<hbm>>)
        tpu.yield
      }) : () -> ()
    } else {
    }
    return
  }
}

module attributes {stable_mosaic.version = 14 : i64} {
  func.func @_tc_layer_body(%arg0: memref<10000x128xf32, #tpu.memory_space<vmem>>, %arg1: memref<2x10000x128xf32, #tpu.memory_space<vmem>>, %arg2: memref<2x10000x128xf32, #tpu.memory_space<vmem>>, %arg3: memref<128x128xf32, #tpu.memory_space<vmem>>, %arg4: memref<128x128xf32, #tpu.memory_space<vmem>>, %arg5: memref<128xf32, #tpu.memory_space<vmem>>, %arg6: memref<128xf32, #tpu.memory_space<vmem>>, %arg7: memref<128xf32, #tpu.memory_space<vmem>>, %arg8: memref<10000x128xf32, #tpu.memory_space<vmem>>) attributes {dimension_semantics = [], scalar_prefetch = 0 : i64, scratch_operands = 0 : i64, tpu.core_type = #tpu.core_type<tc>} {
    %get3A = arith.constant 0 : index
    %get3A_0 = arith.constant 0 : index
    %get3A_1 = arith.constant 0 : index
    %get3A_2 = vector.load %arg2[%get3A, %get3A_0, %get3A_1] : memref<2x10000x128xf32, #tpu.memory_space<vmem>>, vector<1x10000x1xf32>
    %get3A_3 = vector.shape_cast %get3A_2 : vector<1x10000x1xf32> to vector<10000x1xf32>
    %get3A_4 = arith.constant 1 : index
    %get3A_5 = arith.constant 0 : index
    %get3A_6 = arith.constant 0 : index
    %get3A_7 = vector.load %arg2[%get3A_4, %get3A_5, %get3A_6] : memref<2x10000x128xf32, #tpu.memory_space<vmem>>, vector<1x10000x1xf32>
    %get3A_8 = vector.shape_cast %get3A_7 : vector<1x10000x1xf32> to vector<10000x1xf32>
    %add3A = arith.addf %get3A_3, %get3A_8 : vector<10000x1xf32>
    %max3A = arith.constant 1.000000e+00 : f32
    %max3A_9 = vector.broadcast %max3A : f32 to vector<10000x1xf32>
    %max3A_10 = arith.maximumf %add3A, %max3A_9 : vector<10000x1xf32>
    %div3A = arith.constant 1.000000e+00 : f32
    %div3A_11 = vector.broadcast %div3A : f32 to vector<10000x1xf32>
    %div3A_12 = arith.divf %div3A_11, %max3A_10 : vector<10000x1xf32>
    %get3A_13 = arith.constant 0 : index
    %get3A_14 = arith.constant 0 : index
    %get3A_15 = arith.constant 0 : index
    %get3A_16 = vector.load %arg1[%get3A_13, %get3A_14, %get3A_15] : memref<2x10000x128xf32, #tpu.memory_space<vmem>>, vector<1x10000x128xf32>
    %get3A_17 = vector.shape_cast %get3A_16 : vector<1x10000x128xf32> to vector<10000x128xf32>
    %get3A_18 = arith.constant 1 : index
    %get3A_19 = arith.constant 0 : index
    %get3A_20 = arith.constant 0 : index
    %get3A_21 = vector.load %arg1[%get3A_18, %get3A_19, %get3A_20] : memref<2x10000x128xf32, #tpu.memory_space<vmem>>, vector<1x10000x128xf32>
    %get3A_22 = vector.shape_cast %get3A_21 : vector<1x10000x128xf32> to vector<10000x128xf32>
    %add3A_23 = arith.addf %get3A_17, %get3A_22 : vector<10000x128xf32>
    %mul3A = vector.broadcast %div3A_12 : vector<10000x1xf32> to vector<10000x128xf32>
    %mul3A_24 = arith.mulf %add3A_23, %mul3A : vector<10000x128xf32>
    %get3A_25 = arith.constant 0 : index
    %get3A_26 = arith.constant 0 : index
    %get3A_27 = vector.load %arg0[%get3A_25, %get3A_26] : memref<10000x128xf32, #tpu.memory_space<vmem>>, vector<10000x128xf32>
    %get3A_28 = arith.constant 0 : index
    %get3A_29 = arith.constant 0 : index
    %get3A_30 = vector.load %arg3[%get3A_28, %get3A_29] : memref<128x128xf32, #tpu.memory_space<vmem>>, vector<128x128xf32>
    %dot_general3A = arith.constant dense<0.000000e+00> : vector<10000x128xf32>
    %dot_general3A_31 = tpu.matmul %get3A_27, %get3A_30, %dot_general3A {dimension_numbers = #tpu.dot_dimension_numbers<[1], [0], [0], [1], [0, 0, 1, 1], [], []>, transpose_lhs_hint = false} : vector<10000x128xf32>, vector<128x128xf32>, vector<10000x128xf32> -> vector<10000x128xf32>
    %get3A_32 = arith.constant 0 : index
    %get3A_33 = arith.constant 0 : index
    %get3A_34 = vector.load %arg4[%get3A_32, %get3A_33] : memref<128x128xf32, #tpu.memory_space<vmem>>, vector<128x128xf32>
    %dot_general3A_35 = arith.constant dense<0.000000e+00> : vector<10000x128xf32>
    %dot_general3A_36 = tpu.matmul %mul3A_24, %get3A_34, %dot_general3A_35 {dimension_numbers = #tpu.dot_dimension_numbers<[1], [0], [0], [1], [0, 0, 1, 1], [], []>, transpose_lhs_hint = false} : vector<10000x128xf32>, vector<128x128xf32>, vector<10000x128xf32> -> vector<10000x128xf32>
    %add3A_37 = arith.addf %dot_general3A_31, %dot_general3A_36 : vector<10000x128xf32>
    %get3A_38 = arith.constant 0 : index
    %get3A_39 = vector.load %arg5[%get3A_38] : memref<128xf32, #tpu.memory_space<vmem>>, vector<128xf32>
    %broadcast_in_dim3A = vector.shape_cast %get3A_39 : vector<128xf32> to vector<1x128xf32>
    %add3A_40 = vector.broadcast %broadcast_in_dim3A : vector<1x128xf32> to vector<10000x128xf32>
    %add3A_41 = arith.addf %add3A_37, %add3A_40 : vector<10000x128xf32>
    %max3A_42 = arith.constant 0.000000e+00 : f32
    %max3A_43 = vector.broadcast %max3A_42 : f32 to vector<10000x128xf32>
    %max3A_44 = arith.maximumf %add3A_41, %max3A_43 : vector<10000x128xf32>
    %reduce_sum3A = arith.constant dense<0.000000e+00> : vector<128xf32>
    %reduce_sum3A_45 = vector.multi_reduction <add>, %max3A_44, %reduce_sum3A [0] : vector<10000x128xf32> to vector<128xf32>
    %broadcast_in_dim3A_46 = vector.shape_cast %reduce_sum3A_45 : vector<128xf32> to vector<1x128xf32>
    %div3A_47 = arith.constant 1.000000e+04 : f32
    %div3A_48 = vector.broadcast %div3A_47 : f32 to vector<1x128xf32>
    %div3A_49 = arith.divf %broadcast_in_dim3A_46, %div3A_48 : vector<1x128xf32>
    %sub3A = vector.broadcast %div3A_49 : vector<1x128xf32> to vector<10000x128xf32>
    %sub3A_50 = arith.subf %max3A_44, %sub3A : vector<10000x128xf32>
    %sub3A_51 = vector.broadcast %div3A_49 : vector<1x128xf32> to vector<10000x128xf32>
    %sub3A_52 = arith.subf %max3A_44, %sub3A_51 : vector<10000x128xf32>
    %mul3A_53 = arith.mulf %sub3A_50, %sub3A_52 : vector<10000x128xf32>
    %reduce_sum3A_54 = arith.constant dense<0.000000e+00> : vector<128xf32>
    %reduce_sum3A_55 = vector.multi_reduction <add>, %mul3A_53, %reduce_sum3A_54 [0] : vector<10000x128xf32> to vector<128xf32>
    %broadcast_in_dim3A_56 = vector.shape_cast %reduce_sum3A_55 : vector<128xf32> to vector<1x128xf32>
    %div3A_57 = arith.constant 1.000000e+04 : f32
    %div3A_58 = vector.broadcast %div3A_57 : f32 to vector<1x128xf32>
    %div3A_59 = arith.divf %broadcast_in_dim3A_56, %div3A_58 : vector<1x128xf32>
    %sub3A_60 = vector.broadcast %div3A_49 : vector<1x128xf32> to vector<10000x128xf32>
    %sub3A_61 = arith.subf %max3A_44, %sub3A_60 : vector<10000x128xf32>
    %add3A_62 = arith.constant 9.99999974E-6 : f32
    %add3A_63 = vector.broadcast %add3A_62 : f32 to vector<1x128xf32>
    %add3A_64 = arith.addf %div3A_59, %add3A_63 : vector<1x128xf32>
    %rsqrt3A = math.rsqrt %add3A_64 : vector<1x128xf32>
    %mul3A_65 = vector.broadcast %rsqrt3A : vector<1x128xf32> to vector<10000x128xf32>
    %mul3A_66 = arith.mulf %sub3A_61, %mul3A_65 : vector<10000x128xf32>
    %get3A_67 = arith.constant 0 : index
    %get3A_68 = vector.load %arg6[%get3A_67] : memref<128xf32, #tpu.memory_space<vmem>>, vector<128xf32>
    %broadcast_in_dim3A_69 = vector.shape_cast %get3A_68 : vector<128xf32> to vector<1x128xf32>
    %mul3A_70 = vector.broadcast %broadcast_in_dim3A_69 : vector<1x128xf32> to vector<10000x128xf32>
    %mul3A_71 = arith.mulf %mul3A_66, %mul3A_70 : vector<10000x128xf32>
    %add3A_72 = arith.addf %get3A_27, %mul3A_71 : vector<10000x128xf32>
    %get3A_73 = arith.constant 0 : index
    %get3A_74 = vector.load %arg7[%get3A_73] : memref<128xf32, #tpu.memory_space<vmem>>, vector<128xf32>
    %broadcast_in_dim3A_75 = vector.shape_cast %get3A_74 : vector<128xf32> to vector<1x128xf32>
    %add3A_76 = vector.broadcast %broadcast_in_dim3A_75 : vector<1x128xf32> to vector<10000x128xf32>
    %add3A_77 = arith.addf %add3A_72, %add3A_76 : vector<10000x128xf32>
    %swap3A = arith.constant 0 : index
    %swap3A_78 = arith.constant 0 : index
    %swap3A_79 = vector.load %arg8[%swap3A, %swap3A_78] : memref<10000x128xf32, #tpu.memory_space<vmem>>, vector<10000x128xf32>
    tpu.vector_store %arg8[%swap3A, %swap3A_78], %add3A_77 {strides = array<i32>} : memref<10000x128xf32, #tpu.memory_space<vmem>>, vector<10000x128xf32>,
    return
  }
}

module attributes {stable_mosaic.version = 14 : i64} {
  func.func @_tc_out_body(%arg0: memref<10000x128xf32, #tpu.memory_space<vmem>>, %arg1: memref<2x10000x128xf32, #tpu.memory_space<vmem>>, %arg2: memref<2x10000x128xf32, #tpu.memory_space<vmem>>, %arg3: memref<128x40xf32, #tpu.memory_space<vmem>>, %arg4: memref<128x40xf32, #tpu.memory_space<vmem>>, %arg5: memref<40xf32, #tpu.memory_space<vmem>>, %arg6: memref<10000x40xf32, #tpu.memory_space<vmem>>) attributes {dimension_semantics = [], scalar_prefetch = 0 : i64, scratch_operands = 0 : i64, tpu.core_type = #tpu.core_type<tc>} {
    %get3A = arith.constant 0 : index
    %get3A_0 = arith.constant 0 : index
    %get3A_1 = arith.constant 0 : index
    %get3A_2 = vector.load %arg2[%get3A, %get3A_0, %get3A_1] : memref<2x10000x128xf32, #tpu.memory_space<vmem>>, vector<1x10000x1xf32>
    %get3A_3 = vector.shape_cast %get3A_2 : vector<1x10000x1xf32> to vector<10000x1xf32>
    %get3A_4 = arith.constant 1 : index
    %get3A_5 = arith.constant 0 : index
    %get3A_6 = arith.constant 0 : index
    %get3A_7 = vector.load %arg2[%get3A_4, %get3A_5, %get3A_6] : memref<2x10000x128xf32, #tpu.memory_space<vmem>>, vector<1x10000x1xf32>
    %get3A_8 = vector.shape_cast %get3A_7 : vector<1x10000x1xf32> to vector<10000x1xf32>
    %add3A = arith.addf %get3A_3, %get3A_8 : vector<10000x1xf32>
    %max3A = arith.constant 1.000000e+00 : f32
    %max3A_9 = vector.broadcast %max3A : f32 to vector<10000x1xf32>
    %max3A_10 = arith.maximumf %add3A, %max3A_9 : vector<10000x1xf32>
    %div3A = arith.constant 1.000000e+00 : f32
    %div3A_11 = vector.broadcast %div3A : f32 to vector<10000x1xf32>
    %div3A_12 = arith.divf %div3A_11, %max3A_10 : vector<10000x1xf32>
    %get3A_13 = arith.constant 0 : index
    %get3A_14 = arith.constant 0 : index
    %get3A_15 = arith.constant 0 : index
    %get3A_16 = vector.load %arg1[%get3A_13, %get3A_14, %get3A_15] : memref<2x10000x128xf32, #tpu.memory_space<vmem>>, vector<1x10000x128xf32>
    %get3A_17 = vector.shape_cast %get3A_16 : vector<1x10000x128xf32> to vector<10000x128xf32>
    %get3A_18 = arith.constant 1 : index
    %get3A_19 = arith.constant 0 : index
    %get3A_20 = arith.constant 0 : index
    %get3A_21 = vector.load %arg1[%get3A_18, %get3A_19, %get3A_20] : memref<2x10000x128xf32, #tpu.memory_space<vmem>>, vector<1x10000x128xf32>
    %get3A_22 = vector.shape_cast %get3A_21 : vector<1x10000x128xf32> to vector<10000x128xf32>
    %add3A_23 = arith.addf %get3A_17, %get3A_22 : vector<10000x128xf32>
    %mul3A = vector.broadcast %div3A_12 : vector<10000x1xf32> to vector<10000x128xf32>
    %mul3A_24 = arith.mulf %add3A_23, %mul3A : vector<10000x128xf32>
    %get3A_25 = arith.constant 0 : index
    %get3A_26 = arith.constant 0 : index
    %get3A_27 = vector.load %arg0[%get3A_25, %get3A_26] : memref<10000x128xf32, #tpu.memory_space<vmem>>, vector<10000x128xf32>
    %get3A_28 = arith.constant 0 : index
    %get3A_29 = arith.constant 0 : index
    %get3A_30 = vector.load %arg3[%get3A_28, %get3A_29] : memref<128x40xf32, #tpu.memory_space<vmem>>, vector<128x40xf32>
    %dot_general3A = arith.constant dense<0.000000e+00> : vector<10000x40xf32>
    %dot_general3A_31 = tpu.matmul %get3A_27, %get3A_30, %dot_general3A {dimension_numbers = #tpu.dot_dimension_numbers<[1], [0], [0], [1], [0, 0, 1, 1], [], []>, transpose_lhs_hint = false} : vector<10000x128xf32>, vector<128x40xf32>, vector<10000x40xf32> -> vector<10000x40xf32>
    %get3A_32 = arith.constant 0 : index
    %get3A_33 = arith.constant 0 : index
    %get3A_34 = vector.load %arg4[%get3A_32, %get3A_33] : memref<128x40xf32, #tpu.memory_space<vmem>>, vector<128x40xf32>
    %dot_general3A_35 = arith.constant dense<0.000000e+00> : vector<10000x40xf32>
    %dot_general3A_36 = tpu.matmul %mul3A_24, %get3A_34, %dot_general3A_35 {dimension_numbers = #tpu.dot_dimension_numbers<[1], [0], [0], [1], [0, 0, 1, 1], [], []>, transpose_lhs_hint = false} : vector<10000x128xf32>, vector<128x40xf32>, vector<10000x40xf32> -> vector<10000x40xf32>
    %add3A_37 = arith.addf %dot_general3A_31, %dot_general3A_36 : vector<10000x40xf32>
    %get3A_38 = arith.constant 0 : index
    %get3A_39 = vector.load %arg5[%get3A_38] : memref<40xf32, #tpu.memory_space<vmem>>, vector<40xf32>
    %broadcast_in_dim3A = vector.shape_cast %get3A_39 : vector<40xf32> to vector<1x40xf32>
    %add3A_40 = vector.broadcast %broadcast_in_dim3A : vector<1x40xf32> to vector<10000x40xf32>
    %add3A_41 = arith.addf %add3A_37, %add3A_40 : vector<10000x40xf32>
    %swap3A = arith.constant 0 : index
    %swap3A_42 = arith.constant 0 : index
    %swap3A_43 = vector.load %arg6[%swap3A, %swap3A_42] : memref<10000x40xf32, #tpu.memory_space<vmem>>, vector<10000x40xf32>
    tpu.vector_store %arg6[%swap3A, %swap3A_42], %add3A_41 {strides = array<i32>} : memref<10000x40xf32, #tpu.memory_space<vmem>>, vector<10000x40xf32>,
    return
  }
}

</mosaic_0001>

<sc_bundles>
// kernel: kernel.12.cloned.1.call-start
scs
__scs_entry_jumppad:
0x0: {  	(pc) =	sbr.rel $0x88, $3  }
0x1: {  	(tag) =	ssettag $0x0;
	lr =	simm.s32 $0x1  }
0x2: {  	[smem:$0x3F95] =	sst lr;
	_ =	strace $0xD0000000  }
0x3: {  	_ = 	snop  }
0x4: {  	_ = 	snop  }
0x5: {  	_ = 	snop  }
0x6: {  	_ = 	snop  }
0x7: {  	_ = 	snop  }
__scs_overlays_trampoline_lowered:
0x8: {  	[smem:$0x3FA4] =	sst s0  }
0x9: {  	[smem:$0x3FA5] =	sst s1  }
0xa: {  	[smem:$0x3FA6] =	sst s2  }
0xb: {  	[smem:$0x3FA7] =	sst s3  }
0xc: {  	[smem:$0x3FA8] =	sst s4  }
0xd: {  	[smem:$0x3FA9] =	sst s5  }
0xe: {  	[smem:$0x3FAA] =	sst s6  }
0xf: {  	[smem:$0x3FAB] =	sst s7  }
0x10: {  	[smem:$0x3FAC] =	sst s8  }
0x11: {  	[smem:$0x3FAD] =	sst s9;
	s0 =	simm.s32 @!p0 $0x0  }
0x12: {  	s1 =	sld [smem:$0x3F93];
	s0 =	simm.s32 @p0 $0x1  }
0x13: {  	[smem:$0x3FAE] =	sst s0;
	s0 =	simm.s32 @!p1 $0x0  }
0x14: {  	s2 =	sld [smem:$0x3F92];
	s0 =	simm.s32 @p1 $0x1  }
0x15: {  	[smem:$0x3FAF] =	sst s0;
	s0 =	simm.s32 @!p2 $0x0  }
0x16: {  	s3 =	sld [smem:$0x3FDB];
	s0 =	simm.s32 @p2 $0x1  }
0x17: {  	s4 =	simm.s32 $0x1BF5;
	[smem:$0x3FB1] =	sst s0  }
0x18: {  	s0 =	sld [smem:$0x3F94];
	_ =	swait.ge [sflag:s4], $0x0  }
0x19: {  	s7 =	sld [smem:$0x3F95]  }
0x1a: {  	s8 =	sadd.s32 $0xFFFFE003, lr  }
0x1b: {  	s9 =	sadd.s32 $0xFFFFFEF7, lr;
	s5 =	simm.s32 $0xFFFFFFFF;
	p2 =	slt.u32 s8, $0xFFFFF086  }
0x1c: {  	p1 =	slt.u32 s9, $0xF7A;
	s5 =	simm.s32 @!p2 $0x0  }
0x1d: {  	s5 =	simm.s32 @p1 $0x1;
	p0 =	seq.s32 s7, s2  }
0x1e: {  	s7 =	smul.u32 @!p0 $0xF7A, s2;
	p2 =	seq.s32 @!p0 s5, $0x0  }
0x1f: {  	s9 =	smul.u32 $0xF7A, s1;
	s8 =	simm.s32 @!p0 $0x1BF5;
	p2 =	por !p2, p0  }
0x20: {  	[sflag:s8] =	ssyncset.s32 @!p0 $0xFFFFF086;
	s6 =	sadd.s32 @!p0 s3, s7;
	s7 =	simm.s32 @!p0 $0x108  }
0x21: {  	s3 =	sadd.s32 s3, s9;
	s6 =	sadd.s32 @!p0 $0x88, s6;
	s7 =	simm.s32 @p2 $0x1082  }
0x22: {  	[simem:s7], [sflag:s8] =	dma.local @!p0 [hbm:s6], $0xF7A  }
0x23: {  	s9 =	sor.u32 $0xD0000000, s2;
	s6 =	simm.s32 $0x108;
	_ =	swait.ge @!p0 [sflag:s8], $0x0  }
0x24: {  	s3 =	sadd.s32 $0x88, s3;
	s6 =	simm.s32 @!p1 $0x1082;
	[sflag:s4] =	ssyncset.s32 $0xFFFFF086  }
0x25: {  	[simem:s6], [sflag:s4] =	dma.local [hbm:s3], $0xF7A  }
0x26: {  	[smem:$0x3F95] =	sst s1;
	(tag) =	ssettag s2;
	_ =	strace s9  }
0x27: {  	s1 =	sld [smem:$0x3FA5]  }
0x28: {  	s2 =	sld [smem:$0x3FA6]  }
0x29: {  	s4 =	sld [smem:$0x3FA8]  }
0x2a: {  	p0 =	seq.s32 s5, $0x0;
	s5 =	sld [smem:$0x3FA9]  }
0x2b: {  	s6 =	sld [smem:$0x3FAA]  }
0x2c: {  	s7 =	sld [smem:$0x3FAB]  }
0x2d: {  	s3 =	simm.s32 $0x108;
	s8 =	sld [smem:$0x3FAC]  }
0x2e: {  	s3 =	simm.s32 @!p0 $0x1082;
	s9 =	sld [smem:$0x3FAD]  }
0x2f: {  	lr =	sadd.s32 s0, s3;
	s0 =	sld [smem:$0x3FA4]  }
0x30: {  	s3 =	sld [smem:$0x3FA7]  }
0x31: {  	[smem:$0x3FB0] =	sst s10  }
0x32: {  	s10 =	sld [smem:$0x3FAE];
	_ =	sdelay $0x3  }
0x33: {  	p0 =	seq.s32 s10, $0x1;
	s10 =	sld [smem:$0x3FB0];
	_ =	sdelay $0x3  }
0x34: {  	[smem:$0x3FB0] =	sst s10  }
0x35: {  	s10 =	sld [smem:$0x3FAF];
	_ =	sdelay $0x3  }
0x36: {  	p1 =	seq.s32 s10, $0x1;
	s10 =	sld [smem:$0x3FB0];
	_ =	sdelay $0x3  }
0x37: {  	[smem:$0x3FB0] =	sst s10  }
0x38: {  	s10 =	sld [smem:$0x3FB1]  }
0x39: {  	_ = 	snop;
	(pc) =	sbr.ind lr, $3  }
0x3a: {  	_ = 	snop  }
0x3b: {  	_ = 	snop  }
0x3c: {  	p2 =	seq.s32 s10, $0x1;
	s10 =	sld [smem:$0x3FB0]  }
0x3d: {  	_ =	shalt  }
0x3e: {  	_ =	shalt  }
0x3f: {  	_ =	shalt  }
0x40: {  	_ =	shalt  }
0x41: {  	_ =	shalt  }
0x42: {  	_ =	shalt  }
0x43: {  	_ =	shalt  }
0x44: {  	_ =	shalt  }
0x45: {  	_ =	shalt  }
0x46: {  	_ =	shalt  }
0x47: {  	_ =	shalt  }
0x48: {  	_ =	shalt  }
0x49: {  	_ =	shalt  }
0x4a: {  	_ =	shalt  }
0x4b: {  	_ =	shalt  }
0x4c: {  	_ =	shalt  }
0x4d: {  	_ =	shalt  }
0x4e: {  	_ =	shalt  }
0x4f: {  	_ =	shalt  }
0x50: {  	_ =	shalt  }
0x51: {  	_ =	shalt  }
0x52: {  	_ =	shalt  }
0x53: {  	_ =	shalt  }
0x54: {  	_ =	shalt  }
0x55: {  	_ =	shalt  }
0x56: {  	_ =	shalt  }
0x57: {  	_ =	shalt  }
0x58: {  	_ =	shalt  }
0x59: {  	_ =	shalt  }
0x5a: {  	_ =	shalt  }
0x5b: {  	_ =	shalt  }
0x5c: {  	_ =	shalt  }
0x5d: {  	_ =	shalt  }
0x5e: {  	_ =	shalt  }
0x5f: {  	_ =	shalt  }
0x60: {  	_ =	shalt  }
0x61: {  	_ =	shalt  }
0x62: {  	_ =	shalt  }
0x63: {  	_ =	shalt  }
0x64: {  	_ =	shalt  }
0x65: {  	_ =	shalt  }
0x66: {  	_ =	shalt  }
0x67: {  	_ =	shalt  }
0x68: {  	_ =	shalt  }
0x69: {  	_ =	shalt  }
0x6a: {  	_ =	shalt  }
0x6b: {  	_ =	shalt  }
0x6c: {  	_ =	shalt  }
0x6d: {  	_ =	shalt  }
0x6e: {  	_ =	shalt  }
0x6f: {  	_ =	shalt  }
0x70: {  	_ =	shalt  }
0x71: {  	_ =	shalt  }
0x72: {  	_ =	shalt  }
0x73: {  	_ =	shalt  }
0x74: {  	_ =	shalt  }
0x75: {  	_ =	shalt  }
0x76: {  	_ =	shalt  }
0x77: {  	_ =	shalt  }
0x78: {  	_ =	shalt  }
0x79: {  	_ =	shalt  }
0x7a: {  	_ =	shalt  }
0x7b: {  	_ =	shalt  }
0x7c: {  	_ =	shalt  }
0x7d: {  	_ =	shalt  }
0x7e: {  	_ =	shalt  }
0x7f: {  	_ =	shalt  }
0x80: {  	_ =	shalt  }
0x81: {  	_ =	shalt  }
0x82: {  	_ =	shalt  }
0x83: {  	_ =	shalt  }
0x84: {  	_ =	shalt  }
0x85: {  	_ =	shalt  }
0x86: {  	_ =	shalt  }
0x87: {  	_ =	shalt  }
.Lfunc_end0:
.L_simem_size_0:
called_computation.1_lowered:
.L_overlay_start_0:
0x88: {  	s2 =	sld [smem:$0x3FD9]  }
0x89: {  	s3 =	sld [smem:$0x3FFE];
	_ =	sdelay $0x1  }
0x8a: {  	s1 =	srdreg.scid  }
0x8b: {  	s0 =	sand.u32 $0x1, s1  }
0x8c: {  	s17 =	sshll.u32 s0, $0xA;
	s2 =	sadd.s32 s3, s2  }
0x8d: {  	s2 =	sadd.s32 s2, s17  }
0x8e: {  	[smem:$0x3FBC] =	sst s2  }
0x8f: {  	_ = 	snop  }
0x90: {  	s2 =	sld [smem:$0x3FC9]  }
0x91: {  	s18 =	sld [smem:$0x3FD0];
	(tm) =	ssettm $0x1  }
0x92: {  	s4 =	sld [smem:$0x3FFB];
	_ =	sdelay $0x3  }
0x93: {  	_ =	strace s4  }
0x94: {  	s4 =	sld [smem:$0x3FFC];
	_ =	sdelay $0x3  }
0x95: {  	_ =	strace s4  }
0x96: {  	s4 =	sld [smem:$0x3FFD];
	_ =	sdelay $0x3  }
0x97: {  	_ =	strace s4  }
0x98: {  	_ =	strace $0x8FFFFFFF  }
0x99: {  	s19 =	sld [smem:$0x3FDB];
	_ =	sdelay $0x1  }
0x9a: {  	s5 =	simm.s32 $_scs_section_size  }
0x9b: {  	s6 =	simm.s32 $_size__tile_overlayer_lowered;
	s7 =	simm.s32 $_tile_overlayer_lowered  }
0x9c: {  	s22 =	simm.s32 $0x1BFF;
	s21 =	sshll.u32 s7, $0x1;
	s4 =	sadd.s32 s5, s19  }
0x9d: {  	s8 =	simm.s32 $0x0;
	s20 =	sshll.u32 s6, $0x1;
	s6 =	sadd.s32 s21, s4  }
0x9e: {  	[timem:s8], [sflag:s22] =	dma.local [hbm:s6], s20  }
0x9f: {  	_ =	swait.ge [sflag:s22], s20  }
0xa0: {  	s5 =	ssub.s32 $0x0, s20;
	[sflag:s22] =	ssyncset.done $0x0  }
0xa1: {  	[sflag:s22] =	ssyncadd.s32 s5;
	_ =	sdelay $0x1  }
0xa2: {  	s23 =	simm.s32 $0x1B8B  }
0xa3: {  	_ =	swait.ge [sflag:s23], $0x1  }
0xa4: {  	[sflag:s23] =	ssyncset.done $0x0  }
0xa5: {  	s25 =	simm.s32 $0x1B8E;
	s24 =	sld [smem:$0x3FFE];
	[sflag:s23] =	ssyncadd.s32 $0xFFFFFFFF  }
0xa6: {  	s26 =	simm.s32 $execute0_lowered;
	[smem:$0x3FD2] =	sst s25  }
0xa7: {  	s6 =	sshll.u32 s26, $0x1;
	_ =	strace $0x80000049;
	[dreg:$0x1] =	wrdreg $0xFFFFFFFF  }
0xa8: {  	s28 =	simm.s32 $_size_execute0_lowered;
	s4 =	sadd.s32 s4, s6;
	[dreg:$0x0] =	wrdreg $0x0  }
0xa9: {  	s6 =	sshll.u32 s28, $0x1;
	[dreg:$0x2] =	wrdreg s4  }
0xaa: {  	[dreg:$0x3] =	wrdreg s6  }
0xab: {  	[dreg:$0x4] =	wrdreg $0xC0  }
0xac: {  	_ =	task [dreg:s8], $0x5FFFF  }
0xad: {  	[dreg:$0x1] =	wrdreg $0xFFFFFFFF  }
0xae: {  	[dreg:$0x0] =	wrdreg $0x60  }
0xaf: {  	[dreg:$0x2] =	wrdreg s2  }
0xb0: {  	[dreg:$0x3] =	wrdreg s24  }
0xb1: {  	[dreg:$0x4] =	wrdreg s18  }
0xb2: {  	[dreg:$0x5] =	wrdreg $0x54000  }
0xb3: {  	[dreg:$0x6] =	wrdreg $0x9  }
0xb4: {  	_ =	task.clear_ibuf [dreg:s8], $0x7FFFF;
	_ =	strace $0x90000049  }
0xb5: {  	s29 =	simm.s32 $0x9;
	_ =	strace $0x8000004B  }
0xb6: {  	_ =	swait.ge [sflag:s29], $0x1  }
0xb7: {  	[sflag:s29] =	ssyncadd.s32 $0xFFFFFFFF  }
0xb8: {  	_ =	strace $0x9000004B  }
0xb9: {  	_ =	sfence  }
0xba: {  	s30 =	sld [smem:$0x0];
	_ =	sdelay $0x2  }
0xbb: {  	s31 =	sshll.u32 s1, $0xD;
	s1 =	sshrl.u32 s1, $0x2  }
0xbc: {  	s3 =	sand.u32 $0x4000, s31;
	s1 =	sadd.s32 s1, s30  }
0xbd: {  	s0 =	sor.u32 s3, s0;
	s1 =	sshll.u32 s1, $0x11  }
0xbe: {  	s0 =	sor.u32 s1, s0  }
0xbf: {  	s0 =	sadd.s32 $0x8F2B, s0  }
0xc0: {  	[sflag:s0] =	ssyncadd.remote.s32 $0x1  }
0xc1: {  	_ =	sfence.sel $0xFFFF  }
0xc2: {  	[dreg:$0x0] =	wrdreg $0xFFFFFFFF;
	(pc) =	sbr.abs _section_cstart, $3  }
0xc3: {  	[dreg:$0x1] =	wrdreg $0xFFFFFFFF  }
0xc4: {  	_ =	task.clear_ibuf [dreg:s8], $0x2FFFF;
	_ =	strace $0x9FFFFFFF  }
0xc5: {  	(tm) =	ssettm $0x7FFFFFFF  }
tec
execute0_lowered:
.L_overlay_start_1:
0x0: {  	(tag) =	ssettag $0x1  }
0x1: {  	s1 =	rddreg [dreg:$0x0]  }
0x2: {  	s5 =	rddreg [dreg:$0x1]  }
0x3: {  	s20 =	rddreg [dreg:$0x2]  }
0x4: {  	s3 =	rddreg [dreg:$0x3]  }
0x5: {  	s4 =	simm.s32 $0x0;
	s0 =	stileid.u32;
	s6 =	srdreg.scid  }
0x6: {  	s31 =	simm.s32 $0x11;
	[smem:$0x7FF] =	sst s4;
	s7 =	smul.u32 $0x2700, s0  }
0x7: {  	s2 =	sadd.s32 $0x3800, s5;
	s6 =	sand.u32 $0x1, s6;
	s11 =	smul.u32 $0x4E000, s0  }
0x8: {  	s9 =	sshll.u32 s0, $0x1;
	s25 =	smul.u32 $0x4E20, s0;
	s26 =	sshll.u32 s0, $0x6  }
0x9: {  	s29 =	sadd.s32 $0x138000, s3;
	p0 =	sne.s32 s0, $0x0;
	_ =	strace $0x8000004A  }
0xa: {  	s8 =	smul.u32 $0x27100, s6;
	s10 =	ssub.s32 $0x2, s6;
	s9 =	sor.u32 s6, s9  }
0xb: {  	s6 =	smul.u32 $0x2710, s6;
	s28 =	sor.u32 $0x1C11, s26;
	[dreg:$0x10] =	wrdreg s29  }
0xc: {  	[dreg:$0xc] =	wrdreg s7;
	s7 =	sadd.s32 s7, s5;
	s11 =	sshrl.u32 s11, $0x2  }
0xd: {  	s12 =	sshrl.u32 s10, $0x1;
	[dreg:$0xf] =	wrdreg s28;
	s11 =	sadd.s32 s11, s3  }
0xe: {  	s9 =	smul.u32 $0x2710, s9;
	s7 =	sadd.s32 $0x83000, s7;
	[dreg:$0xd] =	wrdreg s11  }
0xf: {  	s8 =	sadd.s32 s8, s5;
	s5 =	sadd.s32 $0xAA000, s5;
	[dreg:$0xe] =	wrdreg s7  }
0x10: {  	s10 =	ssub.s32 s10, s12;
	s6 =	sadd.s32 s6, s25;
	[dreg:$0x11] =	wrdreg s5  }
0x11: {  	s30 =	sshrl.u32 s9, $0x3;
	s14 =	sadd.s32 $0x28, s9;
	s16 =	sadd.s32 $0x140, s6  }
0x12: {  	s12 =	sadd.s32 $0x118, s6;
	s15 =	sadd.s32 s2, s30;
	s7 =	sshrl.u32 s14, $0x3  }
0x13: {  	s22 =	sadd.s32 $0xA, s30;
	s30 =	sadd.s32 s20, s30;
	[dreg:$0x12] =	wrdreg s15  }
0x14: {  	s11 =	sshrl.u32 s16, $0x3;
	s13 =	sadd.s32 s2, s7;
	[dreg:$0x16] =	wrdreg s30  }
0x15: {  	s12 =	sshrl.u32 s12, $0x3;
	s11 =	sadd.s32 s11, s2;
	[dreg:$0x13] =	wrdreg s13  }
0x16: {  	s18 =	sadd.s32 $0xF0, s6;
	s17 =	sadd.s32 s12, s20;
	[dreg:$0x5] =	wrdreg s11  }
0x17: {  	s24 =	sadd.s32 $0xC8, s6;
	s19 =	sadd.s32 s12, s2;
	[dreg:$0x6] =	wrdreg s17  }
0x18: {  	s21 =	sshrl.u32 s18, $0x3;
	s14 =	sadd.s32 s2, s22;
	[dreg:$0x7] =	wrdreg s19  }
0x19: {  	s25 =	sadd.s32 $0x78, s9;
	s23 =	sadd.s32 s21, s20;
	[dreg:$0x14] =	wrdreg s14  }
0x1a: {  	s12 =	sadd.s32 s21, s2;
	s7 =	sadd.s32 s20, s7;
	[dreg:$0x8] =	wrdreg s23  }
0x1b: {  	s16 =	sadd.s32 s20, s22;
	s21 =	sadd.s32 $0x14, s15;
	[dreg:$0x9] =	wrdreg s12  }
0x1c: {  	s15 =	simm.s32 $0x3;
	s11 =	sshrl.u32 s24, $0x3;
	[dreg:$0x17] =	wrdreg s7  }
0x1d: {  	s14 =	sshrl.u32 s25, $0x3;
	[dreg:$0x18] =	wrdreg s16;
	s19 =	sadd.s32 $0x26E8, s9  }
0x1e: {  	[dreg:$0x1a] =	wrdreg s21;
	s23 =	sadd.s32 $0x4D8, s30;
	s30 =	sadd.s32 $0xA0, s6  }
0x1f: {  	s7 =	simm.s32 $0x100;
	s6 =	simm.s32 $0x28;
	[dreg:$0x1b] =	wrdreg s23  }
0x20: {  	s13 =	simm.s32 $0xB;
	s26 =	sadd.s32 s11, s20;
	[smem:$0x7FD] =	sst s30  }
0x21: {  	s16 =	simm.s32 $0xC;
	s29 =	sadd.s32 s2, s14;
	[dreg:$0xa] =	wrdreg s26  }
0x22: {  	s21 =	simm.s32 $0x5;
	s18 =	sadd.s32 s20, s14;
	[dreg:$0x15] =	wrdreg s29  }
0x23: {  	s17 =	sadd.s32 s11, s2;
	s22 =	sshrl.u32 s19, $0x3;
	[dreg:$0x19] =	wrdreg s18  }
0x24: {  	s9 =	simm.s32 $0x0;
	[dreg:$0xb] =	wrdreg s17;
	s24 =	sadd.s32 s2, s22  }
0x25: {  	s23 =	simm.s32 $0x6;
	s25 =	sadd.s32 s20, s22;
	[dreg:$0x1c] =	wrdreg s24  }
0x26: {  	s26 =	sadd.s32 $0xAA200, s8;
	s29 =	smax.u32 s10, $0x1;
	[dreg:$0x1d] =	wrdreg s25  }
0x27: {  	s10 =	simm.s32 $0x180;
	s22 =	simm.s32 $0x9;
	[dreg:$0x1e] =	wrdreg s26  }
0x28: {  	s8 =	simm.s32 $0x10;
	s2 =	simm.s32 $0x8;
	[dreg:$0x1f] =	wrdreg s29  }
0x29: {  	s24 =	simm.s32 $0xF;
	s25 =	simm.s32 $0x4;
	s26 =	simm.s32 $0x7  }
.LBB2_1:
0x2a: {  	[smem:$0x7FA] =	sst s9  }
0x2b: {  	s0 =	rddreg [dreg:$0xd]  }
0x2c: {  	s14 =	rddreg [dreg:$0xe];
	s5 =	sshrl.u32 s0, $0x3  }
0x2d: {  	[smem:$0x7FB] =	sst s5  }
0x2e: {  	[spmem:s5], [sflag:s28] =	dma.local [hbm:s14], $0x2700  }
0x2f: {  	_ =	swait.ge [sflag:s31], $0x2700  }
0x30: {  	s0 =	rddreg [dreg:$0x10]  }
0x31: {  	[sflag:s31] =	ssyncset.done $0x0;
	s5 =	sshrl.u32 @!p0 s0, $0x3;
	s0 =	rddreg [dreg:$0x11]  }
0x32: {  	[sflag:s31] =	ssyncadd.s32 $0xFFFFD900;
	[smem:$0x7FC] =	sst s5  }
0x33: {  	[spmem:s5], [sflag:s28] =	dma.local @!p0 [hbm:s0], $0x100  }
0x34: {  	s28 =	simm.s32 @!p0 $0x11  }
0x35: {  	_ =	swait.ge @!p0 [sflag:s28], $0x100  }
0x36: {  	[sflag:s28] =	ssyncset.done @!p0 $0x0  }
0x37: {  	[sflag:s28] =	ssyncadd.s32 @!p0 $0xFFFFFF00  }
0x38: {  	[bflag:$0x0] =	sbarrier.arrive $0xFFFF  }
0x39: {  	s17 =	rddreg [dreg:$0x12]  }
0x3a: {  	[tilespmem:s4], [sflag:$0x11] =	stream.linear.gather [hbm4b:s17+s4], $0x28, $0x38;
	[tilespmem:$0x18C80] =	vst v63  }
0x3b: {  	_ =	swait.ge [sflag:s31], $0x28  }
0x3c: {  	[sflag:s31] =	ssyncset.done $0x0  }
0x3d: {  	s5 =	simm.s32 $0x80;
	s18 =	rddreg [dreg:$0x13];
	[sflag:s31] =	ssyncadd.s32 $0xFFFFFFD8  }
0x3e: {  	[tilespmem:s5], [sflag:$0xA] =	stream.linear.gather [hbm4b:s18+s4], $0x28, $0x38;
	[tilespmem:$0x18C80] =	vst v63  }
0x3f: {  	s19 =	rddreg [dreg:$0x14]  }
0x40: {  	[tilespmem:s7], [sflag:$0xB] =	stream.linear.gather [hbm4b:s19+s4], $0x28, $0x38;
	[tilespmem:$0x18C80] =	vst v63  }
0x41: {  	s31 =	rddreg [dreg:$0x15]  }
0x42: {  	[tilespmem:s10], [sflag:$0xC] =	stream.linear.gather [hbm4b:s31+s4], $0x28, $0x38;
	[tilespmem:$0x18C80] =	vst v63  }
0x43: {  	s11 =	simm.s32 $0x200;
	s9 =	rddreg [dreg:$0x16]  }
0x44: {  	[tilespmem:s11], [sflag:$0xD] =	stream.linear.gather [hbm4b:s9+s4], $0x28, $0x38;
	[tilespmem:$0x18C80] =	vst v63  }
0x45: {  	s17 =	simm.s32 $0x280;
	s12 =	rddreg [dreg:$0x17]  }
0x46: {  	[tilespmem:s17], [sflag:$0xE] =	stream.linear.gather [hbm4b:s12+s4], $0x28, $0x38;
	[tilespmem:$0x18C80] =	vst v63  }
0x47: {  	s14 =	rddreg [dreg:$0x18];
	s18 =	simm.s32 $0x300  }
0x48: {  	[tilespmem:s18], [sflag:$0xF] =	stream.linear.gather [hbm4b:s14+s4], $0x28, $0x38;
	[tilespmem:$0x18C80] =	vst v63  }
0x49: {  	s9 =	simm.s32 $0x400;
	s12 =	simm.s32 $0xA  }
0x4a: {  	[tilespmem:s9], [sflag:$0x1] =	stream.indirect.gather [hbm4b:s1+s6], $0x80, s4, s6, $0xb8;
	[tilespmem:$0x18C80] =	vst v63  }
0x4b: {  	_ =	swait.ge [sflag:s12], $0x28  }
0x4c: {  	[sflag:s12] =	ssyncset.done $0x0  }
0x4d: {  	s31 =	simm.s32 $0x1800;
	[sflag:s12] =	ssyncadd.s32 $0xFFFFFFD8  }
0x4e: {  	[tilespmem:s31], [sflag:$0x2] =	stream.indirect.gather [hbm4b:s1+s6], $0x80, s5, s6, $0xb8;
	[tilespmem:$0x18C80] =	vst v63  }
0x4f: {  	_ =	swait.ge [sflag:s13], $0x28  }
0x50: {  	[sflag:s13] =	ssyncset.done $0x0  }
0x51: {  	s18 =	simm.s32 $0x2C00;
	s14 =	simm.s32 $0x1;
	[sflag:s13] =	ssyncadd.s32 $0xFFFFFFD8  }
0x52: {  	[tilespmem:s18], [sflag:$0x3] =	stream.indirect.gather [hbm4b:s1+s6], $0x80, s7, s6, $0xb8;
	[tilespmem:$0x18C80] =	vst v63  }
0x53: {  	_ =	swait.ge [sflag:s14], $0x1400  }
0x54: {  	[sflag:s14] =	ssyncset.done $0x0  }
0x55: {  	s30 =	simm.s32 $0xD;
	[sflag:s14] =	ssyncadd.s32 $0xFFFFEC00  }
0x56: {  	_ =	swait.ge [sflag:s30], $0x28  }
0x57: {  	[sflag:s30] =	ssyncset.done $0x0  }
0x58: {  	[sflag:s30] =	ssyncadd.s32 $0xFFFFFFD8  }
0x59: {  	[spmem:s3] =	stream.indirect.scatter.add.f32 [tilespmem:s9], [sflag:$0x5], $0x80, s11, s6, $0xb8;
	[tilespmem:$0x18C80] =	vst v63  }
0x5a: {  	_ =	swait.ge [sflag:s16], $0x28  }
0x5b: {  	[sflag:s16] =	ssyncset.done $0x0  }
0x5c: {  	s19 =	simm.s32 $0x4000;
	[sflag:s16] =	ssyncadd.s32 $0xFFFFFFD8  }
0x5d: {  	[tilespmem:s19], [sflag:$0x4] =	stream.indirect.gather [hbm4b:s1+s6], $0x80, s10, s6, $0xb8;
	[tilespmem:$0x18C80] =	vst v63  }
0x5e: {  	s0 =	rddreg [dreg:$0x19];
	s19 =	simm.s32 $0x380  }
0x5f: {  	[tilespmem:s19], [sflag:$0x10] =	stream.linear.gather [hbm4b:s0+s4], $0x28, $0x38;
	[tilespmem:$0x18C80] =	vst v63  }
0x60: {  	s0 =	rddreg [dreg:$0x1a]  }
0x61: {  	[tilespmem:s4], [sflag:$0x9] =	stream.linear.gather [hbm4b:s0+s4], $0x28, $0x38;
	[tilespmem:$0x18C80] =	vst v63  }
0x62: {  	s0 =	simm.s32 $0x2  }
0x63: {  	_ =	swait.ge [sflag:s0], $0x1400  }
0x64: {  	[sflag:s0] =	ssyncset.done $0x0  }
0x65: {  	[sflag:s0] =	ssyncadd.s32 $0xFFFFEC00;
	s0 =	simm.s32 $0xE  }
0x66: {  	_ =	swait.ge [sflag:s0], $0x28  }
0x67: {  	[sflag:s0] =	ssyncset.done $0x0  }
0x68: {  	[sflag:s0] =	ssyncadd.s32 $0xFFFFFFD8  }
0x69: {  	[spmem:s3] =	stream.indirect.scatter.add.f32 [tilespmem:s31], [sflag:$0x6], $0x80, s17, s6, $0xb8;
	[tilespmem:$0x18C80] =	vst v63  }
0x6a: {  	_ =	swait.ge [sflag:s21], $0x1400  }
0x6b: {  	[sflag:s21] =	ssyncset.done $0x0  }
0x6c: {  	[sflag:s21] =	ssyncadd.s32 $0xFFFFEC00  }
0x6d: {  	_ =	swait.ge [sflag:s22], $0x28  }
0x6e: {  	[sflag:s22] =	ssyncset.done $0x0;
	s0 =	sld [smem:$0x7FD]  }
0x6f: {  	[sflag:s22] =	ssyncadd.s32 $0xFFFFFFD8  }
0x70: {  	[tilespmem:s9], [sflag:$0x1] =	stream.indirect.gather [hbm4b:s1+s6], $0x80, s4, s6, $0xb8;
	[tilespmem:$0x18C80] =	vst v63  }
0x71: {  	s28 =	sshrl.u32 s0, $0x3  }
0x72: {  	s29 =	rddreg [dreg:$0xb];
	s28 =	sadd.s32 s20, s28  }
0x73: {  	[tilespmem:s11], [sflag:$0xD] =	stream.linear.gather [hbm4b:s28+s4], $0x28, $0x38;
	[tilespmem:$0x18C80] =	vst v63  }
0x74: {  	s28 =	sadd.s32 $0x0, s29  }
0x75: {  	[tilespmem:s5], [sflag:$0xA] =	stream.linear.gather [hbm4b:s28+s4], $0x28, $0x38;
	[tilespmem:$0x18C80] =	vst v63  }
0x76: {  	_ =	swait.ge [sflag:s15], $0x1400  }
0x77: {  	[sflag:s15] =	ssyncset.done $0x0  }
0x78: {  	[sflag:s15] =	ssyncadd.s32 $0xFFFFEC00  }
0x79: {  	_ =	swait.ge [sflag:s24], $0x28  }
0x7a: {  	[sflag:s24] =	ssyncset.done $0x0  }
0x7b: {  	s28 =	simm.s32 $0x300;
	[sflag:s24] =	ssyncadd.s32 $0xFFFFFFD8  }
0x7c: {  	[spmem:s3] =	stream.indirect.scatter.add.f32 [tilespmem:s18], [sflag:$0x7], $0x80, s28, s6, $0xb8;
	[tilespmem:$0x18C80] =	vst v63  }
0x7d: {  	_ =	swait.ge [sflag:s23], $0x1400  }
0x7e: {  	[sflag:s23] =	ssyncset.done $0x0  }
0x7f: {  	[sflag:s23] =	ssyncadd.s32 $0xFFFFEC00  }
0x80: {  	_ =	swait.ge [sflag:s12], $0x28  }
0x81: {  	[sflag:s12] =	ssyncset.done $0x0  }
0x82: {  	s28 =	rddreg [dreg:$0xa];
	[sflag:s12] =	ssyncadd.s32 $0xFFFFFFD8  }
0x83: {  	[tilespmem:s31], [sflag:$0x2] =	stream.indirect.gather [hbm4b:s1+s6], $0x80, s5, s6, $0xb8;
	[tilespmem:$0x18C80] =	vst v63  }
0x84: {  	s29 =	rddreg [dreg:$0x9];
	s28 =	sadd.s32 $0x0, s28  }
0x85: {  	[tilespmem:s17], [sflag:$0xE] =	stream.linear.gather [hbm4b:s28+s4], $0x28, $0x38;
	[tilespmem:$0x18C80] =	vst v63  }
0x86: {  	s28 =	sadd.s32 $0x0, s29  }
0x87: {  	[tilespmem:s7], [sflag:$0xB] =	stream.linear.gather [hbm4b:s28+s4], $0x28, $0x38;
	[tilespmem:$0x18C80] =	vst v63  }
0x88: {  	_ =	swait.ge [sflag:s25], $0x1400  }
0x89: {  	[sflag:s25] =	ssyncset.done $0x0  }
0x8a: {  	[sflag:s25] =	ssyncadd.s32 $0xFFFFEC00  }
0x8b: {  	_ =	swait.ge [sflag:s8], $0x28  }
0x8c: {  	[sflag:s8] =	ssyncset.done $0x0  }
0x8d: {  	s17 =	simm.s32 $0x4000;
	[sflag:s8] =	ssyncadd.s32 $0xFFFFFFD8  }
0x8e: {  	[spmem:s3] =	stream.indirect.scatter.add.f32 [tilespmem:s17], [sflag:$0x8], $0x80, s19, s6, $0xb8;
	[tilespmem:$0x18C80] =	vst v63  }
0x8f: {  	_ =	swait.ge [sflag:s26], $0x1400  }
0x90: {  	[sflag:s26] =	ssyncset.done $0x0  }
0x91: {  	[sflag:s26] =	ssyncadd.s32 $0xFFFFEC00  }
0x92: {  	_ =	swait.ge [sflag:s13], $0x28  }
0x93: {  	[sflag:s13] =	ssyncset.done $0x0  }
0x94: {  	s28 =	rddreg [dreg:$0x8];
	[sflag:s13] =	ssyncadd.s32 $0xFFFFFFD8  }
0x95: {  	[tilespmem:s18], [sflag:$0x3] =	stream.indirect.gather [hbm4b:s1+s6], $0x80, s7, s6, $0xb8;
	[tilespmem:$0x18C80] =	vst v63  }
0x96: {  	s31 =	simm.s32 $0x300;
	s29 =	rddreg [dreg:$0x7];
	s28 =	sadd.s32 $0x0, s28  }
0x97: {  	[tilespmem:s31], [sflag:$0xF] =	stream.linear.gather [hbm4b:s28+s4], $0x28, $0x38;
	[tilespmem:$0x18C80] =	vst v63  }
0x98: {  	s28 =	sadd.s32 $0x0, s29  }
0x99: {  	[tilespmem:s10], [sflag:$0xC] =	stream.linear.gather [hbm4b:s28+s4], $0x28, $0x38;
	[tilespmem:$0x18C80] =	vst v63  }
0x9a: {  	_ =	swait.ge [sflag:s14], $0x1400  }
0x9b: {  	[sflag:s14] =	ssyncset.done $0x0  }
0x9c: {  	[sflag:s14] =	ssyncadd.s32 $0xFFFFEC00  }
0x9d: {  	_ =	swait.ge [sflag:s30], $0x28  }
0x9e: {  	[sflag:s30] =	ssyncset.done $0x0  }
0x9f: {  	[sflag:s30] =	ssyncadd.s32 $0xFFFFFFD8  }
0xa0: {  	[spmem:s3] =	stream.indirect.scatter.add.f32 [tilespmem:s9], [sflag:$0x5], $0x80, s11, s6, $0xb8;
	[tilespmem:$0x18C80] =	vst v63  }
0xa1: {  	_ =	swait.ge [sflag:s2], $0x1400  }
0xa2: {  	[sflag:s2] =	ssyncset.done $0x0  }
0xa3: {  	[sflag:s2] =	ssyncadd.s32 $0xFFFFEC00  }
0xa4: {  	_ =	swait.ge [sflag:s16], $0x28  }
0xa5: {  	s5 =	smov.u32 s20;
	[sflag:s16] =	ssyncset.done $0x0;
	s28 =	rddreg [dreg:$0x6]  }
0xa6: {  	s11 =	simm.s32 $0x180;
	s29 =	rddreg [dreg:$0x5];
	[sflag:s16] =	ssyncadd.s32 $0xFFFFFFD8  }
0xa7: {  	[tilespmem:s17], [sflag:$0x4] =	stream.indirect.gather [hbm4b:s1+s6], $0x80, s10, s6, $0xb8;
	[tilespmem:$0x18C80] =	vst v63  }
0xa8: {  	s28 =	sadd.s32 $0x0, s28;
	s30 =	sadd.s32 $0x0, s29;
	s29 =	sadd.s32 $0xA0, s0  }
0xa9: {  	[tilespmem:s19], [sflag:$0x10] =	stream.linear.gather [hbm4b:s28+s4], $0x28, $0x38;
	[tilespmem:$0x18C80] =	vst v63  }
0xaa: {  	s10 =	simm.s32 $0x100;
	s28 =	simm.s32 $0x14;
	s19 =	simm.s32 $0xC  }
.LBB2_2:
0xab: {  	[tilespmem:s4], [sflag:$0x9] =	stream.linear.gather [hbm4b:s30+s4], $0x28, $0x38;
	[tilespmem:$0x18C80] =	vst v63  }
0xac: {  	s0 =	simm.s32 $0x2  }
0xad: {  	_ =	swait.ge [sflag:s0], $0x1400  }
0xae: {  	[sflag:s0] =	ssyncset.done $0x0  }
0xaf: {  	s18 =	simm.s32 $0xE;
	[sflag:s0] =	ssyncadd.s32 $0xFFFFEC00  }
0xb0: {  	_ =	swait.ge [sflag:s18], $0x28  }
0xb1: {  	[sflag:s18] =	ssyncset.done $0x0  }
0xb2: {  	s13 =	simm.s32 $0x1800;
	[sflag:s18] =	ssyncadd.s32 $0xFFFFFFD8;
	s18 =	simm.s32 $0x280  }
0xb3: {  	[spmem:s3] =	stream.indirect.scatter.add.f32 [tilespmem:s13], [sflag:$0x6], $0x80, s18, s6, $0xb8;
	[tilespmem:$0x18C80] =	vst v63  }
0xb4: {  	_ =	swait.ge [sflag:s21], $0x1400  }
0xb5: {  	[sflag:s21] =	ssyncset.done $0x0  }
0xb6: {  	[sflag:s21] =	ssyncadd.s32 $0xFFFFEC00  }
0xb7: {  	_ =	swait.ge [sflag:s22], $0x28  }
0xb8: {  	s30 =	smov.u32 s28;
	[sflag:s22] =	ssyncset.done $0x0  }
0xb9: {  	s31 =	sshrl.u32 s29, $0x3;
	s12 =	simm.s32 $0x400;
	[sflag:s22] =	ssyncadd.s32 $0xFFFFFFD8  }
0xba: {  	[tilespmem:s12], [sflag:$0x1] =	stream.indirect.gather [hbm4b:s1+s6], $0x80, s4, s6, $0xb8;
	[tilespmem:$0x18C80] =	vst v63  }
0xbb: {  	s17 =	simm.s32 $0x200;
	s31 =	sadd.s32 s5, s31;
	s20 =	rddreg [dreg:$0xb]  }
0xbc: {  	[tilespmem:s17], [sflag:$0xD] =	stream.linear.gather [hbm4b:s31+s4], $0x28, $0x38;
	[tilespmem:$0x18C80] =	vst v63  }
0xbd: {  	s7 =	simm.s32 $0x80;
	s0 =	sadd.s32 s30, s20  }
0xbe: {  	[tilespmem:s7], [sflag:$0xA] =	stream.linear.gather [hbm4b:s0+s4], $0x28, $0x38;
	[tilespmem:$0x18C80] =	vst v63  }
0xbf: {  	_ =	swait.ge [sflag:s15], $0x1400  }
0xc0: {  	[sflag:s15] =	ssyncset.done $0x0  }
0xc1: {  	[sflag:s15] =	ssyncadd.s32 $0xFFFFEC00  }
0xc2: {  	_ =	swait.ge [sflag:s24], $0x28  }
0xc3: {  	[sflag:s24] =	ssyncset.done $0x0  }
0xc4: {  	s9 =	simm.s32 $0x300;
	s14 =	simm.s32 $0x2C00;
	[sflag:s24] =	ssyncadd.s32 $0xFFFFFFD8  }
0xc5: {  	[spmem:s3] =	stream.indirect.scatter.add.f32 [tilespmem:s14], [sflag:$0x7], $0x80, s9, s6, $0xb8;
	[tilespmem:$0x18C80] =	vst v63  }
0xc6: {  	_ =	swait.ge [sflag:s23], $0x1400  }
0xc7: {  	[sflag:s23] =	ssyncset.done $0x0  }
0xc8: {  	s0 =	simm.s32 $0xA;
	[sflag:s23] =	ssyncadd.s32 $0xFFFFEC00  }
0xc9: {  	_ =	swait.ge [sflag:s0], $0x28  }
0xca: {  	[sflag:s0] =	ssyncset.done $0x0  }
0xcb: {  	s16 =	rddreg [dreg:$0xa];
	[sflag:s0] =	ssyncadd.s32 $0xFFFFFFD8  }
0xcc: {  	[tilespmem:s13], [sflag:$0x2] =	stream.indirect.gather [hbm4b:s1+s6], $0x80, s7, s6, $0xb8;
	[tilespmem:$0x18C80] =	vst v63  }
0xcd: {  	s20 =	rddreg [dreg:$0x9];
	s0 =	sadd.s32 s30, s16  }
0xce: {  	[tilespmem:s18], [sflag:$0xE] =	stream.linear.gather [hbm4b:s0+s4], $0x28, $0x38;
	[tilespmem:$0x18C80] =	vst v63  }
0xcf: {  	s16 =	sadd.s32 s30, s20  }
0xd0: {  	[tilespmem:s10], [sflag:$0xB] =	stream.linear.gather [hbm4b:s16+s4], $0x28, $0x38;
	[tilespmem:$0x18C80] =	vst v63  }
0xd1: {  	_ =	swait.ge [sflag:s25], $0x1400  }
0xd2: {  	[sflag:s25] =	ssyncset.done $0x0  }
0xd3: {  	[sflag:s25] =	ssyncadd.s32 $0xFFFFEC00  }
0xd4: {  	_ =	swait.ge [sflag:s8], $0x28  }
0xd5: {  	[sflag:s8] =	ssyncset.done $0x0  }
0xd6: {  	s20 =	simm.s32 $0x380;
	s16 =	simm.s32 $0x4000;
	[sflag:s8] =	ssyncadd.s32 $0xFFFFFFD8  }
0xd7: {  	[spmem:s3] =	stream.indirect.scatter.add.f32 [tilespmem:s16], [sflag:$0x8], $0x80, s20, s6, $0xb8;
	[tilespmem:$0x18C80] =	vst v63  }
0xd8: {  	_ =	swait.ge [sflag:s26], $0x1400  }
0xd9: {  	[sflag:s26] =	ssyncset.done $0x0  }
0xda: {  	s13 =	simm.s32 $0xB;
	[sflag:s26] =	ssyncadd.s32 $0xFFFFEC00  }
0xdb: {  	_ =	swait.ge [sflag:s13], $0x28  }
0xdc: {  	[sflag:s13] =	ssyncset.done $0x0  }
0xdd: {  	s18 =	rddreg [dreg:$0x8];
	[sflag:s13] =	ssyncadd.s32 $0xFFFFFFD8  }
0xde: {  	[tilespmem:s14], [sflag:$0x3] =	stream.indirect.gather [hbm4b:s1+s6], $0x80, s10, s6, $0xb8;
	[tilespmem:$0x18C80] =	vst v63  }
0xdf: {  	s31 =	rddreg [dreg:$0x7];
	s0 =	sadd.s32 s30, s18  }
0xe0: {  	[tilespmem:s9], [sflag:$0xF] =	stream.linear.gather [hbm4b:s0+s4], $0x28, $0x38;
	[tilespmem:$0x18C80] =	vst v63  }
0xe1: {  	s14 =	sadd.s32 s30, s31;
	s31 =	simm.s32 $0x1  }
0xe2: {  	[tilespmem:s11], [sflag:$0xC] =	stream.linear.gather [hbm4b:s14+s4], $0x28, $0x38;
	[tilespmem:$0x18C80] =	vst v63  }
0xe3: {  	_ =	swait.ge [sflag:s31], $0x1400  }
0xe4: {  	[sflag:s31] =	ssyncset.done $0x0  }
0xe5: {  	s9 =	simm.s32 $0xD;
	[sflag:s31] =	ssyncadd.s32 $0xFFFFEC00  }
0xe6: {  	_ =	swait.ge [sflag:s9], $0x28  }
0xe7: {  	[sflag:s9] =	ssyncset.done $0x0  }
0xe8: {  	[sflag:s9] =	ssyncadd.s32 $0xFFFFFFD8  }
0xe9: {  	[spmem:s3] =	stream.indirect.scatter.add.f32 [tilespmem:s12], [sflag:$0x5], $0x80, s17, s6, $0xb8;
	[tilespmem:$0x18C80] =	vst v63  }
0xea: {  	_ =	swait.ge [sflag:s2], $0x1400  }
0xeb: {  	p1 =	sne.s32 s28, $0x4B0;
	[sflag:s2] =	ssyncset.done $0x0  }
0xec: {  	s28 =	sadd.s32 $0x14, s28;
	s29 =	sadd.s32 $0xA0, s29;
	[sflag:s2] =	ssyncadd.s32 $0xFFFFEC00  }
0xed: {  	s7 =	simm.s32 $0x2C00;
	s18 =	simm.s32 $0x300;
	_ =	swait.ge [sflag:s19], $0x28  }
.Ltmp0:
0xee: {  	[sflag:s19] =	ssyncset.done $0x0;
	s12 =	rddreg [dreg:$0x6];
	(pc) =	sbr.rel @p1 .LBB2_2-.Ltmp0, $4  }
0xef: {  	s17 =	simm.s32 $0x4000;
	s14 =	rddreg [dreg:$0x5];
	[sflag:s19] =	ssyncadd.s32 $0xFFFFFFD8  }
0xf0: {  	[tilespmem:s16], [sflag:$0x4] =	stream.indirect.gather [hbm4b:s1+s6], $0x80, s11, s6, $0xb8;
	[tilespmem:$0x18C80] =	vst v63  }
0xf1: {  	s0 =	sadd.s32 s30, s12;
	s30 =	sadd.s32 s30, s14;
	s16 =	simm.s32 $0x380  }
0xf2: {  	[tilespmem:s20], [sflag:$0x10] =	stream.linear.gather [hbm4b:s0+s4], $0x28, $0x38;
	[tilespmem:$0x18C80] =	vst v63  }
0xf3: {  	[tilespmem:s4], [sflag:$0x9] =	stream.linear.gather [hbm4b:s30+s4], $0x28, $0x38;
	[tilespmem:$0x18C80] =	vst v63  }
0xf4: {  	s19 =	simm.s32 $0x2  }
0xf5: {  	_ =	swait.ge [sflag:s19], $0x1400  }
0xf6: {  	[sflag:s19] =	ssyncset.done $0x0  }
0xf7: {  	s20 =	simm.s32 $0xE;
	[sflag:s19] =	ssyncadd.s32 $0xFFFFEC00  }
0xf8: {  	_ =	swait.ge [sflag:s20], $0x28  }
0xf9: {  	[sflag:s20] =	ssyncset.done $0x0  }
0xfa: {  	s11 =	simm.s32 $0x280;
	s12 =	simm.s32 $0x1800;
	[sflag:s20] =	ssyncadd.s32 $0xFFFFFFD8  }
0xfb: {  	[spmem:s3] =	stream.indirect.scatter.add.f32 [tilespmem:s12], [sflag:$0x6], $0x80, s11, s6, $0xb8;
	[tilespmem:$0x18C80] =	vst v63  }
0xfc: {  	_ =	swait.ge [sflag:s21], $0x1400  }
0xfd: {  	[sflag:s21] =	ssyncset.done $0x0  }
0xfe: {  	[sflag:s21] =	ssyncadd.s32 $0xFFFFEC00  }
0xff: {  	_ =	swait.ge [sflag:s22], $0x28  }
0x100: {  	[sflag:s22] =	ssyncset.done $0x0  }
0x101: {  	s9 =	simm.s32 $0x400;
	[sflag:s22] =	ssyncadd.s32 $0xFFFFFFD8  }
0x102: {  	[tilespmem:s9], [sflag:$0x1] =	stream.indirect.gather [hbm4b:s1+s6], $0x80, s4, s6, $0xb8;
	[tilespmem:$0x18C80] =	vst v63  }
0x103: {  	s10 =	simm.s32 $0x200;
	s0 =	rddreg [dreg:$0x1b]  }
0x104: {  	[tilespmem:s10], [sflag:$0xD] =	stream.linear.gather [hbm4b:s0+s4], $0x28, $0x38;
	[tilespmem:$0x18C80] =	vst v63  }
0x105: {  	s14 =	simm.s32 $0x80;
	s30 =	rddreg [dreg:$0x1c]  }
0x106: {  	[tilespmem:s14], [sflag:$0xA] =	stream.linear.gather [hbm4b:s30+s4], $0x28, $0x38;
	[tilespmem:$0x18C80] =	vst v63  }
0x107: {  	_ =	swait.ge [sflag:s15], $0x1400  }
0x108: {  	[sflag:s15] =	ssyncset.done $0x0  }
0x109: {  	[sflag:s15] =	ssyncadd.s32 $0xFFFFEC00  }
0x10a: {  	_ =	swait.ge [sflag:s24], $0x28  }
0x10b: {  	[sflag:s24] =	ssyncset.done $0x0  }
0x10c: {  	[sflag:s24] =	ssyncadd.s32 $0xFFFFFFD8  }
0x10d: {  	[spmem:s3] =	stream.indirect.scatter.add.f32 [tilespmem:s7], [sflag:$0x7], $0x80, s18, s6, $0xb8;
	[tilespmem:$0x18C80] =	vst v63  }
0x10e: {  	_ =	swait.ge [sflag:s23], $0x1400  }
0x10f: {  	[sflag:s23] =	ssyncset.done $0x0  }
0x110: {  	s7 =	simm.s32 $0xA;
	[sflag:s23] =	ssyncadd.s32 $0xFFFFEC00  }
0x111: {  	_ =	swait.ge [sflag:s7], $0x28  }
0x112: {  	[sflag:s7] =	ssyncset.done $0x0  }
0x113: {  	[sflag:s7] =	ssyncadd.s32 $0xFFFFFFD8  }
0x114: {  	[tilespmem:s12], [sflag:$0x2] =	stream.indirect.gather [hbm4b:s1+s6], $0x80, s14, s6, $0xb8;
	[tilespmem:$0x18C80] =	vst v63  }
0x115: {  	s14 =	rddreg [dreg:$0x1d]  }
0x116: {  	[tilespmem:s11], [sflag:$0xE] =	stream.linear.gather [hbm4b:s14+s4], $0x28, $0x38;
	[tilespmem:$0x18C80] =	vst v63  }
0x117: {  	_ =	swait.ge [sflag:s25], $0x1400  }
0x118: {  	[sflag:s25] =	ssyncset.done $0x0  }
0x119: {  	[sflag:s25] =	ssyncadd.s32 $0xFFFFEC00  }
0x11a: {  	_ =	swait.ge [sflag:s8], $0x28  }
0x11b: {  	[sflag:s8] =	ssyncset.done $0x0  }
0x11c: {  	[sflag:s8] =	ssyncadd.s32 $0xFFFFFFD8  }
0x11d: {  	[spmem:s3] =	stream.indirect.scatter.add.f32 [tilespmem:s17], [sflag:$0x8], $0x80, s16, s6, $0xb8;
	[tilespmem:$0x18C80] =	vst v63  }
0x11e: {  	_ =	swait.ge [sflag:s26], $0x1400  }
0x11f: {  	[sflag:s26] =	ssyncset.done $0x0  }
0x120: {  	s17 =	simm.s32 $0x1;
	[sflag:s26] =	ssyncadd.s32 $0xFFFFEC00  }
0x121: {  	_ =	swait.ge [sflag:s17], $0x1400  }
0x122: {  	[sflag:s17] =	ssyncset.done $0x0  }
0x123: {  	s18 =	simm.s32 $0xD;
	[sflag:s17] =	ssyncadd.s32 $0xFFFFEC00  }
0x124: {  	_ =	swait.ge [sflag:s18], $0x28  }
0x125: {  	[sflag:s18] =	ssyncset.done $0x0  }
0x126: {  	[sflag:s18] =	ssyncadd.s32 $0xFFFFFFD8  }
0x127: {  	[spmem:s3] =	stream.indirect.scatter.add.f32 [tilespmem:s9], [sflag:$0x5], $0x80, s10, s6, $0xb8;
	[tilespmem:$0x18C80] =	vst v63  }
0x128: {  	_ =	swait.ge [sflag:s2], $0x1400  }
0x129: {  	[sflag:s2] =	ssyncset.done $0x0  }
0x12a: {  	[sflag:s2] =	ssyncadd.s32 $0xFFFFEC00  }
0x12b: {  	_ =	swait.ge [sflag:s19], $0x1400  }
0x12c: {  	[sflag:s19] =	ssyncset.done $0x0  }
0x12d: {  	[sflag:s19] =	ssyncadd.s32 $0xFFFFEC00  }
0x12e: {  	_ =	swait.ge [sflag:s20], $0x28  }
0x12f: {  	[sflag:s20] =	ssyncset.done $0x0  }
0x130: {  	[sflag:s20] =	ssyncadd.s32 $0xFFFFFFD8  }
0x131: {  	[spmem:s3] =	stream.indirect.scatter.add.f32 [tilespmem:s12], [sflag:$0x6], $0x80, s11, s6, $0xb8;
	[tilespmem:$0x18C80] =	vst v63  }
0x132: {  	_ =	swait.ge [sflag:s21], $0x1400  }
0x133: {  	[sflag:s21] =	ssyncset.done $0x0  }
0x134: {  	[sflag:s21] =	ssyncadd.s32 $0xFFFFEC00  }
0x135: {  	_ =	swait.ge [sflag:s23], $0x1400  }
0x136: {  	[sflag:s23] =	ssyncset.done $0x0  }
0x137: {  	[sflag:s23] =	ssyncadd.s32 $0xFFFFEC00  }
0x138: {  	[bflag:$0x0] =	sbarrier.arrive $0xFFFF  }
0x139: {  	s19 =	rddreg [dreg:$0xc]  }
0x13a: {  	s20 =	sld [smem:$0x7FB]  }
0x13b: {  	s29 =	rddreg [dreg:$0x1e]  }
0x13c: {  	s31 =	simm.s32 $0x11;
	s28 =	rddreg [dreg:$0xf];
	s0 =	sadd.s32 s19, s29  }
0x13d: {  	[hbm:s0], [sflag:s28] =	dma.local [spmem:s20], $0x2700  }
0x13e: {  	_ =	swait.ge [sflag:s31], $0x2700  }
0x13f: {  	s7 =	sld [smem:$0x7FC]  }
0x140: {  	[sflag:s31] =	ssyncset.done $0x0  }
0x141: {  	s0 =	sadd.s32 @!p0 $0x27000, s29;
	[sflag:s31] =	ssyncadd.s32 $0xFFFFD900  }
0x142: {  	[hbm:s0], [sflag:s28] =	dma.local @!p0 [spmem:s7], $0x100  }
0x143: {  	s0 =	simm.s32 @!p0 $0x11  }
0x144: {  	_ =	swait.ge @!p0 [sflag:s0], $0x100  }
0x145: {  	s29 =	sld [smem:$0x7FA];
	_ =	sdelay $0x2  }
0x146: {  	s30 =	rddreg [dreg:$0x1f];
	s9 =	sadd.s32 $0x1, s29  }
0x147: {  	p1 =	sne.s32 s9, s30  }
.Ltmp1:
0x148: {  	_ = 	snop;
	(pc) =	sbr.rel @p1 .LBB2_1-.Ltmp1, $3  }
0x149: {  	_ =	sdelay $0x1  }
0x14a: {  	s16 =	simm.s32 $0xC;
	s10 =	simm.s32 $0x180;
	[sflag:s0] =	ssyncset.done @!p0 $0x0  }
0x14b: {  	s20 =	smov.u32 s5;
	s7 =	simm.s32 $0x100;
	[sflag:s0] =	ssyncadd.s32 @!p0 $0xFFFFFF00  }
0x14c: {  	_ =	sfence.sel $0x180000  }
0x14d: {  	[bflag:$0x0] =	sbarrier.arrive $0xFFFF  }
0x14e: {  	_ =	strace $0x9000004A  }
0x14f: {  	[bflag:$0x2] =	sbarrier.arrive $0xFFFF  }
0x150: {  	s0 =	rddreg [dreg:$0x4]  }
0x151: {  	s0 =	sadd.s32 @!p0 $0x100000, s0  }
0x152: {  	[sflag:s0] =	ssyncadd.tile.s32 @!p0 $0x1;
	_ =	shalt  }
.Lfunc_end2:
_tile_overlayer_lowered:
.L_overlay_start_2:
0x153: {  	(tag) =	ssettag $0x2  }
0x154: {  	s0 =	rddreg [dreg:$0x0];
	s2 =	stileid.u32  }
0x155: {  	s1 =	rddreg [dreg:$0x1];
	p0 =	sne.s32 s2, $0x0  }
0x156: {  	s3 =	rddreg [dreg:$0x2];
	[bflag:$0x3] =	sbarrier.arrive $0xFFFF;
	s2 =	simm.s32 @!p0 $0x1C11  }
0x157: {  	[timem:s3], [sflag:s2] =	dma.local @!p0 [hbm:s0], s1  }
0x158: {  	s0 =	simm.s32 @!p0 $0x11  }
0x159: {  	_ =	swait.ge @!p0 [sflag:s0], s1  }
0x15a: {  	s1 =	ssub.s32 @!p0 $0x0, s1;
	[sflag:s0] =	ssyncset.done @!p0 $0x0  }
0x15b: {  	[sflag:s0] =	ssyncadd.s32 @!p0 s1  }
0x15c: {  	[bflag:$0x3] =	sbarrier.arrive $0xFFFF  }
0x15d: {  	_ =	shalt  }

// kernel: kernel.15.cloned.1.call-start
scs
__scs_entry_jumppad:
0x0: {  	(pc) =	sbr.rel $0x88, $3  }
0x1: {  	(tag) =	ssettag $0x0;
	lr =	simm.s32 $0x1  }
0x2: {  	[smem:$0x3F95] =	sst lr;
	_ =	strace $0xD0000000  }
0x3: {  	_ = 	snop  }
0x4: {  	_ = 	snop  }
0x5: {  	_ = 	snop  }
0x6: {  	_ = 	snop  }
0x7: {  	_ = 	snop  }
__scs_overlays_trampoline_lowered:
0x8: {  	[smem:$0x3FA4] =	sst s0  }
0x9: {  	[smem:$0x3FA5] =	sst s1  }
0xa: {  	[smem:$0x3FA6] =	sst s2  }
0xb: {  	[smem:$0x3FA7] =	sst s3  }
0xc: {  	[smem:$0x3FA8] =	sst s4  }
0xd: {  	[smem:$0x3FA9] =	sst s5  }
0xe: {  	[smem:$0x3FAA] =	sst s6  }
0xf: {  	[smem:$0x3FAB] =	sst s7  }
0x10: {  	[smem:$0x3FAC] =	sst s8  }
0x11: {  	[smem:$0x3FAD] =	sst s9;
	s0 =	simm.s32 @!p0 $0x0  }
0x12: {  	s1 =	sld [smem:$0x3F93];
	s0 =	simm.s32 @p0 $0x1  }
0x13: {  	[smem:$0x3FAE] =	sst s0;
	s0 =	simm.s32 @!p1 $0x0  }
0x14: {  	s2 =	sld [smem:$0x3F92];
	s0 =	simm.s32 @p1 $0x1  }
0x15: {  	[smem:$0x3FAF] =	sst s0;
	s0 =	simm.s32 @!p2 $0x0  }
0x16: {  	s3 =	sld [smem:$0x3FDB];
	s0 =	simm.s32 @p2 $0x1  }
0x17: {  	s4 =	simm.s32 $0x1BF5;
	[smem:$0x3FB1] =	sst s0  }
0x18: {  	s0 =	sld [smem:$0x3F94];
	_ =	swait.ge [sflag:s4], $0x0  }
0x19: {  	s7 =	sld [smem:$0x3F95]  }
0x1a: {  	s8 =	sadd.s32 $0xFFFFE003, lr  }
0x1b: {  	s9 =	sadd.s32 $0xFFFFFEF7, lr;
	s5 =	simm.s32 $0xFFFFFFFF;
	p2 =	slt.u32 s8, $0xFFFFF086  }
0x1c: {  	p1 =	slt.u32 s9, $0xF7A;
	s5 =	simm.s32 @!p2 $0x0  }
0x1d: {  	s5 =	simm.s32 @p1 $0x1;
	p0 =	seq.s32 s7, s2  }
0x1e: {  	s7 =	smul.u32 @!p0 $0xF7A, s2;
	p2 =	seq.s32 @!p0 s5, $0x0  }
0x1f: {  	s9 =	smul.u32 $0xF7A, s1;
	s8 =	simm.s32 @!p0 $0x1BF5;
	p2 =	por !p2, p0  }
0x20: {  	[sflag:s8] =	ssyncset.s32 @!p0 $0xFFFFF086;
	s6 =	sadd.s32 @!p0 s3, s7;
	s7 =	simm.s32 @!p0 $0x108  }
0x21: {  	s3 =	sadd.s32 s3, s9;
	s6 =	sadd.s32 @!p0 $0x88, s6;
	s7 =	simm.s32 @p2 $0x1082  }
0x22: {  	[simem:s7], [sflag:s8] =	dma.local @!p0 [hbm:s6], $0xF7A  }
0x23: {  	s9 =	sor.u32 $0xD0000000, s2;
	s6 =	simm.s32 $0x108;
	_ =	swait.ge @!p0 [sflag:s8], $0x0  }
0x24: {  	s3 =	sadd.s32 $0x88, s3;
	s6 =	simm.s32 @!p1 $0x1082;
	[sflag:s4] =	ssyncset.s32 $0xFFFFF086  }
0x25: {  	[simem:s6], [sflag:s4] =	dma.local [hbm:s3], $0xF7A  }
0x26: {  	[smem:$0x3F95] =	sst s1;
	(tag) =	ssettag s2;
	_ =	strace s9  }
0x27: {  	s1 =	sld [smem:$0x3FA5]  }
0x28: {  	s2 =	sld [smem:$0x3FA6]  }
0x29: {  	s4 =	sld [smem:$0x3FA8]  }
0x2a: {  	p0 =	seq.s32 s5, $0x0;
	s5 =	sld [smem:$0x3FA9]  }
0x2b: {  	s6 =	sld [smem:$0x3FAA]  }
0x2c: {  	s7 =	sld [smem:$0x3FAB]  }
0x2d: {  	s3 =	simm.s32 $0x108;
	s8 =	sld [smem:$0x3FAC]  }
0x2e: {  	s3 =	simm.s32 @!p0 $0x1082;
	s9 =	sld [smem:$0x3FAD]  }
0x2f: {  	lr =	sadd.s32 s0, s3;
	s0 =	sld [smem:$0x3FA4]  }
0x30: {  	s3 =	sld [smem:$0x3FA7]  }
0x31: {  	[smem:$0x3FB0] =	sst s10  }
0x32: {  	s10 =	sld [smem:$0x3FAE];
	_ =	sdelay $0x3  }
0x33: {  	p0 =	seq.s32 s10, $0x1;
	s10 =	sld [smem:$0x3FB0];
	_ =	sdelay $0x3  }
0x34: {  	[smem:$0x3FB0] =	sst s10  }
0x35: {  	s10 =	sld [smem:$0x3FAF];
	_ =	sdelay $0x3  }
0x36: {  	p1 =	seq.s32 s10, $0x1;
	s10 =	sld [smem:$0x3FB0];
	_ =	sdelay $0x3  }
0x37: {  	[smem:$0x3FB0] =	sst s10  }
0x38: {  	s10 =	sld [smem:$0x3FB1]  }
0x39: {  	_ = 	snop;
	(pc) =	sbr.ind lr, $3  }
0x3a: {  	_ = 	snop  }
0x3b: {  	_ = 	snop  }
0x3c: {  	p2 =	seq.s32 s10, $0x1;
	s10 =	sld [smem:$0x3FB0]  }
0x3d: {  	_ =	shalt  }
0x3e: {  	_ =	shalt  }
0x3f: {  	_ =	shalt  }
0x40: {  	_ =	shalt  }
0x41: {  	_ =	shalt  }
0x42: {  	_ =	shalt  }
0x43: {  	_ =	shalt  }
0x44: {  	_ =	shalt  }
0x45: {  	_ =	shalt  }
0x46: {  	_ =	shalt  }
0x47: {  	_ =	shalt  }
0x48: {  	_ =	shalt  }
0x49: {  	_ =	shalt  }
0x4a: {  	_ =	shalt  }
0x4b: {  	_ =	shalt  }
0x4c: {  	_ =	shalt  }
0x4d: {  	_ =	shalt  }
0x4e: {  	_ =	shalt  }
0x4f: {  	_ =	shalt  }
0x50: {  	_ =	shalt  }
0x51: {  	_ =	shalt  }
0x52: {  	_ =	shalt  }
0x53: {  	_ =	shalt  }
0x54: {  	_ =	shalt  }
0x55: {  	_ =	shalt  }
0x56: {  	_ =	shalt  }
0x57: {  	_ =	shalt  }
0x58: {  	_ =	shalt  }
0x59: {  	_ =	shalt  }
0x5a: {  	_ =	shalt  }
0x5b: {  	_ =	shalt  }
0x5c: {  	_ =	shalt  }
0x5d: {  	_ =	shalt  }
0x5e: {  	_ =	shalt  }
0x5f: {  	_ =	shalt  }
0x60: {  	_ =	shalt  }
0x61: {  	_ =	shalt  }
0x62: {  	_ =	shalt  }
0x63: {  	_ =	shalt  }
0x64: {  	_ =	shalt  }
0x65: {  	_ =	shalt  }
0x66: {  	_ =	shalt  }
0x67: {  	_ =	shalt  }
0x68: {  	_ =	shalt  }
0x69: {  	_ =	shalt  }
0x6a: {  	_ =	shalt  }
0x6b: {  	_ =	shalt  }
0x6c: {  	_ =	shalt  }
0x6d: {  	_ =	shalt  }
0x6e: {  	_ =	shalt  }
0x6f: {  	_ =	shalt  }
0x70: {  	_ =	shalt  }
0x71: {  	_ =	shalt  }
0x72: {  	_ =	shalt  }
0x73: {  	_ =	shalt  }
0x74: {  	_ =	shalt  }
0x75: {  	_ =	shalt  }
0x76: {  	_ =	shalt  }
0x77: {  	_ =	shalt  }
0x78: {  	_ =	shalt  }
0x79: {  	_ =	shalt  }
0x7a: {  	_ =	shalt  }
0x7b: {  	_ =	shalt  }
0x7c: {  	_ =	shalt  }
0x7d: {  	_ =	shalt  }
0x7e: {  	_ =	shalt  }
0x7f: {  	_ =	shalt  }
0x80: {  	_ =	shalt  }
0x81: {  	_ =	shalt  }
0x82: {  	_ =	shalt  }
0x83: {  	_ =	shalt  }
0x84: {  	_ =	shalt  }
0x85: {  	_ =	shalt  }
0x86: {  	_ =	shalt  }
0x87: {  	_ =	shalt  }
.Lfunc_end0:
.L_simem_size_0:
called_computation.2_lowered:
.L_overlay_start_0:
0x88: {  	s2 =	sld [smem:$0x3FD9]  }
0x89: {  	s3 =	sld [smem:$0x3FFE];
	_ =	sdelay $0x1  }
0x8a: {  	s1 =	srdreg.scid  }
0x8b: {  	s0 =	sand.u32 $0x1, s1  }
0x8c: {  	s17 =	sshll.u32 s0, $0xA;
	s2 =	sadd.s32 s3, s2  }
0x8d: {  	s2 =	sadd.s32 s2, s17  }
0x8e: {  	[smem:$0x3FBC] =	sst s2  }
0x8f: {  	_ = 	snop  }
0x90: {  	s2 =	sld [smem:$0x3FD0];
	(tm) =	ssettm $0x1  }
0x91: {  	s18 =	sld [smem:$0x3FFB];
	_ =	sdelay $0x3  }
0x92: {  	_ =	strace s18  }
0x93: {  	s3 =	sld [smem:$0x3FFC];
	_ =	sdelay $0x3  }
0x94: {  	_ =	strace s3  }
0x95: {  	s3 =	sld [smem:$0x3FFD];
	_ =	sdelay $0x3  }
0x96: {  	_ =	strace s3  }
0x97: {  	_ =	strace $0x8FFFFFFF  }
0x98: {  	s19 =	sld [smem:$0x3FDB];
	_ =	sdelay $0x1  }
0x99: {  	s4 =	simm.s32 $_scs_section_size  }
0x9a: {  	s5 =	simm.s32 $_size__tile_overlayer_lowered;
	s6 =	simm.s32 $_tile_overlayer_lowered  }
0x9b: {  	s22 =	simm.s32 $0x1BFF;
	s21 =	sshll.u32 s6, $0x1;
	s3 =	sadd.s32 s4, s19  }
0x9c: {  	s7 =	simm.s32 $0x0;
	s20 =	sshll.u32 s5, $0x1;
	s5 =	sadd.s32 s21, s3  }
0x9d: {  	[timem:s7], [sflag:s22] =	dma.local [hbm:s5], s20  }
0x9e: {  	_ =	swait.ge [sflag:s22], s20  }
0x9f: {  	s4 =	ssub.s32 $0x0, s20;
	[sflag:s22] =	ssyncset.done $0x0  }
0xa0: {  	[sflag:s22] =	ssyncadd.s32 s4;
	_ =	sdelay $0x1  }
0xa1: {  	s23 =	simm.s32 $0x1B8B  }
0xa2: {  	_ =	swait.ge [sflag:s23], $0x1  }
0xa3: {  	[sflag:s23] =	ssyncset.done $0x0  }
0xa4: {  	s25 =	simm.s32 $0x1B8E;
	s24 =	sld [smem:$0x3FFE];
	[sflag:s23] =	ssyncadd.s32 $0xFFFFFFFF  }
0xa5: {  	s26 =	simm.s32 $execute0_lowered;
	[smem:$0x3FD2] =	sst s25  }
0xa6: {  	s5 =	sshll.u32 s26, $0x1;
	_ =	strace $0x8000004C;
	[dreg:$0x1] =	wrdreg $0xFFFFFFFF  }
0xa7: {  	s28 =	simm.s32 $_size_execute0_lowered;
	s3 =	sadd.s32 s3, s5;
	[dreg:$0x0] =	wrdreg $0x0  }
0xa8: {  	s5 =	sshll.u32 s28, $0x1;
	[dreg:$0x2] =	wrdreg s3  }
0xa9: {  	[dreg:$0x3] =	wrdreg s5  }
0xaa: {  	[dreg:$0x4] =	wrdreg $0xC0  }
0xab: {  	_ =	task [dreg:s7], $0x5FFFF  }
0xac: {  	[dreg:$0x1] =	wrdreg $0xFFFFFFFF  }
0xad: {  	[dreg:$0x0] =	wrdreg $0x60  }
0xae: {  	[dreg:$0x2] =	wrdreg s24  }
0xaf: {  	[dreg:$0x3] =	wrdreg s2  }
0xb0: {  	[dreg:$0x4] =	wrdreg $0x54000  }
0xb1: {  	[dreg:$0x5] =	wrdreg $0x9  }
0xb2: {  	_ =	task.clear_ibuf [dreg:s7], $0x6FFFF;
	_ =	strace $0x9000004C  }
0xb3: {  	s29 =	simm.s32 $0x9;
	_ =	strace $0x8000004E  }
0xb4: {  	_ =	swait.ge [sflag:s29], $0x1  }
0xb5: {  	[sflag:s29] =	ssyncadd.s32 $0xFFFFFFFF  }
0xb6: {  	_ =	strace $0x9000004E  }
0xb7: {  	_ =	sfence  }
0xb8: {  	s30 =	sld [smem:$0x0];
	_ =	sdelay $0x2  }
0xb9: {  	s31 =	sshll.u32 s1, $0xD;
	s1 =	sshrl.u32 s1, $0x2  }
0xba: {  	s3 =	sand.u32 $0x4000, s31;
	s1 =	sadd.s32 s1, s30  }
0xbb: {  	s0 =	sor.u32 s3, s0;
	s1 =	sshll.u32 s1, $0x11  }
0xbc: {  	s0 =	sor.u32 s1, s0  }
0xbd: {  	s0 =	sadd.s32 $0x8F2B, s0  }
0xbe: {  	[sflag:s0] =	ssyncadd.remote.s32 $0x1  }
0xbf: {  	_ =	sfence.sel $0xFFFF  }
0xc0: {  	[dreg:$0x0] =	wrdreg $0xFFFFFFFF;
	(pc) =	sbr.abs _section_cstart, $3  }
0xc1: {  	[dreg:$0x1] =	wrdreg $0xFFFFFFFF  }
0xc2: {  	_ =	task.clear_ibuf [dreg:s7], $0x2FFFF;
	_ =	strace $0x9FFFFFFF  }
0xc3: {  	(tm) =	ssettm $0x7FFFFFFF  }
tec
execute0_lowered:
.L_overlay_start_1:
0x0: {  	(tag) =	ssettag $0x1  }
0x1: {  	s4 =	rddreg [dreg:$0x0]  }
0x2: {  	s20 =	rddreg [dreg:$0x1]  }
0x3: {  	s2 =	rddreg [dreg:$0x2];
	s3 =	simm.s32 $0x0  }
0x4: {  	s0 =	stileid.u32;
	s6 =	srdreg.scid;
	s31 =	simm.s32 $0x11  }
0x5: {  	[smem:$0x7FF] =	sst s3;
	s7 =	smul.u32 $0x2700, s0;
	s5 =	sadd.s32 $0x83000, s4  }
0x6: {  	s1 =	sadd.s32 $0x3800, s4;
	s6 =	sand.u32 $0x1, s6;
	s11 =	smul.u32 $0x4E000, s0  }
0x7: {  	s9 =	sshll.u32 s0, $0x1;
	s25 =	smul.u32 $0x4E20, s0;
	s26 =	sshll.u32 s0, $0x6  }
0x8: {  	s29 =	sadd.s32 $0x138000, s2;
	p0 =	sne.s32 s0, $0x0;
	_ =	strace $0x8000004D  }
0x9: {  	s8 =	smul.u32 $0x27100, s6;
	s10 =	ssub.s32 $0x2, s6;
	s9 =	sor.u32 s6, s9  }
0xa: {  	s6 =	smul.u32 $0x2710, s6;
	s28 =	sor.u32 $0x1C11, s26;
	[dreg:$0xf] =	wrdreg s29  }
0xb: {  	[dreg:$0xb] =	wrdreg s7;
	s7 =	sadd.s32 s7, s4;
	s11 =	sshrl.u32 s11, $0x2  }
0xc: {  	s12 =	sshrl.u32 s10, $0x1;
	[dreg:$0xe] =	wrdreg s28;
	s11 =	sadd.s32 s11, s2  }
0xd: {  	s9 =	smul.u32 $0x2710, s9;
	s7 =	sadd.s32 $0xD600, s7;
	[dreg:$0xc] =	wrdreg s11  }
0xe: {  	s8 =	sadd.s32 s8, s4;
	s4 =	sadd.s32 $0x34600, s4;
	[dreg:$0xd] =	wrdreg s7  }
0xf: {  	s10 =	ssub.s32 s10, s12;
	s6 =	sadd.s32 s6, s25;
	[dreg:$0x10] =	wrdreg s4  }
0x10: {  	s30 =	sshrl.u32 s9, $0x3;
	s14 =	sadd.s32 $0x28, s9;
	s16 =	sadd.s32 $0x140, s6  }
0x11: {  	s12 =	sadd.s32 $0x118, s6;
	s15 =	sadd.s32 s1, s30;
	s7 =	sshrl.u32 s14, $0x3  }
0x12: {  	s22 =	sadd.s32 $0xA, s30;
	s30 =	sadd.s32 s20, s30;
	[dreg:$0x11] =	wrdreg s15  }
0x13: {  	s11 =	sshrl.u32 s16, $0x3;
	s13 =	sadd.s32 s1, s7;
	[dreg:$0x15] =	wrdreg s30  }
0x14: {  	s12 =	sshrl.u32 s12, $0x3;
	s11 =	sadd.s32 s11, s1;
	[dreg:$0x12] =	wrdreg s13  }
0x15: {  	s18 =	sadd.s32 $0xF0, s6;
	s17 =	sadd.s32 s12, s20;
	[dreg:$0x4] =	wrdreg s11  }
0x16: {  	s24 =	sadd.s32 $0xC8, s6;
	s19 =	sadd.s32 s12, s1;
	[dreg:$0x5] =	wrdreg s17  }
0x17: {  	s21 =	sshrl.u32 s18, $0x3;
	s14 =	sadd.s32 s1, s22;
	[dreg:$0x6] =	wrdreg s19  }
0x18: {  	s25 =	sadd.s32 $0x78, s9;
	s23 =	sadd.s32 s21, s20;
	[dreg:$0x13] =	wrdreg s14  }
0x19: {  	s12 =	sadd.s32 s21, s1;
	s7 =	sadd.s32 s20, s7;
	[dreg:$0x7] =	wrdreg s23  }
0x1a: {  	s16 =	sadd.s32 s20, s22;
	s21 =	sadd.s32 $0x14, s15;
	[dreg:$0x8] =	wrdreg s12  }
0x1b: {  	s15 =	simm.s32 $0x3;
	s11 =	sshrl.u32 s24, $0x3;
	[dreg:$0x16] =	wrdreg s7  }
0x1c: {  	s14 =	sshrl.u32 s25, $0x3;
	[dreg:$0x17] =	wrdreg s16;
	s19 =	sadd.s32 $0x26E8, s9  }
0x1d: {  	[dreg:$0x19] =	wrdreg s21;
	s23 =	sadd.s32 $0x4D8, s30;
	s30 =	sadd.s32 $0xA0, s6  }
0x1e: {  	s7 =	simm.s32 $0x100;
	s6 =	simm.s32 $0x28;
	[dreg:$0x1a] =	wrdreg s23  }
0x1f: {  	s13 =	simm.s32 $0xB;
	s26 =	sadd.s32 s11, s20;
	[dreg:$0x1f] =	wrdreg s30  }
0x20: {  	s16 =	simm.s32 $0xC;
	s29 =	sadd.s32 s1, s14;
	[dreg:$0x9] =	wrdreg s26  }
0x21: {  	s21 =	simm.s32 $0x5;
	s18 =	sadd.s32 s20, s14;
	[dreg:$0x14] =	wrdreg s29  }
0x22: {  	s17 =	sadd.s32 s11, s1;
	s22 =	sshrl.u32 s19, $0x3;
	[dreg:$0x18] =	wrdreg s18  }
0x23: {  	s9 =	simm.s32 $0x0;
	[dreg:$0xa] =	wrdreg s17;
	s24 =	sadd.s32 s1, s22  }
0x24: {  	s23 =	simm.s32 $0x6;
	s25 =	sadd.s32 s20, s22;
	[dreg:$0x1b] =	wrdreg s24  }
0x25: {  	s26 =	sadd.s32 $0xAA200, s8;
	s29 =	smax.u32 s10, $0x1;
	[dreg:$0x1c] =	wrdreg s25  }
0x26: {  	s10 =	simm.s32 $0x180;
	s22 =	simm.s32 $0x9;
	[dreg:$0x1d] =	wrdreg s26  }
0x27: {  	s8 =	simm.s32 $0x10;
	s1 =	simm.s32 $0x8;
	[dreg:$0x1e] =	wrdreg s29  }
0x28: {  	s24 =	simm.s32 $0xF;
	s25 =	simm.s32 $0x4;
	s26 =	simm.s32 $0x7  }
.LBB2_1:
0x29: {  	[smem:$0x7FB] =	sst s9  }
0x2a: {  	s0 =	rddreg [dreg:$0xc]  }
0x2b: {  	s14 =	rddreg [dreg:$0xd];
	s4 =	sshrl.u32 s0, $0x3  }
0x2c: {  	[smem:$0x7FC] =	sst s4  }
0x2d: {  	[spmem:s4], [sflag:s28] =	dma.local [hbm:s14], $0x2700  }
0x2e: {  	_ =	swait.ge [sflag:s31], $0x2700  }
0x2f: {  	s0 =	rddreg [dreg:$0xf]  }
0x30: {  	[sflag:s31] =	ssyncset.done $0x0;
	s4 =	sshrl.u32 @!p0 s0, $0x3;
	s0 =	rddreg [dreg:$0x10]  }
0x31: {  	[sflag:s31] =	ssyncadd.s32 $0xFFFFD900;
	[smem:$0x7FD] =	sst s4  }
0x32: {  	[spmem:s4], [sflag:s28] =	dma.local @!p0 [hbm:s0], $0x100  }
0x33: {  	s28 =	simm.s32 @!p0 $0x11  }
0x34: {  	_ =	swait.ge @!p0 [sflag:s28], $0x100  }
0x35: {  	[sflag:s28] =	ssyncset.done @!p0 $0x0  }
0x36: {  	[sflag:s28] =	ssyncadd.s32 @!p0 $0xFFFFFF00  }
0x37: {  	[bflag:$0x0] =	sbarrier.arrive $0xFFFF  }
0x38: {  	s17 =	rddreg [dreg:$0x11]  }
0x39: {  	[tilespmem:s3], [sflag:$0x11] =	stream.linear.gather [hbm4b:s17+s3], $0x28, $0x38;
	[tilespmem:$0x18C80] =	vst v63  }
0x3a: {  	_ =	swait.ge [sflag:s31], $0x28  }
0x3b: {  	[sflag:s31] =	ssyncset.done $0x0  }
0x3c: {  	s4 =	simm.s32 $0x80;
	s18 =	rddreg [dreg:$0x12];
	[sflag:s31] =	ssyncadd.s32 $0xFFFFFFD8  }
0x3d: {  	[tilespmem:s4], [sflag:$0xA] =	stream.linear.gather [hbm4b:s18+s3], $0x28, $0x38;
	[tilespmem:$0x18C80] =	vst v63  }
0x3e: {  	s19 =	rddreg [dreg:$0x13]  }
0x3f: {  	[tilespmem:s7], [sflag:$0xB] =	stream.linear.gather [hbm4b:s19+s3], $0x28, $0x38;
	[tilespmem:$0x18C80] =	vst v63  }
0x40: {  	s31 =	rddreg [dreg:$0x14]  }
0x41: {  	[tilespmem:s10], [sflag:$0xC] =	stream.linear.gather [hbm4b:s31+s3], $0x28, $0x38;
	[tilespmem:$0x18C80] =	vst v63  }
0x42: {  	s11 =	simm.s32 $0x200;
	s9 =	rddreg [dreg:$0x15]  }
0x43: {  	[tilespmem:s11], [sflag:$0xD] =	stream.linear.gather [hbm4b:s9+s3], $0x28, $0x38;
	[tilespmem:$0x18C80] =	vst v63  }
0x44: {  	s17 =	simm.s32 $0x280;
	s12 =	rddreg [dreg:$0x16]  }
0x45: {  	[tilespmem:s17], [sflag:$0xE] =	stream.linear.gather [hbm4b:s12+s3], $0x28, $0x38;
	[tilespmem:$0x18C80] =	vst v63  }
0x46: {  	s14 =	rddreg [dreg:$0x17];
	s18 =	simm.s32 $0x300  }
0x47: {  	[tilespmem:s18], [sflag:$0xF] =	stream.linear.gather [hbm4b:s14+s3], $0x28, $0x38;
	[tilespmem:$0x18C80] =	vst v63  }
0x48: {  	s9 =	simm.s32 $0x400;
	s12 =	simm.s32 $0xA  }
0x49: {  	[tilespmem:s9], [sflag:$0x1] =	stream.indirect.gather [hbm4b:s5+s6], $0x80, s3, s6, $0xb8;
	[tilespmem:$0x18C80] =	vst v63  }
0x4a: {  	_ =	swait.ge [sflag:s12], $0x28  }
0x4b: {  	[sflag:s12] =	ssyncset.done $0x0  }
0x4c: {  	s31 =	simm.s32 $0x1800;
	[sflag:s12] =	ssyncadd.s32 $0xFFFFFFD8  }
0x4d: {  	[tilespmem:s31], [sflag:$0x2] =	stream.indirect.gather [hbm4b:s5+s6], $0x80, s4, s6, $0xb8;
	[tilespmem:$0x18C80] =	vst v63  }
0x4e: {  	_ =	swait.ge [sflag:s13], $0x28  }
0x4f: {  	[sflag:s13] =	ssyncset.done $0x0  }
0x50: {  	s18 =	simm.s32 $0x2C00;
	s14 =	simm.s32 $0x1;
	[sflag:s13] =	ssyncadd.s32 $0xFFFFFFD8  }
0x51: {  	[tilespmem:s18], [sflag:$0x3] =	stream.indirect.gather [hbm4b:s5+s6], $0x80, s7, s6, $0xb8;
	[tilespmem:$0x18C80] =	vst v63  }
0x52: {  	_ =	swait.ge [sflag:s14], $0x1400  }
0x53: {  	[sflag:s14] =	ssyncset.done $0x0  }
0x54: {  	s30 =	simm.s32 $0xD;
	[sflag:s14] =	ssyncadd.s32 $0xFFFFEC00  }
0x55: {  	_ =	swait.ge [sflag:s30], $0x28  }
0x56: {  	[sflag:s30] =	ssyncset.done $0x0  }
0x57: {  	[sflag:s30] =	ssyncadd.s32 $0xFFFFFFD8  }
0x58: {  	[spmem:s2] =	stream.indirect.scatter.add.f32 [tilespmem:s9], [sflag:$0x5], $0x80, s11, s6, $0xb8;
	[tilespmem:$0x18C80] =	vst v63  }
0x59: {  	_ =	swait.ge [sflag:s16], $0x28  }
0x5a: {  	[sflag:s16] =	ssyncset.done $0x0  }
0x5b: {  	s19 =	simm.s32 $0x4000;
	[sflag:s16] =	ssyncadd.s32 $0xFFFFFFD8  }
0x5c: {  	[tilespmem:s19], [sflag:$0x4] =	stream.indirect.gather [hbm4b:s5+s6], $0x80, s10, s6, $0xb8;
	[tilespmem:$0x18C80] =	vst v63  }
0x5d: {  	s0 =	rddreg [dreg:$0x18];
	s19 =	simm.s32 $0x380  }
0x5e: {  	[tilespmem:s19], [sflag:$0x10] =	stream.linear.gather [hbm4b:s0+s3], $0x28, $0x38;
	[tilespmem:$0x18C80] =	vst v63  }
0x5f: {  	s0 =	rddreg [dreg:$0x19]  }
0x60: {  	[tilespmem:s3], [sflag:$0x9] =	stream.linear.gather [hbm4b:s0+s3], $0x28, $0x38;
	[tilespmem:$0x18C80] =	vst v63  }
0x61: {  	s0 =	simm.s32 $0x2  }
0x62: {  	_ =	swait.ge [sflag:s0], $0x1400  }
0x63: {  	[sflag:s0] =	ssyncset.done $0x0  }
0x64: {  	[sflag:s0] =	ssyncadd.s32 $0xFFFFEC00;
	s0 =	simm.s32 $0xE  }
0x65: {  	_ =	swait.ge [sflag:s0], $0x28  }
0x66: {  	[sflag:s0] =	ssyncset.done $0x0  }
0x67: {  	[sflag:s0] =	ssyncadd.s32 $0xFFFFFFD8  }
0x68: {  	[spmem:s2] =	stream.indirect.scatter.add.f32 [tilespmem:s31], [sflag:$0x6], $0x80, s17, s6, $0xb8;
	[tilespmem:$0x18C80] =	vst v63  }
0x69: {  	_ =	swait.ge [sflag:s21], $0x1400  }
0x6a: {  	[sflag:s21] =	ssyncset.done $0x0  }
0x6b: {  	[sflag:s21] =	ssyncadd.s32 $0xFFFFEC00  }
0x6c: {  	_ =	swait.ge [sflag:s22], $0x28  }
0x6d: {  	[sflag:s22] =	ssyncset.done $0x0;
	s0 =	rddreg [dreg:$0x1f]  }
0x6e: {  	[sflag:s22] =	ssyncadd.s32 $0xFFFFFFD8;
	s28 =	sshrl.u32 s0, $0x3  }
0x6f: {  	[tilespmem:s9], [sflag:$0x1] =	stream.indirect.gather [hbm4b:s5+s6], $0x80, s3, s6, $0xb8;
	[tilespmem:$0x18C80] =	vst v63  }
0x70: {  	s29 =	rddreg [dreg:$0xa];
	s28 =	sadd.s32 s20, s28  }
0x71: {  	[tilespmem:s11], [sflag:$0xD] =	stream.linear.gather [hbm4b:s28+s3], $0x28, $0x38;
	[tilespmem:$0x18C80] =	vst v63  }
0x72: {  	s28 =	sadd.s32 $0x0, s29  }
0x73: {  	[tilespmem:s4], [sflag:$0xA] =	stream.linear.gather [hbm4b:s28+s3], $0x28, $0x38;
	[tilespmem:$0x18C80] =	vst v63  }
0x74: {  	_ =	swait.ge [sflag:s15], $0x1400  }
0x75: {  	[sflag:s15] =	ssyncset.done $0x0  }
0x76: {  	[sflag:s15] =	ssyncadd.s32 $0xFFFFEC00  }
0x77: {  	_ =	swait.ge [sflag:s24], $0x28  }
0x78: {  	[sflag:s24] =	ssyncset.done $0x0  }
0x79: {  	s28 =	simm.s32 $0x300;
	[sflag:s24] =	ssyncadd.s32 $0xFFFFFFD8  }
0x7a: {  	[spmem:s2] =	stream.indirect.scatter.add.f32 [tilespmem:s18], [sflag:$0x7], $0x80, s28, s6, $0xb8;
	[tilespmem:$0x18C80] =	vst v63  }
0x7b: {  	_ =	swait.ge [sflag:s23], $0x1400  }
0x7c: {  	[sflag:s23] =	ssyncset.done $0x0  }
0x7d: {  	[sflag:s23] =	ssyncadd.s32 $0xFFFFEC00  }
0x7e: {  	_ =	swait.ge [sflag:s12], $0x28  }
0x7f: {  	[sflag:s12] =	ssyncset.done $0x0  }
0x80: {  	s28 =	rddreg [dreg:$0x9];
	[sflag:s12] =	ssyncadd.s32 $0xFFFFFFD8  }
0x81: {  	[tilespmem:s31], [sflag:$0x2] =	stream.indirect.gather [hbm4b:s5+s6], $0x80, s4, s6, $0xb8;
	[tilespmem:$0x18C80] =	vst v63  }
0x82: {  	s29 =	rddreg [dreg:$0x8];
	s28 =	sadd.s32 $0x0, s28  }
0x83: {  	[tilespmem:s17], [sflag:$0xE] =	stream.linear.gather [hbm4b:s28+s3], $0x28, $0x38;
	[tilespmem:$0x18C80] =	vst v63  }
0x84: {  	s28 =	sadd.s32 $0x0, s29  }
0x85: {  	[tilespmem:s7], [sflag:$0xB] =	stream.linear.gather [hbm4b:s28+s3], $0x28, $0x38;
	[tilespmem:$0x18C80] =	vst v63  }
0x86: {  	_ =	swait.ge [sflag:s25], $0x1400  }
0x87: {  	[sflag:s25] =	ssyncset.done $0x0  }
0x88: {  	[sflag:s25] =	ssyncadd.s32 $0xFFFFEC00  }
0x89: {  	_ =	swait.ge [sflag:s8], $0x28  }
0x8a: {  	[sflag:s8] =	ssyncset.done $0x0  }
0x8b: {  	s17 =	simm.s32 $0x4000;
	[sflag:s8] =	ssyncadd.s32 $0xFFFFFFD8  }
0x8c: {  	[spmem:s2] =	stream.indirect.scatter.add.f32 [tilespmem:s17], [sflag:$0x8], $0x80, s19, s6, $0xb8;
	[tilespmem:$0x18C80] =	vst v63  }
0x8d: {  	_ =	swait.ge [sflag:s26], $0x1400  }
0x8e: {  	[sflag:s26] =	ssyncset.done $0x0  }
0x8f: {  	[sflag:s26] =	ssyncadd.s32 $0xFFFFEC00  }
0x90: {  	_ =	swait.ge [sflag:s13], $0x28  }
0x91: {  	[sflag:s13] =	ssyncset.done $0x0  }
0x92: {  	s28 =	rddreg [dreg:$0x7];
	[sflag:s13] =	ssyncadd.s32 $0xFFFFFFD8  }
0x93: {  	[tilespmem:s18], [sflag:$0x3] =	stream.indirect.gather [hbm4b:s5+s6], $0x80, s7, s6, $0xb8;
	[tilespmem:$0x18C80] =	vst v63  }
0x94: {  	s31 =	simm.s32 $0x300;
	s29 =	rddreg [dreg:$0x6];
	s28 =	sadd.s32 $0x0, s28  }
0x95: {  	[tilespmem:s31], [sflag:$0xF] =	stream.linear.gather [hbm4b:s28+s3], $0x28, $0x38;
	[tilespmem:$0x18C80] =	vst v63  }
0x96: {  	s28 =	sadd.s32 $0x0, s29  }
0x97: {  	[tilespmem:s10], [sflag:$0xC] =	stream.linear.gather [hbm4b:s28+s3], $0x28, $0x38;
	[tilespmem:$0x18C80] =	vst v63  }
0x98: {  	_ =	swait.ge [sflag:s14], $0x1400  }
0x99: {  	[sflag:s14] =	ssyncset.done $0x0  }
0x9a: {  	[sflag:s14] =	ssyncadd.s32 $0xFFFFEC00  }
0x9b: {  	_ =	swait.ge [sflag:s30], $0x28  }
0x9c: {  	[sflag:s30] =	ssyncset.done $0x0  }
0x9d: {  	[sflag:s30] =	ssyncadd.s32 $0xFFFFFFD8  }
0x9e: {  	[spmem:s2] =	stream.indirect.scatter.add.f32 [tilespmem:s9], [sflag:$0x5], $0x80, s11, s6, $0xb8;
	[tilespmem:$0x18C80] =	vst v63  }
0x9f: {  	_ =	swait.ge [sflag:s1], $0x1400  }
0xa0: {  	[sflag:s1] =	ssyncset.done $0x0  }
0xa1: {  	[sflag:s1] =	ssyncadd.s32 $0xFFFFEC00  }
0xa2: {  	_ =	swait.ge [sflag:s16], $0x28  }
0xa3: {  	s4 =	smov.u32 s20;
	[sflag:s16] =	ssyncset.done $0x0;
	s28 =	rddreg [dreg:$0x5]  }
0xa4: {  	s11 =	simm.s32 $0x180;
	s29 =	rddreg [dreg:$0x4];
	[sflag:s16] =	ssyncadd.s32 $0xFFFFFFD8  }
0xa5: {  	[tilespmem:s17], [sflag:$0x4] =	stream.indirect.gather [hbm4b:s5+s6], $0x80, s10, s6, $0xb8;
	[tilespmem:$0x18C80] =	vst v63  }
0xa6: {  	s28 =	sadd.s32 $0x0, s28;
	s30 =	sadd.s32 $0x0, s29;
	s29 =	sadd.s32 $0xA0, s0  }
0xa7: {  	[tilespmem:s19], [sflag:$0x10] =	stream.linear.gather [hbm4b:s28+s3], $0x28, $0x38;
	[tilespmem:$0x18C80] =	vst v63  }
0xa8: {  	s10 =	simm.s32 $0x100;
	s28 =	simm.s32 $0x14;
	s19 =	simm.s32 $0xC  }
.LBB2_2:
0xa9: {  	[tilespmem:s3], [sflag:$0x9] =	stream.linear.gather [hbm4b:s30+s3], $0x28, $0x38;
	[tilespmem:$0x18C80] =	vst v63  }
0xaa: {  	s0 =	simm.s32 $0x2  }
0xab: {  	_ =	swait.ge [sflag:s0], $0x1400  }
0xac: {  	[sflag:s0] =	ssyncset.done $0x0  }
0xad: {  	s18 =	simm.s32 $0xE;
	[sflag:s0] =	ssyncadd.s32 $0xFFFFEC00  }
0xae: {  	_ =	swait.ge [sflag:s18], $0x28  }
0xaf: {  	[sflag:s18] =	ssyncset.done $0x0  }
0xb0: {  	s13 =	simm.s32 $0x1800;
	[sflag:s18] =	ssyncadd.s32 $0xFFFFFFD8;
	s18 =	simm.s32 $0x280  }
0xb1: {  	[spmem:s2] =	stream.indirect.scatter.add.f32 [tilespmem:s13], [sflag:$0x6], $0x80, s18, s6, $0xb8;
	[tilespmem:$0x18C80] =	vst v63  }
0xb2: {  	_ =	swait.ge [sflag:s21], $0x1400  }
0xb3: {  	[sflag:s21] =	ssyncset.done $0x0  }
0xb4: {  	[sflag:s21] =	ssyncadd.s32 $0xFFFFEC00  }
0xb5: {  	_ =	swait.ge [sflag:s22], $0x28  }
0xb6: {  	s30 =	smov.u32 s28;
	[sflag:s22] =	ssyncset.done $0x0  }
0xb7: {  	s31 =	sshrl.u32 s29, $0x3;
	s12 =	simm.s32 $0x400;
	[sflag:s22] =	ssyncadd.s32 $0xFFFFFFD8  }
0xb8: {  	[tilespmem:s12], [sflag:$0x1] =	stream.indirect.gather [hbm4b:s5+s6], $0x80, s3, s6, $0xb8;
	[tilespmem:$0x18C80] =	vst v63  }
0xb9: {  	s17 =	simm.s32 $0x200;
	s31 =	sadd.s32 s4, s31;
	s20 =	rddreg [dreg:$0xa]  }
0xba: {  	[tilespmem:s17], [sflag:$0xD] =	stream.linear.gather [hbm4b:s31+s3], $0x28, $0x38;
	[tilespmem:$0x18C80] =	vst v63  }
0xbb: {  	s7 =	simm.s32 $0x80;
	s0 =	sadd.s32 s30, s20  }
0xbc: {  	[tilespmem:s7], [sflag:$0xA] =	stream.linear.gather [hbm4b:s0+s3], $0x28, $0x38;
	[tilespmem:$0x18C80] =	vst v63  }
0xbd: {  	_ =	swait.ge [sflag:s15], $0x1400  }
0xbe: {  	[sflag:s15] =	ssyncset.done $0x0  }
0xbf: {  	[sflag:s15] =	ssyncadd.s32 $0xFFFFEC00  }
0xc0: {  	_ =	swait.ge [sflag:s24], $0x28  }
0xc1: {  	[sflag:s24] =	ssyncset.done $0x0  }
0xc2: {  	s9 =	simm.s32 $0x300;
	s14 =	simm.s32 $0x2C00;
	[sflag:s24] =	ssyncadd.s32 $0xFFFFFFD8  }
0xc3: {  	[spmem:s2] =	stream.indirect.scatter.add.f32 [tilespmem:s14], [sflag:$0x7], $0x80, s9, s6, $0xb8;
	[tilespmem:$0x18C80] =	vst v63  }
0xc4: {  	_ =	swait.ge [sflag:s23], $0x1400  }
0xc5: {  	[sflag:s23] =	ssyncset.done $0x0  }
0xc6: {  	s0 =	simm.s32 $0xA;
	[sflag:s23] =	ssyncadd.s32 $0xFFFFEC00  }
0xc7: {  	_ =	swait.ge [sflag:s0], $0x28  }
0xc8: {  	[sflag:s0] =	ssyncset.done $0x0  }
0xc9: {  	s16 =	rddreg [dreg:$0x9];
	[sflag:s0] =	ssyncadd.s32 $0xFFFFFFD8  }
0xca: {  	[tilespmem:s13], [sflag:$0x2] =	stream.indirect.gather [hbm4b:s5+s6], $0x80, s7, s6, $0xb8;
	[tilespmem:$0x18C80] =	vst v63  }
0xcb: {  	s20 =	rddreg [dreg:$0x8];
	s0 =	sadd.s32 s30, s16  }
0xcc: {  	[tilespmem:s18], [sflag:$0xE] =	stream.linear.gather [hbm4b:s0+s3], $0x28, $0x38;
	[tilespmem:$0x18C80] =	vst v63  }
0xcd: {  	s16 =	sadd.s32 s30, s20  }
0xce: {  	[tilespmem:s10], [sflag:$0xB] =	stream.linear.gather [hbm4b:s16+s3], $0x28, $0x38;
	[tilespmem:$0x18C80] =	vst v63  }
0xcf: {  	_ =	swait.ge [sflag:s25], $0x1400  }
0xd0: {  	[sflag:s25] =	ssyncset.done $0x0  }
0xd1: {  	[sflag:s25] =	ssyncadd.s32 $0xFFFFEC00  }
0xd2: {  	_ =	swait.ge [sflag:s8], $0x28  }
0xd3: {  	[sflag:s8] =	ssyncset.done $0x0  }
0xd4: {  	s20 =	simm.s32 $0x380;
	s16 =	simm.s32 $0x4000;
	[sflag:s8] =	ssyncadd.s32 $0xFFFFFFD8  }
0xd5: {  	[spmem:s2] =	stream.indirect.scatter.add.f32 [tilespmem:s16], [sflag:$0x8], $0x80, s20, s6, $0xb8;
	[tilespmem:$0x18C80] =	vst v63  }
0xd6: {  	_ =	swait.ge [sflag:s26], $0x1400  }
0xd7: {  	[sflag:s26] =	ssyncset.done $0x0  }
0xd8: {  	s13 =	simm.s32 $0xB;
	[sflag:s26] =	ssyncadd.s32 $0xFFFFEC00  }
0xd9: {  	_ =	swait.ge [sflag:s13], $0x28  }
0xda: {  	[sflag:s13] =	ssyncset.done $0x0  }
0xdb: {  	s18 =	rddreg [dreg:$0x7];
	[sflag:s13] =	ssyncadd.s32 $0xFFFFFFD8  }
0xdc: {  	[tilespmem:s14], [sflag:$0x3] =	stream.indirect.gather [hbm4b:s5+s6], $0x80, s10, s6, $0xb8;
	[tilespmem:$0x18C80] =	vst v63  }
0xdd: {  	s31 =	rddreg [dreg:$0x6];
	s0 =	sadd.s32 s30, s18  }
0xde: {  	[tilespmem:s9], [sflag:$0xF] =	stream.linear.gather [hbm4b:s0+s3], $0x28, $0x38;
	[tilespmem:$0x18C80] =	vst v63  }
0xdf: {  	s14 =	sadd.s32 s30, s31;
	s31 =	simm.s32 $0x1  }
0xe0: {  	[tilespmem:s11], [sflag:$0xC] =	stream.linear.gather [hbm4b:s14+s3], $0x28, $0x38;
	[tilespmem:$0x18C80] =	vst v63  }
0xe1: {  	_ =	swait.ge [sflag:s31], $0x1400  }
0xe2: {  	[sflag:s31] =	ssyncset.done $0x0  }
0xe3: {  	s9 =	simm.s32 $0xD;
	[sflag:s31] =	ssyncadd.s32 $0xFFFFEC00  }
0xe4: {  	_ =	swait.ge [sflag:s9], $0x28  }
0xe5: {  	[sflag:s9] =	ssyncset.done $0x0  }
0xe6: {  	[sflag:s9] =	ssyncadd.s32 $0xFFFFFFD8  }
0xe7: {  	[spmem:s2] =	stream.indirect.scatter.add.f32 [tilespmem:s12], [sflag:$0x5], $0x80, s17, s6, $0xb8;
	[tilespmem:$0x18C80] =	vst v63  }
0xe8: {  	_ =	swait.ge [sflag:s1], $0x1400  }
0xe9: {  	p1 =	sne.s32 s28, $0x4B0;
	[sflag:s1] =	ssyncset.done $0x0  }
0xea: {  	s28 =	sadd.s32 $0x14, s28;
	s29 =	sadd.s32 $0xA0, s29;
	[sflag:s1] =	ssyncadd.s32 $0xFFFFEC00  }
0xeb: {  	s7 =	simm.s32 $0x2C00;
	s18 =	simm.s32 $0x300;
	_ =	swait.ge [sflag:s19], $0x28  }
.Ltmp0:
0xec: {  	[sflag:s19] =	ssyncset.done $0x0;
	s12 =	rddreg [dreg:$0x5];
	(pc) =	sbr.rel @p1 .LBB2_2-.Ltmp0, $4  }
0xed: {  	s17 =	simm.s32 $0x4000;
	s14 =	rddreg [dreg:$0x4];
	[sflag:s19] =	ssyncadd.s32 $0xFFFFFFD8  }
0xee: {  	[tilespmem:s16], [sflag:$0x4] =	stream.indirect.gather [hbm4b:s5+s6], $0x80, s11, s6, $0xb8;
	[tilespmem:$0x18C80] =	vst v63  }
0xef: {  	s0 =	sadd.s32 s30, s12;
	s30 =	sadd.s32 s30, s14;
	s16 =	simm.s32 $0x380  }
0xf0: {  	[tilespmem:s20], [sflag:$0x10] =	stream.linear.gather [hbm4b:s0+s3], $0x28, $0x38;
	[tilespmem:$0x18C80] =	vst v63  }
0xf1: {  	[tilespmem:s3], [sflag:$0x9] =	stream.linear.gather [hbm4b:s30+s3], $0x28, $0x38;
	[tilespmem:$0x18C80] =	vst v63  }
0xf2: {  	s19 =	simm.s32 $0x2  }
0xf3: {  	_ =	swait.ge [sflag:s19], $0x1400  }
0xf4: {  	[sflag:s19] =	ssyncset.done $0x0  }
0xf5: {  	s20 =	simm.s32 $0xE;
	[sflag:s19] =	ssyncadd.s32 $0xFFFFEC00  }
0xf6: {  	_ =	swait.ge [sflag:s20], $0x28  }
0xf7: {  	[sflag:s20] =	ssyncset.done $0x0  }
0xf8: {  	s11 =	simm.s32 $0x280;
	s12 =	simm.s32 $0x1800;
	[sflag:s20] =	ssyncadd.s32 $0xFFFFFFD8  }
0xf9: {  	[spmem:s2] =	stream.indirect.scatter.add.f32 [tilespmem:s12], [sflag:$0x6], $0x80, s11, s6, $0xb8;
	[tilespmem:$0x18C80] =	vst v63  }
0xfa: {  	_ =	swait.ge [sflag:s21], $0x1400  }
0xfb: {  	[sflag:s21] =	ssyncset.done $0x0  }
0xfc: {  	[sflag:s21] =	ssyncadd.s32 $0xFFFFEC00  }
0xfd: {  	_ =	swait.ge [sflag:s22], $0x28  }
0xfe: {  	[sflag:s22] =	ssyncset.done $0x0  }
0xff: {  	s9 =	simm.s32 $0x400;
	[sflag:s22] =	ssyncadd.s32 $0xFFFFFFD8  }
0x100: {  	[tilespmem:s9], [sflag:$0x1] =	stream.indirect.gather [hbm4b:s5+s6], $0x80, s3, s6, $0xb8;
	[tilespmem:$0x18C80] =	vst v63  }
0x101: {  	s10 =	simm.s32 $0x200;
	s0 =	rddreg [dreg:$0x1a]  }
0x102: {  	[tilespmem:s10], [sflag:$0xD] =	stream.linear.gather [hbm4b:s0+s3], $0x28, $0x38;
	[tilespmem:$0x18C80] =	vst v63  }
0x103: {  	s14 =	simm.s32 $0x80;
	s30 =	rddreg [dreg:$0x1b]  }
0x104: {  	[tilespmem:s14], [sflag:$0xA] =	stream.linear.gather [hbm4b:s30+s3], $0x28, $0x38;
	[tilespmem:$0x18C80] =	vst v63  }
0x105: {  	_ =	swait.ge [sflag:s15], $0x1400  }
0x106: {  	[sflag:s15] =	ssyncset.done $0x0  }
0x107: {  	[sflag:s15] =	ssyncadd.s32 $0xFFFFEC00  }
0x108: {  	_ =	swait.ge [sflag:s24], $0x28  }
0x109: {  	[sflag:s24] =	ssyncset.done $0x0  }
0x10a: {  	[sflag:s24] =	ssyncadd.s32 $0xFFFFFFD8  }
0x10b: {  	[spmem:s2] =	stream.indirect.scatter.add.f32 [tilespmem:s7], [sflag:$0x7], $0x80, s18, s6, $0xb8;
	[tilespmem:$0x18C80] =	vst v63  }
0x10c: {  	_ =	swait.ge [sflag:s23], $0x1400  }
0x10d: {  	[sflag:s23] =	ssyncset.done $0x0  }
0x10e: {  	s7 =	simm.s32 $0xA;
	[sflag:s23] =	ssyncadd.s32 $0xFFFFEC00  }
0x10f: {  	_ =	swait.ge [sflag:s7], $0x28  }
0x110: {  	[sflag:s7] =	ssyncset.done $0x0  }
0x111: {  	[sflag:s7] =	ssyncadd.s32 $0xFFFFFFD8  }
0x112: {  	[tilespmem:s12], [sflag:$0x2] =	stream.indirect.gather [hbm4b:s5+s6], $0x80, s14, s6, $0xb8;
	[tilespmem:$0x18C80] =	vst v63  }
0x113: {  	s14 =	rddreg [dreg:$0x1c]  }
0x114: {  	[tilespmem:s11], [sflag:$0xE] =	stream.linear.gather [hbm4b:s14+s3], $0x28, $0x38;
	[tilespmem:$0x18C80] =	vst v63  }
0x115: {  	_ =	swait.ge [sflag:s25], $0x1400  }
0x116: {  	[sflag:s25] =	ssyncset.done $0x0  }
0x117: {  	[sflag:s25] =	ssyncadd.s32 $0xFFFFEC00  }
0x118: {  	_ =	swait.ge [sflag:s8], $0x28  }
0x119: {  	[sflag:s8] =	ssyncset.done $0x0  }
0x11a: {  	[sflag:s8] =	ssyncadd.s32 $0xFFFFFFD8  }
0x11b: {  	[spmem:s2] =	stream.indirect.scatter.add.f32 [tilespmem:s17], [sflag:$0x8], $0x80, s16, s6, $0xb8;
	[tilespmem:$0x18C80] =	vst v63  }
0x11c: {  	_ =	swait.ge [sflag:s26], $0x1400  }
0x11d: {  	[sflag:s26] =	ssyncset.done $0x0  }
0x11e: {  	s17 =	simm.s32 $0x1;
	[sflag:s26] =	ssyncadd.s32 $0xFFFFEC00  }
0x11f: {  	_ =	swait.ge [sflag:s17], $0x1400  }
0x120: {  	[sflag:s17] =	ssyncset.done $0x0  }
0x121: {  	s18 =	simm.s32 $0xD;
	[sflag:s17] =	ssyncadd.s32 $0xFFFFEC00  }
0x122: {  	_ =	swait.ge [sflag:s18], $0x28  }
0x123: {  	[sflag:s18] =	ssyncset.done $0x0  }
0x124: {  	[sflag:s18] =	ssyncadd.s32 $0xFFFFFFD8  }
0x125: {  	[spmem:s2] =	stream.indirect.scatter.add.f32 [tilespmem:s9], [sflag:$0x5], $0x80, s10, s6, $0xb8;
	[tilespmem:$0x18C80] =	vst v63  }
0x126: {  	_ =	swait.ge [sflag:s1], $0x1400  }
0x127: {  	[sflag:s1] =	ssyncset.done $0x0  }
0x128: {  	[sflag:s1] =	ssyncadd.s32 $0xFFFFEC00  }
0x129: {  	_ =	swait.ge [sflag:s19], $0x1400  }
0x12a: {  	[sflag:s19] =	ssyncset.done $0x0  }
0x12b: {  	[sflag:s19] =	ssyncadd.s32 $0xFFFFEC00  }
0x12c: {  	_ =	swait.ge [sflag:s20], $0x28  }
0x12d: {  	[sflag:s20] =	ssyncset.done $0x0  }
0x12e: {  	[sflag:s20] =	ssyncadd.s32 $0xFFFFFFD8  }
0x12f: {  	[spmem:s2] =	stream.indirect.scatter.add.f32 [tilespmem:s12], [sflag:$0x6], $0x80, s11, s6, $0xb8;
	[tilespmem:$0x18C80] =	vst v63  }
0x130: {  	_ =	swait.ge [sflag:s21], $0x1400  }
0x131: {  	[sflag:s21] =	ssyncset.done $0x0  }
0x132: {  	[sflag:s21] =	ssyncadd.s32 $0xFFFFEC00  }
0x133: {  	_ =	swait.ge [sflag:s23], $0x1400  }
0x134: {  	[sflag:s23] =	ssyncset.done $0x0  }
0x135: {  	[sflag:s23] =	ssyncadd.s32 $0xFFFFEC00  }
0x136: {  	[bflag:$0x0] =	sbarrier.arrive $0xFFFF  }
0x137: {  	s19 =	rddreg [dreg:$0xb]  }
0x138: {  	s20 =	sld [smem:$0x7FC]  }
0x139: {  	s29 =	rddreg [dreg:$0x1d]  }
0x13a: {  	s31 =	simm.s32 $0x11;
	s28 =	rddreg [dreg:$0xe];
	s0 =	sadd.s32 s19, s29  }
0x13b: {  	[hbm:s0], [sflag:s28] =	dma.local [spmem:s20], $0x2700  }
0x13c: {  	_ =	swait.ge [sflag:s31], $0x2700  }
0x13d: {  	s7 =	sld [smem:$0x7FD]  }
0x13e: {  	[sflag:s31] =	ssyncset.done $0x0  }
0x13f: {  	s0 =	sadd.s32 @!p0 $0x27000, s29;
	[sflag:s31] =	ssyncadd.s32 $0xFFFFD900  }
0x140: {  	[hbm:s0], [sflag:s28] =	dma.local @!p0 [spmem:s7], $0x100  }
0x141: {  	s0 =	simm.s32 @!p0 $0x11  }
0x142: {  	_ =	swait.ge @!p0 [sflag:s0], $0x100  }
0x143: {  	s29 =	sld [smem:$0x7FB];
	_ =	sdelay $0x2  }
0x144: {  	s30 =	rddreg [dreg:$0x1e];
	s9 =	sadd.s32 $0x1, s29  }
0x145: {  	p1 =	sne.s32 s9, s30  }
.Ltmp1:
0x146: {  	_ = 	snop;
	(pc) =	sbr.rel @p1 .LBB2_1-.Ltmp1, $3  }
0x147: {  	_ =	sdelay $0x1  }
0x148: {  	s16 =	simm.s32 $0xC;
	s10 =	simm.s32 $0x180;
	[sflag:s0] =	ssyncset.done @!p0 $0x0  }
0x149: {  	s20 =	smov.u32 s4;
	s7 =	simm.s32 $0x100;
	[sflag:s0] =	ssyncadd.s32 @!p0 $0xFFFFFF00  }
0x14a: {  	_ =	sfence.sel $0x180000  }
0x14b: {  	[bflag:$0x0] =	sbarrier.arrive $0xFFFF  }
0x14c: {  	_ =	strace $0x9000004D  }
0x14d: {  	[bflag:$0x2] =	sbarrier.arrive $0xFFFF  }
0x14e: {  	s0 =	rddreg [dreg:$0x3]  }
0x14f: {  	s0 =	sadd.s32 @!p0 $0x100000, s0  }
0x150: {  	[sflag:s0] =	ssyncadd.tile.s32 @!p0 $0x1;
	_ =	shalt  }
.Lfunc_end2:
_tile_overlayer_lowered:
.L_overlay_start_2:
0x151: {  	(tag) =	ssettag $0x2  }
0x152: {  	s0 =	rddreg [dreg:$0x0];
	s2 =	stileid.u32  }
0x153: {  	s1 =	rddreg [dreg:$0x1];
	p0 =	sne.s32 s2, $0x0  }
0x154: {  	s3 =	rddreg [dreg:$0x2];
	[bflag:$0x3] =	sbarrier.arrive $0xFFFF;
	s2 =	simm.s32 @!p0 $0x1C11  }
0x155: {  	[timem:s3], [sflag:s2] =	dma.local @!p0 [hbm:s0], s1  }
0x156: {  	s0 =	simm.s32 @!p0 $0x11  }
0x157: {  	_ =	swait.ge @!p0 [sflag:s0], s1  }
0x158: {  	s1 =	ssub.s32 @!p0 $0x0, s1;
	[sflag:s0] =	ssyncset.done @!p0 $0x0  }
0x159: {  	[sflag:s0] =	ssyncadd.s32 @!p0 s1  }
0x15a: {  	[bflag:$0x3] =	sbarrier.arrive $0xFFFF  }
0x15b: {  	_ =	shalt  }

// kernel: kernel.18.cloned.1.call-start
scs
__scs_entry_jumppad:
0x0: {  	(pc) =	sbr.rel $0x88, $3  }
0x1: {  	(tag) =	ssettag $0x0;
	lr =	simm.s32 $0x1  }
0x2: {  	[smem:$0x3F95] =	sst lr;
	_ =	strace $0xD0000000  }
0x3: {  	_ = 	snop  }
0x4: {  	_ = 	snop  }
0x5: {  	_ = 	snop  }
0x6: {  	_ = 	snop  }
0x7: {  	_ = 	snop  }
__scs_overlays_trampoline_lowered:
0x8: {  	[smem:$0x3FA4] =	sst s0  }
0x9: {  	[smem:$0x3FA5] =	sst s1  }
0xa: {  	[smem:$0x3FA6] =	sst s2  }
0xb: {  	[smem:$0x3FA7] =	sst s3  }
0xc: {  	[smem:$0x3FA8] =	sst s4  }
0xd: {  	[smem:$0x3FA9] =	sst s5  }
0xe: {  	[smem:$0x3FAA] =	sst s6  }
0xf: {  	[smem:$0x3FAB] =	sst s7  }
0x10: {  	[smem:$0x3FAC] =	sst s8  }
0x11: {  	[smem:$0x3FAD] =	sst s9;
	s0 =	simm.s32 @!p0 $0x0  }
0x12: {  	s1 =	sld [smem:$0x3F93];
	s0 =	simm.s32 @p0 $0x1  }
0x13: {  	[smem:$0x3FAE] =	sst s0;
	s0 =	simm.s32 @!p1 $0x0  }
0x14: {  	s2 =	sld [smem:$0x3F92];
	s0 =	simm.s32 @p1 $0x1  }
0x15: {  	[smem:$0x3FAF] =	sst s0;
	s0 =	simm.s32 @!p2 $0x0  }
0x16: {  	s3 =	sld [smem:$0x3FDB];
	s0 =	simm.s32 @p2 $0x1  }
0x17: {  	s4 =	simm.s32 $0x1BF5;
	[smem:$0x3FB1] =	sst s0  }
0x18: {  	s0 =	sld [smem:$0x3F94];
	_ =	swait.ge [sflag:s4], $0x0  }
0x19: {  	s7 =	sld [smem:$0x3F95]  }
0x1a: {  	s8 =	sadd.s32 $0xFFFFE003, lr  }
0x1b: {  	s9 =	sadd.s32 $0xFFFFFEF7, lr;
	s5 =	simm.s32 $0xFFFFFFFF;
	p2 =	slt.u32 s8, $0xFFFFF086  }
0x1c: {  	p1 =	slt.u32 s9, $0xF7A;
	s5 =	simm.s32 @!p2 $0x0  }
0x1d: {  	s5 =	simm.s32 @p1 $0x1;
	p0 =	seq.s32 s7, s2  }
0x1e: {  	s7 =	smul.u32 @!p0 $0xF7A, s2;
	p2 =	seq.s32 @!p0 s5, $0x0  }
0x1f: {  	s9 =	smul.u32 $0xF7A, s1;
	s8 =	simm.s32 @!p0 $0x1BF5;
	p2 =	por !p2, p0  }
0x20: {  	[sflag:s8] =	ssyncset.s32 @!p0 $0xFFFFF086;
	s6 =	sadd.s32 @!p0 s3, s7;
	s7 =	simm.s32 @!p0 $0x108  }
0x21: {  	s3 =	sadd.s32 s3, s9;
	s6 =	sadd.s32 @!p0 $0x88, s6;
	s7 =	simm.s32 @p2 $0x1082  }
0x22: {  	[simem:s7], [sflag:s8] =	dma.local @!p0 [hbm:s6], $0xF7A  }
0x23: {  	s9 =	sor.u32 $0xD0000000, s2;
	s6 =	simm.s32 $0x108;
	_ =	swait.ge @!p0 [sflag:s8], $0x0  }
0x24: {  	s3 =	sadd.s32 $0x88, s3;
	s6 =	simm.s32 @!p1 $0x1082;
	[sflag:s4] =	ssyncset.s32 $0xFFFFF086  }
0x25: {  	[simem:s6], [sflag:s4] =	dma.local [hbm:s3], $0xF7A  }
0x26: {  	[smem:$0x3F95] =	sst s1;
	(tag) =	ssettag s2;
	_ =	strace s9  }
0x27: {  	s1 =	sld [smem:$0x3FA5]  }
0x28: {  	s2 =	sld [smem:$0x3FA6]  }
0x29: {  	s4 =	sld [smem:$0x3FA8]  }
0x2a: {  	p0 =	seq.s32 s5, $0x0;
	s5 =	sld [smem:$0x3FA9]  }
0x2b: {  	s6 =	sld [smem:$0x3FAA]  }
0x2c: {  	s7 =	sld [smem:$0x3FAB]  }
0x2d: {  	s3 =	simm.s32 $0x108;
	s8 =	sld [smem:$0x3FAC]  }
0x2e: {  	s3 =	simm.s32 @!p0 $0x1082;
	s9 =	sld [smem:$0x3FAD]  }
0x2f: {  	lr =	sadd.s32 s0, s3;
	s0 =	sld [smem:$0x3FA4]  }
0x30: {  	s3 =	sld [smem:$0x3FA7]  }
0x31: {  	[smem:$0x3FB0] =	sst s10  }
0x32: {  	s10 =	sld [smem:$0x3FAE];
	_ =	sdelay $0x3  }
0x33: {  	p0 =	seq.s32 s10, $0x1;
	s10 =	sld [smem:$0x3FB0];
	_ =	sdelay $0x3  }
0x34: {  	[smem:$0x3FB0] =	sst s10  }
0x35: {  	s10 =	sld [smem:$0x3FAF];
	_ =	sdelay $0x3  }
0x36: {  	p1 =	seq.s32 s10, $0x1;
	s10 =	sld [smem:$0x3FB0];
	_ =	sdelay $0x3  }
0x37: {  	[smem:$0x3FB0] =	sst s10  }
0x38: {  	s10 =	sld [smem:$0x3FB1]  }
0x39: {  	_ = 	snop;
	(pc) =	sbr.ind lr, $3  }
0x3a: {  	_ = 	snop  }
0x3b: {  	_ = 	snop  }
0x3c: {  	p2 =	seq.s32 s10, $0x1;
	s10 =	sld [smem:$0x3FB0]  }
0x3d: {  	_ =	shalt  }
0x3e: {  	_ =	shalt  }
0x3f: {  	_ =	shalt  }
0x40: {  	_ =	shalt  }
0x41: {  	_ =	shalt  }
0x42: {  	_ =	shalt  }
0x43: {  	_ =	shalt  }
0x44: {  	_ =	shalt  }
0x45: {  	_ =	shalt  }
0x46: {  	_ =	shalt  }
0x47: {  	_ =	shalt  }
0x48: {  	_ =	shalt  }
0x49: {  	_ =	shalt  }
0x4a: {  	_ =	shalt  }
0x4b: {  	_ =	shalt  }
0x4c: {  	_ =	shalt  }
0x4d: {  	_ =	shalt  }
0x4e: {  	_ =	shalt  }
0x4f: {  	_ =	shalt  }
0x50: {  	_ =	shalt  }
0x51: {  	_ =	shalt  }
0x52: {  	_ =	shalt  }
0x53: {  	_ =	shalt  }
0x54: {  	_ =	shalt  }
0x55: {  	_ =	shalt  }
0x56: {  	_ =	shalt  }
0x57: {  	_ =	shalt  }
0x58: {  	_ =	shalt  }
0x59: {  	_ =	shalt  }
0x5a: {  	_ =	shalt  }
0x5b: {  	_ =	shalt  }
0x5c: {  	_ =	shalt  }
0x5d: {  	_ =	shalt  }
0x5e: {  	_ =	shalt  }
0x5f: {  	_ =	shalt  }
0x60: {  	_ =	shalt  }
0x61: {  	_ =	shalt  }
0x62: {  	_ =	shalt  }
0x63: {  	_ =	shalt  }
0x64: {  	_ =	shalt  }
0x65: {  	_ =	shalt  }
0x66: {  	_ =	shalt  }
0x67: {  	_ =	shalt  }
0x68: {  	_ =	shalt  }
0x69: {  	_ =	shalt  }
0x6a: {  	_ =	shalt  }
0x6b: {  	_ =	shalt  }
0x6c: {  	_ =	shalt  }
0x6d: {  	_ =	shalt  }
0x6e: {  	_ =	shalt  }
0x6f: {  	_ =	shalt  }
0x70: {  	_ =	shalt  }
0x71: {  	_ =	shalt  }
0x72: {  	_ =	shalt  }
0x73: {  	_ =	shalt  }
0x74: {  	_ =	shalt  }
0x75: {  	_ =	shalt  }
0x76: {  	_ =	shalt  }
0x77: {  	_ =	shalt  }
0x78: {  	_ =	shalt  }
0x79: {  	_ =	shalt  }
0x7a: {  	_ =	shalt  }
0x7b: {  	_ =	shalt  }
0x7c: {  	_ =	shalt  }
0x7d: {  	_ =	shalt  }
0x7e: {  	_ =	shalt  }
0x7f: {  	_ =	shalt  }
0x80: {  	_ =	shalt  }
0x81: {  	_ =	shalt  }
0x82: {  	_ =	shalt  }
0x83: {  	_ =	shalt  }
0x84: {  	_ =	shalt  }
0x85: {  	_ =	shalt  }
0x86: {  	_ =	shalt  }
0x87: {  	_ =	shalt  }
.Lfunc_end0:
.L_simem_size_0:
called_computation.3_lowered:
.L_overlay_start_0:
0x88: {  	s2 =	sld [smem:$0x3FD9]  }
0x89: {  	s3 =	sld [smem:$0x3FFE];
	_ =	sdelay $0x1  }
0x8a: {  	s1 =	srdreg.scid  }
0x8b: {  	s0 =	sand.u32 $0x1, s1  }
0x8c: {  	s17 =	sshll.u32 s0, $0xA;
	s2 =	sadd.s32 s3, s2  }
0x8d: {  	s2 =	sadd.s32 s2, s17  }
0x8e: {  	[smem:$0x3FBC] =	sst s2  }
0x8f: {  	_ = 	snop  }
0x90: {  	s2 =	sld [smem:$0x3FD0];
	(tm) =	ssettm $0x1  }
0x91: {  	s18 =	sld [smem:$0x3FFB];
	_ =	sdelay $0x3  }
0x92: {  	_ =	strace s18  }
0x93: {  	s3 =	sld [smem:$0x3FFC];
	_ =	sdelay $0x3  }
0x94: {  	_ =	strace s3  }
0x95: {  	s3 =	sld [smem:$0x3FFD];
	_ =	sdelay $0x3  }
0x96: {  	_ =	strace s3  }
0x97: {  	_ =	strace $0x8FFFFFFF  }
0x98: {  	s19 =	sld [smem:$0x3FDB];
	_ =	sdelay $0x1  }
0x99: {  	s4 =	simm.s32 $_scs_section_size  }
0x9a: {  	s5 =	simm.s32 $_size__tile_overlayer_lowered;
	s6 =	simm.s32 $_tile_overlayer_lowered  }
0x9b: {  	s22 =	simm.s32 $0x1BFF;
	s21 =	sshll.u32 s6, $0x1;
	s3 =	sadd.s32 s4, s19  }
0x9c: {  	s7 =	simm.s32 $0x0;
	s20 =	sshll.u32 s5, $0x1;
	s5 =	sadd.s32 s21, s3  }
0x9d: {  	[timem:s7], [sflag:s22] =	dma.local [hbm:s5], s20  }
0x9e: {  	_ =	swait.ge [sflag:s22], s20  }
0x9f: {  	s4 =	ssub.s32 $0x0, s20;
	[sflag:s22] =	ssyncset.done $0x0  }
0xa0: {  	[sflag:s22] =	ssyncadd.s32 s4;
	_ =	sdelay $0x1  }
0xa1: {  	s23 =	simm.s32 $0x1B8B  }
0xa2: {  	_ =	swait.ge [sflag:s23], $0x1  }
0xa3: {  	[sflag:s23] =	ssyncset.done $0x0  }
0xa4: {  	s25 =	simm.s32 $0x1B8E;
	s24 =	sld [smem:$0x3FFE];
	[sflag:s23] =	ssyncadd.s32 $0xFFFFFFFF  }
0xa5: {  	s26 =	simm.s32 $execute0_lowered;
	[smem:$0x3FD2] =	sst s25  }
0xa6: {  	s5 =	sshll.u32 s26, $0x1;
	_ =	strace $0x8000004F;
	[dreg:$0x1] =	wrdreg $0xFFFFFFFF  }
0xa7: {  	s28 =	simm.s32 $_size_execute0_lowered;
	s3 =	sadd.s32 s3, s5;
	[dreg:$0x0] =	wrdreg $0x0  }
0xa8: {  	s5 =	sshll.u32 s28, $0x1;
	[dreg:$0x2] =	wrdreg s3  }
0xa9: {  	[dreg:$0x3] =	wrdreg s5  }
0xaa: {  	[dreg:$0x4] =	wrdreg $0xC0  }
0xab: {  	_ =	task [dreg:s7], $0x5FFFF  }
0xac: {  	[dreg:$0x1] =	wrdreg $0xFFFFFFFF  }
0xad: {  	[dreg:$0x0] =	wrdreg $0x60  }
0xae: {  	[dreg:$0x2] =	wrdreg s24  }
0xaf: {  	[dreg:$0x3] =	wrdreg s2  }
0xb0: {  	[dreg:$0x4] =	wrdreg $0x54000  }
0xb1: {  	[dreg:$0x5] =	wrdreg $0x9  }
0xb2: {  	_ =	task.clear_ibuf [dreg:s7], $0x6FFFF;
	_ =	strace $0x9000004F  }
0xb3: {  	s29 =	simm.s32 $0x9;
	_ =	strace $0x80000051  }
0xb4: {  	_ =	swait.ge [sflag:s29], $0x1  }
0xb5: {  	[sflag:s29] =	ssyncadd.s32 $0xFFFFFFFF  }
0xb6: {  	_ =	strace $0x90000051  }
0xb7: {  	_ =	sfence  }
0xb8: {  	s30 =	sld [smem:$0x0];
	_ =	sdelay $0x2  }
0xb9: {  	s31 =	sshll.u32 s1, $0xD;
	s1 =	sshrl.u32 s1, $0x2  }
0xba: {  	s3 =	sand.u32 $0x4000, s31;
	s1 =	sadd.s32 s1, s30  }
0xbb: {  	s0 =	sor.u32 s3, s0;
	s1 =	sshll.u32 s1, $0x11  }
0xbc: {  	s0 =	sor.u32 s1, s0  }
0xbd: {  	s0 =	sadd.s32 $0x8F2B, s0  }
0xbe: {  	[sflag:s0] =	ssyncadd.remote.s32 $0x1  }
0xbf: {  	_ =	sfence.sel $0xFFFF  }
0xc0: {  	[dreg:$0x0] =	wrdreg $0xFFFFFFFF;
	(pc) =	sbr.abs _section_cstart, $3  }
0xc1: {  	[dreg:$0x1] =	wrdreg $0xFFFFFFFF  }
0xc2: {  	_ =	task.clear_ibuf [dreg:s7], $0x2FFFF;
	_ =	strace $0x9FFFFFFF  }
0xc3: {  	(tm) =	ssettm $0x7FFFFFFF  }
tec
execute0_lowered:
.L_overlay_start_1:
0x0: {  	(tag) =	ssettag $0x1  }
0x1: {  	s4 =	rddreg [dreg:$0x0]  }
0x2: {  	s20 =	rddreg [dreg:$0x1]  }
0x3: {  	s2 =	rddreg [dreg:$0x2];
	s3 =	simm.s32 $0x0  }
0x4: {  	s0 =	stileid.u32;
	s6 =	srdreg.scid;
	s31 =	simm.s32 $0x11  }
0x5: {  	[smem:$0x7FF] =	sst s3;
	s7 =	smul.u32 $0x2700, s0;
	s5 =	sadd.s32 $0x83000, s4  }
0x6: {  	s1 =	sadd.s32 $0x3800, s4;
	s6 =	sand.u32 $0x1, s6;
	s11 =	smul.u32 $0x4E000, s0  }
0x7: {  	s9 =	sshll.u32 s0, $0x1;
	s25 =	smul.u32 $0x4E20, s0;
	s26 =	sshll.u32 s0, $0x6  }
0x8: {  	s29 =	sadd.s32 $0x138000, s2;
	p0 =	sne.s32 s0, $0x0;
	_ =	strace $0x80000050  }
0x9: {  	s8 =	smul.u32 $0x27100, s6;
	s10 =	ssub.s32 $0x2, s6;
	s9 =	sor.u32 s6, s9  }
0xa: {  	s6 =	smul.u32 $0x2710, s6;
	s28 =	sor.u32 $0x1C11, s26;
	[dreg:$0xf] =	wrdreg s29  }
0xb: {  	[dreg:$0xb] =	wrdreg s7;
	s7 =	sadd.s32 s7, s4;
	s11 =	sshrl.u32 s11, $0x2  }
0xc: {  	s12 =	sshrl.u32 s10, $0x1;
	[dreg:$0xe] =	wrdreg s28;
	s11 =	sadd.s32 s11, s2  }
0xd: {  	s9 =	smul.u32 $0x2710, s9;
	s7 =	sadd.s32 $0xD600, s7;
	[dreg:$0xc] =	wrdreg s11  }
0xe: {  	s8 =	sadd.s32 s8, s4;
	s4 =	sadd.s32 $0x34600, s4;
	[dreg:$0xd] =	wrdreg s7  }
0xf: {  	s10 =	ssub.s32 s10, s12;
	s6 =	sadd.s32 s6, s25;
	[dreg:$0x10] =	wrdreg s4  }
0x10: {  	s30 =	sshrl.u32 s9, $0x3;
	s14 =	sadd.s32 $0x28, s9;
	s16 =	sadd.s32 $0x140, s6  }
0x11: {  	s12 =	sadd.s32 $0x118, s6;
	s15 =	sadd.s32 s1, s30;
	s7 =	sshrl.u32 s14, $0x3  }
0x12: {  	s22 =	sadd.s32 $0xA, s30;
	s30 =	sadd.s32 s20, s30;
	[dreg:$0x11] =	wrdreg s15  }
0x13: {  	s11 =	sshrl.u32 s16, $0x3;
	s13 =	sadd.s32 s1, s7;
	[dreg:$0x15] =	wrdreg s30  }
0x14: {  	s12 =	sshrl.u32 s12, $0x3;
	s11 =	sadd.s32 s11, s1;
	[dreg:$0x12] =	wrdreg s13  }
0x15: {  	s18 =	sadd.s32 $0xF0, s6;
	s17 =	sadd.s32 s12, s20;
	[dreg:$0x4] =	wrdreg s11  }
0x16: {  	s24 =	sadd.s32 $0xC8, s6;
	s19 =	sadd.s32 s12, s1;
	[dreg:$0x5] =	wrdreg s17  }
0x17: {  	s21 =	sshrl.u32 s18, $0x3;
	s14 =	sadd.s32 s1, s22;
	[dreg:$0x6] =	wrdreg s19  }
0x18: {  	s25 =	sadd.s32 $0x78, s9;
	s23 =	sadd.s32 s21, s20;
	[dreg:$0x13] =	wrdreg s14  }
0x19: {  	s12 =	sadd.s32 s21, s1;
	s7 =	sadd.s32 s20, s7;
	[dreg:$0x7] =	wrdreg s23  }
0x1a: {  	s16 =	sadd.s32 s20, s22;
	s21 =	sadd.s32 $0x14, s15;
	[dreg:$0x8] =	wrdreg s12  }
0x1b: {  	s15 =	simm.s32 $0x3;
	s11 =	sshrl.u32 s24, $0x3;
	[dreg:$0x16] =	wrdreg s7  }
0x1c: {  	s14 =	sshrl.u32 s25, $0x3;
	[dreg:$0x17] =	wrdreg s16;
	s19 =	sadd.s32 $0x26E8, s9  }
0x1d: {  	[dreg:$0x19] =	wrdreg s21;
	s23 =	sadd.s32 $0x4D8, s30;
	s30 =	sadd.s32 $0xA0, s6  }
0x1e: {  	s7 =	simm.s32 $0x100;
	s6 =	simm.s32 $0x28;
	[dreg:$0x1a] =	wrdreg s23  }
0x1f: {  	s13 =	simm.s32 $0xB;
	s26 =	sadd.s32 s11, s20;
	[dreg:$0x1f] =	wrdreg s30  }
0x20: {  	s16 =	simm.s32 $0xC;
	s29 =	sadd.s32 s1, s14;
	[dreg:$0x9] =	wrdreg s26  }
0x21: {  	s21 =	simm.s32 $0x5;
	s18 =	sadd.s32 s20, s14;
	[dreg:$0x14] =	wrdreg s29  }
0x22: {  	s17 =	sadd.s32 s11, s1;
	s22 =	sshrl.u32 s19, $0x3;
	[dreg:$0x18] =	wrdreg s18  }
0x23: {  	s9 =	simm.s32 $0x0;
	[dreg:$0xa] =	wrdreg s17;
	s24 =	sadd.s32 s1, s22  }
0x24: {  	s23 =	simm.s32 $0x6;
	s25 =	sadd.s32 s20, s22;
	[dreg:$0x1b] =	wrdreg s24  }
0x25: {  	s26 =	sadd.s32 $0xAA200, s8;
	s29 =	smax.u32 s10, $0x1;
	[dreg:$0x1c] =	wrdreg s25  }
0x26: {  	s10 =	simm.s32 $0x180;
	s22 =	simm.s32 $0x9;
	[dreg:$0x1d] =	wrdreg s26  }
0x27: {  	s8 =	simm.s32 $0x10;
	s1 =	simm.s32 $0x8;
	[dreg:$0x1e] =	wrdreg s29  }
0x28: {  	s24 =	simm.s32 $0xF;
	s25 =	simm.s32 $0x4;
	s26 =	simm.s32 $0x7  }
.LBB2_1:
0x29: {  	[smem:$0x7FB] =	sst s9  }
0x2a: {  	s0 =	rddreg [dreg:$0xc]  }
0x2b: {  	s14 =	rddreg [dreg:$0xd];
	s4 =	sshrl.u32 s0, $0x3  }
0x2c: {  	[smem:$0x7FC] =	sst s4  }
0x2d: {  	[spmem:s4], [sflag:s28] =	dma.local [hbm:s14], $0x2700  }
0x2e: {  	_ =	swait.ge [sflag:s31], $0x2700  }
0x2f: {  	s0 =	rddreg [dreg:$0xf]  }
0x30: {  	[sflag:s31] =	ssyncset.done $0x0;
	s4 =	sshrl.u32 @!p0 s0, $0x3;
	s0 =	rddreg [dreg:$0x10]  }
0x31: {  	[sflag:s31] =	ssyncadd.s32 $0xFFFFD900;
	[smem:$0x7FD] =	sst s4  }
0x32: {  	[spmem:s4], [sflag:s28] =	dma.local @!p0 [hbm:s0], $0x100  }
0x33: {  	s28 =	simm.s32 @!p0 $0x11  }
0x34: {  	_ =	swait.ge @!p0 [sflag:s28], $0x100  }
0x35: {  	[sflag:s28] =	ssyncset.done @!p0 $0x0  }
0x36: {  	[sflag:s28] =	ssyncadd.s32 @!p0 $0xFFFFFF00  }
0x37: {  	[bflag:$0x0] =	sbarrier.arrive $0xFFFF  }
0x38: {  	s17 =	rddreg [dreg:$0x11]  }
0x39: {  	[tilespmem:s3], [sflag:$0x11] =	stream.linear.gather [hbm4b:s17+s3], $0x28, $0x38;
	[tilespmem:$0x18C80] =	vst v63  }
0x3a: {  	_ =	swait.ge [sflag:s31], $0x28  }
0x3b: {  	[sflag:s31] =	ssyncset.done $0x0  }
0x3c: {  	s4 =	simm.s32 $0x80;
	s18 =	rddreg [dreg:$0x12];
	[sflag:s31] =	ssyncadd.s32 $0xFFFFFFD8  }
0x3d: {  	[tilespmem:s4], [sflag:$0xA] =	stream.linear.gather [hbm4b:s18+s3], $0x28, $0x38;
	[tilespmem:$0x18C80] =	vst v63  }
0x3e: {  	s19 =	rddreg [dreg:$0x13]  }
0x3f: {  	[tilespmem:s7], [sflag:$0xB] =	stream.linear.gather [hbm4b:s19+s3], $0x28, $0x38;
	[tilespmem:$0x18C80] =	vst v63  }
0x40: {  	s31 =	rddreg [dreg:$0x14]  }
0x41: {  	[tilespmem:s10], [sflag:$0xC] =	stream.linear.gather [hbm4b:s31+s3], $0x28, $0x38;
	[tilespmem:$0x18C80] =	vst v63  }
0x42: {  	s11 =	simm.s32 $0x200;
	s9 =	rddreg [dreg:$0x15]  }
0x43: {  	[tilespmem:s11], [sflag:$0xD] =	stream.linear.gather [hbm4b:s9+s3], $0x28, $0x38;
	[tilespmem:$0x18C80] =	vst v63  }
0x44: {  	s17 =	simm.s32 $0x280;
	s12 =	rddreg [dreg:$0x16]  }
0x45: {  	[tilespmem:s17], [sflag:$0xE] =	stream.linear.gather [hbm4b:s12+s3], $0x28, $0x38;
	[tilespmem:$0x18C80] =	vst v63  }
0x46: {  	s14 =	rddreg [dreg:$0x17];
	s18 =	simm.s32 $0x300  }
0x47: {  	[tilespmem:s18], [sflag:$0xF] =	stream.linear.gather [hbm4b:s14+s3], $0x28, $0x38;
	[tilespmem:$0x18C80] =	vst v63  }
0x48: {  	s9 =	simm.s32 $0x400;
	s12 =	simm.s32 $0xA  }
0x49: {  	[tilespmem:s9], [sflag:$0x1] =	stream.indirect.gather [hbm4b:s5+s6], $0x80, s3, s6, $0xb8;
	[tilespmem:$0x18C80] =	vst v63  }
0x4a: {  	_ =	swait.ge [sflag:s12], $0x28  }
0x4b: {  	[sflag:s12] =	ssyncset.done $0x0  }
0x4c: {  	s31 =	simm.s32 $0x1800;
	[sflag:s12] =	ssyncadd.s32 $0xFFFFFFD8  }
0x4d: {  	[tilespmem:s31], [sflag:$0x2] =	stream.indirect.gather [hbm4b:s5+s6], $0x80, s4, s6, $0xb8;
	[tilespmem:$0x18C80] =	vst v63  }
0x4e: {  	_ =	swait.ge [sflag:s13], $0x28  }
0x4f: {  	[sflag:s13] =	ssyncset.done $0x0  }
0x50: {  	s18 =	simm.s32 $0x2C00;
	s14 =	simm.s32 $0x1;
	[sflag:s13] =	ssyncadd.s32 $0xFFFFFFD8  }
0x51: {  	[tilespmem:s18], [sflag:$0x3] =	stream.indirect.gather [hbm4b:s5+s6], $0x80, s7, s6, $0xb8;
	[tilespmem:$0x18C80] =	vst v63  }
0x52: {  	_ =	swait.ge [sflag:s14], $0x1400  }
0x53: {  	[sflag:s14] =	ssyncset.done $0x0  }
0x54: {  	s30 =	simm.s32 $0xD;
	[sflag:s14] =	ssyncadd.s32 $0xFFFFEC00  }
0x55: {  	_ =	swait.ge [sflag:s30], $0x28  }
0x56: {  	[sflag:s30] =	ssyncset.done $0x0  }
0x57: {  	[sflag:s30] =	ssyncadd.s32 $0xFFFFFFD8  }
0x58: {  	[spmem:s2] =	stream.indirect.scatter.add.f32 [tilespmem:s9], [sflag:$0x5], $0x80, s11, s6, $0xb8;
	[tilespmem:$0x18C80] =	vst v63  }
0x59: {  	_ =	swait.ge [sflag:s16], $0x28  }
0x5a: {  	[sflag:s16] =	ssyncset.done $0x0  }
0x5b: {  	s19 =	simm.s32 $0x4000;
	[sflag:s16] =	ssyncadd.s32 $0xFFFFFFD8  }
0x5c: {  	[tilespmem:s19], [sflag:$0x4] =	stream.indirect.gather [hbm4b:s5+s6], $0x80, s10, s6, $0xb8;
	[tilespmem:$0x18C80] =	vst v63  }
0x5d: {  	s0 =	rddreg [dreg:$0x18];
	s19 =	simm.s32 $0x380  }
0x5e: {  	[tilespmem:s19], [sflag:$0x10] =	stream.linear.gather [hbm4b:s0+s3], $0x28, $0x38;
	[tilespmem:$0x18C80] =	vst v63  }
0x5f: {  	s0 =	rddreg [dreg:$0x19]  }
0x60: {  	[tilespmem:s3], [sflag:$0x9] =	stream.linear.gather [hbm4b:s0+s3], $0x28, $0x38;
	[tilespmem:$0x18C80] =	vst v63  }
0x61: {  	s0 =	simm.s32 $0x2  }
0x62: {  	_ =	swait.ge [sflag:s0], $0x1400  }
0x63: {  	[sflag:s0] =	ssyncset.done $0x0  }
0x64: {  	[sflag:s0] =	ssyncadd.s32 $0xFFFFEC00;
	s0 =	simm.s32 $0xE  }
0x65: {  	_ =	swait.ge [sflag:s0], $0x28  }
0x66: {  	[sflag:s0] =	ssyncset.done $0x0  }
0x67: {  	[sflag:s0] =	ssyncadd.s32 $0xFFFFFFD8  }
0x68: {  	[spmem:s2] =	stream.indirect.scatter.add.f32 [tilespmem:s31], [sflag:$0x6], $0x80, s17, s6, $0xb8;
	[tilespmem:$0x18C80] =	vst v63  }
0x69: {  	_ =	swait.ge [sflag:s21], $0x1400  }
0x6a: {  	[sflag:s21] =	ssyncset.done $0x0  }
0x6b: {  	[sflag:s21] =	ssyncadd.s32 $0xFFFFEC00  }
0x6c: {  	_ =	swait.ge [sflag:s22], $0x28  }
0x6d: {  	[sflag:s22] =	ssyncset.done $0x0;
	s0 =	rddreg [dreg:$0x1f]  }
0x6e: {  	[sflag:s22] =	ssyncadd.s32 $0xFFFFFFD8;
	s28 =	sshrl.u32 s0, $0x3  }
0x6f: {  	[tilespmem:s9], [sflag:$0x1] =	stream.indirect.gather [hbm4b:s5+s6], $0x80, s3, s6, $0xb8;
	[tilespmem:$0x18C80] =	vst v63  }
0x70: {  	s29 =	rddreg [dreg:$0xa];
	s28 =	sadd.s32 s20, s28  }
0x71: {  	[tilespmem:s11], [sflag:$0xD] =	stream.linear.gather [hbm4b:s28+s3], $0x28, $0x38;
	[tilespmem:$0x18C80] =	vst v63  }
0x72: {  	s28 =	sadd.s32 $0x0, s29  }
0x73: {  	[tilespmem:s4], [sflag:$0xA] =	stream.linear.gather [hbm4b:s28+s3], $0x28, $0x38;
	[tilespmem:$0x18C80] =	vst v63  }
0x74: {  	_ =	swait.ge [sflag:s15], $0x1400  }
0x75: {  	[sflag:s15] =	ssyncset.done $0x0  }
0x76: {  	[sflag:s15] =	ssyncadd.s32 $0xFFFFEC00  }
0x77: {  	_ =	swait.ge [sflag:s24], $0x28  }
0x78: {  	[sflag:s24] =	ssyncset.done $0x0  }
0x79: {  	s28 =	simm.s32 $0x300;
	[sflag:s24] =	ssyncadd.s32 $0xFFFFFFD8  }
0x7a: {  	[spmem:s2] =	stream.indirect.scatter.add.f32 [tilespmem:s18], [sflag:$0x7], $0x80, s28, s6, $0xb8;
	[tilespmem:$0x18C80] =	vst v63  }
0x7b: {  	_ =	swait.ge [sflag:s23], $0x1400  }
0x7c: {  	[sflag:s23] =	ssyncset.done $0x0  }
0x7d: {  	[sflag:s23] =	ssyncadd.s32 $0xFFFFEC00  }
0x7e: {  	_ =	swait.ge [sflag:s12], $0x28  }
0x7f: {  	[sflag:s12] =	ssyncset.done $0x0  }
0x80: {  	s28 =	rddreg [dreg:$0x9];
	[sflag:s12] =	ssyncadd.s32 $0xFFFFFFD8  }
0x81: {  	[tilespmem:s31], [sflag:$0x2] =	stream.indirect.gather [hbm4b:s5+s6], $0x80, s4, s6, $0xb8;
	[tilespmem:$0x18C80] =	vst v63  }
0x82: {  	s29 =	rddreg [dreg:$0x8];
	s28 =	sadd.s32 $0x0, s28  }
0x83: {  	[tilespmem:s17], [sflag:$0xE] =	stream.linear.gather [hbm4b:s28+s3], $0x28, $0x38;
	[tilespmem:$0x18C80] =	vst v63  }
0x84: {  	s28 =	sadd.s32 $0x0, s29  }
0x85: {  	[tilespmem:s7], [sflag:$0xB] =	stream.linear.gather [hbm4b:s28+s3], $0x28, $0x38;
	[tilespmem:$0x18C80] =	vst v63  }
0x86: {  	_ =	swait.ge [sflag:s25], $0x1400  }
0x87: {  	[sflag:s25] =	ssyncset.done $0x0  }
0x88: {  	[sflag:s25] =	ssyncadd.s32 $0xFFFFEC00  }
0x89: {  	_ =	swait.ge [sflag:s8], $0x28  }
0x8a: {  	[sflag:s8] =	ssyncset.done $0x0  }
0x8b: {  	s17 =	simm.s32 $0x4000;
	[sflag:s8] =	ssyncadd.s32 $0xFFFFFFD8  }
0x8c: {  	[spmem:s2] =	stream.indirect.scatter.add.f32 [tilespmem:s17], [sflag:$0x8], $0x80, s19, s6, $0xb8;
	[tilespmem:$0x18C80] =	vst v63  }
0x8d: {  	_ =	swait.ge [sflag:s26], $0x1400  }
0x8e: {  	[sflag:s26] =	ssyncset.done $0x0  }
0x8f: {  	[sflag:s26] =	ssyncadd.s32 $0xFFFFEC00  }
0x90: {  	_ =	swait.ge [sflag:s13], $0x28  }
0x91: {  	[sflag:s13] =	ssyncset.done $0x0  }
0x92: {  	s28 =	rddreg [dreg:$0x7];
	[sflag:s13] =	ssyncadd.s32 $0xFFFFFFD8  }
0x93: {  	[tilespmem:s18], [sflag:$0x3] =	stream.indirect.gather [hbm4b:s5+s6], $0x80, s7, s6, $0xb8;
	[tilespmem:$0x18C80] =	vst v63  }
0x94: {  	s31 =	simm.s32 $0x300;
	s29 =	rddreg [dreg:$0x6];
	s28 =	sadd.s32 $0x0, s28  }
0x95: {  	[tilespmem:s31], [sflag:$0xF] =	stream.linear.gather [hbm4b:s28+s3], $0x28, $0x38;
	[tilespmem:$0x18C80] =	vst v63  }
0x96: {  	s28 =	sadd.s32 $0x0, s29  }
0x97: {  	[tilespmem:s10], [sflag:$0xC] =	stream.linear.gather [hbm4b:s28+s3], $0x28, $0x38;
	[tilespmem:$0x18C80] =	vst v63  }
0x98: {  	_ =	swait.ge [sflag:s14], $0x1400  }
0x99: {  	[sflag:s14] =	ssyncset.done $0x0  }
0x9a: {  	[sflag:s14] =	ssyncadd.s32 $0xFFFFEC00  }
0x9b: {  	_ =	swait.ge [sflag:s30], $0x28  }
0x9c: {  	[sflag:s30] =	ssyncset.done $0x0  }
0x9d: {  	[sflag:s30] =	ssyncadd.s32 $0xFFFFFFD8  }
0x9e: {  	[spmem:s2] =	stream.indirect.scatter.add.f32 [tilespmem:s9], [sflag:$0x5], $0x80, s11, s6, $0xb8;
	[tilespmem:$0x18C80] =	vst v63  }
0x9f: {  	_ =	swait.ge [sflag:s1], $0x1400  }
0xa0: {  	[sflag:s1] =	ssyncset.done $0x0  }
0xa1: {  	[sflag:s1] =	ssyncadd.s32 $0xFFFFEC00  }
0xa2: {  	_ =	swait.ge [sflag:s16], $0x28  }
0xa3: {  	s4 =	smov.u32 s20;
	[sflag:s16] =	ssyncset.done $0x0;
	s28 =	rddreg [dreg:$0x5]  }
0xa4: {  	s11 =	simm.s32 $0x180;
	s29 =	rddreg [dreg:$0x4];
	[sflag:s16] =	ssyncadd.s32 $0xFFFFFFD8  }
0xa5: {  	[tilespmem:s17], [sflag:$0x4] =	stream.indirect.gather [hbm4b:s5+s6], $0x80, s10, s6, $0xb8;
	[tilespmem:$0x18C80] =	vst v63  }
0xa6: {  	s28 =	sadd.s32 $0x0, s28;
	s30 =	sadd.s32 $0x0, s29;
	s29 =	sadd.s32 $0xA0, s0  }
0xa7: {  	[tilespmem:s19], [sflag:$0x10] =	stream.linear.gather [hbm4b:s28+s3], $0x28, $0x38;
	[tilespmem:$0x18C80] =	vst v63  }
0xa8: {  	s10 =	simm.s32 $0x100;
	s28 =	simm.s32 $0x14;
	s19 =	simm.s32 $0xC  }
.LBB2_2:
0xa9: {  	[tilespmem:s3], [sflag:$0x9] =	stream.linear.gather [hbm4b:s30+s3], $0x28, $0x38;
	[tilespmem:$0x18C80] =	vst v63  }
0xaa: {  	s0 =	simm.s32 $0x2  }
0xab: {  	_ =	swait.ge [sflag:s0], $0x1400  }
0xac: {  	[sflag:s0] =	ssyncset.done $0x0  }
0xad: {  	s18 =	simm.s32 $0xE;
	[sflag:s0] =	ssyncadd.s32 $0xFFFFEC00  }
0xae: {  	_ =	swait.ge [sflag:s18], $0x28  }
0xaf: {  	[sflag:s18] =	ssyncset.done $0x0  }
0xb0: {  	s13 =	simm.s32 $0x1800;
	[sflag:s18] =	ssyncadd.s32 $0xFFFFFFD8;
	s18 =	simm.s32 $0x280  }
0xb1: {  	[spmem:s2] =	stream.indirect.scatter.add.f32 [tilespmem:s13], [sflag:$0x6], $0x80, s18, s6, $0xb8;
	[tilespmem:$0x18C80] =	vst v63  }
0xb2: {  	_ =	swait.ge [sflag:s21], $0x1400  }
0xb3: {  	[sflag:s21] =	ssyncset.done $0x0  }
0xb4: {  	[sflag:s21] =	ssyncadd.s32 $0xFFFFEC00  }
0xb5: {  	_ =	swait.ge [sflag:s22], $0x28  }
0xb6: {  	s30 =	smov.u32 s28;
	[sflag:s22] =	ssyncset.done $0x0  }
0xb7: {  	s31 =	sshrl.u32 s29, $0x3;
	s12 =	simm.s32 $0x400;
	[sflag:s22] =	ssyncadd.s32 $0xFFFFFFD8  }
0xb8: {  	[tilespmem:s12], [sflag:$0x1] =	stream.indirect.gather [hbm4b:s5+s6], $0x80, s3, s6, $0xb8;
	[tilespmem:$0x18C80] =	vst v63  }
0xb9: {  	s17 =	simm.s32 $0x200;
	s31 =	sadd.s32 s4, s31;
	s20 =	rddreg [dreg:$0xa]  }
0xba: {  	[tilespmem:s17], [sflag:$0xD] =	stream.linear.gather [hbm4b:s31+s3], $0x28, $0x38;
	[tilespmem:$0x18C80] =	vst v63  }
0xbb: {  	s7 =	simm.s32 $0x80;
	s0 =	sadd.s32 s30, s20  }
0xbc: {  	[tilespmem:s7], [sflag:$0xA] =	stream.linear.gather [hbm4b:s0+s3], $0x28, $0x38;
	[tilespmem:$0x18C80] =	vst v63  }
0xbd: {  	_ =	swait.ge [sflag:s15], $0x1400  }
0xbe: {  	[sflag:s15] =	ssyncset.done $0x0  }
0xbf: {  	[sflag:s15] =	ssyncadd.s32 $0xFFFFEC00  }
0xc0: {  	_ =	swait.ge [sflag:s24], $0x28  }
0xc1: {  	[sflag:s24] =	ssyncset.done $0x0  }
0xc2: {  	s9 =	simm.s32 $0x300;
	s14 =	simm.s32 $0x2C00;
	[sflag:s24] =	ssyncadd.s32 $0xFFFFFFD8  }
0xc3: {  	[spmem:s2] =	stream.indirect.scatter.add.f32 [tilespmem:s14], [sflag:$0x7], $0x80, s9, s6, $0xb8;
	[tilespmem:$0x18C80] =	vst v63  }
0xc4: {  	_ =	swait.ge [sflag:s23], $0x1400  }
0xc5: {  	[sflag:s23] =	ssyncset.done $0x0  }
0xc6: {  	s0 =	simm.s32 $0xA;
	[sflag:s23] =	ssyncadd.s32 $0xFFFFEC00  }
0xc7: {  	_ =	swait.ge [sflag:s0], $0x28  }
0xc8: {  	[sflag:s0] =	ssyncset.done $0x0  }
0xc9: {  	s16 =	rddreg [dreg:$0x9];
	[sflag:s0] =	ssyncadd.s32 $0xFFFFFFD8  }
0xca: {  	[tilespmem:s13], [sflag:$0x2] =	stream.indirect.gather [hbm4b:s5+s6], $0x80, s7, s6, $0xb8;
	[tilespmem:$0x18C80] =	vst v63  }
0xcb: {  	s20 =	rddreg [dreg:$0x8];
	s0 =	sadd.s32 s30, s16  }
0xcc: {  	[tilespmem:s18], [sflag:$0xE] =	stream.linear.gather [hbm4b:s0+s3], $0x28, $0x38;
	[tilespmem:$0x18C80] =	vst v63  }
0xcd: {  	s16 =	sadd.s32 s30, s20  }
0xce: {  	[tilespmem:s10], [sflag:$0xB] =	stream.linear.gather [hbm4b:s16+s3], $0x28, $0x38;
	[tilespmem:$0x18C80] =	vst v63  }
0xcf: {  	_ =	swait.ge [sflag:s25], $0x1400  }
0xd0: {  	[sflag:s25] =	ssyncset.done $0x0  }
0xd1: {  	[sflag:s25] =	ssyncadd.s32 $0xFFFFEC00  }
0xd2: {  	_ =	swait.ge [sflag:s8], $0x28  }
0xd3: {  	[sflag:s8] =	ssyncset.done $0x0  }
0xd4: {  	s20 =	simm.s32 $0x380;
	s16 =	simm.s32 $0x4000;
	[sflag:s8] =	ssyncadd.s32 $0xFFFFFFD8  }
0xd5: {  	[spmem:s2] =	stream.indirect.scatter.add.f32 [tilespmem:s16], [sflag:$0x8], $0x80, s20, s6, $0xb8;
	[tilespmem:$0x18C80] =	vst v63  }
0xd6: {  	_ =	swait.ge [sflag:s26], $0x1400  }
0xd7: {  	[sflag:s26] =	ssyncset.done $0x0  }
0xd8: {  	s13 =	simm.s32 $0xB;
	[sflag:s26] =	ssyncadd.s32 $0xFFFFEC00  }
0xd9: {  	_ =	swait.ge [sflag:s13], $0x28  }
0xda: {  	[sflag:s13] =	ssyncset.done $0x0  }
0xdb: {  	s18 =	rddreg [dreg:$0x7];
	[sflag:s13] =	ssyncadd.s32 $0xFFFFFFD8  }
0xdc: {  	[tilespmem:s14], [sflag:$0x3] =	stream.indirect.gather [hbm4b:s5+s6], $0x80, s10, s6, $0xb8;
	[tilespmem:$0x18C80] =	vst v63  }
0xdd: {  	s31 =	rddreg [dreg:$0x6];
	s0 =	sadd.s32 s30, s18  }
0xde: {  	[tilespmem:s9], [sflag:$0xF] =	stream.linear.gather [hbm4b:s0+s3], $0x28, $0x38;
	[tilespmem:$0x18C80] =	vst v63  }
0xdf: {  	s14 =	sadd.s32 s30, s31;
	s31 =	simm.s32 $0x1  }
0xe0: {  	[tilespmem:s11], [sflag:$0xC] =	stream.linear.gather [hbm4b:s14+s3], $0x28, $0x38;
	[tilespmem:$0x18C80] =	vst v63  }
0xe1: {  	_ =	swait.ge [sflag:s31], $0x1400  }
0xe2: {  	[sflag:s31] =	ssyncset.done $0x0  }
0xe3: {  	s9 =	simm.s32 $0xD;
	[sflag:s31] =	ssyncadd.s32 $0xFFFFEC00  }
0xe4: {  	_ =	swait.ge [sflag:s9], $0x28  }
0xe5: {  	[sflag:s9] =	ssyncset.done $0x0  }
0xe6: {  	[sflag:s9] =	ssyncadd.s32 $0xFFFFFFD8  }
0xe7: {  	[spmem:s2] =	stream.indirect.scatter.add.f32 [tilespmem:s12], [sflag:$0x5], $0x80, s17, s6, $0xb8;
	[tilespmem:$0x18C80] =	vst v63  }
0xe8: {  	_ =	swait.ge [sflag:s1], $0x1400  }
0xe9: {  	p1 =	sne.s32 s28, $0x4B0;
	[sflag:s1] =	ssyncset.done $0x0  }
0xea: {  	s28 =	sadd.s32 $0x14, s28;
	s29 =	sadd.s32 $0xA0, s29;
	[sflag:s1] =	ssyncadd.s32 $0xFFFFEC00  }
0xeb: {  	s7 =	simm.s32 $0x2C00;
	s18 =	simm.s32 $0x300;
	_ =	swait.ge [sflag:s19], $0x28  }
.Ltmp0:
0xec: {  	[sflag:s19] =	ssyncset.done $0x0;
	s12 =	rddreg [dreg:$0x5];
	(pc) =	sbr.rel @p1 .LBB2_2-.Ltmp0, $4  }
0xed: {  	s17 =	simm.s32 $0x4000;
	s14 =	rddreg [dreg:$0x4];
	[sflag:s19] =	ssyncadd.s32 $0xFFFFFFD8  }
0xee: {  	[tilespmem:s16], [sflag:$0x4] =	stream.indirect.gather [hbm4b:s5+s6], $0x80, s11, s6, $0xb8;
	[tilespmem:$0x18C80] =	vst v63  }
0xef: {  	s0 =	sadd.s32 s30, s12;
	s30 =	sadd.s32 s30, s14;
	s16 =	simm.s32 $0x380  }
0xf0: {  	[tilespmem:s20], [sflag:$0x10] =	stream.linear.gather [hbm4b:s0+s3], $0x28, $0x38;
	[tilespmem:$0x18C80] =	vst v63  }
0xf1: {  	[tilespmem:s3], [sflag:$0x9] =	stream.linear.gather [hbm4b:s30+s3], $0x28, $0x38;
	[tilespmem:$0x18C80] =	vst v63  }
0xf2: {  	s19 =	simm.s32 $0x2  }
0xf3: {  	_ =	swait.ge [sflag:s19], $0x1400  }
0xf4: {  	[sflag:s19] =	ssyncset.done $0x0  }
0xf5: {  	s20 =	simm.s32 $0xE;
	[sflag:s19] =	ssyncadd.s32 $0xFFFFEC00  }
0xf6: {  	_ =	swait.ge [sflag:s20], $0x28  }
0xf7: {  	[sflag:s20] =	ssyncset.done $0x0  }
0xf8: {  	s11 =	simm.s32 $0x280;
	s12 =	simm.s32 $0x1800;
	[sflag:s20] =	ssyncadd.s32 $0xFFFFFFD8  }
0xf9: {  	[spmem:s2] =	stream.indirect.scatter.add.f32 [tilespmem:s12], [sflag:$0x6], $0x80, s11, s6, $0xb8;
	[tilespmem:$0x18C80] =	vst v63  }
0xfa: {  	_ =	swait.ge [sflag:s21], $0x1400  }
0xfb: {  	[sflag:s21] =	ssyncset.done $0x0  }
0xfc: {  	[sflag:s21] =	ssyncadd.s32 $0xFFFFEC00  }
0xfd: {  	_ =	swait.ge [sflag:s22], $0x28  }
0xfe: {  	[sflag:s22] =	ssyncset.done $0x0  }
0xff: {  	s9 =	simm.s32 $0x400;
	[sflag:s22] =	ssyncadd.s32 $0xFFFFFFD8  }
0x100: {  	[tilespmem:s9], [sflag:$0x1] =	stream.indirect.gather [hbm4b:s5+s6], $0x80, s3, s6, $0xb8;
	[tilespmem:$0x18C80] =	vst v63  }
0x101: {  	s10 =	simm.s32 $0x200;
	s0 =	rddreg [dreg:$0x1a]  }
0x102: {  	[tilespmem:s10], [sflag:$0xD] =	stream.linear.gather [hbm4b:s0+s3], $0x28, $0x38;
	[tilespmem:$0x18C80] =	vst v63  }
0x103: {  	s14 =	simm.s32 $0x80;
	s30 =	rddreg [dreg:$0x1b]  }
0x104: {  	[tilespmem:s14], [sflag:$0xA] =	stream.linear.gather [hbm4b:s30+s3], $0x28, $0x38;
	[tilespmem:$0x18C80] =	vst v63  }
0x105: {  	_ =	swait.ge [sflag:s15], $0x1400  }
0x106: {  	[sflag:s15] =	ssyncset.done $0x0  }
0x107: {  	[sflag:s15] =	ssyncadd.s32 $0xFFFFEC00  }
0x108: {  	_ =	swait.ge [sflag:s24], $0x28  }
0x109: {  	[sflag:s24] =	ssyncset.done $0x0  }
0x10a: {  	[sflag:s24] =	ssyncadd.s32 $0xFFFFFFD8  }
0x10b: {  	[spmem:s2] =	stream.indirect.scatter.add.f32 [tilespmem:s7], [sflag:$0x7], $0x80, s18, s6, $0xb8;
	[tilespmem:$0x18C80] =	vst v63  }
0x10c: {  	_ =	swait.ge [sflag:s23], $0x1400  }
0x10d: {  	[sflag:s23] =	ssyncset.done $0x0  }
0x10e: {  	s7 =	simm.s32 $0xA;
	[sflag:s23] =	ssyncadd.s32 $0xFFFFEC00  }
0x10f: {  	_ =	swait.ge [sflag:s7], $0x28  }
0x110: {  	[sflag:s7] =	ssyncset.done $0x0  }
0x111: {  	[sflag:s7] =	ssyncadd.s32 $0xFFFFFFD8  }
0x112: {  	[tilespmem:s12], [sflag:$0x2] =	stream.indirect.gather [hbm4b:s5+s6], $0x80, s14, s6, $0xb8;
	[tilespmem:$0x18C80] =	vst v63  }
0x113: {  	s14 =	rddreg [dreg:$0x1c]  }
0x114: {  	[tilespmem:s11], [sflag:$0xE] =	stream.linear.gather [hbm4b:s14+s3], $0x28, $0x38;
	[tilespmem:$0x18C80] =	vst v63  }
0x115: {  	_ =	swait.ge [sflag:s25], $0x1400  }
0x116: {  	[sflag:s25] =	ssyncset.done $0x0  }
0x117: {  	[sflag:s25] =	ssyncadd.s32 $0xFFFFEC00  }
0x118: {  	_ =	swait.ge [sflag:s8], $0x28  }
0x119: {  	[sflag:s8] =	ssyncset.done $0x0  }
0x11a: {  	[sflag:s8] =	ssyncadd.s32 $0xFFFFFFD8  }
0x11b: {  	[spmem:s2] =	stream.indirect.scatter.add.f32 [tilespmem:s17], [sflag:$0x8], $0x80, s16, s6, $0xb8;
	[tilespmem:$0x18C80] =	vst v63  }
0x11c: {  	_ =	swait.ge [sflag:s26], $0x1400  }
0x11d: {  	[sflag:s26] =	ssyncset.done $0x0  }
0x11e: {  	s17 =	simm.s32 $0x1;
	[sflag:s26] =	ssyncadd.s32 $0xFFFFEC00  }
0x11f: {  	_ =	swait.ge [sflag:s17], $0x1400  }
0x120: {  	[sflag:s17] =	ssyncset.done $0x0  }
0x121: {  	s18 =	simm.s32 $0xD;
	[sflag:s17] =	ssyncadd.s32 $0xFFFFEC00  }
0x122: {  	_ =	swait.ge [sflag:s18], $0x28  }
0x123: {  	[sflag:s18] =	ssyncset.done $0x0  }
0x124: {  	[sflag:s18] =	ssyncadd.s32 $0xFFFFFFD8  }
0x125: {  	[spmem:s2] =	stream.indirect.scatter.add.f32 [tilespmem:s9], [sflag:$0x5], $0x80, s10, s6, $0xb8;
	[tilespmem:$0x18C80] =	vst v63  }
0x126: {  	_ =	swait.ge [sflag:s1], $0x1400  }
0x127: {  	[sflag:s1] =	ssyncset.done $0x0  }
0x128: {  	[sflag:s1] =	ssyncadd.s32 $0xFFFFEC00  }
0x129: {  	_ =	swait.ge [sflag:s19], $0x1400  }
0x12a: {  	[sflag:s19] =	ssyncset.done $0x0  }
0x12b: {  	[sflag:s19] =	ssyncadd.s32 $0xFFFFEC00  }
0x12c: {  	_ =	swait.ge [sflag:s20], $0x28  }
0x12d: {  	[sflag:s20] =	ssyncset.done $0x0  }
0x12e: {  	[sflag:s20] =	ssyncadd.s32 $0xFFFFFFD8  }
0x12f: {  	[spmem:s2] =	stream.indirect.scatter.add.f32 [tilespmem:s12], [sflag:$0x6], $0x80, s11, s6, $0xb8;
	[tilespmem:$0x18C80] =	vst v63  }
0x130: {  	_ =	swait.ge [sflag:s21], $0x1400  }
0x131: {  	[sflag:s21] =	ssyncset.done $0x0  }
0x132: {  	[sflag:s21] =	ssyncadd.s32 $0xFFFFEC00  }
0x133: {  	_ =	swait.ge [sflag:s23], $0x1400  }
0x134: {  	[sflag:s23] =	ssyncset.done $0x0  }
0x135: {  	[sflag:s23] =	ssyncadd.s32 $0xFFFFEC00  }
0x136: {  	[bflag:$0x0] =	sbarrier.arrive $0xFFFF  }
0x137: {  	s19 =	rddreg [dreg:$0xb]  }
0x138: {  	s20 =	sld [smem:$0x7FC]  }
0x139: {  	s29 =	rddreg [dreg:$0x1d]  }
0x13a: {  	s31 =	simm.s32 $0x11;
	s28 =	rddreg [dreg:$0xe];
	s0 =	sadd.s32 s19, s29  }
0x13b: {  	[hbm:s0], [sflag:s28] =	dma.local [spmem:s20], $0x2700  }
0x13c: {  	_ =	swait.ge [sflag:s31], $0x2700  }
0x13d: {  	s7 =	sld [smem:$0x7FD]  }
0x13e: {  	[sflag:s31] =	ssyncset.done $0x0  }
0x13f: {  	s0 =	sadd.s32 @!p0 $0x27000, s29;
	[sflag:s31] =	ssyncadd.s32 $0xFFFFD900  }
0x140: {  	[hbm:s0], [sflag:s28] =	dma.local @!p0 [spmem:s7], $0x100  }
0x141: {  	s0 =	simm.s32 @!p0 $0x11  }
0x142: {  	_ =	swait.ge @!p0 [sflag:s0], $0x100  }
0x143: {  	s29 =	sld [smem:$0x7FB];
	_ =	sdelay $0x2  }
0x144: {  	s30 =	rddreg [dreg:$0x1e];
	s9 =	sadd.s32 $0x1, s29  }
0x145: {  	p1 =	sne.s32 s9, s30  }
.Ltmp1:
0x146: {  	_ = 	snop;
	(pc) =	sbr.rel @p1 .LBB2_1-.Ltmp1, $3  }
0x147: {  	_ =	sdelay $0x1  }
0x148: {  	s16 =	simm.s32 $0xC;
	s10 =	simm.s32 $0x180;
	[sflag:s0] =	ssyncset.done @!p0 $0x0  }
0x149: {  	s20 =	smov.u32 s4;
	s7 =	simm.s32 $0x100;
	[sflag:s0] =	ssyncadd.s32 @!p0 $0xFFFFFF00  }
0x14a: {  	_ =	sfence.sel $0x180000  }
0x14b: {  	[bflag:$0x0] =	sbarrier.arrive $0xFFFF  }
0x14c: {  	_ =	strace $0x90000050  }
0x14d: {  	[bflag:$0x2] =	sbarrier.arrive $0xFFFF  }
0x14e: {  	s0 =	rddreg [dreg:$0x3]  }
0x14f: {  	s0 =	sadd.s32 @!p0 $0x100000, s0  }
0x150: {  	[sflag:s0] =	ssyncadd.tile.s32 @!p0 $0x1;
	_ =	shalt  }
.Lfunc_end2:
_tile_overlayer_lowered:
.L_overlay_start_2:
0x151: {  	(tag) =	ssettag $0x2  }
0x152: {  	s0 =	rddreg [dreg:$0x0];
	s2 =	stileid.u32  }
0x153: {  	s1 =	rddreg [dreg:$0x1];
	p0 =	sne.s32 s2, $0x0  }
0x154: {  	s3 =	rddreg [dreg:$0x2];
	[bflag:$0x3] =	sbarrier.arrive $0xFFFF;
	s2 =	simm.s32 @!p0 $0x1C11  }
0x155: {  	[timem:s3], [sflag:s2] =	dma.local @!p0 [hbm:s0], s1  }
0x156: {  	s0 =	simm.s32 @!p0 $0x11  }
0x157: {  	_ =	swait.ge @!p0 [sflag:s0], s1  }
0x158: {  	s1 =	ssub.s32 @!p0 $0x0, s1;
	[sflag:s0] =	ssyncset.done @!p0 $0x0  }
0x159: {  	[sflag:s0] =	ssyncadd.s32 @!p0 s1  }
0x15a: {  	[bflag:$0x3] =	sbarrier.arrive $0xFFFF  }
0x15b: {  	_ =	shalt  }

// kernel: kernel.9.cloned.1.call-start
scs
__scs_entry_jumppad:
0x0: {  	(pc) =	sbr.rel $0x88, $3  }
0x1: {  	(tag) =	ssettag $0x0;
	lr =	simm.s32 $0x1  }
0x2: {  	[smem:$0x3F95] =	sst lr;
	_ =	strace $0xD0000000  }
0x3: {  	_ = 	snop  }
0x4: {  	_ = 	snop  }
0x5: {  	_ = 	snop  }
0x6: {  	_ = 	snop  }
0x7: {  	_ = 	snop  }
__scs_overlays_trampoline_lowered:
0x8: {  	[smem:$0x3FA4] =	sst s0  }
0x9: {  	[smem:$0x3FA5] =	sst s1  }
0xa: {  	[smem:$0x3FA6] =	sst s2  }
0xb: {  	[smem:$0x3FA7] =	sst s3  }
0xc: {  	[smem:$0x3FA8] =	sst s4  }
0xd: {  	[smem:$0x3FA9] =	sst s5  }
0xe: {  	[smem:$0x3FAA] =	sst s6  }
0xf: {  	[smem:$0x3FAB] =	sst s7  }
0x10: {  	[smem:$0x3FAC] =	sst s8  }
0x11: {  	[smem:$0x3FAD] =	sst s9;
	s0 =	simm.s32 @!p0 $0x0  }
0x12: {  	s1 =	sld [smem:$0x3F93];
	s0 =	simm.s32 @p0 $0x1  }
0x13: {  	[smem:$0x3FAE] =	sst s0;
	s0 =	simm.s32 @!p1 $0x0  }
0x14: {  	s2 =	sld [smem:$0x3F92];
	s0 =	simm.s32 @p1 $0x1  }
0x15: {  	[smem:$0x3FAF] =	sst s0;
	s0 =	simm.s32 @!p2 $0x0  }
0x16: {  	s3 =	sld [smem:$0x3FDB];
	s0 =	simm.s32 @p2 $0x1  }
0x17: {  	s4 =	simm.s32 $0x1BF5;
	[smem:$0x3FB1] =	sst s0  }
0x18: {  	s0 =	sld [smem:$0x3F94];
	_ =	swait.ge [sflag:s4], $0x0  }
0x19: {  	s7 =	sld [smem:$0x3F95]  }
0x1a: {  	s8 =	sadd.s32 $0xFFFFE003, lr  }
0x1b: {  	s9 =	sadd.s32 $0xFFFFFEF7, lr;
	s5 =	simm.s32 $0xFFFFFFFF;
	p2 =	slt.u32 s8, $0xFFFFF086  }
0x1c: {  	p1 =	slt.u32 s9, $0xF7A;
	s5 =	simm.s32 @!p2 $0x0  }
0x1d: {  	s5 =	simm.s32 @p1 $0x1;
	p0 =	seq.s32 s7, s2  }
0x1e: {  	s7 =	smul.u32 @!p0 $0xF7A, s2;
	p2 =	seq.s32 @!p0 s5, $0x0  }
0x1f: {  	s9 =	smul.u32 $0xF7A, s1;
	s8 =	simm.s32 @!p0 $0x1BF5;
	p2 =	por !p2, p0  }
0x20: {  	[sflag:s8] =	ssyncset.s32 @!p0 $0xFFFFF086;
	s6 =	sadd.s32 @!p0 s3, s7;
	s7 =	simm.s32 @!p0 $0x108  }
0x21: {  	s3 =	sadd.s32 s3, s9;
	s6 =	sadd.s32 @!p0 $0x88, s6;
	s7 =	simm.s32 @p2 $0x1082  }
0x22: {  	[simem:s7], [sflag:s8] =	dma.local @!p0 [hbm:s6], $0xF7A  }
0x23: {  	s9 =	sor.u32 $0xD0000000, s2;
	s6 =	simm.s32 $0x108;
	_ =	swait.ge @!p0 [sflag:s8], $0x0  }
0x24: {  	s3 =	sadd.s32 $0x88, s3;
	s6 =	simm.s32 @!p1 $0x1082;
	[sflag:s4] =	ssyncset.s32 $0xFFFFF086  }
0x25: {  	[simem:s6], [sflag:s4] =	dma.local [hbm:s3], $0xF7A  }
0x26: {  	[smem:$0x3F95] =	sst s1;
	(tag) =	ssettag s2;
	_ =	strace s9  }
0x27: {  	s1 =	sld [smem:$0x3FA5]  }
0x28: {  	s2 =	sld [smem:$0x3FA6]  }
0x29: {  	s4 =	sld [smem:$0x3FA8]  }
0x2a: {  	p0 =	seq.s32 s5, $0x0;
	s5 =	sld [smem:$0x3FA9]  }
0x2b: {  	s6 =	sld [smem:$0x3FAA]  }
0x2c: {  	s7 =	sld [smem:$0x3FAB]  }
0x2d: {  	s3 =	simm.s32 $0x108;
	s8 =	sld [smem:$0x3FAC]  }
0x2e: {  	s3 =	simm.s32 @!p0 $0x1082;
	s9 =	sld [smem:$0x3FAD]  }
0x2f: {  	lr =	sadd.s32 s0, s3;
	s0 =	sld [smem:$0x3FA4]  }
0x30: {  	s3 =	sld [smem:$0x3FA7]  }
0x31: {  	[smem:$0x3FB0] =	sst s10  }
0x32: {  	s10 =	sld [smem:$0x3FAE];
	_ =	sdelay $0x3  }
0x33: {  	p0 =	seq.s32 s10, $0x1;
	s10 =	sld [smem:$0x3FB0];
	_ =	sdelay $0x3  }
0x34: {  	[smem:$0x3FB0] =	sst s10  }
0x35: {  	s10 =	sld [smem:$0x3FAF];
	_ =	sdelay $0x3  }
0x36: {  	p1 =	seq.s32 s10, $0x1;
	s10 =	sld [smem:$0x3FB0];
	_ =	sdelay $0x3  }
0x37: {  	[smem:$0x3FB0] =	sst s10  }
0x38: {  	s10 =	sld [smem:$0x3FB1]  }
0x39: {  	_ = 	snop;
	(pc) =	sbr.ind lr, $3  }
0x3a: {  	_ = 	snop  }
0x3b: {  	_ = 	snop  }
0x3c: {  	p2 =	seq.s32 s10, $0x1;
	s10 =	sld [smem:$0x3FB0]  }
0x3d: {  	_ =	shalt  }
0x3e: {  	_ =	shalt  }
0x3f: {  	_ =	shalt  }
0x40: {  	_ =	shalt  }
0x41: {  	_ =	shalt  }
0x42: {  	_ =	shalt  }
0x43: {  	_ =	shalt  }
0x44: {  	_ =	shalt  }
0x45: {  	_ =	shalt  }
0x46: {  	_ =	shalt  }
0x47: {  	_ =	shalt  }
0x48: {  	_ =	shalt  }
0x49: {  	_ =	shalt  }
0x4a: {  	_ =	shalt  }
0x4b: {  	_ =	shalt  }
0x4c: {  	_ =	shalt  }
0x4d: {  	_ =	shalt  }
0x4e: {  	_ =	shalt  }
0x4f: {  	_ =	shalt  }
0x50: {  	_ =	shalt  }
0x51: {  	_ =	shalt  }
0x52: {  	_ =	shalt  }
0x53: {  	_ =	shalt  }
0x54: {  	_ =	shalt  }
0x55: {  	_ =	shalt  }
0x56: {  	_ =	shalt  }
0x57: {  	_ =	shalt  }
0x58: {  	_ =	shalt  }
0x59: {  	_ =	shalt  }
0x5a: {  	_ =	shalt  }
0x5b: {  	_ =	shalt  }
0x5c: {  	_ =	shalt  }
0x5d: {  	_ =	shalt  }
0x5e: {  	_ =	shalt  }
0x5f: {  	_ =	shalt  }
0x60: {  	_ =	shalt  }
0x61: {  	_ =	shalt  }
0x62: {  	_ =	shalt  }
0x63: {  	_ =	shalt  }
0x64: {  	_ =	shalt  }
0x65: {  	_ =	shalt  }
0x66: {  	_ =	shalt  }
0x67: {  	_ =	shalt  }
0x68: {  	_ =	shalt  }
0x69: {  	_ =	shalt  }
0x6a: {  	_ =	shalt  }
0x6b: {  	_ =	shalt  }
0x6c: {  	_ =	shalt  }
0x6d: {  	_ =	shalt  }
0x6e: {  	_ =	shalt  }
0x6f: {  	_ =	shalt  }
0x70: {  	_ =	shalt  }
0x71: {  	_ =	shalt  }
0x72: {  	_ =	shalt  }
0x73: {  	_ =	shalt  }
0x74: {  	_ =	shalt  }
0x75: {  	_ =	shalt  }
0x76: {  	_ =	shalt  }
0x77: {  	_ =	shalt  }
0x78: {  	_ =	shalt  }
0x79: {  	_ =	shalt  }
0x7a: {  	_ =	shalt  }
0x7b: {  	_ =	shalt  }
0x7c: {  	_ =	shalt  }
0x7d: {  	_ =	shalt  }
0x7e: {  	_ =	shalt  }
0x7f: {  	_ =	shalt  }
0x80: {  	_ =	shalt  }
0x81: {  	_ =	shalt  }
0x82: {  	_ =	shalt  }
0x83: {  	_ =	shalt  }
0x84: {  	_ =	shalt  }
0x85: {  	_ =	shalt  }
0x86: {  	_ =	shalt  }
0x87: {  	_ =	shalt  }
.Lfunc_end0:
.L_simem_size_0:
called_computation_lowered:
.L_overlay_start_0:
0x88: {  	s2 =	sld [smem:$0x3FD9]  }
0x89: {  	s3 =	sld [smem:$0x3FFE];
	_ =	sdelay $0x1  }
0x8a: {  	s1 =	srdreg.scid  }
0x8b: {  	s0 =	sand.u32 $0x1, s1  }
0x8c: {  	s17 =	sshll.u32 s0, $0xA;
	s2 =	sadd.s32 s3, s2  }
0x8d: {  	s2 =	sadd.s32 s2, s17  }
0x8e: {  	[smem:$0x3FBC] =	sst s2  }
0x8f: {  	_ = 	snop  }
0x90: {  	s2 =	sld [smem:$0x3FD0];
	(tm) =	ssettm $0x1  }
0x91: {  	s18 =	sld [smem:$0x3FFB];
	_ =	sdelay $0x3  }
0x92: {  	_ =	strace s18  }
0x93: {  	s3 =	sld [smem:$0x3FFC];
	_ =	sdelay $0x3  }
0x94: {  	_ =	strace s3  }
0x95: {  	s3 =	sld [smem:$0x3FFD];
	_ =	sdelay $0x3  }
0x96: {  	_ =	strace s3  }
0x97: {  	_ =	strace $0x8FFFFFFF  }
0x98: {  	s19 =	sld [smem:$0x3FDB];
	_ =	sdelay $0x1  }
0x99: {  	s4 =	simm.s32 $_scs_section_size  }
0x9a: {  	s5 =	simm.s32 $_size__tile_overlayer_lowered;
	s6 =	simm.s32 $_tile_overlayer_lowered  }
0x9b: {  	s22 =	simm.s32 $0x1BFF;
	s21 =	sshll.u32 s6, $0x1;
	s3 =	sadd.s32 s4, s19  }
0x9c: {  	s7 =	simm.s32 $0x0;
	s20 =	sshll.u32 s5, $0x1;
	s5 =	sadd.s32 s21, s3  }
0x9d: {  	[timem:s7], [sflag:s22] =	dma.local [hbm:s5], s20  }
0x9e: {  	_ =	swait.ge [sflag:s22], s20  }
0x9f: {  	s4 =	ssub.s32 $0x0, s20;
	[sflag:s22] =	ssyncset.done $0x0  }
0xa0: {  	[sflag:s22] =	ssyncadd.s32 s4;
	_ =	sdelay $0x1  }
0xa1: {  	s23 =	simm.s32 $0x1B8B  }
0xa2: {  	_ =	swait.ge [sflag:s23], $0x1  }
0xa3: {  	[sflag:s23] =	ssyncset.done $0x0  }
0xa4: {  	s25 =	simm.s32 $0x1B8E;
	s24 =	sld [smem:$0x3FFE];
	[sflag:s23] =	ssyncadd.s32 $0xFFFFFFFF  }
0xa5: {  	s26 =	simm.s32 $execute0_lowered;
	[smem:$0x3FD2] =	sst s25  }
0xa6: {  	s5 =	sshll.u32 s26, $0x1;
	_ =	strace $0x80000046;
	[dreg:$0x1] =	wrdreg $0xFFFFFFFF  }
0xa7: {  	s28 =	simm.s32 $_size_execute0_lowered;
	s3 =	sadd.s32 s3, s5;
	[dreg:$0x0] =	wrdreg $0x0  }
0xa8: {  	s5 =	sshll.u32 s28, $0x1;
	[dreg:$0x2] =	wrdreg s3  }
0xa9: {  	[dreg:$0x3] =	wrdreg s5  }
0xaa: {  	[dreg:$0x4] =	wrdreg $0xC0  }
0xab: {  	_ =	task [dreg:s7], $0x5FFFF  }
0xac: {  	[dreg:$0x1] =	wrdreg $0xFFFFFFFF  }
0xad: {  	[dreg:$0x0] =	wrdreg $0x60  }
0xae: {  	[dreg:$0x2] =	wrdreg s24  }
0xaf: {  	[dreg:$0x3] =	wrdreg s2  }
0xb0: {  	[dreg:$0x4] =	wrdreg $0x28800  }
0xb1: {  	[dreg:$0x5] =	wrdreg $0x9  }
0xb2: {  	_ =	task.clear_ibuf [dreg:s7], $0x6FFFF;
	_ =	strace $0x90000046  }
0xb3: {  	s29 =	simm.s32 $0x9;
	_ =	strace $0x80000048  }
0xb4: {  	_ =	swait.ge [sflag:s29], $0x1  }
0xb5: {  	[sflag:s29] =	ssyncadd.s32 $0xFFFFFFFF  }
0xb6: {  	_ =	strace $0x90000048  }
0xb7: {  	_ =	sfence  }
0xb8: {  	s30 =	sld [smem:$0x0];
	_ =	sdelay $0x2  }
0xb9: {  	s31 =	sshll.u32 s1, $0xD;
	s1 =	sshrl.u32 s1, $0x2  }
0xba: {  	s3 =	sand.u32 $0x4000, s31;
	s1 =	sadd.s32 s1, s30  }
0xbb: {  	s0 =	sor.u32 s3, s0;
	s1 =	sshll.u32 s1, $0x11  }
0xbc: {  	s0 =	sor.u32 s1, s0  }
0xbd: {  	s0 =	sadd.s32 $0x8F2B, s0  }
0xbe: {  	[sflag:s0] =	ssyncadd.remote.s32 $0x1  }
0xbf: {  	_ =	sfence.sel $0xFFFF  }
0xc0: {  	[dreg:$0x0] =	wrdreg $0xFFFFFFFF;
	(pc) =	sbr.abs _section_cstart, $3  }
0xc1: {  	[dreg:$0x1] =	wrdreg $0xFFFFFFFF  }
0xc2: {  	_ =	task.clear_ibuf [dreg:s7], $0x2FFFF;
	_ =	strace $0x9FFFFFFF  }
0xc3: {  	(tm) =	ssettm $0x7FFFFFFF  }
tec
execute0_lowered:
.L_overlay_start_1:
0x0: {  	(tag) =	ssettag $0x1  }
0x1: {  	s6 =	rddreg [dreg:$0x0]  }
0x2: {  	s8 =	rddreg [dreg:$0x1]  }
0x3: {  	s1 =	rddreg [dreg:$0x2]  }
0x4: {  	s0 =	rddreg [dreg:$0x3]  }
0x5: {  	s2 =	simm.s32 $0x0;
	s9 =	stileid.u32;
	s3 =	srdreg.scid  }
0x6: {  	[smem:$0x7FF] =	sst s2;
	s14 =	smul.u32 $0x2700, s9  }
0x7: {  	s4 =	sand.u32 $0x1, s3;
	s3 =	sadd.s32 $0x34800, s6;
	s10 =	smul.u32 $0x4E000, s9  }
0x8: {  	s12 =	smul.u32 $0x4E20, s9;
	s30 =	sshll.u32 s9, $0x6;
	p0 =	sne.s32 s9, $0x0  }
0x9: {  	_ =	strace $0x80000047;
	s5 =	smul.u32 $0x27100, s4;
	s29 =	ssub.s32 $0x2, s4  }
0xa: {  	s15 =	smul.u32 $0x2710, s4;
	s7 =	sadd.s32 s14, s6;
	s13 =	sshrl.u32 s29, $0x1  }
0xb: {  	s10 =	sshrl.u32 s10, $0x2;
	s11 =	sadd.s32 s5, s6;
	s13 =	ssub.s32 s29, s13  }
0xc: {  	s10 =	sadd.s32 s10, s1;
	s4 =	sadd.s32 $0xD600, s7;
	s5 =	sor.u32 $0x1C01, s30  }
0xd: {  	s31 =	sadd.s32 s15, s12;
	s12 =	sadd.s32 $0x138000, s1;
	s6 =	sadd.s32 $0x34600, s6  }
0xe: {  	s15 =	sshrl.u32 s31, $0x3;
	s16 =	sadd.s32 $0x34E00, s11;
	s7 =	smax.u32 s13, $0x1  }
0xf: {  	s9 =	sshrl.u32 s10, $0x3;
	s10 =	simm.s32 $0x1;
	s11 =	sshrl.u32 @!p0 s12, $0x3  }
0x10: {  	s12 =	simm.s32 $0x80;
	s13 =	simm.s32 $0x50;
	s8 =	sadd.s32 s15, s8  }
0x11: {  	s14 =	sadd.s32 s14, s16;
	s15 =	sadd.s32 @!p0 $0x27000, s16;
	s16 =	simm.s32 $0x0  }
.LBB2_1:
0x12: {  	[spmem:s9], [sflag:s5] =	dma.local [hbm:s4], $0x2700  }
0x13: {  	_ =	swait.ge [sflag:s10], $0x2700  }
0x14: {  	[sflag:s10] =	ssyncset.done $0x0  }
0x15: {  	s17 =	simm.s32 @!p0 $0x1;
	[sflag:s10] =	ssyncadd.s32 $0xFFFFD900  }
0x16: {  	[spmem:s11], [sflag:s5] =	dma.local @!p0 [hbm:s6], $0x100  }
0x17: {  	_ =	swait.ge @!p0 [sflag:s17], $0x100  }
0x18: {  	[sflag:s17] =	ssyncset.done @!p0 $0x0  }
0x19: {  	[sflag:s17] =	ssyncadd.s32 @!p0 $0xFFFFFF00  }
0x1a: {  	[tilespmem:s12], [sflag:$0x1] =	stream.linear.gather [hbm4b:s3+s2], $0x2800, $0x38;
	[tilespmem:$0x16100] =	vst v63  }
0x1b: {  	_ =	swait.ge [sflag:s10], $0x2800  }
0x1c: {  	[sflag:s10] =	ssyncset.done $0x0  }
0x1d: {  	[sflag:s10] =	ssyncadd.s32 $0xFFFFD800  }
0x1e: {  	s31 =	sadd.s32 $0x0, s8;
	[bflag:$0x0] =	sbarrier.arrive $0xFFFF  }
0x1f: {  	[tilespmem:s2], [sflag:$0x1] =	stream.linear.gather [hbm4b:s31+s2], $0x50, $0x38;
	[tilespmem:$0x16100] =	vst v63  }
0x20: {  	_ =	swait.ge [sflag:s10], $0x50  }
0x21: {  	[sflag:s10] =	ssyncset.done $0x0  }
0x22: {  	[sflag:s10] =	ssyncadd.s32 $0xFFFFFFB0  }
0x23: {  	[spmem:s1] =	stream.indirect.scatter.add.f32 [tilespmem:s12], [sflag:$0x1], $0x80, s2, s13, $0xb8;
	[tilespmem:$0x16100] =	vst v63  }
0x24: {  	_ =	swait.ge [sflag:s10], $0x2800  }
0x25: {  	s18 =	simm.s32 $0x14;
	s17 =	simm.s32 $0xA;
	[sflag:s10] =	ssyncset.done $0x0  }
.LBB2_2:
0x26: {  	s19 =	sadd.s32 s17, s8  }
0x27: {  	[sflag:s10] =	ssyncadd.s32 $0xFFFFD800;
	s17 =	smov.u32 s18;
	s20 =	sadd.s32 $0xA, s18  }
0x28: {  	[tilespmem:s2], [sflag:$0x1] =	stream.linear.gather [hbm4b:s19+s2], $0x50, $0x38;
	[tilespmem:$0x16100] =	vst v63  }
0x29: {  	p1 =	sne.s32 s18, $0x4D8;
	_ =	swait.ge [sflag:s10], $0x50  }
.Ltmp0:
0x2a: {  	[sflag:s10] =	ssyncset.done $0x0;
	(pc) =	sbr.rel @p1 .LBB2_2-.Ltmp0, $4  }
0x2b: {  	[sflag:s10] =	ssyncadd.s32 $0xFFFFFFB0  }
0x2c: {  	[spmem:s1] =	stream.indirect.scatter.add.f32 [tilespmem:s12], [sflag:$0x1], $0x80, s2, s13, $0xb8;
	[tilespmem:$0x16100] =	vst v63  }
0x2d: {  	_ =	swait.ge [sflag:s10], $0x2800  }
0x2e: {  	s18 =	smov.u32 s20;
	[sflag:s10] =	ssyncset.done $0x0  }
0x2f: {  	s17 =	sadd.s32 s17, s8;
	[sflag:s10] =	ssyncadd.s32 $0xFFFFD800  }
0x30: {  	[tilespmem:s2], [sflag:$0x1] =	stream.linear.gather [hbm4b:s17+s2], $0x50, $0x38;
	[tilespmem:$0x16100] =	vst v63  }
0x31: {  	_ =	swait.ge [sflag:s10], $0x50  }
0x32: {  	[sflag:s10] =	ssyncset.done $0x0  }
0x33: {  	[sflag:s10] =	ssyncadd.s32 $0xFFFFFFB0  }
0x34: {  	[spmem:s1] =	stream.indirect.scatter.add.f32 [tilespmem:s12], [sflag:$0x1], $0x80, s2, s13, $0xb8;
	[tilespmem:$0x16100] =	vst v63  }
0x35: {  	_ =	swait.ge [sflag:s10], $0x2800  }
0x36: {  	[sflag:s10] =	ssyncset.done $0x0  }
0x37: {  	[sflag:s10] =	ssyncadd.s32 $0xFFFFD800  }
0x38: {  	[bflag:$0x0] =	sbarrier.arrive $0xFFFF  }
0x39: {  	[hbm:s14], [sflag:s5] =	dma.local [spmem:s9], $0x2700  }
0x3a: {  	s16 =	sadd.s32 $0x1, s16;
	_ =	swait.ge [sflag:s10], $0x2700  }
0x3b: {  	p1 =	sne.s32 s16, s7;
	[sflag:s10] =	ssyncset.done $0x0  }
.Ltmp1:
0x3c: {  	s17 =	simm.s32 @!p0 $0x1;
	[sflag:s10] =	ssyncadd.s32 $0xFFFFD900;
	(pc) =	sbr.rel @p1 .LBB2_1-.Ltmp1, $4  }
0x3d: {  	[hbm:s15], [sflag:s5] =	dma.local @!p0 [spmem:s11], $0x100  }
0x3e: {  	_ =	swait.ge @!p0 [sflag:s17], $0x100  }
0x3f: {  	[sflag:s17] =	ssyncset.done @!p0 $0x0  }
0x40: {  	[sflag:s17] =	ssyncadd.s32 @!p0 $0xFFFFFF00  }
0x41: {  	_ =	sfence.sel $0x180000  }
0x42: {  	[bflag:$0x0] =	sbarrier.arrive $0xFFFF  }
0x43: {  	_ =	strace $0x90000047  }
0x44: {  	s0 =	sadd.s32 @!p0 $0x100000, s0;
	[bflag:$0x2] =	sbarrier.arrive $0xFFFF  }
0x45: {  	[sflag:s0] =	ssyncadd.tile.s32 @!p0 $0x1;
	_ =	shalt  }
.Lfunc_end2:
_tile_overlayer_lowered:
.L_overlay_start_2:
0x46: {  	(tag) =	ssettag $0x2  }
0x47: {  	s0 =	rddreg [dreg:$0x0];
	s2 =	stileid.u32  }
0x48: {  	s1 =	rddreg [dreg:$0x1];
	p0 =	sne.s32 s2, $0x0  }
0x49: {  	s3 =	rddreg [dreg:$0x2];
	[bflag:$0x3] =	sbarrier.arrive $0xFFFF;
	s2 =	simm.s32 @!p0 $0x1C01  }
0x4a: {  	[timem:s3], [sflag:s2] =	dma.local @!p0 [hbm:s0], s1  }
0x4b: {  	s0 =	simm.s32 @!p0 $0x1  }
0x4c: {  	_ =	swait.ge @!p0 [sflag:s0], s1  }
0x4d: {  	s1 =	ssub.s32 @!p0 $0x0, s1;
	[sflag:s0] =	ssyncset.done @!p0 $0x0  }
0x4e: {  	[sflag:s0] =	ssyncadd.s32 @!p0 s1  }
0x4f: {  	[bflag:$0x3] =	sbarrier.arrive $0xFFFF  }
0x50: {  	_ =	shalt  }

</sc_bundles>
